<compile_context>
chip_gen: v7x
topology: tpu7x:2x2x1
jax: 0.10.2.dev20260603
libtpu: 0.0.44.dev20260713+nightly
codegen_flags: <defaults>
</compile_context>

<pallas_src>
import functools

import jax
import jax.numpy as jnp
from jax import lax
from jax.experimental import pallas as pl
from jax.experimental.pallas import tpu as pltpu
from jax.experimental.pallas import tpu_sc as plsc

_N_PAD = 1024
_NEG = -1e30
_CH = 128


def _sc_gather_kernel(table_hbm, idx_hbm, out_hbm, idx_v, rows_v, sem):
    nc = plsc.get_sparse_core_info().num_cores
    wid = lax.axis_index("s") * nc + lax.axis_index("c")
    n_chunks = idx_hbm.shape[0] // _CH
    n_workers = nc * plsc.get_sparse_core_info().num_subcores
    per_w = n_chunks // n_workers

    def body(t, carry):
        base = (wid * per_w + t) * _CH
        pltpu.sync_copy(idx_hbm.at[pl.ds(base, _CH)], idx_v)
        pltpu.async_copy(table_hbm.at[idx_v], rows_v, sem).wait()
        pltpu.sync_copy(rows_v, out_hbm.at[pl.ds(base, _CH)])
        return carry

    lax.fori_loop(0, per_w, body, 0)


def _sc_gather(feats, idx_all):
    n_rows = idx_all.shape[0]
    mesh = plsc.VectorSubcoreMesh(core_axis_name="c", subcore_axis_name="s")
    k = functools.partial(
        pl.kernel,
        mesh=mesh,
        out_type=jax.ShapeDtypeStruct((n_rows, 128), jnp.float32),
        scratch_types=[
            pltpu.VMEM((_CH,), jnp.int32),
            pltpu.VMEM((_CH, 128), jnp.float32),
            pltpu.SemaphoreType.DMA,
        ],
    )(_sc_gather_kernel)
    return k(feats, idx_all)


def _tc_kernel(g0_ref, g1_ref, out_ref, v0t_ref, a2_ref, acc_ref):
    jj = pl.program_id(1)
    n_other = pl.num_programs(1)

    @pl.when(jj == 0)
    def _init():
        v0t = lax.transpose(g0_ref[...], (1, 0))
        v0t_ref[...] = v0t
        a2_ref[...] = jnp.sum(v0t * v0t, axis=0, keepdims=True)
        acc_ref[...] = jnp.zeros_like(acc_ref)

    v1 = g1_ref[0:1000, :]
    b2 = jnp.sum(v1 * v1, axis=1, keepdims=True)
    mt = jnp.dot(v1, v0t_ref[...],
                 preferred_element_type=jnp.float32)
    d2 = b2 + a2_ref[...] - 2.0 * mt
    dist = jnp.sqrt(jnp.maximum(d2, 0.0))
    acc_ref[...] += jnp.sum(dist, axis=0, keepdims=True)

    @pl.when(jj == n_other - 1)
    def _emit_mean():
        lane = lax.broadcasted_iota(jnp.int32, (1, _N_PAD), 1)
        mean = acc_ref[...] / jnp.float32(n_other * 1000)
        out_ref[0] = jnp.where(lane < 1000, mean, _NEG)


def _topk_kernel(mean_ref, ids_ref, out_ref):
    n_cls = mean_ref.shape[0]
    mean = mean_ref[...]
    ids_m = ids_ref[...]
    lane = lax.broadcasted_iota(jnp.int32, (n_cls, _N_PAD), 1)
    out_lane = lax.broadcasted_iota(jnp.int32, (n_cls, 128), 1)
    res = jnp.zeros((n_cls, 128), jnp.int32)
    for k in range(100):
        m = jnp.max(mean, axis=1, keepdims=True)
        idx = jnp.min(jnp.where(mean == m, lane, jnp.int32(1 << 30)),
                      axis=1, keepdims=True)
        hit = lane == idx
        idval = jnp.sum(jnp.where(hit, ids_m, 0), axis=1, keepdims=True)
        res = res + jnp.where(out_lane == k, idval, 0)
        mean = jnp.where(hit, _NEG, mean)
    out_ref[...] = res


@functools.lru_cache(maxsize=None)
def _build_indices_host(n_cls, per_cls):
    import numpy as np
    with jax.ensure_compile_time_eval():
        with jax.default_device(jax.devices("cpu")[0]):
            sel0, choice = _build_indices(n_cls, per_cls)
            return np.asarray(sel0), np.asarray(choice)


def _build_indices(n_cls, per_cls, budget_dist_compute=1000):
    key = jax.random.key(42)
    sel0s, choices = [], []
    for i in range(n_cls):
        if per_cls < budget_dist_compute:
            sel0 = jnp.arange(per_cls, dtype=jnp.int32)
        else:
            key, ks = jax.random.split(key)
            sel0 = jax.random.randint(ks, (budget_dist_compute,), 0, per_cls)
        kk = min(budget_dist_compute, per_cls)
        chs = []
        for j in range(n_cls):
            if j == i:
                continue
            key, kc = jax.random.split(key)
            chs.append(jax.random.randint(kc, (kk,), 0, per_cls))
        sel0s.append(sel0)
        choices.append(jnp.stack(chs))
    return jnp.stack(sel0s), jnp.stack(choices)


def kernel(ids_per_cls_train, budget, feats):
    n_cls, per_cls = ids_per_cls_train.shape
    ids32 = ids_per_cls_train.astype(jnp.int32)
    sel0_np, choice_np = _build_indices_host(n_cls, per_cls)
    sel0 = jnp.asarray(sel0_np)
    choice = jnp.asarray(choice_np)

    pad = ((0, 0), (0, _N_PAD - per_cls))
    gid0 = jnp.take_along_axis(ids32, jnp.pad(sel0, pad), axis=1)
    jlists = jnp.asarray([[j for j in range(n_cls) if j != i]
                          for i in range(n_cls)], dtype=jnp.int32)
    ch_pad = jnp.pad(choice, ((0, 0), (0, 0), (0, _N_PAD - per_cls)))
    gid1 = jnp.take_along_axis(ids32[jlists.reshape(-1)],
                               ch_pad.reshape(-1, _N_PAD), axis=1)
    idx_all = jnp.concatenate([gid0.reshape(-1), gid1.reshape(-1)])

    gathered = _sc_gather(feats, idx_all)

    grid = (n_cls, n_cls - 1)
    means = pl.pallas_call(
        _tc_kernel,
        grid=grid,
        in_specs=[
            pl.BlockSpec((_N_PAD, 128), lambda i, jj: (i, 0)),
            pl.BlockSpec((_N_PAD, 128),
                         lambda i, jj: (n_cls + i * (n_cls - 1) + jj, 0)),
        ],
        out_specs=pl.BlockSpec((1, 1, _N_PAD), lambda i, jj: (i, 0, 0)),
        out_shape=jax.ShapeDtypeStruct((n_cls, 1, _N_PAD), jnp.float32),
        scratch_shapes=[
            pltpu.VMEM((128, _N_PAD), jnp.float32),
            pltpu.VMEM((1, _N_PAD), jnp.float32),
            pltpu.VMEM((1, _N_PAD), jnp.float32),
        ],
    )(gathered, gathered)

    ids_pad = jnp.pad(ids32, pad)
    out = pl.pallas_call(
        _topk_kernel,
        out_shape=jax.ShapeDtypeStruct((n_cls, 128), jnp.int32),
    )(means.reshape(n_cls, _N_PAD), ids_pad)
    return out[:, :100].reshape(-1)

# --- scband reference (transcript-rebuilt; emitter-appended) ---
"""Pipeline reference for scband-cm-sampler-5540507811990 (READ-ONLY COPY).

The authoritative reference and input builder live on the scoring server;
editing this copy changes nothing except your own understanding.
"""

import jax, jax.numpy as jnp
import numpy as np


def _cdist(a, b):
    a2 = jnp.sum(a * a, axis=1, keepdims=True)
    b2 = jnp.sum(b * b, axis=1, keepdims=True)
    d2 = a2 + b2.T - 2.0 * (a @ b.T)
    return jnp.sqrt(jnp.maximum(d2, 0.0))


def setup_inputs(seed: int = 0) -> dict:
    key = jax.random.key(seed)
    kf, = jax.random.split(key, 1)
    feats = jax.random.normal(kf, (10000, 128), dtype=jnp.float32)
    ids_per_cls_train = jnp.arange(10000, dtype=jnp.int32).reshape(10, 1000)
    return {"ids_per_cls_train": ids_per_cls_train, "budget": 100, "feats": feats}


def reference(ids_per_cls_train, budget, feats):
    budget_dist_compute = 1000
    n_cls, per_cls = ids_per_cls_train.shape
    key = jax.random.key(42)
    ids_selected = []
    for i in range(n_cls):
        ids_i = ids_per_cls_train[i]
        # ids_selected0: full class ids if len < budget_dist_compute else random.choices (with replacement)
        if per_cls < budget_dist_compute:
            ids0 = ids_i
        else:
            key, ks = jax.random.split(key)
            sel0 = jax.random.randint(ks, (budget_dist_compute,), 0, per_cls)
            ids0 = ids_i[sel0]
        vecs_0 = feats[ids0]
        dists = []
        for j in range(n_cls):
            if j == i:
                continue
            kk = min(budget_dist_compute, per_cls)
            key, kc = jax.random.split(key)
            choice = jax.random.randint(kc, (kk,), 0, per_cls)
            chosen_ids = ids_per_cls_train[j][choice]
            vecs_1 = feats[chosen_ids]
            dists.append(_cdist(vecs_0, vecs_1))
        dist_ = jnp.concatenate(dists, axis=-1)
        mean_d = jnp.mean(dist_, axis=1)
        rank = jnp.argsort(-mean_d)  # descending sort order
        current = jax.lax.dynamic_slice(rank, (budget - budget,), (100,))
        ids_selected.append(ids_i[current])
    return jnp.concatenate(ids_selected, axis=0)

if __name__ == "__main__":
    import jax
    _d = setup_inputs()
    print(jax.jit(kernel)(*tuple(_d.values())))

</pallas_src>

<mosaic_0001>
#map = affine_map<(d0, d1) -> (0, 0)>
#map1 = affine_map<(d0, d1) -> (0)>
module attributes {stable_mosaic.version = 14 : i64} {
  func.func @_sc_gather_kernel(%arg0: i32, %arg1: i32, %arg2: memref<10000x128xf32, #tpu.memory_space<hbm>>, %arg3: memref<102400xi32, #tpu.memory_space<hbm>>, %arg4: memref<102400x128xf32, #tpu.memory_space<hbm>>, %arg5: memref<128xi32, #tpu.memory_space<vmem>>, %arg6: memref<128x128xf32, #tpu.memory_space<vmem>>, %arg7: memref<!tpu.dma_semaphore, #tpu.memory_space<semaphore_mem>>) attributes {dimension_semantics = [#tpu.dimension_semantics<core_parallel>, #tpu.dimension_semantics<subcore_parallel>], iteration_bounds = array<i64: 2, 16>, scalar_prefetch = 0 : i64, scratch_operands = 3 : i64, tpu.core_type = #tpu.core_type<sc_vector_subcore>, window_params = [{transform_indices = #map}, {transform_indices = #map1}, {transform_indices = #map}]} {
    %mul3A = arith.constant 2 : i32
    %mul3A_0 = arith.muli %arg1, %mul3A : i32
    %add3A = arith.addi %mul3A_0, %arg0 : i32
    %scan3A = arith.constant 0 : i32
    %scan3A_1 = arith.constant 0 : i32
    %scan3A_2 = arith.constant 25 : i32
    %scan3A_3 = arith.addi %scan3A_1, %scan3A_2 : i32
    %scan3A_4 = arith.constant 1 : i32
    scf.for %scan3A_6 = %scan3A_1 to %scan3A_3 step %scan3A_4  : i32 {
      %mul3A_7 = arith.constant 25 : i32
      %mul3A_8 = arith.muli %add3A, %mul3A_7 : i32
      %add3A_9 = arith.addi %mul3A_8, %scan3A_6 : i32
      %mul3A_10 = arith.constant 128 : i32
      %mul3A_11 = arith.muli %add3A_9, %mul3A_10 : i32
      "tpu.region"() ({
        %run_scoped3A = tpu.sem_alloc : memref<!tpu.dma_semaphore, #tpu.memory_space<semaphore_mem>>
        %dma_start3A_16 = tpu.memref_slice %arg3[%mul3A_11] : memref<102400xi32, #tpu.memory_space<hbm>> -> memref<128xi32, #tpu.memory_space<hbm>>
        %dma_start3A_17 = tpu.memref_slice %arg3[%mul3A_11] : memref<102400xi32, #tpu.memory_space<hbm>> -> memref<128xi32, #tpu.memory_space<hbm>>
        tpu.enqueue_dma source(%dma_start3A_17 : memref<128xi32, #tpu.memory_space<hbm>>) target(%arg5 : memref<128xi32, #tpu.memory_space<vmem>>) target_semaphore(%run_scoped3A : memref<!tpu.dma_semaphore, #tpu.memory_space<semaphore_mem>>)
        %dma_wait3A_18 = tpu.memref_slice %arg3[%mul3A_11] : memref<102400xi32, #tpu.memory_space<hbm>> -> memref<128xi32, #tpu.memory_space<hbm>>
        %dma_wait3A_19 = tpu.memref_slice %arg3[%mul3A_11] : memref<102400xi32, #tpu.memory_space<hbm>> -> memref<128xi32, #tpu.memory_space<hbm>>
        tpu.wait_dma2 semaphore(%run_scoped3A : memref<!tpu.dma_semaphore, #tpu.memory_space<semaphore_mem>>) src(%dma_wait3A_19 : memref<128xi32, #tpu.memory_space<hbm>>) dst(%arg5 : memref<128xi32, #tpu.memory_space<vmem>>)
        tpu.yield
      }) : () -> ()
      %dma_start3A = arith.constant 0 : i32
      %dma_start3A_12 = arith.constant 0 : i32
      %dma_start3A_13 = tpu.memref_slice %arg2[%dma_start3A, %dma_start3A_12] : memref<10000x128xf32, #tpu.memory_space<hbm>> -> memref<10000x128xf32, #tpu.memory_space<hbm>>
      tpu.enqueue_indirect_dma source(%dma_start3A_13 : memref<10000x128xf32, #tpu.memory_space<hbm>>) target(%arg6 : memref<128x128xf32, #tpu.memory_space<vmem>>) offsets(%arg5 : memref<128xi32, #tpu.memory_space<vmem>>) semaphore(%arg7 : memref<!tpu.dma_semaphore, #tpu.memory_space<semaphore_mem>>)
      %dma_wait3A = arith.constant 0 : i32
      %dma_wait3A_14 = arith.constant 0 : i32
      %dma_wait3A_15 = tpu.memref_slice %arg2[%dma_wait3A, %dma_wait3A_14] : memref<10000x128xf32, #tpu.memory_space<hbm>> -> memref<10000x128xf32, #tpu.memory_space<hbm>>
      tpu.wait_indirect_dma semaphore(%arg7 : memref<!tpu.dma_semaphore, #tpu.memory_space<semaphore_mem>>) src(%dma_wait3A_15 : memref<10000x128xf32, #tpu.memory_space<hbm>>) dst(%arg6 : memref<128x128xf32, #tpu.memory_space<vmem>>)
      "tpu.region"() ({
        %run_scoped3A = tpu.sem_alloc : memref<!tpu.dma_semaphore, #tpu.memory_space<semaphore_mem>>
        %dma_start3A_16 = arith.constant 0 : i32
        %dma_start3A_17 = tpu.memref_slice %arg4[%mul3A_11, %dma_start3A_16] : memref<102400x128xf32, #tpu.memory_space<hbm>> -> memref<128x128xf32, #tpu.memory_space<hbm>>
        %dma_start3A_18 = arith.constant 0 : i32
        %dma_start3A_19 = tpu.memref_slice %arg4[%mul3A_11, %dma_start3A_18] : memref<102400x128xf32, #tpu.memory_space<hbm>> -> memref<128x128xf32, #tpu.memory_space<hbm>>
        tpu.enqueue_dma source(%arg6 : memref<128x128xf32, #tpu.memory_space<vmem>>) target(%dma_start3A_19 : memref<128x128xf32, #tpu.memory_space<hbm>>) target_semaphore(%run_scoped3A : memref<!tpu.dma_semaphore, #tpu.memory_space<semaphore_mem>>)
        %dma_wait3A_20 = arith.constant 0 : i32
        %dma_wait3A_21 = tpu.memref_slice %arg4[%mul3A_11, %dma_wait3A_20] : memref<102400x128xf32, #tpu.memory_space<hbm>> -> memref<128x128xf32, #tpu.memory_space<hbm>>
        %dma_wait3A_22 = arith.constant 0 : i32
        %dma_wait3A_23 = tpu.memref_slice %arg4[%mul3A_11, %dma_wait3A_22] : memref<102400x128xf32, #tpu.memory_space<hbm>> -> memref<128x128xf32, #tpu.memory_space<hbm>>
        tpu.wait_dma2 semaphore(%run_scoped3A : memref<!tpu.dma_semaphore, #tpu.memory_space<semaphore_mem>>) src(%arg6 : memref<128x128xf32, #tpu.memory_space<vmem>>) dst(%dma_wait3A_23 : memref<128x128xf32, #tpu.memory_space<hbm>>)
        tpu.yield
      }) : () -> ()
    }
    %scan3A_5 = arith.constant 25 : i32
    return
  }
}

module attributes {stable_mosaic.version = 14 : i64} {
  func.func @_tc_kernel(%arg0: i32, %arg1: i32, %arg2: memref<1024x128xf32, #tpu.memory_space<vmem>>, %arg3: memref<1024x128xf32, #tpu.memory_space<vmem>>, %arg4: memref<1x1x1024xf32, #tpu.memory_space<vmem>>, %arg5: memref<128x1024xf32, #tpu.memory_space<vmem>>, %arg6: memref<1x1024xf32, #tpu.memory_space<vmem>>, %arg7: memref<1x1024xf32, #tpu.memory_space<vmem>>) attributes {dimension_semantics = [#tpu.dimension_semantics<arbitrary>, #tpu.dimension_semantics<arbitrary>], iteration_bounds = array<i64: 10, 9>, scalar_prefetch = 0 : i64, scratch_operands = 3 : i64, tpu.core_type = #tpu.core_type<tc>, window_params = [{transform_indices = @transform_0, window_bounds = array<i64: 1024, 128>}, {transform_indices = @transform_1, window_bounds = array<i64: 1024, 128>}, {transform_indices = @transform_2, window_bounds = array<i64: 1, 1, 1024>}]} {
    %eq3A = arith.constant 0 : i32
    %eq3A_0 = arith.cmpi eq, %arg1, %eq3A : i32
    %convert_element_type3A = arith.extui %eq3A_0 : i1 to i32
    %cond3A = arith.constant 0 : i32
    %cond3A_1 = arith.cmpi ne, %convert_element_type3A, %cond3A : i32
    scf.if %cond3A_1 {
      %get3A_33 = arith.constant 0 : index
      %get3A_34 = arith.constant 0 : index
      %get3A_35 = vector.load %arg2[%get3A_33, %get3A_34] : memref<1024x128xf32, #tpu.memory_space<vmem>>, vector<1024x128xf32>
      %transpose3A = tpu.transpose %get3A_35, [1, 0] : vector<1024x128xf32> -> vector<128x1024xf32>
      %swap3A_36 = arith.constant 0 : index
      %swap3A_37 = arith.constant 0 : index
      %swap3A_38 = vector.load %arg5[%swap3A_36, %swap3A_37] : memref<128x1024xf32, #tpu.memory_space<vmem>>, vector<128x1024xf32>
      tpu.vector_store %arg5[%swap3A_36, %swap3A_37], %transpose3A {strides = array<i32>} : memref<128x1024xf32, #tpu.memory_space<vmem>>, vector<128x1024xf32>,
      %mul3A_39 = arith.mulf %transpose3A, %transpose3A : vector<128x1024xf32>
      %reduce_sum3A_40 = arith.constant dense<0.000000e+00> : vector<1024xf32>
      %reduce_sum3A_41 = vector.multi_reduction <add>, %mul3A_39, %reduce_sum3A_40 [0] : vector<128x1024xf32> to vector<1024xf32>
      %broadcast_in_dim3A_42 = vector.shape_cast %reduce_sum3A_41 : vector<1024xf32> to vector<1x1024xf32>
      %swap3A_43 = arith.constant 0 : index
      %swap3A_44 = arith.constant 0 : index
      %swap3A_45 = vector.load %arg6[%swap3A_43, %swap3A_44] : memref<1x1024xf32, #tpu.memory_space<vmem>>, vector<1x1024xf32>
      tpu.vector_store %arg6[%swap3A_43, %swap3A_44], %broadcast_in_dim3A_42 {strides = array<i32>} : memref<1x1024xf32, #tpu.memory_space<vmem>>, vector<1x1024xf32>,
      %broadcast_in_dim3A_46 = arith.constant 0.000000e+00 : f32
      %broadcast_in_dim3A_47 = vector.broadcast %broadcast_in_dim3A_46 : f32 to vector<1x1024xf32>
      %swap3A_48 = arith.constant 0 : index
      %swap3A_49 = arith.constant 0 : index
      %swap3A_50 = vector.load %arg7[%swap3A_48, %swap3A_49] : memref<1x1024xf32, #tpu.memory_space<vmem>>, vector<1x1024xf32>
      tpu.vector_store %arg7[%swap3A_48, %swap3A_49], %broadcast_in_dim3A_47 {strides = array<i32>} : memref<1x1024xf32, #tpu.memory_space<vmem>>, vector<1x1024xf32>,
    } else {
    }
    %get3A = arith.constant 0 : index
    %get3A_2 = arith.constant 0 : index
    %get3A_3 = vector.load %arg3[%get3A, %get3A_2] : memref<1024x128xf32, #tpu.memory_space<vmem>>, vector<1000x128xf32>
    %mul3A = arith.mulf %get3A_3, %get3A_3 : vector<1000x128xf32>
    %reduce_sum3A = arith.constant dense<0.000000e+00> : vector<1000xf32>
    %reduce_sum3A_4 = vector.multi_reduction <add>, %mul3A, %reduce_sum3A [1] : vector<1000x128xf32> to vector<1000xf32>
    %broadcast_in_dim3A = vector.shape_cast %reduce_sum3A_4 : vector<1000xf32> to vector<1000x1xf32>
    %get3A_5 = arith.constant 0 : index
    %get3A_6 = arith.constant 0 : index
    %get3A_7 = vector.load %arg5[%get3A_5, %get3A_6] : memref<128x1024xf32, #tpu.memory_space<vmem>>, vector<128x1024xf32>
    %dot_general3A = arith.constant dense<0.000000e+00> : vector<1000x1024xf32>
    %dot_general3A_8 = tpu.matmul %get3A_3, %get3A_7, %dot_general3A {dimension_numbers = #tpu.dot_dimension_numbers<[1], [0], [0], [1], [0, 0, 1, 1], [], []>, transpose_lhs_hint = false} : vector<1000x128xf32>, vector<128x1024xf32>, vector<1000x1024xf32> -> vector<1000x1024xf32>
    %get3A_9 = arith.constant 0 : index
    %get3A_10 = arith.constant 0 : index
    %get3A_11 = vector.load %arg6[%get3A_9, %get3A_10] : memref<1x1024xf32, #tpu.memory_space<vmem>>, vector<1x1024xf32>
    %add3A = vector.broadcast %broadcast_in_dim3A : vector<1000x1xf32> to vector<1000x1024xf32>
    %add3A_12 = vector.broadcast %get3A_11 : vector<1x1024xf32> to vector<1000x1024xf32>
    %add3A_13 = arith.addf %add3A, %add3A_12 : vector<1000x1024xf32>
    %mul3A_14 = arith.constant 2.000000e+00 : f32
    %mul3A_15 = vector.broadcast %mul3A_14 : f32 to vector<1000x1024xf32>
    %mul3A_16 = arith.mulf %mul3A_15, %dot_general3A_8 : vector<1000x1024xf32>
    %sub3A = arith.subf %add3A_13, %mul3A_16 : vector<1000x1024xf32>
    %max3A = arith.constant 0.000000e+00 : f32
    %max3A_17 = vector.broadcast %max3A : f32 to vector<1000x1024xf32>
    %max3A_18 = arith.maximumf %sub3A, %max3A_17 : vector<1000x1024xf32>
    %sqrt3A = math.sqrt %max3A_18 : vector<1000x1024xf32>
    %get3A_19 = arith.constant 0 : index
    %get3A_20 = arith.constant 0 : index
    %get3A_21 = vector.load %arg7[%get3A_19, %get3A_20] : memref<1x1024xf32, #tpu.memory_space<vmem>>, vector<1x1024xf32>
    %reduce_sum3A_22 = arith.constant dense<0.000000e+00> : vector<1024xf32>
    %reduce_sum3A_23 = vector.multi_reduction <add>, %sqrt3A, %reduce_sum3A_22 [0] : vector<1000x1024xf32> to vector<1024xf32>
    %broadcast_in_dim3A_24 = vector.shape_cast %reduce_sum3A_23 : vector<1024xf32> to vector<1x1024xf32>
    %add3A_25 = arith.addf %get3A_21, %broadcast_in_dim3A_24 : vector<1x1024xf32>
    %swap3A = arith.constant 0 : index
    %swap3A_26 = arith.constant 0 : index
    %swap3A_27 = vector.load %arg7[%swap3A, %swap3A_26] : memref<1x1024xf32, #tpu.memory_space<vmem>>, vector<1x1024xf32>
    tpu.vector_store %arg7[%swap3A, %swap3A_26], %add3A_25 {strides = array<i32>} : memref<1x1024xf32, #tpu.memory_space<vmem>>, vector<1x1024xf32>,
    %eq3A_28 = arith.constant 8 : i32
    %eq3A_29 = arith.cmpi eq, %arg1, %eq3A_28 : i32
    %convert_element_type3A_30 = arith.extui %eq3A_29 : i1 to i32
    %cond3A_31 = arith.constant 0 : i32
    %cond3A_32 = arith.cmpi ne, %convert_element_type3A_30, %cond3A_31 : i32
    scf.if %cond3A_32 {
      %iota3A = tpu.iota {dimensions = array<i32: 1>} : vector<1x1024xi32>
      %get3A_33 = arith.constant 0 : index
      %get3A_34 = arith.constant 0 : index
      %get3A_35 = vector.load %arg7[%get3A_33, %get3A_34] : memref<1x1024xf32, #tpu.memory_space<vmem>>, vector<1x1024xf32>
      %div3A = arith.constant 9.000000e+03 : f32
      %div3A_36 = vector.broadcast %div3A : f32 to vector<1x1024xf32>
      %div3A_37 = arith.divf %get3A_35, %div3A_36 : vector<1x1024xf32>
      %lt3A = arith.constant 1000 : i32
      %lt3A_38 = vector.broadcast %lt3A : i32 to vector<1x1024xi32>
      %lt3A_39 = arith.cmpi slt, %iota3A, %lt3A_38 : vector<1x1024xi32>
      %jit3A = arith.constant -1.000000e+30 : f32
      %broadcast_in_dim3A_40 = vector.broadcast %jit3A : f32 to vector<1x1024xf32>
      %select_n3A = arith.select %lt3A_39, %div3A_37, %broadcast_in_dim3A_40 : vector<1x1024xi1>, vector<1x1024xf32>
      %swap3A_41 = arith.constant 0 : index
      %swap3A_42 = arith.constant 0 : index
      %swap3A_43 = arith.constant 0 : index
      %swap3A_44 = vector.load %arg4[%swap3A_41, %swap3A_42, %swap3A_43] : memref<1x1x1024xf32, #tpu.memory_space<vmem>>, vector<1x1x1024xf32>
      %swap3A_45 = vector.shape_cast %swap3A_44 : vector<1x1x1024xf32> to vector<1x1024xf32>
      %swap3A_46 = vector.shape_cast %select_n3A : vector<1x1024xf32> to vector<1x1x1024xf32>
      tpu.vector_store %arg4[%swap3A_41, %swap3A_42, %swap3A_43], %swap3A_46 {strides = array<i32>} : memref<1x1x1024xf32, #tpu.memory_space<vmem>>, vector<1x1x1024xf32>,
    } else {
    }
    return
  }
  func.func @transform_0(%arg0: i32, %arg1: i32) -> (i32, i32) {
    %c0_i32 = arith.constant 0 : i32
    %c0_i32_0 = arith.constant 0 : i32
    return %arg0, %c0_i32 : i32, i32
  }
  func.func @transform_1(%arg0: i32, %arg1: i32) -> (i32, i32) {
    %mul3A = arith.constant 9 : i32
    %mul3A_0 = arith.muli %arg0, %mul3A : i32
    %add3A = arith.constant 10 : i32
    %add3A_1 = arith.addi %add3A, %mul3A_0 : i32
    %add3A_2 = arith.addi %add3A_1, %arg1 : i32
    %c0_i32 = arith.constant 0 : i32
    %c0_i32_3 = arith.constant 0 : i32
    return %add3A_2, %c0_i32 : i32, i32
  }
  func.func @transform_2(%arg0: i32, %arg1: i32) -> (i32, i32, i32) {
    %c0_i32 = arith.constant 0 : i32
    %c0_i32_0 = arith.constant 0 : i32
    %c0_i32_1 = arith.constant 0 : i32
    return %arg0, %c0_i32, %c0_i32_0 : i32, i32, i32
  }
}

module attributes {stable_mosaic.version = 14 : i64} {
  func.func @_topk_kernel(%arg0: memref<10x1024xf32, #tpu.memory_space<vmem>>, %arg1: memref<10x1024xi32, #tpu.memory_space<vmem>>, %arg2: memref<10x128xi32, #tpu.memory_space<vmem>>) attributes {dimension_semantics = [], scalar_prefetch = 0 : i64, scratch_operands = 0 : i64, tpu.core_type = #tpu.core_type<tc>} {
    %get3A = arith.constant 0 : index
    %get3A_0 = arith.constant 0 : index
    %get3A_1 = vector.load %arg0[%get3A, %get3A_0] : memref<10x1024xf32, #tpu.memory_space<vmem>>, vector<10x1024xf32>
    %get3A_2 = arith.constant 0 : index
    %get3A_3 = arith.constant 0 : index
    %get3A_4 = vector.load %arg1[%get3A_2, %get3A_3] : memref<10x1024xi32, #tpu.memory_space<vmem>>, vector<10x1024xi32>
    %iota3A = tpu.iota {dimensions = array<i32: 1>} : vector<10x1024xi32>
    %iota3A_5 = tpu.iota {dimensions = array<i32: 1>} : vector<10x128xi32>
    %broadcast_in_dim3A = arith.constant 0 : i32
    %broadcast_in_dim3A_6 = vector.broadcast %broadcast_in_dim3A : i32 to vector<10x128xi32>
    %reduce_max3A = arith.constant dense<0xFF800000> : vector<10xf32>
    %reduce_max3A_7 = vector.multi_reduction <maximumf>, %get3A_1, %reduce_max3A [1] : vector<10x1024xf32> to vector<10xf32>
    %broadcast_in_dim3A_8 = vector.shape_cast %reduce_max3A_7 : vector<10xf32> to vector<10x1xf32>
    %eq3A = vector.broadcast %broadcast_in_dim3A_8 : vector<10x1xf32> to vector<10x1024xf32>
    %eq3A_9 = arith.cmpf oeq, %get3A_1, %eq3A : vector<10x1024xf32>
    %jit3A = arith.constant 1073741824 : i32
    %broadcast_in_dim3A_10 = vector.broadcast %jit3A : i32 to vector<10x1024xi32>
    %select_n3A = arith.select %eq3A_9, %iota3A, %broadcast_in_dim3A_10 : vector<10x1024xi1>, vector<10x1024xi32>
    %reduce_min3A = arith.constant dense<2147483647> : vector<10xi32>
    %reduce_min3A_11 = vector.multi_reduction <minsi>, %select_n3A, %reduce_min3A [1] : vector<10x1024xi32> to vector<10xi32>
    %broadcast_in_dim3A_12 = vector.shape_cast %reduce_min3A_11 : vector<10xi32> to vector<10x1xi32>
    %eq3A_13 = vector.broadcast %broadcast_in_dim3A_12 : vector<10x1xi32> to vector<10x1024xi32>
    %eq3A_14 = arith.cmpi eq, %iota3A, %eq3A_13 : vector<10x1024xi32>
    %jit3A_15 = arith.constant 0 : i32
    %broadcast_in_dim3A_16 = vector.broadcast %jit3A_15 : i32 to vector<10x1024xi32>
    %select_n3A_17 = arith.select %eq3A_14, %get3A_4, %broadcast_in_dim3A_16 : vector<10x1024xi1>, vector<10x1024xi32>
    %reduce_sum3A = arith.constant dense<0> : vector<10xi32>
    %reduce_sum3A_18 = vector.multi_reduction <add>, %select_n3A_17, %reduce_sum3A [1] : vector<10x1024xi32> to vector<10xi32>
    %broadcast_in_dim3A_19 = vector.shape_cast %reduce_sum3A_18 : vector<10xi32> to vector<10x1xi32>
    %eq3A_20 = arith.constant 0 : i32
    %eq3A_21 = vector.broadcast %eq3A_20 : i32 to vector<10x128xi32>
    %eq3A_22 = arith.cmpi eq, %iota3A_5, %eq3A_21 : vector<10x128xi32>
    %jit3A_23 = arith.constant 0 : i32
    %broadcast_in_dim3A_24 = vector.shape_cast %broadcast_in_dim3A_19 : vector<10x1xi32> to vector<10x1xi32>
    %broadcast_in_dim3A_25 = vector.broadcast %broadcast_in_dim3A_24 : vector<10x1xi32> to vector<10x128xi32>
    %broadcast_in_dim3A_26 = vector.broadcast %jit3A_23 : i32 to vector<10x128xi32>
    %select_n3A_27 = arith.select %eq3A_22, %broadcast_in_dim3A_25, %broadcast_in_dim3A_26 : vector<10x128xi1>, vector<10x128xi32>
    %add3A = arith.addi %broadcast_in_dim3A_6, %select_n3A_27 : vector<10x128xi32>
    %jit3A_28 = arith.constant -1.000000e+30 : f32
    %broadcast_in_dim3A_29 = vector.broadcast %jit3A_28 : f32 to vector<10x1024xf32>
    %select_n3A_30 = arith.select %eq3A_14, %broadcast_in_dim3A_29, %get3A_1 : vector<10x1024xi1>, vector<10x1024xf32>
    %reduce_max3A_31 = arith.constant dense<0xFF800000> : vector<10xf32>
    %reduce_max3A_32 = vector.multi_reduction <maximumf>, %select_n3A_30, %reduce_max3A_31 [1] : vector<10x1024xf32> to vector<10xf32>
    %broadcast_in_dim3A_33 = vector.shape_cast %reduce_max3A_32 : vector<10xf32> to vector<10x1xf32>
    %eq3A_34 = vector.broadcast %broadcast_in_dim3A_33 : vector<10x1xf32> to vector<10x1024xf32>
    %eq3A_35 = arith.cmpf oeq, %select_n3A_30, %eq3A_34 : vector<10x1024xf32>
    %jit3A_36 = arith.constant 1073741824 : i32
    %broadcast_in_dim3A_37 = vector.broadcast %jit3A_36 : i32 to vector<10x1024xi32>
    %select_n3A_38 = arith.select %eq3A_35, %iota3A, %broadcast_in_dim3A_37 : vector<10x1024xi1>, vector<10x1024xi32>
    %reduce_min3A_39 = arith.constant dense<2147483647> : vector<10xi32>
    %reduce_min3A_40 = vector.multi_reduction <minsi>, %select_n3A_38, %reduce_min3A_39 [1] : vector<10x1024xi32> to vector<10xi32>
    %broadcast_in_dim3A_41 = vector.shape_cast %reduce_min3A_40 : vector<10xi32> to vector<10x1xi32>
    %eq3A_42 = vector.broadcast %broadcast_in_dim3A_41 : vector<10x1xi32> to vector<10x1024xi32>
    %eq3A_43 = arith.cmpi eq, %iota3A, %eq3A_42 : vector<10x1024xi32>
    %jit3A_44 = arith.constant 0 : i32
    %broadcast_in_dim3A_45 = vector.broadcast %jit3A_44 : i32 to vector<10x1024xi32>
    %select_n3A_46 = arith.select %eq3A_43, %get3A_4, %broadcast_in_dim3A_45 : vector<10x1024xi1>, vector<10x1024xi32>
    %reduce_sum3A_47 = arith.constant dense<0> : vector<10xi32>
    %reduce_sum3A_48 = vector.multi_reduction <add>, %select_n3A_46, %reduce_sum3A_47 [1] : vector<10x1024xi32> to vector<10xi32>
    %broadcast_in_dim3A_49 = vector.shape_cast %reduce_sum3A_48 : vector<10xi32> to vector<10x1xi32>
    %eq3A_50 = arith.constant 1 : i32
    %eq3A_51 = vector.broadcast %eq3A_50 : i32 to vector<10x128xi32>
    %eq3A_52 = arith.cmpi eq, %iota3A_5, %eq3A_51 : vector<10x128xi32>
    %jit3A_53 = arith.constant 0 : i32
    %broadcast_in_dim3A_54 = vector.shape_cast %broadcast_in_dim3A_49 : vector<10x1xi32> to vector<10x1xi32>
    %broadcast_in_dim3A_55 = vector.broadcast %broadcast_in_dim3A_54 : vector<10x1xi32> to vector<10x128xi32>
    %broadcast_in_dim3A_56 = vector.broadcast %jit3A_53 : i32 to vector<10x128xi32>
    %select_n3A_57 = arith.select %eq3A_52, %broadcast_in_dim3A_55, %broadcast_in_dim3A_56 : vector<10x128xi1>, vector<10x128xi32>
    %add3A_58 = arith.addi %add3A, %select_n3A_57 : vector<10x128xi32>
    %jit3A_59 = arith.constant -1.000000e+30 : f32
    %broadcast_in_dim3A_60 = vector.broadcast %jit3A_59 : f32 to vector<10x1024xf32>
    %select_n3A_61 = arith.select %eq3A_43, %broadcast_in_dim3A_60, %select_n3A_30 : vector<10x1024xi1>, vector<10x1024xf32>
    %reduce_max3A_62 = arith.constant dense<0xFF800000> : vector<10xf32>
    %reduce_max3A_63 = vector.multi_reduction <maximumf>, %select_n3A_61, %reduce_max3A_62 [1] : vector<10x1024xf32> to vector<10xf32>
    %broadcast_in_dim3A_64 = vector.shape_cast %reduce_max3A_63 : vector<10xf32> to vector<10x1xf32>
    %eq3A_65 = vector.broadcast %broadcast_in_dim3A_64 : vector<10x1xf32> to vector<10x1024xf32>
    %eq3A_66 = arith.cmpf oeq, %select_n3A_61, %eq3A_65 : vector<10x1024xf32>
    %jit3A_67 = arith.constant 1073741824 : i32
    %broadcast_in_dim3A_68 = vector.broadcast %jit3A_67 : i32 to vector<10x1024xi32>
    %select_n3A_69 = arith.select %eq3A_66, %iota3A, %broadcast_in_dim3A_68 : vector<10x1024xi1>, vector<10x1024xi32>
    %reduce_min3A_70 = arith.constant dense<2147483647> : vector<10xi32>
    %reduce_min3A_71 = vector.multi_reduction <minsi>, %select_n3A_69, %reduce_min3A_70 [1] : vector<10x1024xi32> to vector<10xi32>
    %broadcast_in_dim3A_72 = vector.shape_cast %reduce_min3A_71 : vector<10xi32> to vector<10x1xi32>
    %eq3A_73 = vector.broadcast %broadcast_in_dim3A_72 : vector<10x1xi32> to vector<10x1024xi32>
    %eq3A_74 = arith.cmpi eq, %iota3A, %eq3A_73 : vector<10x1024xi32>
    %jit3A_75 = arith.constant 0 : i32
    %broadcast_in_dim3A_76 = vector.broadcast %jit3A_75 : i32 to vector<10x1024xi32>
    %select_n3A_77 = arith.select %eq3A_74, %get3A_4, %broadcast_in_dim3A_76 : vector<10x1024xi1>, vector<10x1024xi32>
    %reduce_sum3A_78 = arith.constant dense<0> : vector<10xi32>
    %reduce_sum3A_79 = vector.multi_reduction <add>, %select_n3A_77, %reduce_sum3A_78 [1] : vector<10x1024xi32> to vector<10xi32>
    %broadcast_in_dim3A_80 = vector.shape_cast %reduce_sum3A_79 : vector<10xi32> to vector<10x1xi32>
    %eq3A_81 = arith.constant 2 : i32
    %eq3A_82 = vector.broadcast %eq3A_81 : i32 to vector<10x128xi32>
    %eq3A_83 = arith.cmpi eq, %iota3A_5, %eq3A_82 : vector<10x128xi32>
    %jit3A_84 = arith.constant 0 : i32
    %broadcast_in_dim3A_85 = vector.shape_cast %broadcast_in_dim3A_80 : vector<10x1xi32> to vector<10x1xi32>
    %broadcast_in_dim3A_86 = vector.broadcast %broadcast_in_dim3A_85 : vector<10x1xi32> to vector<10x128xi32>
    %broadcast_in_dim3A_87 = vector.broadcast %jit3A_84 : i32 to vector<10x128xi32>
    %select_n3A_88 = arith.select %eq3A_83, %broadcast_in_dim3A_86, %broadcast_in_dim3A_87 : vector<10x128xi1>, vector<10x128xi32>
    %add3A_89 = arith.addi %add3A_58, %select_n3A_88 : vector<10x128xi32>
    %jit3A_90 = arith.constant -1.000000e+30 : f32
    %broadcast_in_dim3A_91 = vector.broadcast %jit3A_90 : f32 to vector<10x1024xf32>
    %select_n3A_92 = arith.select %eq3A_74, %broadcast_in_dim3A_91, %select_n3A_61 : vector<10x1024xi1>, vector<10x1024xf32>
    %reduce_max3A_93 = arith.constant dense<0xFF800000> : vector<10xf32>
    %reduce_max3A_94 = vector.multi_reduction <maximumf>, %select_n3A_92, %reduce_max3A_93 [1] : vector<10x1024xf32> to vector<10xf32>
    %broadcast_in_dim3A_95 = vector.shape_cast %reduce_max3A_94 : vector<10xf32> to vector<10x1xf32>
    %eq3A_96 = vector.broadcast %broadcast_in_dim3A_95 : vector<10x1xf32> to vector<10x1024xf32>
    %eq3A_97 = arith.cmpf oeq, %select_n3A_92, %eq3A_96 : vector<10x1024xf32>
    %jit3A_98 = arith.constant 1073741824 : i32
    %broadcast_in_dim3A_99 = vector.broadcast %jit3A_98 : i32 to vector<10x1024xi32>
    %select_n3A_100 = arith.select %eq3A_97, %iota3A, %broadcast_in_dim3A_99 : vector<10x1024xi1>, vector<10x1024xi32>
    %reduce_min3A_101 = arith.constant dense<2147483647> : vector<10xi32>
    %reduce_min3A_102 = vector.multi_reduction <minsi>, %select_n3A_100, %reduce_min3A_101 [1] : vector<10x1024xi32> to vector<10xi32>
    %broadcast_in_dim3A_103 = vector.shape_cast %reduce_min3A_102 : vector<10xi32> to vector<10x1xi32>
    %eq3A_104 = vector.broadcast %broadcast_in_dim3A_103 : vector<10x1xi32> to vector<10x1024xi32>
    %eq3A_105 = arith.cmpi eq, %iota3A, %eq3A_104 : vector<10x1024xi32>
    %jit3A_106 = arith.constant 0 : i32
    %broadcast_in_dim3A_107 = vector.broadcast %jit3A_106 : i32 to vector<10x1024xi32>
    %select_n3A_108 = arith.select %eq3A_105, %get3A_4, %broadcast_in_dim3A_107 : vector<10x1024xi1>, vector<10x1024xi32>
    %reduce_sum3A_109 = arith.constant dense<0> : vector<10xi32>
    %reduce_sum3A_110 = vector.multi_reduction <add>, %select_n3A_108, %reduce_sum3A_109 [1] : vector<10x1024xi32> to vector<10xi32>
    %broadcast_in_dim3A_111 = vector.shape_cast %reduce_sum3A_110 : vector<10xi32> to vector<10x1xi32>
    %eq3A_112 = arith.constant 3 : i32
    %eq3A_113 = vector.broadcast %eq3A_112 : i32 to vector<10x128xi32>
    %eq3A_114 = arith.cmpi eq, %iota3A_5, %eq3A_113 : vector<10x128xi32>
    %jit3A_115 = arith.constant 0 : i32
    %broadcast_in_dim3A_116 = vector.shape_cast %broadcast_in_dim3A_111 : vector<10x1xi32> to vector<10x1xi32>
    %broadcast_in_dim3A_117 = vector.broadcast %broadcast_in_dim3A_116 : vector<10x1xi32> to vector<10x128xi32>
    %broadcast_in_dim3A_118 = vector.broadcast %jit3A_115 : i32 to vector<10x128xi32>
    %select_n3A_119 = arith.select %eq3A_114, %broadcast_in_dim3A_117, %broadcast_in_dim3A_118 : vector<10x128xi1>, vector<10x128xi32>
    %add3A_120 = arith.addi %add3A_89, %select_n3A_119 : vector<10x128xi32>
    %jit3A_121 = arith.constant -1.000000e+30 : f32
    %broadcast_in_dim3A_122 = vector.broadcast %jit3A_121 : f32 to vector<10x1024xf32>
    %select_n3A_123 = arith.select %eq3A_105, %broadcast_in_dim3A_122, %select_n3A_92 : vector<10x1024xi1>, vector<10x1024xf32>
    %reduce_max3A_124 = arith.constant dense<0xFF800000> : vector<10xf32>
    %reduce_max3A_125 = vector.multi_reduction <maximumf>, %select_n3A_123, %reduce_max3A_124 [1] : vector<10x1024xf32> to vector<10xf32>
    %broadcast_in_dim3A_126 = vector.shape_cast %reduce_max3A_125 : vector<10xf32> to vector<10x1xf32>
    %eq3A_127 = vector.broadcast %broadcast_in_dim3A_126 : vector<10x1xf32> to vector<10x1024xf32>
    %eq3A_128 = arith.cmpf oeq, %select_n3A_123, %eq3A_127 : vector<10x1024xf32>
    %jit3A_129 = arith.constant 1073741824 : i32
    %broadcast_in_dim3A_130 = vector.broadcast %jit3A_129 : i32 to vector<10x1024xi32>
    %select_n3A_131 = arith.select %eq3A_128, %iota3A, %broadcast_in_dim3A_130 : vector<10x1024xi1>, vector<10x1024xi32>
    %reduce_min3A_132 = arith.constant dense<2147483647> : vector<10xi32>
    %reduce_min3A_133 = vector.multi_reduction <minsi>, %select_n3A_131, %reduce_min3A_132 [1] : vector<10x1024xi32> to vector<10xi32>
    %broadcast_in_dim3A_134 = vector.shape_cast %reduce_min3A_133 : vector<10xi32> to vector<10x1xi32>
    %eq3A_135 = vector.broadcast %broadcast_in_dim3A_134 : vector<10x1xi32> to vector<10x1024xi32>
    %eq3A_136 = arith.cmpi eq, %iota3A, %eq3A_135 : vector<10x1024xi32>
    %jit3A_137 = arith.constant 0 : i32
    %broadcast_in_dim3A_138 = vector.broadcast %jit3A_137 : i32 to vector<10x1024xi32>
    %select_n3A_139 = arith.select %eq3A_136, %get3A_4, %broadcast_in_dim3A_138 : vector<10x1024xi1>, vector<10x1024xi32>
    %reduce_sum3A_140 = arith.constant dense<0> : vector<10xi32>
    %reduce_sum3A_141 = vector.multi_reduction <add>, %select_n3A_139, %reduce_sum3A_140 [1] : vector<10x1024xi32> to vector<10xi32>
    %broadcast_in_dim3A_142 = vector.shape_cast %reduce_sum3A_141 : vector<10xi32> to vector<10x1xi32>
    %eq3A_143 = arith.constant 4 : i32
    %eq3A_144 = vector.broadcast %eq3A_143 : i32 to vector<10x128xi32>
    %eq3A_145 = arith.cmpi eq, %iota3A_5, %eq3A_144 : vector<10x128xi32>
    %jit3A_146 = arith.constant 0 : i32
    %broadcast_in_dim3A_147 = vector.shape_cast %broadcast_in_dim3A_142 : vector<10x1xi32> to vector<10x1xi32>
    %broadcast_in_dim3A_148 = vector.broadcast %broadcast_in_dim3A_147 : vector<10x1xi32> to vector<10x128xi32>
    %broadcast_in_dim3A_149 = vector.broadcast %jit3A_146 : i32 to vector<10x128xi32>
    %select_n3A_150 = arith.select %eq3A_145, %broadcast_in_dim3A_148, %broadcast_in_dim3A_149 : vector<10x128xi1>, vector<10x128xi32>
    %add3A_151 = arith.addi %add3A_120, %select_n3A_150 : vector<10x128xi32>
    %jit3A_152 = arith.constant -1.000000e+30 : f32
    %broadcast_in_dim3A_153 = vector.broadcast %jit3A_152 : f32 to vector<10x1024xf32>
    %select_n3A_154 = arith.select %eq3A_136, %broadcast_in_dim3A_153, %select_n3A_123 : vector<10x1024xi1>, vector<10x1024xf32>
    %reduce_max3A_155 = arith.constant dense<0xFF800000> : vector<10xf32>
    %reduce_max3A_156 = vector.multi_reduction <maximumf>, %select_n3A_154, %reduce_max3A_155 [1] : vector<10x1024xf32> to vector<10xf32>
    %broadcast_in_dim3A_157 = vector.shape_cast %reduce_max3A_156 : vector<10xf32> to vector<10x1xf32>
    %eq3A_158 = vector.broadcast %broadcast_in_dim3A_157 : vector<10x1xf32> to vector<10x1024xf32>
    %eq3A_159 = arith.cmpf oeq, %select_n3A_154, %eq3A_158 : vector<10x1024xf32>
    %jit3A_160 = arith.constant 1073741824 : i32
    %broadcast_in_dim3A_161 = vector.broadcast %jit3A_160 : i32 to vector<10x1024xi32>
    %select_n3A_162 = arith.select %eq3A_159, %iota3A, %broadcast_in_dim3A_161 : vector<10x1024xi1>, vector<10x1024xi32>
    %reduce_min3A_163 = arith.constant dense<2147483647> : vector<10xi32>
    %reduce_min3A_164 = vector.multi_reduction <minsi>, %select_n3A_162, %reduce_min3A_163 [1] : vector<10x1024xi32> to vector<10xi32>
    %broadcast_in_dim3A_165 = vector.shape_cast %reduce_min3A_164 : vector<10xi32> to vector<10x1xi32>
    %eq3A_166 = vector.broadcast %broadcast_in_dim3A_165 : vector<10x1xi32> to vector<10x1024xi32>
    %eq3A_167 = arith.cmpi eq, %iota3A, %eq3A_166 : vector<10x1024xi32>
    %jit3A_168 = arith.constant 0 : i32
    %broadcast_in_dim3A_169 = vector.broadcast %jit3A_168 : i32 to vector<10x1024xi32>
    %select_n3A_170 = arith.select %eq3A_167, %get3A_4, %broadcast_in_dim3A_169 : vector<10x1024xi1>, vector<10x1024xi32>
    %reduce_sum3A_171 = arith.constant dense<0> : vector<10xi32>
    %reduce_sum3A_172 = vector.multi_reduction <add>, %select_n3A_170, %reduce_sum3A_171 [1] : vector<10x1024xi32> to vector<10xi32>
    %broadcast_in_dim3A_173 = vector.shape_cast %reduce_sum3A_172 : vector<10xi32> to vector<10x1xi32>
    %eq3A_174 = arith.constant 5 : i32
    %eq3A_175 = vector.broadcast %eq3A_174 : i32 to vector<10x128xi32>
    %eq3A_176 = arith.cmpi eq, %iota3A_5, %eq3A_175 : vector<10x128xi32>
    %jit3A_177 = arith.constant 0 : i32
    %broadcast_in_dim3A_178 = vector.shape_cast %broadcast_in_dim3A_173 : vector<10x1xi32> to vector<10x1xi32>
    %broadcast_in_dim3A_179 = vector.broadcast %broadcast_in_dim3A_178 : vector<10x1xi32> to vector<10x128xi32>
    %broadcast_in_dim3A_180 = vector.broadcast %jit3A_177 : i32 to vector<10x128xi32>
    %select_n3A_181 = arith.select %eq3A_176, %broadcast_in_dim3A_179, %broadcast_in_dim3A_180 : vector<10x128xi1>, vector<10x128xi32>
    %add3A_182 = arith.addi %add3A_151, %select_n3A_181 : vector<10x128xi32>
    %jit3A_183 = arith.constant -1.000000e+30 : f32
    %broadcast_in_dim3A_184 = vector.broadcast %jit3A_183 : f32 to vector<10x1024xf32>
    %select_n3A_185 = arith.select %eq3A_167, %broadcast_in_dim3A_184, %select_n3A_154 : vector<10x1024xi1>, vector<10x1024xf32>
    %reduce_max3A_186 = arith.constant dense<0xFF800000> : vector<10xf32>
    %reduce_max3A_187 = vector.multi_reduction <maximumf>, %select_n3A_185, %reduce_max3A_186 [1] : vector<10x1024xf32> to vector<10xf32>
    %broadcast_in_dim3A_188 = vector.shape_cast %reduce_max3A_187 : vector<10xf32> to vector<10x1xf32>
    %eq3A_189 = vector.broadcast %broadcast_in_dim3A_188 : vector<10x1xf32> to vector<10x1024xf32>
    %eq3A_190 = arith.cmpf oeq, %select_n3A_185, %eq3A_189 : vector<10x1024xf32>
    %jit3A_191 = arith.constant 1073741824 : i32
    %broadcast_in_dim3A_192 = vector.broadcast %jit3A_191 : i32 to vector<10x1024xi32>
    %select_n3A_193 = arith.select %eq3A_190, %iota3A, %broadcast_in_dim3A_192 : vector<10x1024xi1>, vector<10x1024xi32>
    %reduce_min3A_194 = arith.constant dense<2147483647> : vector<10xi32>
    %reduce_min3A_195 = vector.multi_reduction <minsi>, %select_n3A_193, %reduce_min3A_194 [1] : vector<10x1024xi32> to vector<10xi32>
    %broadcast_in_dim3A_196 = vector.shape_cast %reduce_min3A_195 : vector<10xi32> to vector<10x1xi32>
    %eq3A_197 = vector.broadcast %broadcast_in_dim3A_196 : vector<10x1xi32> to vector<10x1024xi32>
    %eq3A_198 = arith.cmpi eq, %iota3A, %eq3A_197 : vector<10x1024xi32>
    %jit3A_199 = arith.constant 0 : i32
    %broadcast_in_dim3A_200 = vector.broadcast %jit3A_199 : i32 to vector<10x1024xi32>
    %select_n3A_201 = arith.select %eq3A_198, %get3A_4, %broadcast_in_dim3A_200 : vector<10x1024xi1>, vector<10x1024xi32>
    %reduce_sum3A_202 = arith.constant dense<0> : vector<10xi32>
    %reduce_sum3A_203 = vector.multi_reduction <add>, %select_n3A_201, %reduce_sum3A_202 [1] : vector<10x1024xi32> to vector<10xi32>
    %broadcast_in_dim3A_204 = vector.shape_cast %reduce_sum3A_203 : vector<10xi32> to vector<10x1xi32>
    %eq3A_205 = arith.constant 6 : i32
    %eq3A_206 = vector.broadcast %eq3A_205 : i32 to vector<10x128xi32>
    %eq3A_207 = arith.cmpi eq, %iota3A_5, %eq3A_206 : vector<10x128xi32>
    %jit3A_208 = arith.constant 0 : i32
    %broadcast_in_dim3A_209 = vector.shape_cast %broadcast_in_dim3A_204 : vector<10x1xi32> to vector<10x1xi32>
    %broadcast_in_dim3A_210 = vector.broadcast %broadcast_in_dim3A_209 : vector<10x1xi32> to vector<10x128xi32>
    %broadcast_in_dim3A_211 = vector.broadcast %jit3A_208 : i32 to vector<10x128xi32>
    %select_n3A_212 = arith.select %eq3A_207, %broadcast_in_dim3A_210, %broadcast_in_dim3A_211 : vector<10x128xi1>, vector<10x128xi32>
    %add3A_213 = arith.addi %add3A_182, %select_n3A_212 : vector<10x128xi32>
    %jit3A_214 = arith.constant -1.000000e+30 : f32
    %broadcast_in_dim3A_215 = vector.broadcast %jit3A_214 : f32 to vector<10x1024xf32>
    %select_n3A_216 = arith.select %eq3A_198, %broadcast_in_dim3A_215, %select_n3A_185 : vector<10x1024xi1>, vector<10x1024xf32>
    %reduce_max3A_217 = arith.constant dense<0xFF800000> : vector<10xf32>
    %reduce_max3A_218 = vector.multi_reduction <maximumf>, %select_n3A_216, %reduce_max3A_217 [1] : vector<10x1024xf32> to vector<10xf32>
    %broadcast_in_dim3A_219 = vector.shape_cast %reduce_max3A_218 : vector<10xf32> to vector<10x1xf32>
    %eq3A_220 = vector.broadcast %broadcast_in_dim3A_219 : vector<10x1xf32> to vector<10x1024xf32>
    %eq3A_221 = arith.cmpf oeq, %select_n3A_216, %eq3A_220 : vector<10x1024xf32>
    %jit3A_222 = arith.constant 1073741824 : i32
    %broadcast_in_dim3A_223 = vector.broadcast %jit3A_222 : i32 to vector<10x1024xi32>
    %select_n3A_224 = arith.select %eq3A_221, %iota3A, %broadcast_in_dim3A_223 : vector<10x1024xi1>, vector<10x1024xi32>
    %reduce_min3A_225 = arith.constant dense<2147483647> : vector<10xi32>
    %reduce_min3A_226 = vector.multi_reduction <minsi>, %select_n3A_224, %reduce_min3A_225 [1] : vector<10x1024xi32> to vector<10xi32>
    %broadcast_in_dim3A_227 = vector.shape_cast %reduce_min3A_226 : vector<10xi32> to vector<10x1xi32>
    %eq3A_228 = vector.broadcast %broadcast_in_dim3A_227 : vector<10x1xi32> to vector<10x1024xi32>
    %eq3A_229 = arith.cmpi eq, %iota3A, %eq3A_228 : vector<10x1024xi32>
    %jit3A_230 = arith.constant 0 : i32
    %broadcast_in_dim3A_231 = vector.broadcast %jit3A_230 : i32 to vector<10x1024xi32>
    %select_n3A_232 = arith.select %eq3A_229, %get3A_4, %broadcast_in_dim3A_231 : vector<10x1024xi1>, vector<10x1024xi32>
    %reduce_sum3A_233 = arith.constant dense<0> : vector<10xi32>
    %reduce_sum3A_234 = vector.multi_reduction <add>, %select_n3A_232, %reduce_sum3A_233 [1] : vector<10x1024xi32> to vector<10xi32>
    %broadcast_in_dim3A_235 = vector.shape_cast %reduce_sum3A_234 : vector<10xi32> to vector<10x1xi32>
    %eq3A_236 = arith.constant 7 : i32
    %eq3A_237 = vector.broadcast %eq3A_236 : i32 to vector<10x128xi32>
    %eq3A_238 = arith.cmpi eq, %iota3A_5, %eq3A_237 : vector<10x128xi32>
    %jit3A_239 = arith.constant 0 : i32
    %broadcast_in_dim3A_240 = vector.shape_cast %broadcast_in_dim3A_235 : vector<10x1xi32> to vector<10x1xi32>
    %broadcast_in_dim3A_241 = vector.broadcast %broadcast_in_dim3A_240 : vector<10x1xi32> to vector<10x128xi32>
    %broadcast_in_dim3A_242 = vector.broadcast %jit3A_239 : i32 to vector<10x128xi32>
    %select_n3A_243 = arith.select %eq3A_238, %broadcast_in_dim3A_241, %broadcast_in_dim3A_242 : vector<10x128xi1>, vector<10x128xi32>
    %add3A_244 = arith.addi %add3A_213, %select_n3A_243 : vector<10x128xi32>
    %jit3A_245 = arith.constant -1.000000e+30 : f32
    %broadcast_in_dim3A_246 = vector.broadcast %jit3A_245 : f32 to vector<10x1024xf32>
    %select_n3A_247 = arith.select %eq3A_229, %broadcast_in_dim3A_246, %select_n3A_216 : vector<10x1024xi1>, vector<10x1024xf32>
    %reduce_max3A_248 = arith.constant dense<0xFF800000> : vector<10xf32>
    %reduce_max3A_249 = vector.multi_reduction <maximumf>, %select_n3A_247, %reduce_max3A_248 [1] : vector<10x1024xf32> to vector<10xf32>
    %broadcast_in_dim3A_250 = vector.shape_cast %reduce_max3A_249 : vector<10xf32> to vector<10x1xf32>
    %eq3A_251 = vector.broadcast %broadcast_in_dim3A_250 : vector<10x1xf32> to vector<10x1024xf32>
    %eq3A_252 = arith.cmpf oeq, %select_n3A_247, %eq3A_251 : vector<10x1024xf32>
    %jit3A_253 = arith.constant 1073741824 : i32
    %broadcast_in_dim3A_254 = vector.broadcast %jit3A_253 : i32 to vector<10x1024xi32>
    %select_n3A_255 = arith.select %eq3A_252, %iota3A, %broadcast_in_dim3A_254 : vector<10x1024xi1>, vector<10x1024xi32>
    %reduce_min3A_256 = arith.constant dense<2147483647> : vector<10xi32>
    %reduce_min3A_257 = vector.multi_reduction <minsi>, %select_n3A_255, %reduce_min3A_256 [1] : vector<10x1024xi32> to vector<10xi32>
    %broadcast_in_dim3A_258 = vector.shape_cast %reduce_min3A_257 : vector<10xi32> to vector<10x1xi32>
    %eq3A_259 = vector.broadcast %broadcast_in_dim3A_258 : vector<10x1xi32> to vector<10x1024xi32>
    %eq3A_260 = arith.cmpi eq, %iota3A, %eq3A_259 : vector<10x1024xi32>
    %jit3A_261 = arith.constant 0 : i32
    %broadcast_in_dim3A_262 = vector.broadcast %jit3A_261 : i32 to vector<10x1024xi32>
    %select_n3A_263 = arith.select %eq3A_260, %get3A_4, %broadcast_in_dim3A_262 : vector<10x1024xi1>, vector<10x1024xi32>
    %reduce_sum3A_264 = arith.constant dense<0> : vector<10xi32>
    %reduce_sum3A_265 = vector.multi_reduction <add>, %select_n3A_263, %reduce_sum3A_264 [1] : vector<10x1024xi32> to vector<10xi32>
    %broadcast_in_dim3A_266 = vector.shape_cast %reduce_sum3A_265 : vector<10xi32> to vector<10x1xi32>
    %eq3A_267 = arith.constant 8 : i32
    %eq3A_268 = vector.broadcast %eq3A_267 : i32 to vector<10x128xi32>
    %eq3A_269 = arith.cmpi eq, %iota3A_5, %eq3A_268 : vector<10x128xi32>
    %jit3A_270 = arith.constant 0 : i32
    %broadcast_in_dim3A_271 = vector.shape_cast %broadcast_in_dim3A_266 : vector<10x1xi32> to vector<10x1xi32>
    %broadcast_in_dim3A_272 = vector.broadcast %broadcast_in_dim3A_271 : vector<10x1xi32> to vector<10x128xi32>
    %broadcast_in_dim3A_273 = vector.broadcast %jit3A_270 : i32 to vector<10x128xi32>
    %select_n3A_274 = arith.select %eq3A_269, %broadcast_in_dim3A_272, %broadcast_in_dim3A_273 : vector<10x128xi1>, vector<10x128xi32>
    %add3A_275 = arith.addi %add3A_244, %select_n3A_274 : vector<10x128xi32>
    %jit3A_276 = arith.constant -1.000000e+30 : f32
    %broadcast_in_dim3A_277 = vector.broadcast %jit3A_276 : f32 to vector<10x1024xf32>
    %select_n3A_278 = arith.select %eq3A_260, %broadcast_in_dim3A_277, %select_n3A_247 : vector<10x1024xi1>, vector<10x1024xf32>
    %reduce_max3A_279 = arith.constant dense<0xFF800000> : vector<10xf32>
    %reduce_max3A_280 = vector.multi_reduction <maximumf>, %select_n3A_278, %reduce_max3A_279 [1] : vector<10x1024xf32> to vector<10xf32>
    %broadcast_in_dim3A_281 = vector.shape_cast %reduce_max3A_280 : vector<10xf32> to vector<10x1xf32>
    %eq3A_282 = vector.broadcast %broadcast_in_dim3A_281 : vector<10x1xf32> to vector<10x1024xf32>
    %eq3A_283 = arith.cmpf oeq, %select_n3A_278, %eq3A_282 : vector<10x1024xf32>
    %jit3A_284 = arith.constant 1073741824 : i32
    %broadcast_in_dim3A_285 = vector.broadcast %jit3A_284 : i32 to vector<10x1024xi32>
    %select_n3A_286 = arith.select %eq3A_283, %iota3A, %broadcast_in_dim3A_285 : vector<10x1024xi1>, vector<10x1024xi32>
    %reduce_min3A_287 = arith.constant dense<2147483647> : vector<10xi32>
    %reduce_min3A_288 = vector.multi_reduction <minsi>, %select_n3A_286, %reduce_min3A_287 [1] : vector<10x1024xi32> to vector<10xi32>
    %broadcast_in_dim3A_289 = vector.shape_cast %reduce_min3A_288 : vector<10xi32> to vector<10x1xi32>
    %eq3A_290 = vector.broadcast %broadcast_in_dim3A_289 : vector<10x1xi32> to vector<10x1024xi32>
    %eq3A_291 = arith.cmpi eq, %iota3A, %eq3A_290 : vector<10x1024xi32>
    %jit3A_292 = arith.constant 0 : i32
    %broadcast_in_dim3A_293 = vector.broadcast %jit3A_292 : i32 to vector<10x1024xi32>
    %select_n3A_294 = arith.select %eq3A_291, %get3A_4, %broadcast_in_dim3A_293 : vector<10x1024xi1>, vector<10x1024xi32>
    %reduce_sum3A_295 = arith.constant dense<0> : vector<10xi32>
    %reduce_sum3A_296 = vector.multi_reduction <add>, %select_n3A_294, %reduce_sum3A_295 [1] : vector<10x1024xi32> to vector<10xi32>
    %broadcast_in_dim3A_297 = vector.shape_cast %reduce_sum3A_296 : vector<10xi32> to vector<10x1xi32>
    %eq3A_298 = arith.constant 9 : i32
    %eq3A_299 = vector.broadcast %eq3A_298 : i32 to vector<10x128xi32>
    %eq3A_300 = arith.cmpi eq, %iota3A_5, %eq3A_299 : vector<10x128xi32>
    %jit3A_301 = arith.constant 0 : i32
    %broadcast_in_dim3A_302 = vector.shape_cast %broadcast_in_dim3A_297 : vector<10x1xi32> to vector<10x1xi32>
    %broadcast_in_dim3A_303 = vector.broadcast %broadcast_in_dim3A_302 : vector<10x1xi32> to vector<10x128xi32>
    %broadcast_in_dim3A_304 = vector.broadcast %jit3A_301 : i32 to vector<10x128xi32>
    %select_n3A_305 = arith.select %eq3A_300, %broadcast_in_dim3A_303, %broadcast_in_dim3A_304 : vector<10x128xi1>, vector<10x128xi32>
    %add3A_306 = arith.addi %add3A_275, %select_n3A_305 : vector<10x128xi32>
    %jit3A_307 = arith.constant -1.000000e+30 : f32
    %broadcast_in_dim3A_308 = vector.broadcast %jit3A_307 : f32 to vector<10x1024xf32>
    %select_n3A_309 = arith.select %eq3A_291, %broadcast_in_dim3A_308, %select_n3A_278 : vector<10x1024xi1>, vector<10x1024xf32>
    %reduce_max3A_310 = arith.constant dense<0xFF800000> : vector<10xf32>
    %reduce_max3A_311 = vector.multi_reduction <maximumf>, %select_n3A_309, %reduce_max3A_310 [1] : vector<10x1024xf32> to vector<10xf32>
    %broadcast_in_dim3A_312 = vector.shape_cast %reduce_max3A_311 : vector<10xf32> to vector<10x1xf32>
    %eq3A_313 = vector.broadcast %broadcast_in_dim3A_312 : vector<10x1xf32> to vector<10x1024xf32>
    %eq3A_314 = arith.cmpf oeq, %select_n3A_309, %eq3A_313 : vector<10x1024xf32>
    %jit3A_315 = arith.constant 1073741824 : i32
    %broadcast_in_dim3A_316 = vector.broadcast %jit3A_315 : i32 to vector<10x1024xi32>
    %select_n3A_317 = arith.select %eq3A_314, %iota3A, %broadcast_in_dim3A_316 : vector<10x1024xi1>, vector<10x1024xi32>
    %reduce_min3A_318 = arith.constant dense<2147483647> : vector<10xi32>
    %reduce_min3A_319 = vector.multi_reduction <minsi>, %select_n3A_317, %reduce_min3A_318 [1] : vector<10x1024xi32> to vector<10xi32>
    %broadcast_in_dim3A_320 = vector.shape_cast %reduce_min3A_319 : vector<10xi32> to vector<10x1xi32>
    %eq3A_321 = vector.broadcast %broadcast_in_dim3A_320 : vector<10x1xi32> to vector<10x1024xi32>
    %eq3A_322 = arith.cmpi eq, %iota3A, %eq3A_321 : vector<10x1024xi32>
    %jit3A_323 = arith.constant 0 : i32
    %broadcast_in_dim3A_324 = vector.broadcast %jit3A_323 : i32 to vector<10x1024xi32>
    %select_n3A_325 = arith.select %eq3A_322, %get3A_4, %broadcast_in_dim3A_324 : vector<10x1024xi1>, vector<10x1024xi32>
    %reduce_sum3A_326 = arith.constant dense<0> : vector<10xi32>
    %reduce_sum3A_327 = vector.multi_reduction <add>, %select_n3A_325, %reduce_sum3A_326 [1] : vector<10x1024xi32> to vector<10xi32>
    %broadcast_in_dim3A_328 = vector.shape_cast %reduce_sum3A_327 : vector<10xi32> to vector<10x1xi32>
    %eq3A_329 = arith.constant 10 : i32
    %eq3A_330 = vector.broadcast %eq3A_329 : i32 to vector<10x128xi32>
    %eq3A_331 = arith.cmpi eq, %iota3A_5, %eq3A_330 : vector<10x128xi32>
    %jit3A_332 = arith.constant 0 : i32
    %broadcast_in_dim3A_333 = vector.shape_cast %broadcast_in_dim3A_328 : vector<10x1xi32> to vector<10x1xi32>
    %broadcast_in_dim3A_334 = vector.broadcast %broadcast_in_dim3A_333 : vector<10x1xi32> to vector<10x128xi32>
    %broadcast_in_dim3A_335 = vector.broadcast %jit3A_332 : i32 to vector<10x128xi32>
    %select_n3A_336 = arith.select %eq3A_331, %broadcast_in_dim3A_334, %broadcast_in_dim3A_335 : vector<10x128xi1>, vector<10x128xi32>
    %add3A_337 = arith.addi %add3A_306, %select_n3A_336 : vector<10x128xi32>
    %jit3A_338 = arith.constant -1.000000e+30 : f32
    %broadcast_in_dim3A_339 = vector.broadcast %jit3A_338 : f32 to vector<10x1024xf32>
    %select_n3A_340 = arith.select %eq3A_322, %broadcast_in_dim3A_339, %select_n3A_309 : vector<10x1024xi1>, vector<10x1024xf32>
    %reduce_max3A_341 = arith.constant dense<0xFF800000> : vector<10xf32>
    %reduce_max3A_342 = vector.multi_reduction <maximumf>, %select_n3A_340, %reduce_max3A_341 [1] : vector<10x1024xf32> to vector<10xf32>
    %broadcast_in_dim3A_343 = vector.shape_cast %reduce_max3A_342 : vector<10xf32> to vector<10x1xf32>
    %eq3A_344 = vector.broadcast %broadcast_in_dim3A_343 : vector<10x1xf32> to vector<10x1024xf32>
    %eq3A_345 = arith.cmpf oeq, %select_n3A_340, %eq3A_344 : vector<10x1024xf32>
    %jit3A_346 = arith.constant 1073741824 : i32
    %broadcast_in_dim3A_347 = vector.broadcast %jit3A_346 : i32 to vector<10x1024xi32>
    %select_n3A_348 = arith.select %eq3A_345, %iota3A, %broadcast_in_dim3A_347 : vector<10x1024xi1>, vector<10x1024xi32>
    %reduce_min3A_349 = arith.constant dense<2147483647> : vector<10xi32>
    %reduce_min3A_350 = vector.multi_reduction <minsi>, %select_n3A_348, %reduce_min3A_349 [1] : vector<10x1024xi32> to vector<10xi32>
    %broadcast_in_dim3A_351 = vector.shape_cast %reduce_min3A_350 : vector<10xi32> to vector<10x1xi32>
    %eq3A_352 = vector.broadcast %broadcast_in_dim3A_351 : vector<10x1xi32> to vector<10x1024xi32>
    %eq3A_353 = arith.cmpi eq, %iota3A, %eq3A_352 : vector<10x1024xi32>
    %jit3A_354 = arith.constant 0 : i32
    %broadcast_in_dim3A_355 = vector.broadcast %jit3A_354 : i32 to vector<10x1024xi32>
    %select_n3A_356 = arith.select %eq3A_353, %get3A_4, %broadcast_in_dim3A_355 : vector<10x1024xi1>, vector<10x1024xi32>
    %reduce_sum3A_357 = arith.constant dense<0> : vector<10xi32>
    %reduce_sum3A_358 = vector.multi_reduction <add>, %select_n3A_356, %reduce_sum3A_357 [1] : vector<10x1024xi32> to vector<10xi32>
    %broadcast_in_dim3A_359 = vector.shape_cast %reduce_sum3A_358 : vector<10xi32> to vector<10x1xi32>
    %eq3A_360 = arith.constant 11 : i32
    %eq3A_361 = vector.broadcast %eq3A_360 : i32 to vector<10x128xi32>
    %eq3A_362 = arith.cmpi eq, %iota3A_5, %eq3A_361 : vector<10x128xi32>
    %jit3A_363 = arith.constant 0 : i32
    %broadcast_in_dim3A_364 = vector.shape_cast %broadcast_in_dim3A_359 : vector<10x1xi32> to vector<10x1xi32>
    %broadcast_in_dim3A_365 = vector.broadcast %broadcast_in_dim3A_364 : vector<10x1xi32> to vector<10x128xi32>
    %broadcast_in_dim3A_366 = vector.broadcast %jit3A_363 : i32 to vector<10x128xi32>
    %select_n3A_367 = arith.select %eq3A_362, %broadcast_in_dim3A_365, %broadcast_in_dim3A_366 : vector<10x128xi1>, vector<10x128xi32>
    %add3A_368 = arith.addi %add3A_337, %select_n3A_367 : vector<10x128xi32>
    %jit3A_369 = arith.constant -1.000000e+30 : f32
    %broadcast_in_dim3A_370 = vector.broadcast %jit3A_369 : f32 to vector<10x1024xf32>
    %select_n3A_371 = arith.select %eq3A_353, %broadcast_in_dim3A_370, %select_n3A_340 : vector<10x1024xi1>, vector<10x1024xf32>
    %reduce_max3A_372 = arith.constant dense<0xFF800000> : vector<10xf32>
    %reduce_max3A_373 = vector.multi_reduction <maximumf>, %select_n3A_371, %reduce_max3A_372 [1] : vector<10x1024xf32> to vector<10xf32>
    %broadcast_in_dim3A_374 = vector.shape_cast %reduce_max3A_373 : vector<10xf32> to vector<10x1xf32>
    %eq3A_375 = vector.broadcast %broadcast_in_dim3A_374 : vector<10x1xf32> to vector<10x1024xf32>
    %eq3A_376 = arith.cmpf oeq, %select_n3A_371, %eq3A_375 : vector<10x1024xf32>
    %jit3A_377 = arith.constant 1073741824 : i32
    %broadcast_in_dim3A_378 = vector.broadcast %jit3A_377 : i32 to vector<10x1024xi32>
    %select_n3A_379 = arith.select %eq3A_376, %iota3A, %broadcast_in_dim3A_378 : vector<10x1024xi1>, vector<10x1024xi32>
    %reduce_min3A_380 = arith.constant dense<2147483647> : vector<10xi32>
    %reduce_min3A_381 = vector.multi_reduction <minsi>, %select_n3A_379, %reduce_min3A_380 [1] : vector<10x1024xi32> to vector<10xi32>
    %broadcast_in_dim3A_382 = vector.shape_cast %reduce_min3A_381 : vector<10xi32> to vector<10x1xi32>
    %eq3A_383 = vector.broadcast %broadcast_in_dim3A_382 : vector<10x1xi32> to vector<10x1024xi32>
    %eq3A_384 = arith.cmpi eq, %iota3A, %eq3A_383 : vector<10x1024xi32>
    %jit3A_385 = arith.constant 0 : i32
    %broadcast_in_dim3A_386 = vector.broadcast %jit3A_385 : i32 to vector<10x1024xi32>
    %select_n3A_387 = arith.select %eq3A_384, %get3A_4, %broadcast_in_dim3A_386 : vector<10x1024xi1>, vector<10x1024xi32>
    %reduce_sum3A_388 = arith.constant dense<0> : vector<10xi32>
    %reduce_sum3A_389 = vector.multi_reduction <add>, %select_n3A_387, %reduce_sum3A_388 [1] : vector<10x1024xi32> to vector<10xi32>
    %broadcast_in_dim3A_390 = vector.shape_cast %reduce_sum3A_389 : vector<10xi32> to vector<10x1xi32>
    %eq3A_391 = arith.constant 12 : i32
    %eq3A_392 = vector.broadcast %eq3A_391 : i32 to vector<10x128xi32>
    %eq3A_393 = arith.cmpi eq, %iota3A_5, %eq3A_392 : vector<10x128xi32>
    %jit3A_394 = arith.constant 0 : i32
    %broadcast_in_dim3A_395 = vector.shape_cast %broadcast_in_dim3A_390 : vector<10x1xi32> to vector<10x1xi32>
    %broadcast_in_dim3A_396 = vector.broadcast %broadcast_in_dim3A_395 : vector<10x1xi32> to vector<10x128xi32>
    %broadcast_in_dim3A_397 = vector.broadcast %jit3A_394 : i32 to vector<10x128xi32>
    %select_n3A_398 = arith.select %eq3A_393, %broadcast_in_dim3A_396, %broadcast_in_dim3A_397 : vector<10x128xi1>, vector<10x128xi32>
    %add3A_399 = arith.addi %add3A_368, %select_n3A_398 : vector<10x128xi32>
    %jit3A_400 = arith.constant -1.000000e+30 : f32
    %broadcast_in_dim3A_401 = vector.broadcast %jit3A_400 : f32 to vector<10x1024xf32>
    %select_n3A_402 = arith.select %eq3A_384, %broadcast_in_dim3A_401, %select_n3A_371 : vector<10x1024xi1>, vector<10x1024xf32>
    %reduce_max3A_403 = arith.constant dense<0xFF800000> : vector<10xf32>
    %reduce_max3A_404 = vector.multi_reduction <maximumf>, %select_n3A_402, %reduce_max3A_403 [1] : vector<10x1024xf32> to vector<10xf32>
    %broadcast_in_dim3A_405 = vector.shape_cast %reduce_max3A_404 : vector<10xf32> to vector<10x1xf32>
    %eq3A_406 = vector.broadcast %broadcast_in_dim3A_405 : vector<10x1xf32> to vector<10x1024xf32>
    %eq3A_407 = arith.cmpf oeq, %select_n3A_402, %eq3A_406 : vector<10x1024xf32>
    %jit3A_408 = arith.constant 1073741824 : i32
    %broadcast_in_dim3A_409 = vector.broadcast %jit3A_408 : i32 to vector<10x1024xi32>
    %select_n3A_410 = arith.select %eq3A_407, %iota3A, %broadcast_in_dim3A_409 : vector<10x1024xi1>, vector<10x1024xi32>
    %reduce_min3A_411 = arith.constant dense<2147483647> : vector<10xi32>
    %reduce_min3A_412 = vector.multi_reduction <minsi>, %select_n3A_410, %reduce_min3A_411 [1] : vector<10x1024xi32> to vector<10xi32>
    %broadcast_in_dim3A_413 = vector.shape_cast %reduce_min3A_412 : vector<10xi32> to vector<10x1xi32>
    %eq3A_414 = vector.broadcast %broadcast_in_dim3A_413 : vector<10x1xi32> to vector<10x1024xi32>
    %eq3A_415 = arith.cmpi eq, %iota3A, %eq3A_414 : vector<10x1024xi32>
    %jit3A_416 = arith.constant 0 : i32
    %broadcast_in_dim3A_417 = vector.broadcast %jit3A_416 : i32 to vector<10x1024xi32>
    %select_n3A_418 = arith.select %eq3A_415, %get3A_4, %broadcast_in_dim3A_417 : vector<10x1024xi1>, vector<10x1024xi32>
    %reduce_sum3A_419 = arith.constant dense<0> : vector<10xi32>
    %reduce_sum3A_420 = vector.multi_reduction <add>, %select_n3A_418, %reduce_sum3A_419 [1] : vector<10x1024xi32> to vector<10xi32>
    %broadcast_in_dim3A_421 = vector.shape_cast %reduce_sum3A_420 : vector<10xi32> to vector<10x1xi32>
    %eq3A_422 = arith.constant 13 : i32
    %eq3A_423 = vector.broadcast %eq3A_422 : i32 to vector<10x128xi32>
    %eq3A_424 = arith.cmpi eq, %iota3A_5, %eq3A_423 : vector<10x128xi32>
    %jit3A_425 = arith.constant 0 : i32
    %broadcast_in_dim3A_426 = vector.shape_cast %broadcast_in_dim3A_421 : vector<10x1xi32> to vector<10x1xi32>
    %broadcast_in_dim3A_427 = vector.broadcast %broadcast_in_dim3A_426 : vector<10x1xi32> to vector<10x128xi32>
    %broadcast_in_dim3A_428 = vector.broadcast %jit3A_425 : i32 to vector<10x128xi32>
    %select_n3A_429 = arith.select %eq3A_424, %broadcast_in_dim3A_427, %broadcast_in_dim3A_428 : vector<10x128xi1>, vector<10x128xi32>
    %add3A_430 = arith.addi %add3A_399, %select_n3A_429 : vector<10x128xi32>
    %jit3A_431 = arith.constant -1.000000e+30 : f32
    %broadcast_in_dim3A_432 = vector.broadcast %jit3A_431 : f32 to vector<10x1024xf32>
    %select_n3A_433 = arith.select %eq3A_415, %broadcast_in_dim3A_432, %select_n3A_402 : vector<10x1024xi1>, vector<10x1024xf32>
    %reduce_max3A_434 = arith.constant dense<0xFF800000> : vector<10xf32>
    %reduce_max3A_435 = vector.multi_reduction <maximumf>, %select_n3A_433, %reduce_max3A_434 [1] : vector<10x1024xf32> to vector<10xf32>
    %broadcast_in_dim3A_436 = vector.shape_cast %reduce_max3A_435 : vector<10xf32> to vector<10x1xf32>
    %eq3A_437 = vector.broadcast %broadcast_in_dim3A_436 : vector<10x1xf32> to vector<10x1024xf32>
    %eq3A_438 = arith.cmpf oeq, %select_n3A_433, %eq3A_437 : vector<10x1024xf32>
    %jit3A_439 = arith.constant 1073741824 : i32
    %broadcast_in_dim3A_440 = vector.broadcast %jit3A_439 : i32 to vector<10x1024xi32>
    %select_n3A_441 = arith.select %eq3A_438, %iota3A, %broadcast_in_dim3A_440 : vector<10x1024xi1>, vector<10x1024xi32>
    %reduce_min3A_442 = arith.constant dense<2147483647> : vector<10xi32>
    %reduce_min3A_443 = vector.multi_reduction <minsi>, %select_n3A_441, %reduce_min3A_442 [1] : vector<10x1024xi32> to vector<10xi32>
    %broadcast_in_dim3A_444 = vector.shape_cast %reduce_min3A_443 : vector<10xi32> to vector<10x1xi32>
    %eq3A_445 = vector.broadcast %broadcast_in_dim3A_444 : vector<10x1xi32> to vector<10x1024xi32>
    %eq3A_446 = arith.cmpi eq, %iota3A, %eq3A_445 : vector<10x1024xi32>
    %jit3A_447 = arith.constant 0 : i32
    %broadcast_in_dim3A_448 = vector.broadcast %jit3A_447 : i32 to vector<10x1024xi32>
    %select_n3A_449 = arith.select %eq3A_446, %get3A_4, %broadcast_in_dim3A_448 : vector<10x1024xi1>, vector<10x1024xi32>
    %reduce_sum3A_450 = arith.constant dense<0> : vector<10xi32>
    %reduce_sum3A_451 = vector.multi_reduction <add>, %select_n3A_449, %reduce_sum3A_450 [1] : vector<10x1024xi32> to vector<10xi32>
    %broadcast_in_dim3A_452 = vector.shape_cast %reduce_sum3A_451 : vector<10xi32> to vector<10x1xi32>
    %eq3A_453 = arith.constant 14 : i32
    %eq3A_454 = vector.broadcast %eq3A_453 : i32 to vector<10x128xi32>
    %eq3A_455 = arith.cmpi eq, %iota3A_5, %eq3A_454 : vector<10x128xi32>
    %jit3A_456 = arith.constant 0 : i32
    %broadcast_in_dim3A_457 = vector.shape_cast %broadcast_in_dim3A_452 : vector<10x1xi32> to vector<10x1xi32>
    %broadcast_in_dim3A_458 = vector.broadcast %broadcast_in_dim3A_457 : vector<10x1xi32> to vector<10x128xi32>
    %broadcast_in_dim3A_459 = vector.broadcast %jit3A_456 : i32 to vector<10x128xi32>
    %select_n3A_460 = arith.select %eq3A_455, %broadcast_in_dim3A_458, %broadcast_in_dim3A_459 : vector<10x128xi1>, vector<10x128xi32>
    %add3A_461 = arith.addi %add3A_430, %select_n3A_460 : vector<10x128xi32>
    %jit3A_462 = arith.constant -1.000000e+30 : f32
    %broadcast_in_dim3A_463 = vector.broadcast %jit3A_462 : f32 to vector<10x1024xf32>
    %select_n3A_464 = arith.select %eq3A_446, %broadcast_in_dim3A_463, %select_n3A_433 : vector<10x1024xi1>, vector<10x1024xf32>
    %reduce_max3A_465 = arith.constant dense<0xFF800000> : vector<10xf32>
    %reduce_max3A_466 = vector.multi_reduction <maximumf>, %select_n3A_464, %reduce_max3A_465 [1] : vector<10x1024xf32> to vector<10xf32>
    %broadcast_in_dim3A_467 = vector.shape_cast %reduce_max3A_466 : vector<10xf32> to vector<10x1xf32>
    %eq3A_468 = vector.broadcast %broadcast_in_dim3A_467 : vector<10x1xf32> to vector<10x1024xf32>
    %eq3A_469 = arith.cmpf oeq, %select_n3A_464, %eq3A_468 : vector<10x1024xf32>
    %jit3A_470 = arith.constant 1073741824 : i32
    %broadcast_in_dim3A_471 = vector.broadcast %jit3A_470 : i32 to vector<10x1024xi32>
    %select_n3A_472 = arith.select %eq3A_469, %iota3A, %broadcast_in_dim3A_471 : vector<10x1024xi1>, vector<10x1024xi32>
    %reduce_min3A_473 = arith.constant dense<2147483647> : vector<10xi32>
    %reduce_min3A_474 = vector.multi_reduction <minsi>, %select_n3A_472, %reduce_min3A_473 [1] : vector<10x1024xi32> to vector<10xi32>
    %broadcast_in_dim3A_475 = vector.shape_cast %reduce_min3A_474 : vector<10xi32> to vector<10x1xi32>
    %eq3A_476 = vector.broadcast %broadcast_in_dim3A_475 : vector<10x1xi32> to vector<10x1024xi32>
    %eq3A_477 = arith.cmpi eq, %iota3A, %eq3A_476 : vector<10x1024xi32>
    %jit3A_478 = arith.constant 0 : i32
    %broadcast_in_dim3A_479 = vector.broadcast %jit3A_478 : i32 to vector<10x1024xi32>
    %select_n3A_480 = arith.select %eq3A_477, %get3A_4, %broadcast_in_dim3A_479 : vector<10x1024xi1>, vector<10x1024xi32>
    %reduce_sum3A_481 = arith.constant dense<0> : vector<10xi32>
    %reduce_sum3A_482 = vector.multi_reduction <add>, %select_n3A_480, %reduce_sum3A_481 [1] : vector<10x1024xi32> to vector<10xi32>
    %broadcast_in_dim3A_483 = vector.shape_cast %reduce_sum3A_482 : vector<10xi32> to vector<10x1xi32>
    %eq3A_484 = arith.constant 15 : i32
    %eq3A_485 = vector.broadcast %eq3A_484 : i32 to vector<10x128xi32>
    %eq3A_486 = arith.cmpi eq, %iota3A_5, %eq3A_485 : vector<10x128xi32>
    %jit3A_487 = arith.constant 0 : i32
    %broadcast_in_dim3A_488 = vector.shape_cast %broadcast_in_dim3A_483 : vector<10x1xi32> to vector<10x1xi32>
    %broadcast_in_dim3A_489 = vector.broadcast %broadcast_in_dim3A_488 : vector<10x1xi32> to vector<10x128xi32>
    %broadcast_in_dim3A_490 = vector.broadcast %jit3A_487 : i32 to vector<10x128xi32>
    %select_n3A_491 = arith.select %eq3A_486, %broadcast_in_dim3A_489, %broadcast_in_dim3A_490 : vector<10x128xi1>, vector<10x128xi32>
    %add3A_492 = arith.addi %add3A_461, %select_n3A_491 : vector<10x128xi32>
    %jit3A_493 = arith.constant -1.000000e+30 : f32
    %broadcast_in_dim3A_494 = vector.broadcast %jit3A_493 : f32 to vector<10x1024xf32>
    %select_n3A_495 = arith.select %eq3A_477, %broadcast_in_dim3A_494, %select_n3A_464 : vector<10x1024xi1>, vector<10x1024xf32>
    %reduce_max3A_496 = arith.constant dense<0xFF800000> : vector<10xf32>
    %reduce_max3A_497 = vector.multi_reduction <maximumf>, %select_n3A_495, %reduce_max3A_496 [1] : vector<10x1024xf32> to vector<10xf32>
    %broadcast_in_dim3A_498 = vector.shape_cast %reduce_max3A_497 : vector<10xf32> to vector<10x1xf32>
    %eq3A_499 = vector.broadcast %broadcast_in_dim3A_498 : vector<10x1xf32> to vector<10x1024xf32>
    %eq3A_500 = arith.cmpf oeq, %select_n3A_495, %eq3A_499 : vector<10x1024xf32>
    %jit3A_501 = arith.constant 1073741824 : i32
    %broadcast_in_dim3A_502 = vector.broadcast %jit3A_501 : i32 to vector<10x1024xi32>
    %select_n3A_503 = arith.select %eq3A_500, %iota3A, %broadcast_in_dim3A_502 : vector<10x1024xi1>, vector<10x1024xi32>
    %reduce_min3A_504 = arith.constant dense<2147483647> : vector<10xi32>
    %reduce_min3A_505 = vector.multi_reduction <minsi>, %select_n3A_503, %reduce_min3A_504 [1] : vector<10x1024xi32> to vector<10xi32>
    %broadcast_in_dim3A_506 = vector.shape_cast %reduce_min3A_505 : vector<10xi32> to vector<10x1xi32>
    %eq3A_507 = vector.broadcast %broadcast_in_dim3A_506 : vector<10x1xi32> to vector<10x1024xi32>
    %eq3A_508 = arith.cmpi eq, %iota3A, %eq3A_507 : vector<10x1024xi32>
    %jit3A_509 = arith.constant 0 : i32
    %broadcast_in_dim3A_510 = vector.broadcast %jit3A_509 : i32 to vector<10x1024xi32>
    %select_n3A_511 = arith.select %eq3A_508, %get3A_4, %broadcast_in_dim3A_510 : vector<10x1024xi1>, vector<10x1024xi32>
    %reduce_sum3A_512 = arith.constant dense<0> : vector<10xi32>
    %reduce_sum3A_513 = vector.multi_reduction <add>, %select_n3A_511, %reduce_sum3A_512 [1] : vector<10x1024xi32> to vector<10xi32>
    %broadcast_in_dim3A_514 = vector.shape_cast %reduce_sum3A_513 : vector<10xi32> to vector<10x1xi32>
    %eq3A_515 = arith.constant 16 : i32
    %eq3A_516 = vector.broadcast %eq3A_515 : i32 to vector<10x128xi32>
    %eq3A_517 = arith.cmpi eq, %iota3A_5, %eq3A_516 : vector<10x128xi32>
    %jit3A_518 = arith.constant 0 : i32
    %broadcast_in_dim3A_519 = vector.shape_cast %broadcast_in_dim3A_514 : vector<10x1xi32> to vector<10x1xi32>
    %broadcast_in_dim3A_520 = vector.broadcast %broadcast_in_dim3A_519 : vector<10x1xi32> to vector<10x128xi32>
    %broadcast_in_dim3A_521 = vector.broadcast %jit3A_518 : i32 to vector<10x128xi32>
    %select_n3A_522 = arith.select %eq3A_517, %broadcast_in_dim3A_520, %broadcast_in_dim3A_521 : vector<10x128xi1>, vector<10x128xi32>
    %add3A_523 = arith.addi %add3A_492, %select_n3A_522 : vector<10x128xi32>
    %jit3A_524 = arith.constant -1.000000e+30 : f32
    %broadcast_in_dim3A_525 = vector.broadcast %jit3A_524 : f32 to vector<10x1024xf32>
    %select_n3A_526 = arith.select %eq3A_508, %broadcast_in_dim3A_525, %select_n3A_495 : vector<10x1024xi1>, vector<10x1024xf32>
    %reduce_max3A_527 = arith.constant dense<0xFF800000> : vector<10xf32>
    %reduce_max3A_528 = vector.multi_reduction <maximumf>, %select_n3A_526, %reduce_max3A_527 [1] : vector<10x1024xf32> to vector<10xf32>
    %broadcast_in_dim3A_529 = vector.shape_cast %reduce_max3A_528 : vector<10xf32> to vector<10x1xf32>
    %eq3A_530 = vector.broadcast %broadcast_in_dim3A_529 : vector<10x1xf32> to vector<10x1024xf32>
    %eq3A_531 = arith.cmpf oeq, %select_n3A_526, %eq3A_530 : vector<10x1024xf32>
    %jit3A_532 = arith.constant 1073741824 : i32
    %broadcast_in_dim3A_533 = vector.broadcast %jit3A_532 : i32 to vector<10x1024xi32>
    %select_n3A_534 = arith.select %eq3A_531, %iota3A, %broadcast_in_dim3A_533 : vector<10x1024xi1>, vector<10x1024xi32>
    %reduce_min3A_535 = arith.constant dense<2147483647> : vector<10xi32>
    %reduce_min3A_536 = vector.multi_reduction <minsi>, %select_n3A_534, %reduce_min3A_535 [1] : vector<10x1024xi32> to vector<10xi32>
    %broadcast_in_dim3A_537 = vector.shape_cast %reduce_min3A_536 : vector<10xi32> to vector<10x1xi32>
    %eq3A_538 = vector.broadcast %broadcast_in_dim3A_537 : vector<10x1xi32> to vector<10x1024xi32>
    %eq3A_539 = arith.cmpi eq, %iota3A, %eq3A_538 : vector<10x1024xi32>
    %jit3A_540 = arith.constant 0 : i32
    %broadcast_in_dim3A_541 = vector.broadcast %jit3A_540 : i32 to vector<10x1024xi32>
    %select_n3A_542 = arith.select %eq3A_539, %get3A_4, %broadcast_in_dim3A_541 : vector<10x1024xi1>, vector<10x1024xi32>
    %reduce_sum3A_543 = arith.constant dense<0> : vector<10xi32>
    %reduce_sum3A_544 = vector.multi_reduction <add>, %select_n3A_542, %reduce_sum3A_543 [1] : vector<10x1024xi32> to vector<10xi32>
    %broadcast_in_dim3A_545 = vector.shape_cast %reduce_sum3A_544 : vector<10xi32> to vector<10x1xi32>
    %eq3A_546 = arith.constant 17 : i32
    %eq3A_547 = vector.broadcast %eq3A_546 : i32 to vector<10x128xi32>
    %eq3A_548 = arith.cmpi eq, %iota3A_5, %eq3A_547 : vector<10x128xi32>
    %jit3A_549 = arith.constant 0 : i32
    %broadcast_in_dim3A_550 = vector.shape_cast %broadcast_in_dim3A_545 : vector<10x1xi32> to vector<10x1xi32>
    %broadcast_in_dim3A_551 = vector.broadcast %broadcast_in_dim3A_550 : vector<10x1xi32> to vector<10x128xi32>
    %broadcast_in_dim3A_552 = vector.broadcast %jit3A_549 : i32 to vector<10x128xi32>
    %select_n3A_553 = arith.select %eq3A_548, %broadcast_in_dim3A_551, %broadcast_in_dim3A_552 : vector<10x128xi1>, vector<10x128xi32>
    %add3A_554 = arith.addi %add3A_523, %select_n3A_553 : vector<10x128xi32>
    %jit3A_555 = arith.constant -1.000000e+30 : f32
    %broadcast_in_dim3A_556 = vector.broadcast %jit3A_555 : f32 to vector<10x1024xf32>
    %select_n3A_557 = arith.select %eq3A_539, %broadcast_in_dim3A_556, %select_n3A_526 : vector<10x1024xi1>, vector<10x1024xf32>
    %reduce_max3A_558 = arith.constant dense<0xFF800000> : vector<10xf32>
    %reduce_max3A_559 = vector.multi_reduction <maximumf>, %select_n3A_557, %reduce_max3A_558 [1] : vector<10x1024xf32> to vector<10xf32>
    %broadcast_in_dim3A_560 = vector.shape_cast %reduce_max3A_559 : vector<10xf32> to vector<10x1xf32>
    %eq3A_561 = vector.broadcast %broadcast_in_dim3A_560 : vector<10x1xf32> to vector<10x1024xf32>
    %eq3A_562 = arith.cmpf oeq, %select_n3A_557, %eq3A_561 : vector<10x1024xf32>
    %jit3A_563 = arith.constant 1073741824 : i32
    %broadcast_in_dim3A_564 = vector.broadcast %jit3A_563 : i32 to vector<10x1024xi32>
    %select_n3A_565 = arith.select %eq3A_562, %iota3A, %broadcast_in_dim3A_564 : vector<10x1024xi1>, vector<10x1024xi32>
    %reduce_min3A_566 = arith.constant dense<2147483647> : vector<10xi32>
    %reduce_min3A_567 = vector.multi_reduction <minsi>, %select_n3A_565, %reduce_min3A_566 [1] : vector<10x1024xi32> to vector<10xi32>
    %broadcast_in_dim3A_568 = vector.shape_cast %reduce_min3A_567 : vector<10xi32> to vector<10x1xi32>
    %eq3A_569 = vector.broadcast %broadcast_in_dim3A_568 : vector<10x1xi32> to vector<10x1024xi32>
    %eq3A_570 = arith.cmpi eq, %iota3A, %eq3A_569 : vector<10x1024xi32>
    %jit3A_571 = arith.constant 0 : i32
    %broadcast_in_dim3A_572 = vector.broadcast %jit3A_571 : i32 to vector<10x1024xi32>
    %select_n3A_573 = arith.select %eq3A_570, %get3A_4, %broadcast_in_dim3A_572 : vector<10x1024xi1>, vector<10x1024xi32>
    %reduce_sum3A_574 = arith.constant dense<0> : vector<10xi32>
    %reduce_sum3A_575 = vector.multi_reduction <add>, %select_n3A_573, %reduce_sum3A_574 [1] : vector<10x1024xi32> to vector<10xi32>
    %broadcast_in_dim3A_576 = vector.shape_cast %reduce_sum3A_575 : vector<10xi32> to vector<10x1xi32>
    %eq3A_577 = arith.constant 18 : i32
    %eq3A_578 = vector.broadcast %eq3A_577 : i32 to vector<10x128xi32>
    %eq3A_579 = arith.cmpi eq, %iota3A_5, %eq3A_578 : vector<10x128xi32>
    %jit3A_580 = arith.constant 0 : i32
    %broadcast_in_dim3A_581 = vector.shape_cast %broadcast_in_dim3A_576 : vector<10x1xi32> to vector<10x1xi32>
    %broadcast_in_dim3A_582 = vector.broadcast %broadcast_in_dim3A_581 : vector<10x1xi32> to vector<10x128xi32>
    %broadcast_in_dim3A_583 = vector.broadcast %jit3A_580 : i32 to vector<10x128xi32>
    %select_n3A_584 = arith.select %eq3A_579, %broadcast_in_dim3A_582, %broadcast_in_dim3A_583 : vector<10x128xi1>, vector<10x128xi32>
    %add3A_585 = arith.addi %add3A_554, %select_n3A_584 : vector<10x128xi32>
    %jit3A_586 = arith.constant -1.000000e+30 : f32
    %broadcast_in_dim3A_587 = vector.broadcast %jit3A_586 : f32 to vector<10x1024xf32>
    %select_n3A_588 = arith.select %eq3A_570, %broadcast_in_dim3A_587, %select_n3A_557 : vector<10x1024xi1>, vector<10x1024xf32>
    %reduce_max3A_589 = arith.constant dense<0xFF800000> : vector<10xf32>
    %reduce_max3A_590 = vector.multi_reduction <maximumf>, %select_n3A_588, %reduce_max3A_589 [1] : vector<10x1024xf32> to vector<10xf32>
    %broadcast_in_dim3A_591 = vector.shape_cast %reduce_max3A_590 : vector<10xf32> to vector<10x1xf32>
    %eq3A_592 = vector.broadcast %broadcast_in_dim3A_591 : vector<10x1xf32> to vector<10x1024xf32>
    %eq3A_593 = arith.cmpf oeq, %select_n3A_588, %eq3A_592 : vector<10x1024xf32>
    %jit3A_594 = arith.constant 1073741824 : i32
    %broadcast_in_dim3A_595 = vector.broadcast %jit3A_594 : i32 to vector<10x1024xi32>
    %select_n3A_596 = arith.select %eq3A_593, %iota3A, %broadcast_in_dim3A_595 : vector<10x1024xi1>, vector<10x1024xi32>
    %reduce_min3A_597 = arith.constant dense<2147483647> : vector<10xi32>
    %reduce_min3A_598 = vector.multi_reduction <minsi>, %select_n3A_596, %reduce_min3A_597 [1] : vector<10x1024xi32> to vector<10xi32>
    %broadcast_in_dim3A_599 = vector.shape_cast %reduce_min3A_598 : vector<10xi32> to vector<10x1xi32>
    %eq3A_600 = vector.broadcast %broadcast_in_dim3A_599 : vector<10x1xi32> to vector<10x1024xi32>
    %eq3A_601 = arith.cmpi eq, %iota3A, %eq3A_600 : vector<10x1024xi32>
    %jit3A_602 = arith.constant 0 : i32
    %broadcast_in_dim3A_603 = vector.broadcast %jit3A_602 : i32 to vector<10x1024xi32>
    %select_n3A_604 = arith.select %eq3A_601, %get3A_4, %broadcast_in_dim3A_603 : vector<10x1024xi1>, vector<10x1024xi32>
    %reduce_sum3A_605 = arith.constant dense<0> : vector<10xi32>
    %reduce_sum3A_606 = vector.multi_reduction <add>, %select_n3A_604, %reduce_sum3A_605 [1] : vector<10x1024xi32> to vector<10xi32>
    %broadcast_in_dim3A_607 = vector.shape_cast %reduce_sum3A_606 : vector<10xi32> to vector<10x1xi32>
    %eq3A_608 = arith.constant 19 : i32
    %eq3A_609 = vector.broadcast %eq3A_608 : i32 to vector<10x128xi32>
    %eq3A_610 = arith.cmpi eq, %iota3A_5, %eq3A_609 : vector<10x128xi32>
    %jit3A_611 = arith.constant 0 : i32
    %broadcast_in_dim3A_612 = vector.shape_cast %broadcast_in_dim3A_607 : vector<10x1xi32> to vector<10x1xi32>
    %broadcast_in_dim3A_613 = vector.broadcast %broadcast_in_dim3A_612 : vector<10x1xi32> to vector<10x128xi32>
    %broadcast_in_dim3A_614 = vector.broadcast %jit3A_611 : i32 to vector<10x128xi32>
    %select_n3A_615 = arith.select %eq3A_610, %broadcast_in_dim3A_613, %broadcast_in_dim3A_614 : vector<10x128xi1>, vector<10x128xi32>
    %add3A_616 = arith.addi %add3A_585, %select_n3A_615 : vector<10x128xi32>
    %jit3A_617 = arith.constant -1.000000e+30 : f32
    %broadcast_in_dim3A_618 = vector.broadcast %jit3A_617 : f32 to vector<10x1024xf32>
    %select_n3A_619 = arith.select %eq3A_601, %broadcast_in_dim3A_618, %select_n3A_588 : vector<10x1024xi1>, vector<10x1024xf32>
    %reduce_max3A_620 = arith.constant dense<0xFF800000> : vector<10xf32>
    %reduce_max3A_621 = vector.multi_reduction <maximumf>, %select_n3A_619, %reduce_max3A_620 [1] : vector<10x1024xf32> to vector<10xf32>
    %broadcast_in_dim3A_622 = vector.shape_cast %reduce_max3A_621 : vector<10xf32> to vector<10x1xf32>
    %eq3A_623 = vector.broadcast %broadcast_in_dim3A_622 : vector<10x1xf32> to vector<10x1024xf32>
    %eq3A_624 = arith.cmpf oeq, %select_n3A_619, %eq3A_623 : vector<10x1024xf32>
    %jit3A_625 = arith.constant 1073741824 : i32
    %broadcast_in_dim3A_626 = vector.broadcast %jit3A_625 : i32 to vector<10x1024xi32>
    %select_n3A_627 = arith.select %eq3A_624, %iota3A, %broadcast_in_dim3A_626 : vector<10x1024xi1>, vector<10x1024xi32>
    %reduce_min3A_628 = arith.constant dense<2147483647> : vector<10xi32>
    %reduce_min3A_629 = vector.multi_reduction <minsi>, %select_n3A_627, %reduce_min3A_628 [1] : vector<10x1024xi32> to vector<10xi32>
    %broadcast_in_dim3A_630 = vector.shape_cast %reduce_min3A_629 : vector<10xi32> to vector<10x1xi32>
    %eq3A_631 = vector.broadcast %broadcast_in_dim3A_630 : vector<10x1xi32> to vector<10x1024xi32>
    %eq3A_632 = arith.cmpi eq, %iota3A, %eq3A_631 : vector<10x1024xi32>
    %jit3A_633 = arith.constant 0 : i32
    %broadcast_in_dim3A_634 = vector.broadcast %jit3A_633 : i32 to vector<10x1024xi32>
    %select_n3A_635 = arith.select %eq3A_632, %get3A_4, %broadcast_in_dim3A_634 : vector<10x1024xi1>, vector<10x1024xi32>
    %reduce_sum3A_636 = arith.constant dense<0> : vector<10xi32>
    %reduce_sum3A_637 = vector.multi_reduction <add>, %select_n3A_635, %reduce_sum3A_636 [1] : vector<10x1024xi32> to vector<10xi32>
    %broadcast_in_dim3A_638 = vector.shape_cast %reduce_sum3A_637 : vector<10xi32> to vector<10x1xi32>
    %eq3A_639 = arith.constant 20 : i32
    %eq3A_640 = vector.broadcast %eq3A_639 : i32 to vector<10x128xi32>
    %eq3A_641 = arith.cmpi eq, %iota3A_5, %eq3A_640 : vector<10x128xi32>
    %jit3A_642 = arith.constant 0 : i32
    %broadcast_in_dim3A_643 = vector.shape_cast %broadcast_in_dim3A_638 : vector<10x1xi32> to vector<10x1xi32>
    %broadcast_in_dim3A_644 = vector.broadcast %broadcast_in_dim3A_643 : vector<10x1xi32> to vector<10x128xi32>
    %broadcast_in_dim3A_645 = vector.broadcast %jit3A_642 : i32 to vector<10x128xi32>
    %select_n3A_646 = arith.select %eq3A_641, %broadcast_in_dim3A_644, %broadcast_in_dim3A_645 : vector<10x128xi1>, vector<10x128xi32>
    %add3A_647 = arith.addi %add3A_616, %select_n3A_646 : vector<10x128xi32>
    %jit3A_648 = arith.constant -1.000000e+30 : f32
    %broadcast_in_dim3A_649 = vector.broadcast %jit3A_648 : f32 to vector<10x1024xf32>
    %select_n3A_650 = arith.select %eq3A_632, %broadcast_in_dim3A_649, %select_n3A_619 : vector<10x1024xi1>, vector<10x1024xf32>
    %reduce_max3A_651 = arith.constant dense<0xFF800000> : vector<10xf32>
    %reduce_max3A_652 = vector.multi_reduction <maximumf>, %select_n3A_650, %reduce_max3A_651 [1] : vector<10x1024xf32> to vector<10xf32>
    %broadcast_in_dim3A_653 = vector.shape_cast %reduce_max3A_652 : vector<10xf32> to vector<10x1xf32>
    %eq3A_654 = vector.broadcast %broadcast_in_dim3A_653 : vector<10x1xf32> to vector<10x1024xf32>
    %eq3A_655 = arith.cmpf oeq, %select_n3A_650, %eq3A_654 : vector<10x1024xf32>
    %jit3A_656 = arith.constant 1073741824 : i32
    %broadcast_in_dim3A_657 = vector.broadcast %jit3A_656 : i32 to vector<10x1024xi32>
    %select_n3A_658 = arith.select %eq3A_655, %iota3A, %broadcast_in_dim3A_657 : vector<10x1024xi1>, vector<10x1024xi32>
    %reduce_min3A_659 = arith.constant dense<2147483647> : vector<10xi32>
    %reduce_min3A_660 = vector.multi_reduction <minsi>, %select_n3A_658, %reduce_min3A_659 [1] : vector<10x1024xi32> to vector<10xi32>
    %broadcast_in_dim3A_661 = vector.shape_cast %reduce_min3A_660 : vector<10xi32> to vector<10x1xi32>
    %eq3A_662 = vector.broadcast %broadcast_in_dim3A_661 : vector<10x1xi32> to vector<10x1024xi32>
    %eq3A_663 = arith.cmpi eq, %iota3A, %eq3A_662 : vector<10x1024xi32>
    %jit3A_664 = arith.constant 0 : i32
    %broadcast_in_dim3A_665 = vector.broadcast %jit3A_664 : i32 to vector<10x1024xi32>
    %select_n3A_666 = arith.select %eq3A_663, %get3A_4, %broadcast_in_dim3A_665 : vector<10x1024xi1>, vector<10x1024xi32>
    %reduce_sum3A_667 = arith.constant dense<0> : vector<10xi32>
    %reduce_sum3A_668 = vector.multi_reduction <add>, %select_n3A_666, %reduce_sum3A_667 [1] : vector<10x1024xi32> to vector<10xi32>
    %broadcast_in_dim3A_669 = vector.shape_cast %reduce_sum3A_668 : vector<10xi32> to vector<10x1xi32>
    %eq3A_670 = arith.constant 21 : i32
    %eq3A_671 = vector.broadcast %eq3A_670 : i32 to vector<10x128xi32>
    %eq3A_672 = arith.cmpi eq, %iota3A_5, %eq3A_671 : vector<10x128xi32>
    %jit3A_673 = arith.constant 0 : i32
    %broadcast_in_dim3A_674 = vector.shape_cast %broadcast_in_dim3A_669 : vector<10x1xi32> to vector<10x1xi32>
    %broadcast_in_dim3A_675 = vector.broadcast %broadcast_in_dim3A_674 : vector<10x1xi32> to vector<10x128xi32>
    %broadcast_in_dim3A_676 = vector.broadcast %jit3A_673 : i32 to vector<10x128xi32>
    %select_n3A_677 = arith.select %eq3A_672, %broadcast_in_dim3A_675, %broadcast_in_dim3A_676 : vector<10x128xi1>, vector<10x128xi32>
    %add3A_678 = arith.addi %add3A_647, %select_n3A_677 : vector<10x128xi32>
    %jit3A_679 = arith.constant -1.000000e+30 : f32
    %broadcast_in_dim3A_680 = vector.broadcast %jit3A_679 : f32 to vector<10x1024xf32>
    %select_n3A_681 = arith.select %eq3A_663, %broadcast_in_dim3A_680, %select_n3A_650 : vector<10x1024xi1>, vector<10x1024xf32>
    %reduce_max3A_682 = arith.constant dense<0xFF800000> : vector<10xf32>
    %reduce_max3A_683 = vector.multi_reduction <maximumf>, %select_n3A_681, %reduce_max3A_682 [1] : vector<10x1024xf32> to vector<10xf32>
    %broadcast_in_dim3A_684 = vector.shape_cast %reduce_max3A_683 : vector<10xf32> to vector<10x1xf32>
    %eq3A_685 = vector.broadcast %broadcast_in_dim3A_684 : vector<10x1xf32> to vector<10x1024xf32>
    %eq3A_686 = arith.cmpf oeq, %select_n3A_681, %eq3A_685 : vector<10x1024xf32>
    %jit3A_687 = arith.constant 1073741824 : i32
    %broadcast_in_dim3A_688 = vector.broadcast %jit3A_687 : i32 to vector<10x1024xi32>
    %select_n3A_689 = arith.select %eq3A_686, %iota3A, %broadcast_in_dim3A_688 : vector<10x1024xi1>, vector<10x1024xi32>
    %reduce_min3A_690 = arith.constant dense<2147483647> : vector<10xi32>
    %reduce_min3A_691 = vector.multi_reduction <minsi>, %select_n3A_689, %reduce_min3A_690 [1] : vector<10x1024xi32> to vector<10xi32>
    %broadcast_in_dim3A_692 = vector.shape_cast %reduce_min3A_691 : vector<10xi32> to vector<10x1xi32>
    %eq3A_693 = vector.broadcast %broadcast_in_dim3A_692 : vector<10x1xi32> to vector<10x1024xi32>
    %eq3A_694 = arith.cmpi eq, %iota3A, %eq3A_693 : vector<10x1024xi32>
    %jit3A_695 = arith.constant 0 : i32
    %broadcast_in_dim3A_696 = vector.broadcast %jit3A_695 : i32 to vector<10x1024xi32>
    %select_n3A_697 = arith.select %eq3A_694, %get3A_4, %broadcast_in_dim3A_696 : vector<10x1024xi1>, vector<10x1024xi32>
    %reduce_sum3A_698 = arith.constant dense<0> : vector<10xi32>
    %reduce_sum3A_699 = vector.multi_reduction <add>, %select_n3A_697, %reduce_sum3A_698 [1] : vector<10x1024xi32> to vector<10xi32>
    %broadcast_in_dim3A_700 = vector.shape_cast %reduce_sum3A_699 : vector<10xi32> to vector<10x1xi32>
    %eq3A_701 = arith.constant 22 : i32
    %eq3A_702 = vector.broadcast %eq3A_701 : i32 to vector<10x128xi32>
    %eq3A_703 = arith.cmpi eq, %iota3A_5, %eq3A_702 : vector<10x128xi32>
    %jit3A_704 = arith.constant 0 : i32
    %broadcast_in_dim3A_705 = vector.shape_cast %broadcast_in_dim3A_700 : vector<10x1xi32> to vector<10x1xi32>
    %broadcast_in_dim3A_706 = vector.broadcast %broadcast_in_dim3A_705 : vector<10x1xi32> to vector<10x128xi32>
    %broadcast_in_dim3A_707 = vector.broadcast %jit3A_704 : i32 to vector<10x128xi32>
    %select_n3A_708 = arith.select %eq3A_703, %broadcast_in_dim3A_706, %broadcast_in_dim3A_707 : vector<10x128xi1>, vector<10x128xi32>
    %add3A_709 = arith.addi %add3A_678, %select_n3A_708 : vector<10x128xi32>
    %jit3A_710 = arith.constant -1.000000e+30 : f32
    %broadcast_in_dim3A_711 = vector.broadcast %jit3A_710 : f32 to vector<10x1024xf32>
    %select_n3A_712 = arith.select %eq3A_694, %broadcast_in_dim3A_711, %select_n3A_681 : vector<10x1024xi1>, vector<10x1024xf32>
    %reduce_max3A_713 = arith.constant dense<0xFF800000> : vector<10xf32>
    %reduce_max3A_714 = vector.multi_reduction <maximumf>, %select_n3A_712, %reduce_max3A_713 [1] : vector<10x1024xf32> to vector<10xf32>
    %broadcast_in_dim3A_715 = vector.shape_cast %reduce_max3A_714 : vector<10xf32> to vector<10x1xf32>
    %eq3A_716 = vector.broadcast %broadcast_in_dim3A_715 : vector<10x1xf32> to vector<10x1024xf32>
    %eq3A_717 = arith.cmpf oeq, %select_n3A_712, %eq3A_716 : vector<10x1024xf32>
    %jit3A_718 = arith.constant 1073741824 : i32
    %broadcast_in_dim3A_719 = vector.broadcast %jit3A_718 : i32 to vector<10x1024xi32>
    %select_n3A_720 = arith.select %eq3A_717, %iota3A, %broadcast_in_dim3A_719 : vector<10x1024xi1>, vector<10x1024xi32>
    %reduce_min3A_721 = arith.constant dense<2147483647> : vector<10xi32>
    %reduce_min3A_722 = vector.multi_reduction <minsi>, %select_n3A_720, %reduce_min3A_721 [1] : vector<10x1024xi32> to vector<10xi32>
    %broadcast_in_dim3A_723 = vector.shape_cast %reduce_min3A_722 : vector<10xi32> to vector<10x1xi32>
    %eq3A_724 = vector.broadcast %broadcast_in_dim3A_723 : vector<10x1xi32> to vector<10x1024xi32>
    %eq3A_725 = arith.cmpi eq, %iota3A, %eq3A_724 : vector<10x1024xi32>
    %jit3A_726 = arith.constant 0 : i32
    %broadcast_in_dim3A_727 = vector.broadcast %jit3A_726 : i32 to vector<10x1024xi32>
    %select_n3A_728 = arith.select %eq3A_725, %get3A_4, %broadcast_in_dim3A_727 : vector<10x1024xi1>, vector<10x1024xi32>
    %reduce_sum3A_729 = arith.constant dense<0> : vector<10xi32>
    %reduce_sum3A_730 = vector.multi_reduction <add>, %select_n3A_728, %reduce_sum3A_729 [1] : vector<10x1024xi32> to vector<10xi32>
    %broadcast_in_dim3A_731 = vector.shape_cast %reduce_sum3A_730 : vector<10xi32> to vector<10x1xi32>
    %eq3A_732 = arith.constant 23 : i32
    %eq3A_733 = vector.broadcast %eq3A_732 : i32 to vector<10x128xi32>
    %eq3A_734 = arith.cmpi eq, %iota3A_5, %eq3A_733 : vector<10x128xi32>
    %jit3A_735 = arith.constant 0 : i32
    %broadcast_in_dim3A_736 = vector.shape_cast %broadcast_in_dim3A_731 : vector<10x1xi32> to vector<10x1xi32>
    %broadcast_in_dim3A_737 = vector.broadcast %broadcast_in_dim3A_736 : vector<10x1xi32> to vector<10x128xi32>
    %broadcast_in_dim3A_738 = vector.broadcast %jit3A_735 : i32 to vector<10x128xi32>
    %select_n3A_739 = arith.select %eq3A_734, %broadcast_in_dim3A_737, %broadcast_in_dim3A_738 : vector<10x128xi1>, vector<10x128xi32>
    %add3A_740 = arith.addi %add3A_709, %select_n3A_739 : vector<10x128xi32>
    %jit3A_741 = arith.constant -1.000000e+30 : f32
    %broadcast_in_dim3A_742 = vector.broadcast %jit3A_741 : f32 to vector<10x1024xf32>
    %select_n3A_743 = arith.select %eq3A_725, %broadcast_in_dim3A_742, %select_n3A_712 : vector<10x1024xi1>, vector<10x1024xf32>
    %reduce_max3A_744 = arith.constant dense<0xFF800000> : vector<10xf32>
    %reduce_max3A_745 = vector.multi_reduction <maximumf>, %select_n3A_743, %reduce_max3A_744 [1] : vector<10x1024xf32> to vector<10xf32>
    %broadcast_in_dim3A_746 = vector.shape_cast %reduce_max3A_745 : vector<10xf32> to vector<10x1xf32>
    %eq3A_747 = vector.broadcast %broadcast_in_dim3A_746 : vector<10x1xf32> to vector<10x1024xf32>
    %eq3A_748 = arith.cmpf oeq, %select_n3A_743, %eq3A_747 : vector<10x1024xf32>
    %jit3A_749 = arith.constant 1073741824 : i32
    %broadcast_in_dim3A_750 = vector.broadcast %jit3A_749 : i32 to vector<10x1024xi32>
    %select_n3A_751 = arith.select %eq3A_748, %iota3A, %broadcast_in_dim3A_750 : vector<10x1024xi1>, vector<10x1024xi32>
    %reduce_min3A_752 = arith.constant dense<2147483647> : vector<10xi32>
    %reduce_min3A_753 = vector.multi_reduction <minsi>, %select_n3A_751, %reduce_min3A_752 [1] : vector<10x1024xi32> to vector<10xi32>
    %broadcast_in_dim3A_754 = vector.shape_cast %reduce_min3A_753 : vector<10xi32> to vector<10x1xi32>
    %eq3A_755 = vector.broadcast %broadcast_in_dim3A_754 : vector<10x1xi32> to vector<10x1024xi32>
    %eq3A_756 = arith.cmpi eq, %iota3A, %eq3A_755 : vector<10x1024xi32>
    %jit3A_757 = arith.constant 0 : i32
    %broadcast_in_dim3A_758 = vector.broadcast %jit3A_757 : i32 to vector<10x1024xi32>
    %select_n3A_759 = arith.select %eq3A_756, %get3A_4, %broadcast_in_dim3A_758 : vector<10x1024xi1>, vector<10x1024xi32>
    %reduce_sum3A_760 = arith.constant dense<0> : vector<10xi32>
    %reduce_sum3A_761 = vector.multi_reduction <add>, %select_n3A_759, %reduce_sum3A_760 [1] : vector<10x1024xi32> to vector<10xi32>
    %broadcast_in_dim3A_762 = vector.shape_cast %reduce_sum3A_761 : vector<10xi32> to vector<10x1xi32>
    %eq3A_763 = arith.constant 24 : i32
    %eq3A_764 = vector.broadcast %eq3A_763 : i32 to vector<10x128xi32>
    %eq3A_765 = arith.cmpi eq, %iota3A_5, %eq3A_764 : vector<10x128xi32>
    %jit3A_766 = arith.constant 0 : i32
    %broadcast_in_dim3A_767 = vector.shape_cast %broadcast_in_dim3A_762 : vector<10x1xi32> to vector<10x1xi32>
    %broadcast_in_dim3A_768 = vector.broadcast %broadcast_in_dim3A_767 : vector<10x1xi32> to vector<10x128xi32>
    %broadcast_in_dim3A_769 = vector.broadcast %jit3A_766 : i32 to vector<10x128xi32>
    %select_n3A_770 = arith.select %eq3A_765, %broadcast_in_dim3A_768, %broadcast_in_dim3A_769 : vector<10x128xi1>, vector<10x128xi32>
    %add3A_771 = arith.addi %add3A_740, %select_n3A_770 : vector<10x128xi32>
    %jit3A_772 = arith.constant -1.000000e+30 : f32
    %broadcast_in_dim3A_773 = vector.broadcast %jit3A_772 : f32 to vector<10x1024xf32>
    %select_n3A_774 = arith.select %eq3A_756, %broadcast_in_dim3A_773, %select_n3A_743 : vector<10x1024xi1>, vector<10x1024xf32>
    %reduce_max3A_775 = arith.constant dense<0xFF800000> : vector<10xf32>
    %reduce_max3A_776 = vector.multi_reduction <maximumf>, %select_n3A_774, %reduce_max3A_775 [1] : vector<10x1024xf32> to vector<10xf32>
    %broadcast_in_dim3A_777 = vector.shape_cast %reduce_max3A_776 : vector<10xf32> to vector<10x1xf32>
    %eq3A_778 = vector.broadcast %broadcast_in_dim3A_777 : vector<10x1xf32> to vector<10x1024xf32>
    %eq3A_779 = arith.cmpf oeq, %select_n3A_774, %eq3A_778 : vector<10x1024xf32>
    %jit3A_780 = arith.constant 1073741824 : i32
    %broadcast_in_dim3A_781 = vector.broadcast %jit3A_780 : i32 to vector<10x1024xi32>
    %select_n3A_782 = arith.select %eq3A_779, %iota3A, %broadcast_in_dim3A_781 : vector<10x1024xi1>, vector<10x1024xi32>
    %reduce_min3A_783 = arith.constant dense<2147483647> : vector<10xi32>
    %reduce_min3A_784 = vector.multi_reduction <minsi>, %select_n3A_782, %reduce_min3A_783 [1] : vector<10x1024xi32> to vector<10xi32>
    %broadcast_in_dim3A_785 = vector.shape_cast %reduce_min3A_784 : vector<10xi32> to vector<10x1xi32>
    %eq3A_786 = vector.broadcast %broadcast_in_dim3A_785 : vector<10x1xi32> to vector<10x1024xi32>
    %eq3A_787 = arith.cmpi eq, %iota3A, %eq3A_786 : vector<10x1024xi32>
    %jit3A_788 = arith.constant 0 : i32
    %broadcast_in_dim3A_789 = vector.broadcast %jit3A_788 : i32 to vector<10x1024xi32>
    %select_n3A_790 = arith.select %eq3A_787, %get3A_4, %broadcast_in_dim3A_789 : vector<10x1024xi1>, vector<10x1024xi32>
    %reduce_sum3A_791 = arith.constant dense<0> : vector<10xi32>
    %reduce_sum3A_792 = vector.multi_reduction <add>, %select_n3A_790, %reduce_sum3A_791 [1] : vector<10x1024xi32> to vector<10xi32>
    %broadcast_in_dim3A_793 = vector.shape_cast %reduce_sum3A_792 : vector<10xi32> to vector<10x1xi32>
    %eq3A_794 = arith.constant 25 : i32
    %eq3A_795 = vector.broadcast %eq3A_794 : i32 to vector<10x128xi32>
    %eq3A_796 = arith.cmpi eq, %iota3A_5, %eq3A_795 : vector<10x128xi32>
    %jit3A_797 = arith.constant 0 : i32
    %broadcast_in_dim3A_798 = vector.shape_cast %broadcast_in_dim3A_793 : vector<10x1xi32> to vector<10x1xi32>
    %broadcast_in_dim3A_799 = vector.broadcast %broadcast_in_dim3A_798 : vector<10x1xi32> to vector<10x128xi32>
    %broadcast_in_dim3A_800 = vector.broadcast %jit3A_797 : i32 to vector<10x128xi32>
    %select_n3A_801 = arith.select %eq3A_796, %broadcast_in_dim3A_799, %broadcast_in_dim3A_800 : vector<10x128xi1>, vector<10x128xi32>
    %add3A_802 = arith.addi %add3A_771, %select_n3A_801 : vector<10x128xi32>
    %jit3A_803 = arith.constant -1.000000e+30 : f32
    %broadcast_in_dim3A_804 = vector.broadcast %jit3A_803 : f32 to vector<10x1024xf32>
    %select_n3A_805 = arith.select %eq3A_787, %broadcast_in_dim3A_804, %select_n3A_774 : vector<10x1024xi1>, vector<10x1024xf32>
    %reduce_max3A_806 = arith.constant dense<0xFF800000> : vector<10xf32>
    %reduce_max3A_807 = vector.multi_reduction <maximumf>, %select_n3A_805, %reduce_max3A_806 [1] : vector<10x1024xf32> to vector<10xf32>
    %broadcast_in_dim3A_808 = vector.shape_cast %reduce_max3A_807 : vector<10xf32> to vector<10x1xf32>
    %eq3A_809 = vector.broadcast %broadcast_in_dim3A_808 : vector<10x1xf32> to vector<10x1024xf32>
    %eq3A_810 = arith.cmpf oeq, %select_n3A_805, %eq3A_809 : vector<10x1024xf32>
    %jit3A_811 = arith.constant 1073741824 : i32
    %broadcast_in_dim3A_812 = vector.broadcast %jit3A_811 : i32 to vector<10x1024xi32>
    %select_n3A_813 = arith.select %eq3A_810, %iota3A, %broadcast_in_dim3A_812 : vector<10x1024xi1>, vector<10x1024xi32>
    %reduce_min3A_814 = arith.constant dense<2147483647> : vector<10xi32>
    %reduce_min3A_815 = vector.multi_reduction <minsi>, %select_n3A_813, %reduce_min3A_814 [1] : vector<10x1024xi32> to vector<10xi32>
    %broadcast_in_dim3A_816 = vector.shape_cast %reduce_min3A_815 : vector<10xi32> to vector<10x1xi32>
    %eq3A_817 = vector.broadcast %broadcast_in_dim3A_816 : vector<10x1xi32> to vector<10x1024xi32>
    %eq3A_818 = arith.cmpi eq, %iota3A, %eq3A_817 : vector<10x1024xi32>
    %jit3A_819 = arith.constant 0 : i32
    %broadcast_in_dim3A_820 = vector.broadcast %jit3A_819 : i32 to vector<10x1024xi32>
    %select_n3A_821 = arith.select %eq3A_818, %get3A_4, %broadcast_in_dim3A_820 : vector<10x1024xi1>, vector<10x1024xi32>
    %reduce_sum3A_822 = arith.constant dense<0> : vector<10xi32>
    %reduce_sum3A_823 = vector.multi_reduction <add>, %select_n3A_821, %reduce_sum3A_822 [1] : vector<10x1024xi32> to vector<10xi32>
    %broadcast_in_dim3A_824 = vector.shape_cast %reduce_sum3A_823 : vector<10xi32> to vector<10x1xi32>
    %eq3A_825 = arith.constant 26 : i32
    %eq3A_826 = vector.broadcast %eq3A_825 : i32 to vector<10x128xi32>
    %eq3A_827 = arith.cmpi eq, %iota3A_5, %eq3A_826 : vector<10x128xi32>
    %jit3A_828 = arith.constant 0 : i32
    %broadcast_in_dim3A_829 = vector.shape_cast %broadcast_in_dim3A_824 : vector<10x1xi32> to vector<10x1xi32>
    %broadcast_in_dim3A_830 = vector.broadcast %broadcast_in_dim3A_829 : vector<10x1xi32> to vector<10x128xi32>
    %broadcast_in_dim3A_831 = vector.broadcast %jit3A_828 : i32 to vector<10x128xi32>
    %select_n3A_832 = arith.select %eq3A_827, %broadcast_in_dim3A_830, %broadcast_in_dim3A_831 : vector<10x128xi1>, vector<10x128xi32>
    %add3A_833 = arith.addi %add3A_802, %select_n3A_832 : vector<10x128xi32>
    %jit3A_834 = arith.constant -1.000000e+30 : f32
    %broadcast_in_dim3A_835 = vector.broadcast %jit3A_834 : f32 to vector<10x1024xf32>
    %select_n3A_836 = arith.select %eq3A_818, %broadcast_in_dim3A_835, %select_n3A_805 : vector<10x1024xi1>, vector<10x1024xf32>
    %reduce_max3A_837 = arith.constant dense<0xFF800000> : vector<10xf32>
    %reduce_max3A_838 = vector.multi_reduction <maximumf>, %select_n3A_836, %reduce_max3A_837 [1] : vector<10x1024xf32> to vector<10xf32>
    %broadcast_in_dim3A_839 = vector.shape_cast %reduce_max3A_838 : vector<10xf32> to vector<10x1xf32>
    %eq3A_840 = vector.broadcast %broadcast_in_dim3A_839 : vector<10x1xf32> to vector<10x1024xf32>
    %eq3A_841 = arith.cmpf oeq, %select_n3A_836, %eq3A_840 : vector<10x1024xf32>
    %jit3A_842 = arith.constant 1073741824 : i32
    %broadcast_in_dim3A_843 = vector.broadcast %jit3A_842 : i32 to vector<10x1024xi32>
    %select_n3A_844 = arith.select %eq3A_841, %iota3A, %broadcast_in_dim3A_843 : vector<10x1024xi1>, vector<10x1024xi32>
    %reduce_min3A_845 = arith.constant dense<2147483647> : vector<10xi32>
    %reduce_min3A_846 = vector.multi_reduction <minsi>, %select_n3A_844, %reduce_min3A_845 [1] : vector<10x1024xi32> to vector<10xi32>
    %broadcast_in_dim3A_847 = vector.shape_cast %reduce_min3A_846 : vector<10xi32> to vector<10x1xi32>
    %eq3A_848 = vector.broadcast %broadcast_in_dim3A_847 : vector<10x1xi32> to vector<10x1024xi32>
    %eq3A_849 = arith.cmpi eq, %iota3A, %eq3A_848 : vector<10x1024xi32>
    %jit3A_850 = arith.constant 0 : i32
    %broadcast_in_dim3A_851 = vector.broadcast %jit3A_850 : i32 to vector<10x1024xi32>
    %select_n3A_852 = arith.select %eq3A_849, %get3A_4, %broadcast_in_dim3A_851 : vector<10x1024xi1>, vector<10x1024xi32>
    %reduce_sum3A_853 = arith.constant dense<0> : vector<10xi32>
    %reduce_sum3A_854 = vector.multi_reduction <add>, %select_n3A_852, %reduce_sum3A_853 [1] : vector<10x1024xi32> to vector<10xi32>
    %broadcast_in_dim3A_855 = vector.shape_cast %reduce_sum3A_854 : vector<10xi32> to vector<10x1xi32>
    %eq3A_856 = arith.constant 27 : i32
    %eq3A_857 = vector.broadcast %eq3A_856 : i32 to vector<10x128xi32>
    %eq3A_858 = arith.cmpi eq, %iota3A_5, %eq3A_857 : vector<10x128xi32>
    %jit3A_859 = arith.constant 0 : i32
    %broadcast_in_dim3A_860 = vector.shape_cast %broadcast_in_dim3A_855 : vector<10x1xi32> to vector<10x1xi32>
    %broadcast_in_dim3A_861 = vector.broadcast %broadcast_in_dim3A_860 : vector<10x1xi32> to vector<10x128xi32>
    %broadcast_in_dim3A_862 = vector.broadcast %jit3A_859 : i32 to vector<10x128xi32>
    %select_n3A_863 = arith.select %eq3A_858, %broadcast_in_dim3A_861, %broadcast_in_dim3A_862 : vector<10x128xi1>, vector<10x128xi32>
    %add3A_864 = arith.addi %add3A_833, %select_n3A_863 : vector<10x128xi32>
    %jit3A_865 = arith.constant -1.000000e+30 : f32
    %broadcast_in_dim3A_866 = vector.broadcast %jit3A_865 : f32 to vector<10x1024xf32>
    %select_n3A_867 = arith.select %eq3A_849, %broadcast_in_dim3A_866, %select_n3A_836 : vector<10x1024xi1>, vector<10x1024xf32>
    %reduce_max3A_868 = arith.constant dense<0xFF800000> : vector<10xf32>
    %reduce_max3A_869 = vector.multi_reduction <maximumf>, %select_n3A_867, %reduce_max3A_868 [1] : vector<10x1024xf32> to vector<10xf32>
    %broadcast_in_dim3A_870 = vector.shape_cast %reduce_max3A_869 : vector<10xf32> to vector<10x1xf32>
    %eq3A_871 = vector.broadcast %broadcast_in_dim3A_870 : vector<10x1xf32> to vector<10x1024xf32>
    %eq3A_872 = arith.cmpf oeq, %select_n3A_867, %eq3A_871 : vector<10x1024xf32>
    %jit3A_873 = arith.constant 1073741824 : i32
    %broadcast_in_dim3A_874 = vector.broadcast %jit3A_873 : i32 to vector<10x1024xi32>
    %select_n3A_875 = arith.select %eq3A_872, %iota3A, %broadcast_in_dim3A_874 : vector<10x1024xi1>, vector<10x1024xi32>
    %reduce_min3A_876 = arith.constant dense<2147483647> : vector<10xi32>
    %reduce_min3A_877 = vector.multi_reduction <minsi>, %select_n3A_875, %reduce_min3A_876 [1] : vector<10x1024xi32> to vector<10xi32>
    %broadcast_in_dim3A_878 = vector.shape_cast %reduce_min3A_877 : vector<10xi32> to vector<10x1xi32>
    %eq3A_879 = vector.broadcast %broadcast_in_dim3A_878 : vector<10x1xi32> to vector<10x1024xi32>
    %eq3A_880 = arith.cmpi eq, %iota3A, %eq3A_879 : vector<10x1024xi32>
    %jit3A_881 = arith.constant 0 : i32
    %broadcast_in_dim3A_882 = vector.broadcast %jit3A_881 : i32 to vector<10x1024xi32>
    %select_n3A_883 = arith.select %eq3A_880, %get3A_4, %broadcast_in_dim3A_882 : vector<10x1024xi1>, vector<10x1024xi32>
    %reduce_sum3A_884 = arith.constant dense<0> : vector<10xi32>
    %reduce_sum3A_885 = vector.multi_reduction <add>, %select_n3A_883, %reduce_sum3A_884 [1] : vector<10x1024xi32> to vector<10xi32>
    %broadcast_in_dim3A_886 = vector.shape_cast %reduce_sum3A_885 : vector<10xi32> to vector<10x1xi32>
    %eq3A_887 = arith.constant 28 : i32
    %eq3A_888 = vector.broadcast %eq3A_887 : i32 to vector<10x128xi32>
    %eq3A_889 = arith.cmpi eq, %iota3A_5, %eq3A_888 : vector<10x128xi32>
    %jit3A_890 = arith.constant 0 : i32
    %broadcast_in_dim3A_891 = vector.shape_cast %broadcast_in_dim3A_886 : vector<10x1xi32> to vector<10x1xi32>
    %broadcast_in_dim3A_892 = vector.broadcast %broadcast_in_dim3A_891 : vector<10x1xi32> to vector<10x128xi32>
    %broadcast_in_dim3A_893 = vector.broadcast %jit3A_890 : i32 to vector<10x128xi32>
    %select_n3A_894 = arith.select %eq3A_889, %broadcast_in_dim3A_892, %broadcast_in_dim3A_893 : vector<10x128xi1>, vector<10x128xi32>
    %add3A_895 = arith.addi %add3A_864, %select_n3A_894 : vector<10x128xi32>
    %jit3A_896 = arith.constant -1.000000e+30 : f32
    %broadcast_in_dim3A_897 = vector.broadcast %jit3A_896 : f32 to vector<10x1024xf32>
    %select_n3A_898 = arith.select %eq3A_880, %broadcast_in_dim3A_897, %select_n3A_867 : vector<10x1024xi1>, vector<10x1024xf32>
    %reduce_max3A_899 = arith.constant dense<0xFF800000> : vector<10xf32>
    %reduce_max3A_900 = vector.multi_reduction <maximumf>, %select_n3A_898, %reduce_max3A_899 [1] : vector<10x1024xf32> to vector<10xf32>
    %broadcast_in_dim3A_901 = vector.shape_cast %reduce_max3A_900 : vector<10xf32> to vector<10x1xf32>
    %eq3A_902 = vector.broadcast %broadcast_in_dim3A_901 : vector<10x1xf32> to vector<10x1024xf32>
    %eq3A_903 = arith.cmpf oeq, %select_n3A_898, %eq3A_902 : vector<10x1024xf32>
    %jit3A_904 = arith.constant 1073741824 : i32
    %broadcast_in_dim3A_905 = vector.broadcast %jit3A_904 : i32 to vector<10x1024xi32>
    %select_n3A_906 = arith.select %eq3A_903, %iota3A, %broadcast_in_dim3A_905 : vector<10x1024xi1>, vector<10x1024xi32>
    %reduce_min3A_907 = arith.constant dense<2147483647> : vector<10xi32>
    %reduce_min3A_908 = vector.multi_reduction <minsi>, %select_n3A_906, %reduce_min3A_907 [1] : vector<10x1024xi32> to vector<10xi32>
    %broadcast_in_dim3A_909 = vector.shape_cast %reduce_min3A_908 : vector<10xi32> to vector<10x1xi32>
    %eq3A_910 = vector.broadcast %broadcast_in_dim3A_909 : vector<10x1xi32> to vector<10x1024xi32>
    %eq3A_911 = arith.cmpi eq, %iota3A, %eq3A_910 : vector<10x1024xi32>
    %jit3A_912 = arith.constant 0 : i32
    %broadcast_in_dim3A_913 = vector.broadcast %jit3A_912 : i32 to vector<10x1024xi32>
    %select_n3A_914 = arith.select %eq3A_911, %get3A_4, %broadcast_in_dim3A_913 : vector<10x1024xi1>, vector<10x1024xi32>
    %reduce_sum3A_915 = arith.constant dense<0> : vector<10xi32>
    %reduce_sum3A_916 = vector.multi_reduction <add>, %select_n3A_914, %reduce_sum3A_915 [1] : vector<10x1024xi32> to vector<10xi32>
    %broadcast_in_dim3A_917 = vector.shape_cast %reduce_sum3A_916 : vector<10xi32> to vector<10x1xi32>
    %eq3A_918 = arith.constant 29 : i32
    %eq3A_919 = vector.broadcast %eq3A_918 : i32 to vector<10x128xi32>
    %eq3A_920 = arith.cmpi eq, %iota3A_5, %eq3A_919 : vector<10x128xi32>
    %jit3A_921 = arith.constant 0 : i32
    %broadcast_in_dim3A_922 = vector.shape_cast %broadcast_in_dim3A_917 : vector<10x1xi32> to vector<10x1xi32>
    %broadcast_in_dim3A_923 = vector.broadcast %broadcast_in_dim3A_922 : vector<10x1xi32> to vector<10x128xi32>
    %broadcast_in_dim3A_924 = vector.broadcast %jit3A_921 : i32 to vector<10x128xi32>
    %select_n3A_925 = arith.select %eq3A_920, %broadcast_in_dim3A_923, %broadcast_in_dim3A_924 : vector<10x128xi1>, vector<10x128xi32>
    %add3A_926 = arith.addi %add3A_895, %select_n3A_925 : vector<10x128xi32>
    %jit3A_927 = arith.constant -1.000000e+30 : f32
    %broadcast_in_dim3A_928 = vector.broadcast %jit3A_927 : f32 to vector<10x1024xf32>
    %select_n3A_929 = arith.select %eq3A_911, %broadcast_in_dim3A_928, %select_n3A_898 : vector<10x1024xi1>, vector<10x1024xf32>
    %reduce_max3A_930 = arith.constant dense<0xFF800000> : vector<10xf32>
    %reduce_max3A_931 = vector.multi_reduction <maximumf>, %select_n3A_929, %reduce_max3A_930 [1] : vector<10x1024xf32> to vector<10xf32>
    %broadcast_in_dim3A_932 = vector.shape_cast %reduce_max3A_931 : vector<10xf32> to vector<10x1xf32>
    %eq3A_933 = vector.broadcast %broadcast_in_dim3A_932 : vector<10x1xf32> to vector<10x1024xf32>
    %eq3A_934 = arith.cmpf oeq, %select_n3A_929, %eq3A_933 : vector<10x1024xf32>
    %jit3A_935 = arith.constant 1073741824 : i32
    %broadcast_in_dim3A_936 = vector.broadcast %jit3A_935 : i32 to vector<10x1024xi32>
    %select_n3A_937 = arith.select %eq3A_934, %iota3A, %broadcast_in_dim3A_936 : vector<10x1024xi1>, vector<10x1024xi32>
    %reduce_min3A_938 = arith.constant dense<2147483647> : vector<10xi32>
    %reduce_min3A_939 = vector.multi_reduction <minsi>, %select_n3A_937, %reduce_min3A_938 [1] : vector<10x1024xi32> to vector<10xi32>
    %broadcast_in_dim3A_940 = vector.shape_cast %reduce_min3A_939 : vector<10xi32> to vector<10x1xi32>
    %eq3A_941 = vector.broadcast %broadcast_in_dim3A_940 : vector<10x1xi32> to vector<10x1024xi32>
    %eq3A_942 = arith.cmpi eq, %iota3A, %eq3A_941 : vector<10x1024xi32>
    %jit3A_943 = arith.constant 0 : i32
    %broadcast_in_dim3A_944 = vector.broadcast %jit3A_943 : i32 to vector<10x1024xi32>
    %select_n3A_945 = arith.select %eq3A_942, %get3A_4, %broadcast_in_dim3A_944 : vector<10x1024xi1>, vector<10x1024xi32>
    %reduce_sum3A_946 = arith.constant dense<0> : vector<10xi32>
    %reduce_sum3A_947 = vector.multi_reduction <add>, %select_n3A_945, %reduce_sum3A_946 [1] : vector<10x1024xi32> to vector<10xi32>
    %broadcast_in_dim3A_948 = vector.shape_cast %reduce_sum3A_947 : vector<10xi32> to vector<10x1xi32>
    %eq3A_949 = arith.constant 30 : i32
    %eq3A_950 = vector.broadcast %eq3A_949 : i32 to vector<10x128xi32>
    %eq3A_951 = arith.cmpi eq, %iota3A_5, %eq3A_950 : vector<10x128xi32>
    %jit3A_952 = arith.constant 0 : i32
    %broadcast_in_dim3A_953 = vector.shape_cast %broadcast_in_dim3A_948 : vector<10x1xi32> to vector<10x1xi32>
    %broadcast_in_dim3A_954 = vector.broadcast %broadcast_in_dim3A_953 : vector<10x1xi32> to vector<10x128xi32>
    %broadcast_in_dim3A_955 = vector.broadcast %jit3A_952 : i32 to vector<10x128xi32>
    %select_n3A_956 = arith.select %eq3A_951, %broadcast_in_dim3A_954, %broadcast_in_dim3A_955 : vector<10x128xi1>, vector<10x128xi32>
    %add3A_957 = arith.addi %add3A_926, %select_n3A_956 : vector<10x128xi32>
    %jit3A_958 = arith.constant -1.000000e+30 : f32
    %broadcast_in_dim3A_959 = vector.broadcast %jit3A_958 : f32 to vector<10x1024xf32>
    %select_n3A_960 = arith.select %eq3A_942, %broadcast_in_dim3A_959, %select_n3A_929 : vector<10x1024xi1>, vector<10x1024xf32>
    %reduce_max3A_961 = arith.constant dense<0xFF800000> : vector<10xf32>
    %reduce_max3A_962 = vector.multi_reduction <maximumf>, %select_n3A_960, %reduce_max3A_961 [1] : vector<10x1024xf32> to vector<10xf32>
    %broadcast_in_dim3A_963 = vector.shape_cast %reduce_max3A_962 : vector<10xf32> to vector<10x1xf32>
    %eq3A_964 = vector.broadcast %broadcast_in_dim3A_963 : vector<10x1xf32> to vector<10x1024xf32>
    %eq3A_965 = arith.cmpf oeq, %select_n3A_960, %eq3A_964 : vector<10x1024xf32>
    %jit3A_966 = arith.constant 1073741824 : i32
    %broadcast_in_dim3A_967 = vector.broadcast %jit3A_966 : i32 to vector<10x1024xi32>
    %select_n3A_968 = arith.select %eq3A_965, %iota3A, %broadcast_in_dim3A_967 : vector<10x1024xi1>, vector<10x1024xi32>
    %reduce_min3A_969 = arith.constant dense<2147483647> : vector<10xi32>
    %reduce_min3A_970 = vector.multi_reduction <minsi>, %select_n3A_968, %reduce_min3A_969 [1] : vector<10x1024xi32> to vector<10xi32>
    %broadcast_in_dim3A_971 = vector.shape_cast %reduce_min3A_970 : vector<10xi32> to vector<10x1xi32>
    %eq3A_972 = vector.broadcast %broadcast_in_dim3A_971 : vector<10x1xi32> to vector<10x1024xi32>
    %eq3A_973 = arith.cmpi eq, %iota3A, %eq3A_972 : vector<10x1024xi32>
    %jit3A_974 = arith.constant 0 : i32
    %broadcast_in_dim3A_975 = vector.broadcast %jit3A_974 : i32 to vector<10x1024xi32>
    %select_n3A_976 = arith.select %eq3A_973, %get3A_4, %broadcast_in_dim3A_975 : vector<10x1024xi1>, vector<10x1024xi32>
    %reduce_sum3A_977 = arith.constant dense<0> : vector<10xi32>
    %reduce_sum3A_978 = vector.multi_reduction <add>, %select_n3A_976, %reduce_sum3A_977 [1] : vector<10x1024xi32> to vector<10xi32>
    %broadcast_in_dim3A_979 = vector.shape_cast %reduce_sum3A_978 : vector<10xi32> to vector<10x1xi32>
    %eq3A_980 = arith.constant 31 : i32
    %eq3A_981 = vector.broadcast %eq3A_980 : i32 to vector<10x128xi32>
    %eq3A_982 = arith.cmpi eq, %iota3A_5, %eq3A_981 : vector<10x128xi32>
    %jit3A_983 = arith.constant 0 : i32
    %broadcast_in_dim3A_984 = vector.shape_cast %broadcast_in_dim3A_979 : vector<10x1xi32> to vector<10x1xi32>
    %broadcast_in_dim3A_985 = vector.broadcast %broadcast_in_dim3A_984 : vector<10x1xi32> to vector<10x128xi32>
    %broadcast_in_dim3A_986 = vector.broadcast %jit3A_983 : i32 to vector<10x128xi32>
    %select_n3A_987 = arith.select %eq3A_982, %broadcast_in_dim3A_985, %broadcast_in_dim3A_986 : vector<10x128xi1>, vector<10x128xi32>
    %add3A_988 = arith.addi %add3A_957, %select_n3A_987 : vector<10x128xi32>
    %jit3A_989 = arith.constant -1.000000e+30 : f32
    %broadcast_in_dim3A_990 = vector.broadcast %jit3A_989 : f32 to vector<10x1024xf32>
    %select_n3A_991 = arith.select %eq3A_973, %broadcast_in_dim3A_990, %select_n3A_960 : vector<10x1024xi1>, vector<10x1024xf32>
    %reduce_max3A_992 = arith.constant dense<0xFF800000> : vector<10xf32>
    %reduce_max3A_993 = vector.multi_reduction <maximumf>, %select_n3A_991, %reduce_max3A_992 [1] : vector<10x1024xf32> to vector<10xf32>
    %broadcast_in_dim3A_994 = vector.shape_cast %reduce_max3A_993 : vector<10xf32> to vector<10x1xf32>
    %eq3A_995 = vector.broadcast %broadcast_in_dim3A_994 : vector<10x1xf32> to vector<10x1024xf32>
    %eq3A_996 = arith.cmpf oeq, %select_n3A_991, %eq3A_995 : vector<10x1024xf32>
    %jit3A_997 = arith.constant 1073741824 : i32
    %broadcast_in_dim3A_998 = vector.broadcast %jit3A_997 : i32 to vector<10x1024xi32>
    %select_n3A_999 = arith.select %eq3A_996, %iota3A, %broadcast_in_dim3A_998 : vector<10x1024xi1>, vector<10x1024xi32>
    %reduce_min3A_1000 = arith.constant dense<2147483647> : vector<10xi32>
    %reduce_min3A_1001 = vector.multi_reduction <minsi>, %select_n3A_999, %reduce_min3A_1000 [1] : vector<10x1024xi32> to vector<10xi32>
    %broadcast_in_dim3A_1002 = vector.shape_cast %reduce_min3A_1001 : vector<10xi32> to vector<10x1xi32>
    %eq3A_1003 = vector.broadcast %broadcast_in_dim3A_1002 : vector<10x1xi32> to vector<10x1024xi32>
    %eq3A_1004 = arith.cmpi eq, %iota3A, %eq3A_1003 : vector<10x1024xi32>
    %jit3A_1005 = arith.constant 0 : i32
    %broadcast_in_dim3A_1006 = vector.broadcast %jit3A_1005 : i32 to vector<10x1024xi32>
    %select_n3A_1007 = arith.select %eq3A_1004, %get3A_4, %broadcast_in_dim3A_1006 : vector<10x1024xi1>, vector<10x1024xi32>
    %reduce_sum3A_1008 = arith.constant dense<0> : vector<10xi32>
    %reduce_sum3A_1009 = vector.multi_reduction <add>, %select_n3A_1007, %reduce_sum3A_1008 [1] : vector<10x1024xi32> to vector<10xi32>
    %broadcast_in_dim3A_1010 = vector.shape_cast %reduce_sum3A_1009 : vector<10xi32> to vector<10x1xi32>
    %eq3A_1011 = arith.constant 32 : i32
    %eq3A_1012 = vector.broadcast %eq3A_1011 : i32 to vector<10x128xi32>
    %eq3A_1013 = arith.cmpi eq, %iota3A_5, %eq3A_1012 : vector<10x128xi32>
    %jit3A_1014 = arith.constant 0 : i32
    %broadcast_in_dim3A_1015 = vector.shape_cast %broadcast_in_dim3A_1010 : vector<10x1xi32> to vector<10x1xi32>
    %broadcast_in_dim3A_1016 = vector.broadcast %broadcast_in_dim3A_1015 : vector<10x1xi32> to vector<10x128xi32>
    %broadcast_in_dim3A_1017 = vector.broadcast %jit3A_1014 : i32 to vector<10x128xi32>
    %select_n3A_1018 = arith.select %eq3A_1013, %broadcast_in_dim3A_1016, %broadcast_in_dim3A_1017 : vector<10x128xi1>, vector<10x128xi32>
    %add3A_1019 = arith.addi %add3A_988, %select_n3A_1018 : vector<10x128xi32>
    %jit3A_1020 = arith.constant -1.000000e+30 : f32
    %broadcast_in_dim3A_1021 = vector.broadcast %jit3A_1020 : f32 to vector<10x1024xf32>
    %select_n3A_1022 = arith.select %eq3A_1004, %broadcast_in_dim3A_1021, %select_n3A_991 : vector<10x1024xi1>, vector<10x1024xf32>
    %reduce_max3A_1023 = arith.constant dense<0xFF800000> : vector<10xf32>
    %reduce_max3A_1024 = vector.multi_reduction <maximumf>, %select_n3A_1022, %reduce_max3A_1023 [1] : vector<10x1024xf32> to vector<10xf32>
    %broadcast_in_dim3A_1025 = vector.shape_cast %reduce_max3A_1024 : vector<10xf32> to vector<10x1xf32>
    %eq3A_1026 = vector.broadcast %broadcast_in_dim3A_1025 : vector<10x1xf32> to vector<10x1024xf32>
    %eq3A_1027 = arith.cmpf oeq, %select_n3A_1022, %eq3A_1026 : vector<10x1024xf32>
    %jit3A_1028 = arith.constant 1073741824 : i32
    %broadcast_in_dim3A_1029 = vector.broadcast %jit3A_1028 : i32 to vector<10x1024xi32>
    %select_n3A_1030 = arith.select %eq3A_1027, %iota3A, %broadcast_in_dim3A_1029 : vector<10x1024xi1>, vector<10x1024xi32>
    %reduce_min3A_1031 = arith.constant dense<2147483647> : vector<10xi32>
    %reduce_min3A_1032 = vector.multi_reduction <minsi>, %select_n3A_1030, %reduce_min3A_1031 [1] : vector<10x1024xi32> to vector<10xi32>
    %broadcast_in_dim3A_1033 = vector.shape_cast %reduce_min3A_1032 : vector<10xi32> to vector<10x1xi32>
    %eq3A_1034 = vector.broadcast %broadcast_in_dim3A_1033 : vector<10x1xi32> to vector<10x1024xi32>
    %eq3A_1035 = arith.cmpi eq, %iota3A, %eq3A_1034 : vector<10x1024xi32>
    %jit3A_1036 = arith.constant 0 : i32
    %broadcast_in_dim3A_1037 = vector.broadcast %jit3A_1036 : i32 to vector<10x1024xi32>
    %select_n3A_1038 = arith.select %eq3A_1035, %get3A_4, %broadcast_in_dim3A_1037 : vector<10x1024xi1>, vector<10x1024xi32>
    %reduce_sum3A_1039 = arith.constant dense<0> : vector<10xi32>
    %reduce_sum3A_1040 = vector.multi_reduction <add>, %select_n3A_1038, %reduce_sum3A_1039 [1] : vector<10x1024xi32> to vector<10xi32>
    %broadcast_in_dim3A_1041 = vector.shape_cast %reduce_sum3A_1040 : vector<10xi32> to vector<10x1xi32>
    %eq3A_1042 = arith.constant 33 : i32
    %eq3A_1043 = vector.broadcast %eq3A_1042 : i32 to vector<10x128xi32>
    %eq3A_1044 = arith.cmpi eq, %iota3A_5, %eq3A_1043 : vector<10x128xi32>
    %jit3A_1045 = arith.constant 0 : i32
    %broadcast_in_dim3A_1046 = vector.shape_cast %broadcast_in_dim3A_1041 : vector<10x1xi32> to vector<10x1xi32>
    %broadcast_in_dim3A_1047 = vector.broadcast %broadcast_in_dim3A_1046 : vector<10x1xi32> to vector<10x128xi32>
    %broadcast_in_dim3A_1048 = vector.broadcast %jit3A_1045 : i32 to vector<10x128xi32>
    %select_n3A_1049 = arith.select %eq3A_1044, %broadcast_in_dim3A_1047, %broadcast_in_dim3A_1048 : vector<10x128xi1>, vector<10x128xi32>
    %add3A_1050 = arith.addi %add3A_1019, %select_n3A_1049 : vector<10x128xi32>
    %jit3A_1051 = arith.constant -1.000000e+30 : f32
    %broadcast_in_dim3A_1052 = vector.broadcast %jit3A_1051 : f32 to vector<10x1024xf32>
    %select_n3A_1053 = arith.select %eq3A_1035, %broadcast_in_dim3A_1052, %select_n3A_1022 : vector<10x1024xi1>, vector<10x1024xf32>
    %reduce_max3A_1054 = arith.constant dense<0xFF800000> : vector<10xf32>
    %reduce_max3A_1055 = vector.multi_reduction <maximumf>, %select_n3A_1053, %reduce_max3A_1054 [1] : vector<10x1024xf32> to vector<10xf32>
    %broadcast_in_dim3A_1056 = vector.shape_cast %reduce_max3A_1055 : vector<10xf32> to vector<10x1xf32>
    %eq3A_1057 = vector.broadcast %broadcast_in_dim3A_1056 : vector<10x1xf32> to vector<10x1024xf32>
    %eq3A_1058 = arith.cmpf oeq, %select_n3A_1053, %eq3A_1057 : vector<10x1024xf32>
    %jit3A_1059 = arith.constant 1073741824 : i32
    %broadcast_in_dim3A_1060 = vector.broadcast %jit3A_1059 : i32 to vector<10x1024xi32>
    %select_n3A_1061 = arith.select %eq3A_1058, %iota3A, %broadcast_in_dim3A_1060 : vector<10x1024xi1>, vector<10x1024xi32>
    %reduce_min3A_1062 = arith.constant dense<2147483647> : vector<10xi32>
    %reduce_min3A_1063 = vector.multi_reduction <minsi>, %select_n3A_1061, %reduce_min3A_1062 [1] : vector<10x1024xi32> to vector<10xi32>
    %broadcast_in_dim3A_1064 = vector.shape_cast %reduce_min3A_1063 : vector<10xi32> to vector<10x1xi32>
    %eq3A_1065 = vector.broadcast %broadcast_in_dim3A_1064 : vector<10x1xi32> to vector<10x1024xi32>
    %eq3A_1066 = arith.cmpi eq, %iota3A, %eq3A_1065 : vector<10x1024xi32>
    %jit3A_1067 = arith.constant 0 : i32
    %broadcast_in_dim3A_1068 = vector.broadcast %jit3A_1067 : i32 to vector<10x1024xi32>
    %select_n3A_1069 = arith.select %eq3A_1066, %get3A_4, %broadcast_in_dim3A_1068 : vector<10x1024xi1>, vector<10x1024xi32>
    %reduce_sum3A_1070 = arith.constant dense<0> : vector<10xi32>
    %reduce_sum3A_1071 = vector.multi_reduction <add>, %select_n3A_1069, %reduce_sum3A_1070 [1] : vector<10x1024xi32> to vector<10xi32>
    %broadcast_in_dim3A_1072 = vector.shape_cast %reduce_sum3A_1071 : vector<10xi32> to vector<10x1xi32>
    %eq3A_1073 = arith.constant 34 : i32
    %eq3A_1074 = vector.broadcast %eq3A_1073 : i32 to vector<10x128xi32>
    %eq3A_1075 = arith.cmpi eq, %iota3A_5, %eq3A_1074 : vector<10x128xi32>
    %jit3A_1076 = arith.constant 0 : i32
    %broadcast_in_dim3A_1077 = vector.shape_cast %broadcast_in_dim3A_1072 : vector<10x1xi32> to vector<10x1xi32>
    %broadcast_in_dim3A_1078 = vector.broadcast %broadcast_in_dim3A_1077 : vector<10x1xi32> to vector<10x128xi32>
    %broadcast_in_dim3A_1079 = vector.broadcast %jit3A_1076 : i32 to vector<10x128xi32>
    %select_n3A_1080 = arith.select %eq3A_1075, %broadcast_in_dim3A_1078, %broadcast_in_dim3A_1079 : vector<10x128xi1>, vector<10x128xi32>
    %add3A_1081 = arith.addi %add3A_1050, %select_n3A_1080 : vector<10x128xi32>
    %jit3A_1082 = arith.constant -1.000000e+30 : f32
    %broadcast_in_dim3A_1083 = vector.broadcast %jit3A_1082 : f32 to vector<10x1024xf32>
    %select_n3A_1084 = arith.select %eq3A_1066, %broadcast_in_dim3A_1083, %select_n3A_1053 : vector<10x1024xi1>, vector<10x1024xf32>
    %reduce_max3A_1085 = arith.constant dense<0xFF800000> : vector<10xf32>
    %reduce_max3A_1086 = vector.multi_reduction <maximumf>, %select_n3A_1084, %reduce_max3A_1085 [1] : vector<10x1024xf32> to vector<10xf32>
    %broadcast_in_dim3A_1087 = vector.shape_cast %reduce_max3A_1086 : vector<10xf32> to vector<10x1xf32>
    %eq3A_1088 = vector.broadcast %broadcast_in_dim3A_1087 : vector<10x1xf32> to vector<10x1024xf32>
    %eq3A_1089 = arith.cmpf oeq, %select_n3A_1084, %eq3A_1088 : vector<10x1024xf32>
    %jit3A_1090 = arith.constant 1073741824 : i32
    %broadcast_in_dim3A_1091 = vector.broadcast %jit3A_1090 : i32 to vector<10x1024xi32>
    %select_n3A_1092 = arith.select %eq3A_1089, %iota3A, %broadcast_in_dim3A_1091 : vector<10x1024xi1>, vector<10x1024xi32>
    %reduce_min3A_1093 = arith.constant dense<2147483647> : vector<10xi32>
    %reduce_min3A_1094 = vector.multi_reduction <minsi>, %select_n3A_1092, %reduce_min3A_1093 [1] : vector<10x1024xi32> to vector<10xi32>
    %broadcast_in_dim3A_1095 = vector.shape_cast %reduce_min3A_1094 : vector<10xi32> to vector<10x1xi32>
    %eq3A_1096 = vector.broadcast %broadcast_in_dim3A_1095 : vector<10x1xi32> to vector<10x1024xi32>
    %eq3A_1097 = arith.cmpi eq, %iota3A, %eq3A_1096 : vector<10x1024xi32>
    %jit3A_1098 = arith.constant 0 : i32
    %broadcast_in_dim3A_1099 = vector.broadcast %jit3A_1098 : i32 to vector<10x1024xi32>
    %select_n3A_1100 = arith.select %eq3A_1097, %get3A_4, %broadcast_in_dim3A_1099 : vector<10x1024xi1>, vector<10x1024xi32>
    %reduce_sum3A_1101 = arith.constant dense<0> : vector<10xi32>
    %reduce_sum3A_1102 = vector.multi_reduction <add>, %select_n3A_1100, %reduce_sum3A_1101 [1] : vector<10x1024xi32> to vector<10xi32>
    %broadcast_in_dim3A_1103 = vector.shape_cast %reduce_sum3A_1102 : vector<10xi32> to vector<10x1xi32>
    %eq3A_1104 = arith.constant 35 : i32
    %eq3A_1105 = vector.broadcast %eq3A_1104 : i32 to vector<10x128xi32>
    %eq3A_1106 = arith.cmpi eq, %iota3A_5, %eq3A_1105 : vector<10x128xi32>
    %jit3A_1107 = arith.constant 0 : i32
    %broadcast_in_dim3A_1108 = vector.shape_cast %broadcast_in_dim3A_1103 : vector<10x1xi32> to vector<10x1xi32>
    %broadcast_in_dim3A_1109 = vector.broadcast %broadcast_in_dim3A_1108 : vector<10x1xi32> to vector<10x128xi32>
    %broadcast_in_dim3A_1110 = vector.broadcast %jit3A_1107 : i32 to vector<10x128xi32>
    %select_n3A_1111 = arith.select %eq3A_1106, %broadcast_in_dim3A_1109, %broadcast_in_dim3A_1110 : vector<10x128xi1>, vector<10x128xi32>
    %add3A_1112 = arith.addi %add3A_1081, %select_n3A_1111 : vector<10x128xi32>
    %jit3A_1113 = arith.constant -1.000000e+30 : f32
    %broadcast_in_dim3A_1114 = vector.broadcast %jit3A_1113 : f32 to vector<10x1024xf32>
    %select_n3A_1115 = arith.select %eq3A_1097, %broadcast_in_dim3A_1114, %select_n3A_1084 : vector<10x1024xi1>, vector<10x1024xf32>
    %reduce_max3A_1116 = arith.constant dense<0xFF800000> : vector<10xf32>
    %reduce_max3A_1117 = vector.multi_reduction <maximumf>, %select_n3A_1115, %reduce_max3A_1116 [1] : vector<10x1024xf32> to vector<10xf32>
    %broadcast_in_dim3A_1118 = vector.shape_cast %reduce_max3A_1117 : vector<10xf32> to vector<10x1xf32>
    %eq3A_1119 = vector.broadcast %broadcast_in_dim3A_1118 : vector<10x1xf32> to vector<10x1024xf32>
    %eq3A_1120 = arith.cmpf oeq, %select_n3A_1115, %eq3A_1119 : vector<10x1024xf32>
    %jit3A_1121 = arith.constant 1073741824 : i32
    %broadcast_in_dim3A_1122 = vector.broadcast %jit3A_1121 : i32 to vector<10x1024xi32>
    %select_n3A_1123 = arith.select %eq3A_1120, %iota3A, %broadcast_in_dim3A_1122 : vector<10x1024xi1>, vector<10x1024xi32>
    %reduce_min3A_1124 = arith.constant dense<2147483647> : vector<10xi32>
    %reduce_min3A_1125 = vector.multi_reduction <minsi>, %select_n3A_1123, %reduce_min3A_1124 [1] : vector<10x1024xi32> to vector<10xi32>
    %broadcast_in_dim3A_1126 = vector.shape_cast %reduce_min3A_1125 : vector<10xi32> to vector<10x1xi32>
    %eq3A_1127 = vector.broadcast %broadcast_in_dim3A_1126 : vector<10x1xi32> to vector<10x1024xi32>
    %eq3A_1128 = arith.cmpi eq, %iota3A, %eq3A_1127 : vector<10x1024xi32>
    %jit3A_1129 = arith.constant 0 : i32
    %broadcast_in_dim3A_1130 = vector.broadcast %jit3A_1129 : i32 to vector<10x1024xi32>
    %select_n3A_1131 = arith.select %eq3A_1128, %get3A_4, %broadcast_in_dim3A_1130 : vector<10x1024xi1>, vector<10x1024xi32>
    %reduce_sum3A_1132 = arith.constant dense<0> : vector<10xi32>
    %reduce_sum3A_1133 = vector.multi_reduction <add>, %select_n3A_1131, %reduce_sum3A_1132 [1] : vector<10x1024xi32> to vector<10xi32>
    %broadcast_in_dim3A_1134 = vector.shape_cast %reduce_sum3A_1133 : vector<10xi32> to vector<10x1xi32>
    %eq3A_1135 = arith.constant 36 : i32
    %eq3A_1136 = vector.broadcast %eq3A_1135 : i32 to vector<10x128xi32>
    %eq3A_1137 = arith.cmpi eq, %iota3A_5, %eq3A_1136 : vector<10x128xi32>
    %jit3A_1138 = arith.constant 0 : i32
    %broadcast_in_dim3A_1139 = vector.shape_cast %broadcast_in_dim3A_1134 : vector<10x1xi32> to vector<10x1xi32>
    %broadcast_in_dim3A_1140 = vector.broadcast %broadcast_in_dim3A_1139 : vector<10x1xi32> to vector<10x128xi32>
    %broadcast_in_dim3A_1141 = vector.broadcast %jit3A_1138 : i32 to vector<10x128xi32>
    %select_n3A_1142 = arith.select %eq3A_1137, %broadcast_in_dim3A_1140, %broadcast_in_dim3A_1141 : vector<10x128xi1>, vector<10x128xi32>
    %add3A_1143 = arith.addi %add3A_1112, %select_n3A_1142 : vector<10x128xi32>
    %jit3A_1144 = arith.constant -1.000000e+30 : f32
    %broadcast_in_dim3A_1145 = vector.broadcast %jit3A_1144 : f32 to vector<10x1024xf32>
    %select_n3A_1146 = arith.select %eq3A_1128, %broadcast_in_dim3A_1145, %select_n3A_1115 : vector<10x1024xi1>, vector<10x1024xf32>
    %reduce_max3A_1147 = arith.constant dense<0xFF800000> : vector<10xf32>
    %reduce_max3A_1148 = vector.multi_reduction <maximumf>, %select_n3A_1146, %reduce_max3A_1147 [1] : vector<10x1024xf32> to vector<10xf32>
    %broadcast_in_dim3A_1149 = vector.shape_cast %reduce_max3A_1148 : vector<10xf32> to vector<10x1xf32>
    %eq3A_1150 = vector.broadcast %broadcast_in_dim3A_1149 : vector<10x1xf32> to vector<10x1024xf32>
    %eq3A_1151 = arith.cmpf oeq, %select_n3A_1146, %eq3A_1150 : vector<10x1024xf32>
    %jit3A_1152 = arith.constant 1073741824 : i32
    %broadcast_in_dim3A_1153 = vector.broadcast %jit3A_1152 : i32 to vector<10x1024xi32>
    %select_n3A_1154 = arith.select %eq3A_1151, %iota3A, %broadcast_in_dim3A_1153 : vector<10x1024xi1>, vector<10x1024xi32>
    %reduce_min3A_1155 = arith.constant dense<2147483647> : vector<10xi32>
    %reduce_min3A_1156 = vector.multi_reduction <minsi>, %select_n3A_1154, %reduce_min3A_1155 [1] : vector<10x1024xi32> to vector<10xi32>
    %broadcast_in_dim3A_1157 = vector.shape_cast %reduce_min3A_1156 : vector<10xi32> to vector<10x1xi32>
    %eq3A_1158 = vector.broadcast %broadcast_in_dim3A_1157 : vector<10x1xi32> to vector<10x1024xi32>
    %eq3A_1159 = arith.cmpi eq, %iota3A, %eq3A_1158 : vector<10x1024xi32>
    %jit3A_1160 = arith.constant 0 : i32
    %broadcast_in_dim3A_1161 = vector.broadcast %jit3A_1160 : i32 to vector<10x1024xi32>
    %select_n3A_1162 = arith.select %eq3A_1159, %get3A_4, %broadcast_in_dim3A_1161 : vector<10x1024xi1>, vector<10x1024xi32>
    %reduce_sum3A_1163 = arith.constant dense<0> : vector<10xi32>
    %reduce_sum3A_1164 = vector.multi_reduction <add>, %select_n3A_1162, %reduce_sum3A_1163 [1] : vector<10x1024xi32> to vector<10xi32>
    %broadcast_in_dim3A_1165 = vector.shape_cast %reduce_sum3A_1164 : vector<10xi32> to vector<10x1xi32>
    %eq3A_1166 = arith.constant 37 : i32
    %eq3A_1167 = vector.broadcast %eq3A_1166 : i32 to vector<10x128xi32>
    %eq3A_1168 = arith.cmpi eq, %iota3A_5, %eq3A_1167 : vector<10x128xi32>
    %jit3A_1169 = arith.constant 0 : i32
    %broadcast_in_dim3A_1170 = vector.shape_cast %broadcast_in_dim3A_1165 : vector<10x1xi32> to vector<10x1xi32>
    %broadcast_in_dim3A_1171 = vector.broadcast %broadcast_in_dim3A_1170 : vector<10x1xi32> to vector<10x128xi32>
    %broadcast_in_dim3A_1172 = vector.broadcast %jit3A_1169 : i32 to vector<10x128xi32>
    %select_n3A_1173 = arith.select %eq3A_1168, %broadcast_in_dim3A_1171, %broadcast_in_dim3A_1172 : vector<10x128xi1>, vector<10x128xi32>
    %add3A_1174 = arith.addi %add3A_1143, %select_n3A_1173 : vector<10x128xi32>
    %jit3A_1175 = arith.constant -1.000000e+30 : f32
    %broadcast_in_dim3A_1176 = vector.broadcast %jit3A_1175 : f32 to vector<10x1024xf32>
    %select_n3A_1177 = arith.select %eq3A_1159, %broadcast_in_dim3A_1176, %select_n3A_1146 : vector<10x1024xi1>, vector<10x1024xf32>
    %reduce_max3A_1178 = arith.constant dense<0xFF800000> : vector<10xf32>
    %reduce_max3A_1179 = vector.multi_reduction <maximumf>, %select_n3A_1177, %reduce_max3A_1178 [1] : vector<10x1024xf32> to vector<10xf32>
    %broadcast_in_dim3A_1180 = vector.shape_cast %reduce_max3A_1179 : vector<10xf32> to vector<10x1xf32>
    %eq3A_1181 = vector.broadcast %broadcast_in_dim3A_1180 : vector<10x1xf32> to vector<10x1024xf32>
    %eq3A_1182 = arith.cmpf oeq, %select_n3A_1177, %eq3A_1181 : vector<10x1024xf32>
    %jit3A_1183 = arith.constant 1073741824 : i32
    %broadcast_in_dim3A_1184 = vector.broadcast %jit3A_1183 : i32 to vector<10x1024xi32>
    %select_n3A_1185 = arith.select %eq3A_1182, %iota3A, %broadcast_in_dim3A_1184 : vector<10x1024xi1>, vector<10x1024xi32>
    %reduce_min3A_1186 = arith.constant dense<2147483647> : vector<10xi32>
    %reduce_min3A_1187 = vector.multi_reduction <minsi>, %select_n3A_1185, %reduce_min3A_1186 [1] : vector<10x1024xi32> to vector<10xi32>
    %broadcast_in_dim3A_1188 = vector.shape_cast %reduce_min3A_1187 : vector<10xi32> to vector<10x1xi32>
    %eq3A_1189 = vector.broadcast %broadcast_in_dim3A_1188 : vector<10x1xi32> to vector<10x1024xi32>
    %eq3A_1190 = arith.cmpi eq, %iota3A, %eq3A_1189 : vector<10x1024xi32>
    %jit3A_1191 = arith.constant 0 : i32
    %broadcast_in_dim3A_1192 = vector.broadcast %jit3A_1191 : i32 to vector<10x1024xi32>
    %select_n3A_1193 = arith.select %eq3A_1190, %get3A_4, %broadcast_in_dim3A_1192 : vector<10x1024xi1>, vector<10x1024xi32>
    %reduce_sum3A_1194 = arith.constant dense<0> : vector<10xi32>
    %reduce_sum3A_1195 = vector.multi_reduction <add>, %select_n3A_1193, %reduce_sum3A_1194 [1] : vector<10x1024xi32> to vector<10xi32>
    %broadcast_in_dim3A_1196 = vector.shape_cast %reduce_sum3A_1195 : vector<10xi32> to vector<10x1xi32>
    %eq3A_1197 = arith.constant 38 : i32
    %eq3A_1198 = vector.broadcast %eq3A_1197 : i32 to vector<10x128xi32>
    %eq3A_1199 = arith.cmpi eq, %iota3A_5, %eq3A_1198 : vector<10x128xi32>
    %jit3A_1200 = arith.constant 0 : i32
    %broadcast_in_dim3A_1201 = vector.shape_cast %broadcast_in_dim3A_1196 : vector<10x1xi32> to vector<10x1xi32>
    %broadcast_in_dim3A_1202 = vector.broadcast %broadcast_in_dim3A_1201 : vector<10x1xi32> to vector<10x128xi32>
    %broadcast_in_dim3A_1203 = vector.broadcast %jit3A_1200 : i32 to vector<10x128xi32>
    %select_n3A_1204 = arith.select %eq3A_1199, %broadcast_in_dim3A_1202, %broadcast_in_dim3A_1203 : vector<10x128xi1>, vector<10x128xi32>
    %add3A_1205 = arith.addi %add3A_1174, %select_n3A_1204 : vector<10x128xi32>
    %jit3A_1206 = arith.constant -1.000000e+30 : f32
    %broadcast_in_dim3A_1207 = vector.broadcast %jit3A_1206 : f32 to vector<10x1024xf32>
    %select_n3A_1208 = arith.select %eq3A_1190, %broadcast_in_dim3A_1207, %select_n3A_1177 : vector<10x1024xi1>, vector<10x1024xf32>
    %reduce_max3A_1209 = arith.constant dense<0xFF800000> : vector<10xf32>
    %reduce_max3A_1210 = vector.multi_reduction <maximumf>, %select_n3A_1208, %reduce_max3A_1209 [1] : vector<10x1024xf32> to vector<10xf32>
    %broadcast_in_dim3A_1211 = vector.shape_cast %reduce_max3A_1210 : vector<10xf32> to vector<10x1xf32>
    %eq3A_1212 = vector.broadcast %broadcast_in_dim3A_1211 : vector<10x1xf32> to vector<10x1024xf32>
    %eq3A_1213 = arith.cmpf oeq, %select_n3A_1208, %eq3A_1212 : vector<10x1024xf32>
    %jit3A_1214 = arith.constant 1073741824 : i32
    %broadcast_in_dim3A_1215 = vector.broadcast %jit3A_1214 : i32 to vector<10x1024xi32>
    %select_n3A_1216 = arith.select %eq3A_1213, %iota3A, %broadcast_in_dim3A_1215 : vector<10x1024xi1>, vector<10x1024xi32>
    %reduce_min3A_1217 = arith.constant dense<2147483647> : vector<10xi32>
    %reduce_min3A_1218 = vector.multi_reduction <minsi>, %select_n3A_1216, %reduce_min3A_1217 [1] : vector<10x1024xi32> to vector<10xi32>
    %broadcast_in_dim3A_1219 = vector.shape_cast %reduce_min3A_1218 : vector<10xi32> to vector<10x1xi32>
    %eq3A_1220 = vector.broadcast %broadcast_in_dim3A_1219 : vector<10x1xi32> to vector<10x1024xi32>
    %eq3A_1221 = arith.cmpi eq, %iota3A, %eq3A_1220 : vector<10x1024xi32>
    %jit3A_1222 = arith.constant 0 : i32
    %broadcast_in_dim3A_1223 = vector.broadcast %jit3A_1222 : i32 to vector<10x1024xi32>
    %select_n3A_1224 = arith.select %eq3A_1221, %get3A_4, %broadcast_in_dim3A_1223 : vector<10x1024xi1>, vector<10x1024xi32>
    %reduce_sum3A_1225 = arith.constant dense<0> : vector<10xi32>
    %reduce_sum3A_1226 = vector.multi_reduction <add>, %select_n3A_1224, %reduce_sum3A_1225 [1] : vector<10x1024xi32> to vector<10xi32>
    %broadcast_in_dim3A_1227 = vector.shape_cast %reduce_sum3A_1226 : vector<10xi32> to vector<10x1xi32>
    %eq3A_1228 = arith.constant 39 : i32
    %eq3A_1229 = vector.broadcast %eq3A_1228 : i32 to vector<10x128xi32>
    %eq3A_1230 = arith.cmpi eq, %iota3A_5, %eq3A_1229 : vector<10x128xi32>
    %jit3A_1231 = arith.constant 0 : i32
    %broadcast_in_dim3A_1232 = vector.shape_cast %broadcast_in_dim3A_1227 : vector<10x1xi32> to vector<10x1xi32>
    %broadcast_in_dim3A_1233 = vector.broadcast %broadcast_in_dim3A_1232 : vector<10x1xi32> to vector<10x128xi32>
    %broadcast_in_dim3A_1234 = vector.broadcast %jit3A_1231 : i32 to vector<10x128xi32>
    %select_n3A_1235 = arith.select %eq3A_1230, %broadcast_in_dim3A_1233, %broadcast_in_dim3A_1234 : vector<10x128xi1>, vector<10x128xi32>
    %add3A_1236 = arith.addi %add3A_1205, %select_n3A_1235 : vector<10x128xi32>
    %jit3A_1237 = arith.constant -1.000000e+30 : f32
    %broadcast_in_dim3A_1238 = vector.broadcast %jit3A_1237 : f32 to vector<10x1024xf32>
    %select_n3A_1239 = arith.select %eq3A_1221, %broadcast_in_dim3A_1238, %select_n3A_1208 : vector<10x1024xi1>, vector<10x1024xf32>
    %reduce_max3A_1240 = arith.constant dense<0xFF800000> : vector<10xf32>
    %reduce_max3A_1241 = vector.multi_reduction <maximumf>, %select_n3A_1239, %reduce_max3A_1240 [1] : vector<10x1024xf32> to vector<10xf32>
    %broadcast_in_dim3A_1242 = vector.shape_cast %reduce_max3A_1241 : vector<10xf32> to vector<10x1xf32>
    %eq3A_1243 = vector.broadcast %broadcast_in_dim3A_1242 : vector<10x1xf32> to vector<10x1024xf32>
    %eq3A_1244 = arith.cmpf oeq, %select_n3A_1239, %eq3A_1243 : vector<10x1024xf32>
    %jit3A_1245 = arith.constant 1073741824 : i32
    %broadcast_in_dim3A_1246 = vector.broadcast %jit3A_1245 : i32 to vector<10x1024xi32>
    %select_n3A_1247 = arith.select %eq3A_1244, %iota3A, %broadcast_in_dim3A_1246 : vector<10x1024xi1>, vector<10x1024xi32>
    %reduce_min3A_1248 = arith.constant dense<2147483647> : vector<10xi32>
    %reduce_min3A_1249 = vector.multi_reduction <minsi>, %select_n3A_1247, %reduce_min3A_1248 [1] : vector<10x1024xi32> to vector<10xi32>
    %broadcast_in_dim3A_1250 = vector.shape_cast %reduce_min3A_1249 : vector<10xi32> to vector<10x1xi32>
    %eq3A_1251 = vector.broadcast %broadcast_in_dim3A_1250 : vector<10x1xi32> to vector<10x1024xi32>
    %eq3A_1252 = arith.cmpi eq, %iota3A, %eq3A_1251 : vector<10x1024xi32>
    %jit3A_1253 = arith.constant 0 : i32
    %broadcast_in_dim3A_1254 = vector.broadcast %jit3A_1253 : i32 to vector<10x1024xi32>
    %select_n3A_1255 = arith.select %eq3A_1252, %get3A_4, %broadcast_in_dim3A_1254 : vector<10x1024xi1>, vector<10x1024xi32>
    %reduce_sum3A_1256 = arith.constant dense<0> : vector<10xi32>
    %reduce_sum3A_1257 = vector.multi_reduction <add>, %select_n3A_1255, %reduce_sum3A_1256 [1] : vector<10x1024xi32> to vector<10xi32>
    %broadcast_in_dim3A_1258 = vector.shape_cast %reduce_sum3A_1257 : vector<10xi32> to vector<10x1xi32>
    %eq3A_1259 = arith.constant 40 : i32
    %eq3A_1260 = vector.broadcast %eq3A_1259 : i32 to vector<10x128xi32>
    %eq3A_1261 = arith.cmpi eq, %iota3A_5, %eq3A_1260 : vector<10x128xi32>
    %jit3A_1262 = arith.constant 0 : i32
    %broadcast_in_dim3A_1263 = vector.shape_cast %broadcast_in_dim3A_1258 : vector<10x1xi32> to vector<10x1xi32>
    %broadcast_in_dim3A_1264 = vector.broadcast %broadcast_in_dim3A_1263 : vector<10x1xi32> to vector<10x128xi32>
    %broadcast_in_dim3A_1265 = vector.broadcast %jit3A_1262 : i32 to vector<10x128xi32>
    %select_n3A_1266 = arith.select %eq3A_1261, %broadcast_in_dim3A_1264, %broadcast_in_dim3A_1265 : vector<10x128xi1>, vector<10x128xi32>
    %add3A_1267 = arith.addi %add3A_1236, %select_n3A_1266 : vector<10x128xi32>
    %jit3A_1268 = arith.constant -1.000000e+30 : f32
    %broadcast_in_dim3A_1269 = vector.broadcast %jit3A_1268 : f32 to vector<10x1024xf32>
    %select_n3A_1270 = arith.select %eq3A_1252, %broadcast_in_dim3A_1269, %select_n3A_1239 : vector<10x1024xi1>, vector<10x1024xf32>
    %reduce_max3A_1271 = arith.constant dense<0xFF800000> : vector<10xf32>
    %reduce_max3A_1272 = vector.multi_reduction <maximumf>, %select_n3A_1270, %reduce_max3A_1271 [1] : vector<10x1024xf32> to vector<10xf32>
    %broadcast_in_dim3A_1273 = vector.shape_cast %reduce_max3A_1272 : vector<10xf32> to vector<10x1xf32>
    %eq3A_1274 = vector.broadcast %broadcast_in_dim3A_1273 : vector<10x1xf32> to vector<10x1024xf32>
    %eq3A_1275 = arith.cmpf oeq, %select_n3A_1270, %eq3A_1274 : vector<10x1024xf32>
    %jit3A_1276 = arith.constant 1073741824 : i32
    %broadcast_in_dim3A_1277 = vector.broadcast %jit3A_1276 : i32 to vector<10x1024xi32>
    %select_n3A_1278 = arith.select %eq3A_1275, %iota3A, %broadcast_in_dim3A_1277 : vector<10x1024xi1>, vector<10x1024xi32>
    %reduce_min3A_1279 = arith.constant dense<2147483647> : vector<10xi32>
    %reduce_min3A_1280 = vector.multi_reduction <minsi>, %select_n3A_1278, %reduce_min3A_1279 [1] : vector<10x1024xi32> to vector<10xi32>
    %broadcast_in_dim3A_1281 = vector.shape_cast %reduce_min3A_1280 : vector<10xi32> to vector<10x1xi32>
    %eq3A_1282 = vector.broadcast %broadcast_in_dim3A_1281 : vector<10x1xi32> to vector<10x1024xi32>
    %eq3A_1283 = arith.cmpi eq, %iota3A, %eq3A_1282 : vector<10x1024xi32>
    %jit3A_1284 = arith.constant 0 : i32
    %broadcast_in_dim3A_1285 = vector.broadcast %jit3A_1284 : i32 to vector<10x1024xi32>
    %select_n3A_1286 = arith.select %eq3A_1283, %get3A_4, %broadcast_in_dim3A_1285 : vector<10x1024xi1>, vector<10x1024xi32>
    %reduce_sum3A_1287 = arith.constant dense<0> : vector<10xi32>
    %reduce_sum3A_1288 = vector.multi_reduction <add>, %select_n3A_1286, %reduce_sum3A_1287 [1] : vector<10x1024xi32> to vector<10xi32>
    %broadcast_in_dim3A_1289 = vector.shape_cast %reduce_sum3A_1288 : vector<10xi32> to vector<10x1xi32>
    %eq3A_1290 = arith.constant 41 : i32
    %eq3A_1291 = vector.broadcast %eq3A_1290 : i32 to vector<10x128xi32>
    %eq3A_1292 = arith.cmpi eq, %iota3A_5, %eq3A_1291 : vector<10x128xi32>
    %jit3A_1293 = arith.constant 0 : i32
    %broadcast_in_dim3A_1294 = vector.shape_cast %broadcast_in_dim3A_1289 : vector<10x1xi32> to vector<10x1xi32>
    %broadcast_in_dim3A_1295 = vector.broadcast %broadcast_in_dim3A_1294 : vector<10x1xi32> to vector<10x128xi32>
    %broadcast_in_dim3A_1296 = vector.broadcast %jit3A_1293 : i32 to vector<10x128xi32>
    %select_n3A_1297 = arith.select %eq3A_1292, %broadcast_in_dim3A_1295, %broadcast_in_dim3A_1296 : vector<10x128xi1>, vector<10x128xi32>
    %add3A_1298 = arith.addi %add3A_1267, %select_n3A_1297 : vector<10x128xi32>
    %jit3A_1299 = arith.constant -1.000000e+30 : f32
    %broadcast_in_dim3A_1300 = vector.broadcast %jit3A_1299 : f32 to vector<10x1024xf32>
    %select_n3A_1301 = arith.select %eq3A_1283, %broadcast_in_dim3A_1300, %select_n3A_1270 : vector<10x1024xi1>, vector<10x1024xf32>
    %reduce_max3A_1302 = arith.constant dense<0xFF800000> : vector<10xf32>
    %reduce_max3A_1303 = vector.multi_reduction <maximumf>, %select_n3A_1301, %reduce_max3A_1302 [1] : vector<10x1024xf32> to vector<10xf32>
    %broadcast_in_dim3A_1304 = vector.shape_cast %reduce_max3A_1303 : vector<10xf32> to vector<10x1xf32>
    %eq3A_1305 = vector.broadcast %broadcast_in_dim3A_1304 : vector<10x1xf32> to vector<10x1024xf32>
    %eq3A_1306 = arith.cmpf oeq, %select_n3A_1301, %eq3A_1305 : vector<10x1024xf32>
    %jit3A_1307 = arith.constant 1073741824 : i32
    %broadcast_in_dim3A_1308 = vector.broadcast %jit3A_1307 : i32 to vector<10x1024xi32>
    %select_n3A_1309 = arith.select %eq3A_1306, %iota3A, %broadcast_in_dim3A_1308 : vector<10x1024xi1>, vector<10x1024xi32>
    %reduce_min3A_1310 = arith.constant dense<2147483647> : vector<10xi32>
    %reduce_min3A_1311 = vector.multi_reduction <minsi>, %select_n3A_1309, %reduce_min3A_1310 [1] : vector<10x1024xi32> to vector<10xi32>
    %broadcast_in_dim3A_1312 = vector.shape_cast %reduce_min3A_1311 : vector<10xi32> to vector<10x1xi32>
    %eq3A_1313 = vector.broadcast %broadcast_in_dim3A_1312 : vector<10x1xi32> to vector<10x1024xi32>
    %eq3A_1314 = arith.cmpi eq, %iota3A, %eq3A_1313 : vector<10x1024xi32>
    %jit3A_1315 = arith.constant 0 : i32
    %broadcast_in_dim3A_1316 = vector.broadcast %jit3A_1315 : i32 to vector<10x1024xi32>
    %select_n3A_1317 = arith.select %eq3A_1314, %get3A_4, %broadcast_in_dim3A_1316 : vector<10x1024xi1>, vector<10x1024xi32>
    %reduce_sum3A_1318 = arith.constant dense<0> : vector<10xi32>
    %reduce_sum3A_1319 = vector.multi_reduction <add>, %select_n3A_1317, %reduce_sum3A_1318 [1] : vector<10x1024xi32> to vector<10xi32>
    %broadcast_in_dim3A_1320 = vector.shape_cast %reduce_sum3A_1319 : vector<10xi32> to vector<10x1xi32>
    %eq3A_1321 = arith.constant 42 : i32
    %eq3A_1322 = vector.broadcast %eq3A_1321 : i32 to vector<10x128xi32>
    %eq3A_1323 = arith.cmpi eq, %iota3A_5, %eq3A_1322 : vector<10x128xi32>
    %jit3A_1324 = arith.constant 0 : i32
    %broadcast_in_dim3A_1325 = vector.shape_cast %broadcast_in_dim3A_1320 : vector<10x1xi32> to vector<10x1xi32>
    %broadcast_in_dim3A_1326 = vector.broadcast %broadcast_in_dim3A_1325 : vector<10x1xi32> to vector<10x128xi32>
    %broadcast_in_dim3A_1327 = vector.broadcast %jit3A_1324 : i32 to vector<10x128xi32>
    %select_n3A_1328 = arith.select %eq3A_1323, %broadcast_in_dim3A_1326, %broadcast_in_dim3A_1327 : vector<10x128xi1>, vector<10x128xi32>
    %add3A_1329 = arith.addi %add3A_1298, %select_n3A_1328 : vector<10x128xi32>
    %jit3A_1330 = arith.constant -1.000000e+30 : f32
    %broadcast_in_dim3A_1331 = vector.broadcast %jit3A_1330 : f32 to vector<10x1024xf32>
    %select_n3A_1332 = arith.select %eq3A_1314, %broadcast_in_dim3A_1331, %select_n3A_1301 : vector<10x1024xi1>, vector<10x1024xf32>
    %reduce_max3A_1333 = arith.constant dense<0xFF800000> : vector<10xf32>
    %reduce_max3A_1334 = vector.multi_reduction <maximumf>, %select_n3A_1332, %reduce_max3A_1333 [1] : vector<10x1024xf32> to vector<10xf32>
    %broadcast_in_dim3A_1335 = vector.shape_cast %reduce_max3A_1334 : vector<10xf32> to vector<10x1xf32>
    %eq3A_1336 = vector.broadcast %broadcast_in_dim3A_1335 : vector<10x1xf32> to vector<10x1024xf32>
    %eq3A_1337 = arith.cmpf oeq, %select_n3A_1332, %eq3A_1336 : vector<10x1024xf32>
    %jit3A_1338 = arith.constant 1073741824 : i32
    %broadcast_in_dim3A_1339 = vector.broadcast %jit3A_1338 : i32 to vector<10x1024xi32>
    %select_n3A_1340 = arith.select %eq3A_1337, %iota3A, %broadcast_in_dim3A_1339 : vector<10x1024xi1>, vector<10x1024xi32>
    %reduce_min3A_1341 = arith.constant dense<2147483647> : vector<10xi32>
    %reduce_min3A_1342 = vector.multi_reduction <minsi>, %select_n3A_1340, %reduce_min3A_1341 [1] : vector<10x1024xi32> to vector<10xi32>
    %broadcast_in_dim3A_1343 = vector.shape_cast %reduce_min3A_1342 : vector<10xi32> to vector<10x1xi32>
    %eq3A_1344 = vector.broadcast %broadcast_in_dim3A_1343 : vector<10x1xi32> to vector<10x1024xi32>
    %eq3A_1345 = arith.cmpi eq, %iota3A, %eq3A_1344 : vector<10x1024xi32>
    %jit3A_1346 = arith.constant 0 : i32
    %broadcast_in_dim3A_1347 = vector.broadcast %jit3A_1346 : i32 to vector<10x1024xi32>
    %select_n3A_1348 = arith.select %eq3A_1345, %get3A_4, %broadcast_in_dim3A_1347 : vector<10x1024xi1>, vector<10x1024xi32>
    %reduce_sum3A_1349 = arith.constant dense<0> : vector<10xi32>
    %reduce_sum3A_1350 = vector.multi_reduction <add>, %select_n3A_1348, %reduce_sum3A_1349 [1] : vector<10x1024xi32> to vector<10xi32>
    %broadcast_in_dim3A_1351 = vector.shape_cast %reduce_sum3A_1350 : vector<10xi32> to vector<10x1xi32>
    %eq3A_1352 = arith.constant 43 : i32
    %eq3A_1353 = vector.broadcast %eq3A_1352 : i32 to vector<10x128xi32>
    %eq3A_1354 = arith.cmpi eq, %iota3A_5, %eq3A_1353 : vector<10x128xi32>
    %jit3A_1355 = arith.constant 0 : i32
    %broadcast_in_dim3A_1356 = vector.shape_cast %broadcast_in_dim3A_1351 : vector<10x1xi32> to vector<10x1xi32>
    %broadcast_in_dim3A_1357 = vector.broadcast %broadcast_in_dim3A_1356 : vector<10x1xi32> to vector<10x128xi32>
    %broadcast_in_dim3A_1358 = vector.broadcast %jit3A_1355 : i32 to vector<10x128xi32>
    %select_n3A_1359 = arith.select %eq3A_1354, %broadcast_in_dim3A_1357, %broadcast_in_dim3A_1358 : vector<10x128xi1>, vector<10x128xi32>
    %add3A_1360 = arith.addi %add3A_1329, %select_n3A_1359 : vector<10x128xi32>
    %jit3A_1361 = arith.constant -1.000000e+30 : f32
    %broadcast_in_dim3A_1362 = vector.broadcast %jit3A_1361 : f32 to vector<10x1024xf32>
    %select_n3A_1363 = arith.select %eq3A_1345, %broadcast_in_dim3A_1362, %select_n3A_1332 : vector<10x1024xi1>, vector<10x1024xf32>
    %reduce_max3A_1364 = arith.constant dense<0xFF800000> : vector<10xf32>
    %reduce_max3A_1365 = vector.multi_reduction <maximumf>, %select_n3A_1363, %reduce_max3A_1364 [1] : vector<10x1024xf32> to vector<10xf32>
    %broadcast_in_dim3A_1366 = vector.shape_cast %reduce_max3A_1365 : vector<10xf32> to vector<10x1xf32>
    %eq3A_1367 = vector.broadcast %broadcast_in_dim3A_1366 : vector<10x1xf32> to vector<10x1024xf32>
    %eq3A_1368 = arith.cmpf oeq, %select_n3A_1363, %eq3A_1367 : vector<10x1024xf32>
    %jit3A_1369 = arith.constant 1073741824 : i32
    %broadcast_in_dim3A_1370 = vector.broadcast %jit3A_1369 : i32 to vector<10x1024xi32>
    %select_n3A_1371 = arith.select %eq3A_1368, %iota3A, %broadcast_in_dim3A_1370 : vector<10x1024xi1>, vector<10x1024xi32>
    %reduce_min3A_1372 = arith.constant dense<2147483647> : vector<10xi32>
    %reduce_min3A_1373 = vector.multi_reduction <minsi>, %select_n3A_1371, %reduce_min3A_1372 [1] : vector<10x1024xi32> to vector<10xi32>
    %broadcast_in_dim3A_1374 = vector.shape_cast %reduce_min3A_1373 : vector<10xi32> to vector<10x1xi32>
    %eq3A_1375 = vector.broadcast %broadcast_in_dim3A_1374 : vector<10x1xi32> to vector<10x1024xi32>
    %eq3A_1376 = arith.cmpi eq, %iota3A, %eq3A_1375 : vector<10x1024xi32>
    %jit3A_1377 = arith.constant 0 : i32
    %broadcast_in_dim3A_1378 = vector.broadcast %jit3A_1377 : i32 to vector<10x1024xi32>
    %select_n3A_1379 = arith.select %eq3A_1376, %get3A_4, %broadcast_in_dim3A_1378 : vector<10x1024xi1>, vector<10x1024xi32>
    %reduce_sum3A_1380 = arith.constant dense<0> : vector<10xi32>
    %reduce_sum3A_1381 = vector.multi_reduction <add>, %select_n3A_1379, %reduce_sum3A_1380 [1] : vector<10x1024xi32> to vector<10xi32>
    %broadcast_in_dim3A_1382 = vector.shape_cast %reduce_sum3A_1381 : vector<10xi32> to vector<10x1xi32>
    %eq3A_1383 = arith.constant 44 : i32
    %eq3A_1384 = vector.broadcast %eq3A_1383 : i32 to vector<10x128xi32>
    %eq3A_1385 = arith.cmpi eq, %iota3A_5, %eq3A_1384 : vector<10x128xi32>
    %jit3A_1386 = arith.constant 0 : i32
    %broadcast_in_dim3A_1387 = vector.shape_cast %broadcast_in_dim3A_1382 : vector<10x1xi32> to vector<10x1xi32>
    %broadcast_in_dim3A_1388 = vector.broadcast %broadcast_in_dim3A_1387 : vector<10x1xi32> to vector<10x128xi32>
    %broadcast_in_dim3A_1389 = vector.broadcast %jit3A_1386 : i32 to vector<10x128xi32>
    %select_n3A_1390 = arith.select %eq3A_1385, %broadcast_in_dim3A_1388, %broadcast_in_dim3A_1389 : vector<10x128xi1>, vector<10x128xi32>
    %add3A_1391 = arith.addi %add3A_1360, %select_n3A_1390 : vector<10x128xi32>
    %jit3A_1392 = arith.constant -1.000000e+30 : f32
    %broadcast_in_dim3A_1393 = vector.broadcast %jit3A_1392 : f32 to vector<10x1024xf32>
    %select_n3A_1394 = arith.select %eq3A_1376, %broadcast_in_dim3A_1393, %select_n3A_1363 : vector<10x1024xi1>, vector<10x1024xf32>
    %reduce_max3A_1395 = arith.constant dense<0xFF800000> : vector<10xf32>
    %reduce_max3A_1396 = vector.multi_reduction <maximumf>, %select_n3A_1394, %reduce_max3A_1395 [1] : vector<10x1024xf32> to vector<10xf32>
    %broadcast_in_dim3A_1397 = vector.shape_cast %reduce_max3A_1396 : vector<10xf32> to vector<10x1xf32>
    %eq3A_1398 = vector.broadcast %broadcast_in_dim3A_1397 : vector<10x1xf32> to vector<10x1024xf32>
    %eq3A_1399 = arith.cmpf oeq, %select_n3A_1394, %eq3A_1398 : vector<10x1024xf32>
    %jit3A_1400 = arith.constant 1073741824 : i32
    %broadcast_in_dim3A_1401 = vector.broadcast %jit3A_1400 : i32 to vector<10x1024xi32>
    %select_n3A_1402 = arith.select %eq3A_1399, %iota3A, %broadcast_in_dim3A_1401 : vector<10x1024xi1>, vector<10x1024xi32>
    %reduce_min3A_1403 = arith.constant dense<2147483647> : vector<10xi32>
    %reduce_min3A_1404 = vector.multi_reduction <minsi>, %select_n3A_1402, %reduce_min3A_1403 [1] : vector<10x1024xi32> to vector<10xi32>
    %broadcast_in_dim3A_1405 = vector.shape_cast %reduce_min3A_1404 : vector<10xi32> to vector<10x1xi32>
    %eq3A_1406 = vector.broadcast %broadcast_in_dim3A_1405 : vector<10x1xi32> to vector<10x1024xi32>
    %eq3A_1407 = arith.cmpi eq, %iota3A, %eq3A_1406 : vector<10x1024xi32>
    %jit3A_1408 = arith.constant 0 : i32
    %broadcast_in_dim3A_1409 = vector.broadcast %jit3A_1408 : i32 to vector<10x1024xi32>
    %select_n3A_1410 = arith.select %eq3A_1407, %get3A_4, %broadcast_in_dim3A_1409 : vector<10x1024xi1>, vector<10x1024xi32>
    %reduce_sum3A_1411 = arith.constant dense<0> : vector<10xi32>
    %reduce_sum3A_1412 = vector.multi_reduction <add>, %select_n3A_1410, %reduce_sum3A_1411 [1] : vector<10x1024xi32> to vector<10xi32>
    %broadcast_in_dim3A_1413 = vector.shape_cast %reduce_sum3A_1412 : vector<10xi32> to vector<10x1xi32>
    %eq3A_1414 = arith.constant 45 : i32
    %eq3A_1415 = vector.broadcast %eq3A_1414 : i32 to vector<10x128xi32>
    %eq3A_1416 = arith.cmpi eq, %iota3A_5, %eq3A_1415 : vector<10x128xi32>
    %jit3A_1417 = arith.constant 0 : i32
    %broadcast_in_dim3A_1418 = vector.shape_cast %broadcast_in_dim3A_1413 : vector<10x1xi32> to vector<10x1xi32>
    %broadcast_in_dim3A_1419 = vector.broadcast %broadcast_in_dim3A_1418 : vector<10x1xi32> to vector<10x128xi32>
    %broadcast_in_dim3A_1420 = vector.broadcast %jit3A_1417 : i32 to vector<10x128xi32>
    %select_n3A_1421 = arith.select %eq3A_1416, %broadcast_in_dim3A_1419, %broadcast_in_dim3A_1420 : vector<10x128xi1>, vector<10x128xi32>
    %add3A_1422 = arith.addi %add3A_1391, %select_n3A_1421 : vector<10x128xi32>
    %jit3A_1423 = arith.constant -1.000000e+30 : f32
    %broadcast_in_dim3A_1424 = vector.broadcast %jit3A_1423 : f32 to vector<10x1024xf32>
    %select_n3A_1425 = arith.select %eq3A_1407, %broadcast_in_dim3A_1424, %select_n3A_1394 : vector<10x1024xi1>, vector<10x1024xf32>
    %reduce_max3A_1426 = arith.constant dense<0xFF800000> : vector<10xf32>
    %reduce_max3A_1427 = vector.multi_reduction <maximumf>, %select_n3A_1425, %reduce_max3A_1426 [1] : vector<10x1024xf32> to vector<10xf32>
    %broadcast_in_dim3A_1428 = vector.shape_cast %reduce_max3A_1427 : vector<10xf32> to vector<10x1xf32>
    %eq3A_1429 = vector.broadcast %broadcast_in_dim3A_1428 : vector<10x1xf32> to vector<10x1024xf32>
    %eq3A_1430 = arith.cmpf oeq, %select_n3A_1425, %eq3A_1429 : vector<10x1024xf32>
    %jit3A_1431 = arith.constant 1073741824 : i32
    %broadcast_in_dim3A_1432 = vector.broadcast %jit3A_1431 : i32 to vector<10x1024xi32>
    %select_n3A_1433 = arith.select %eq3A_1430, %iota3A, %broadcast_in_dim3A_1432 : vector<10x1024xi1>, vector<10x1024xi32>
    %reduce_min3A_1434 = arith.constant dense<2147483647> : vector<10xi32>
    %reduce_min3A_1435 = vector.multi_reduction <minsi>, %select_n3A_1433, %reduce_min3A_1434 [1] : vector<10x1024xi32> to vector<10xi32>
    %broadcast_in_dim3A_1436 = vector.shape_cast %reduce_min3A_1435 : vector<10xi32> to vector<10x1xi32>
    %eq3A_1437 = vector.broadcast %broadcast_in_dim3A_1436 : vector<10x1xi32> to vector<10x1024xi32>
    %eq3A_1438 = arith.cmpi eq, %iota3A, %eq3A_1437 : vector<10x1024xi32>
    %jit3A_1439 = arith.constant 0 : i32
    %broadcast_in_dim3A_1440 = vector.broadcast %jit3A_1439 : i32 to vector<10x1024xi32>
    %select_n3A_1441 = arith.select %eq3A_1438, %get3A_4, %broadcast_in_dim3A_1440 : vector<10x1024xi1>, vector<10x1024xi32>
    %reduce_sum3A_1442 = arith.constant dense<0> : vector<10xi32>
    %reduce_sum3A_1443 = vector.multi_reduction <add>, %select_n3A_1441, %reduce_sum3A_1442 [1] : vector<10x1024xi32> to vector<10xi32>
    %broadcast_in_dim3A_1444 = vector.shape_cast %reduce_sum3A_1443 : vector<10xi32> to vector<10x1xi32>
    %eq3A_1445 = arith.constant 46 : i32
    %eq3A_1446 = vector.broadcast %eq3A_1445 : i32 to vector<10x128xi32>
    %eq3A_1447 = arith.cmpi eq, %iota3A_5, %eq3A_1446 : vector<10x128xi32>
    %jit3A_1448 = arith.constant 0 : i32
    %broadcast_in_dim3A_1449 = vector.shape_cast %broadcast_in_dim3A_1444 : vector<10x1xi32> to vector<10x1xi32>
    %broadcast_in_dim3A_1450 = vector.broadcast %broadcast_in_dim3A_1449 : vector<10x1xi32> to vector<10x128xi32>
    %broadcast_in_dim3A_1451 = vector.broadcast %jit3A_1448 : i32 to vector<10x128xi32>
    %select_n3A_1452 = arith.select %eq3A_1447, %broadcast_in_dim3A_1450, %broadcast_in_dim3A_1451 : vector<10x128xi1>, vector<10x128xi32>
    %add3A_1453 = arith.addi %add3A_1422, %select_n3A_1452 : vector<10x128xi32>
    %jit3A_1454 = arith.constant -1.000000e+30 : f32
    %broadcast_in_dim3A_1455 = vector.broadcast %jit3A_1454 : f32 to vector<10x1024xf32>
    %select_n3A_1456 = arith.select %eq3A_1438, %broadcast_in_dim3A_1455, %select_n3A_1425 : vector<10x1024xi1>, vector<10x1024xf32>
    %reduce_max3A_1457 = arith.constant dense<0xFF800000> : vector<10xf32>
    %reduce_max3A_1458 = vector.multi_reduction <maximumf>, %select_n3A_1456, %reduce_max3A_1457 [1] : vector<10x1024xf32> to vector<10xf32>
    %broadcast_in_dim3A_1459 = vector.shape_cast %reduce_max3A_1458 : vector<10xf32> to vector<10x1xf32>
    %eq3A_1460 = vector.broadcast %broadcast_in_dim3A_1459 : vector<10x1xf32> to vector<10x1024xf32>
    %eq3A_1461 = arith.cmpf oeq, %select_n3A_1456, %eq3A_1460 : vector<10x1024xf32>
    %jit3A_1462 = arith.constant 1073741824 : i32
    %broadcast_in_dim3A_1463 = vector.broadcast %jit3A_1462 : i32 to vector<10x1024xi32>
    %select_n3A_1464 = arith.select %eq3A_1461, %iota3A, %broadcast_in_dim3A_1463 : vector<10x1024xi1>, vector<10x1024xi32>
    %reduce_min3A_1465 = arith.constant dense<2147483647> : vector<10xi32>
    %reduce_min3A_1466 = vector.multi_reduction <minsi>, %select_n3A_1464, %reduce_min3A_1465 [1] : vector<10x1024xi32> to vector<10xi32>
    %broadcast_in_dim3A_1467 = vector.shape_cast %reduce_min3A_1466 : vector<10xi32> to vector<10x1xi32>
    %eq3A_1468 = vector.broadcast %broadcast_in_dim3A_1467 : vector<10x1xi32> to vector<10x1024xi32>
    %eq3A_1469 = arith.cmpi eq, %iota3A, %eq3A_1468 : vector<10x1024xi32>
    %jit3A_1470 = arith.constant 0 : i32
    %broadcast_in_dim3A_1471 = vector.broadcast %jit3A_1470 : i32 to vector<10x1024xi32>
    %select_n3A_1472 = arith.select %eq3A_1469, %get3A_4, %broadcast_in_dim3A_1471 : vector<10x1024xi1>, vector<10x1024xi32>
    %reduce_sum3A_1473 = arith.constant dense<0> : vector<10xi32>
    %reduce_sum3A_1474 = vector.multi_reduction <add>, %select_n3A_1472, %reduce_sum3A_1473 [1] : vector<10x1024xi32> to vector<10xi32>
    %broadcast_in_dim3A_1475 = vector.shape_cast %reduce_sum3A_1474 : vector<10xi32> to vector<10x1xi32>
    %eq3A_1476 = arith.constant 47 : i32
    %eq3A_1477 = vector.broadcast %eq3A_1476 : i32 to vector<10x128xi32>
    %eq3A_1478 = arith.cmpi eq, %iota3A_5, %eq3A_1477 : vector<10x128xi32>
    %jit3A_1479 = arith.constant 0 : i32
    %broadcast_in_dim3A_1480 = vector.shape_cast %broadcast_in_dim3A_1475 : vector<10x1xi32> to vector<10x1xi32>
    %broadcast_in_dim3A_1481 = vector.broadcast %broadcast_in_dim3A_1480 : vector<10x1xi32> to vector<10x128xi32>
    %broadcast_in_dim3A_1482 = vector.broadcast %jit3A_1479 : i32 to vector<10x128xi32>
    %select_n3A_1483 = arith.select %eq3A_1478, %broadcast_in_dim3A_1481, %broadcast_in_dim3A_1482 : vector<10x128xi1>, vector<10x128xi32>
    %add3A_1484 = arith.addi %add3A_1453, %select_n3A_1483 : vector<10x128xi32>
    %jit3A_1485 = arith.constant -1.000000e+30 : f32
    %broadcast_in_dim3A_1486 = vector.broadcast %jit3A_1485 : f32 to vector<10x1024xf32>
    %select_n3A_1487 = arith.select %eq3A_1469, %broadcast_in_dim3A_1486, %select_n3A_1456 : vector<10x1024xi1>, vector<10x1024xf32>
    %reduce_max3A_1488 = arith.constant dense<0xFF800000> : vector<10xf32>
    %reduce_max3A_1489 = vector.multi_reduction <maximumf>, %select_n3A_1487, %reduce_max3A_1488 [1] : vector<10x1024xf32> to vector<10xf32>
    %broadcast_in_dim3A_1490 = vector.shape_cast %reduce_max3A_1489 : vector<10xf32> to vector<10x1xf32>
    %eq3A_1491 = vector.broadcast %broadcast_in_dim3A_1490 : vector<10x1xf32> to vector<10x1024xf32>
    %eq3A_1492 = arith.cmpf oeq, %select_n3A_1487, %eq3A_1491 : vector<10x1024xf32>
    %jit3A_1493 = arith.constant 1073741824 : i32
    %broadcast_in_dim3A_1494 = vector.broadcast %jit3A_1493 : i32 to vector<10x1024xi32>
    %select_n3A_1495 = arith.select %eq3A_1492, %iota3A, %broadcast_in_dim3A_1494 : vector<10x1024xi1>, vector<10x1024xi32>
    %reduce_min3A_1496 = arith.constant dense<2147483647> : vector<10xi32>
    %reduce_min3A_1497 = vector.multi_reduction <minsi>, %select_n3A_1495, %reduce_min3A_1496 [1] : vector<10x1024xi32> to vector<10xi32>
    %broadcast_in_dim3A_1498 = vector.shape_cast %reduce_min3A_1497 : vector<10xi32> to vector<10x1xi32>
    %eq3A_1499 = vector.broadcast %broadcast_in_dim3A_1498 : vector<10x1xi32> to vector<10x1024xi32>
    %eq3A_1500 = arith.cmpi eq, %iota3A, %eq3A_1499 : vector<10x1024xi32>
    %jit3A_1501 = arith.constant 0 : i32
    %broadcast_in_dim3A_1502 = vector.broadcast %jit3A_1501 : i32 to vector<10x1024xi32>
    %select_n3A_1503 = arith.select %eq3A_1500, %get3A_4, %broadcast_in_dim3A_1502 : vector<10x1024xi1>, vector<10x1024xi32>
    %reduce_sum3A_1504 = arith.constant dense<0> : vector<10xi32>
    %reduce_sum3A_1505 = vector.multi_reduction <add>, %select_n3A_1503, %reduce_sum3A_1504 [1] : vector<10x1024xi32> to vector<10xi32>
    %broadcast_in_dim3A_1506 = vector.shape_cast %reduce_sum3A_1505 : vector<10xi32> to vector<10x1xi32>
    %eq3A_1507 = arith.constant 48 : i32
    %eq3A_1508 = vector.broadcast %eq3A_1507 : i32 to vector<10x128xi32>
    %eq3A_1509 = arith.cmpi eq, %iota3A_5, %eq3A_1508 : vector<10x128xi32>
    %jit3A_1510 = arith.constant 0 : i32
    %broadcast_in_dim3A_1511 = vector.shape_cast %broadcast_in_dim3A_1506 : vector<10x1xi32> to vector<10x1xi32>
    %broadcast_in_dim3A_1512 = vector.broadcast %broadcast_in_dim3A_1511 : vector<10x1xi32> to vector<10x128xi32>
    %broadcast_in_dim3A_1513 = vector.broadcast %jit3A_1510 : i32 to vector<10x128xi32>
    %select_n3A_1514 = arith.select %eq3A_1509, %broadcast_in_dim3A_1512, %broadcast_in_dim3A_1513 : vector<10x128xi1>, vector<10x128xi32>
    %add3A_1515 = arith.addi %add3A_1484, %select_n3A_1514 : vector<10x128xi32>
    %jit3A_1516 = arith.constant -1.000000e+30 : f32
    %broadcast_in_dim3A_1517 = vector.broadcast %jit3A_1516 : f32 to vector<10x1024xf32>
    %select_n3A_1518 = arith.select %eq3A_1500, %broadcast_in_dim3A_1517, %select_n3A_1487 : vector<10x1024xi1>, vector<10x1024xf32>
    %reduce_max3A_1519 = arith.constant dense<0xFF800000> : vector<10xf32>
    %reduce_max3A_1520 = vector.multi_reduction <maximumf>, %select_n3A_1518, %reduce_max3A_1519 [1] : vector<10x1024xf32> to vector<10xf32>
    %broadcast_in_dim3A_1521 = vector.shape_cast %reduce_max3A_1520 : vector<10xf32> to vector<10x1xf32>
    %eq3A_1522 = vector.broadcast %broadcast_in_dim3A_1521 : vector<10x1xf32> to vector<10x1024xf32>
    %eq3A_1523 = arith.cmpf oeq, %select_n3A_1518, %eq3A_1522 : vector<10x1024xf32>
    %jit3A_1524 = arith.constant 1073741824 : i32
    %broadcast_in_dim3A_1525 = vector.broadcast %jit3A_1524 : i32 to vector<10x1024xi32>
    %select_n3A_1526 = arith.select %eq3A_1523, %iota3A, %broadcast_in_dim3A_1525 : vector<10x1024xi1>, vector<10x1024xi32>
    %reduce_min3A_1527 = arith.constant dense<2147483647> : vector<10xi32>
    %reduce_min3A_1528 = vector.multi_reduction <minsi>, %select_n3A_1526, %reduce_min3A_1527 [1] : vector<10x1024xi32> to vector<10xi32>
    %broadcast_in_dim3A_1529 = vector.shape_cast %reduce_min3A_1528 : vector<10xi32> to vector<10x1xi32>
    %eq3A_1530 = vector.broadcast %broadcast_in_dim3A_1529 : vector<10x1xi32> to vector<10x1024xi32>
    %eq3A_1531 = arith.cmpi eq, %iota3A, %eq3A_1530 : vector<10x1024xi32>
    %jit3A_1532 = arith.constant 0 : i32
    %broadcast_in_dim3A_1533 = vector.broadcast %jit3A_1532 : i32 to vector<10x1024xi32>
    %select_n3A_1534 = arith.select %eq3A_1531, %get3A_4, %broadcast_in_dim3A_1533 : vector<10x1024xi1>, vector<10x1024xi32>
    %reduce_sum3A_1535 = arith.constant dense<0> : vector<10xi32>
    %reduce_sum3A_1536 = vector.multi_reduction <add>, %select_n3A_1534, %reduce_sum3A_1535 [1] : vector<10x1024xi32> to vector<10xi32>
    %broadcast_in_dim3A_1537 = vector.shape_cast %reduce_sum3A_1536 : vector<10xi32> to vector<10x1xi32>
    %eq3A_1538 = arith.constant 49 : i32
    %eq3A_1539 = vector.broadcast %eq3A_1538 : i32 to vector<10x128xi32>
    %eq3A_1540 = arith.cmpi eq, %iota3A_5, %eq3A_1539 : vector<10x128xi32>
    %jit3A_1541 = arith.constant 0 : i32
    %broadcast_in_dim3A_1542 = vector.shape_cast %broadcast_in_dim3A_1537 : vector<10x1xi32> to vector<10x1xi32>
    %broadcast_in_dim3A_1543 = vector.broadcast %broadcast_in_dim3A_1542 : vector<10x1xi32> to vector<10x128xi32>
    %broadcast_in_dim3A_1544 = vector.broadcast %jit3A_1541 : i32 to vector<10x128xi32>
    %select_n3A_1545 = arith.select %eq3A_1540, %broadcast_in_dim3A_1543, %broadcast_in_dim3A_1544 : vector<10x128xi1>, vector<10x128xi32>
    %add3A_1546 = arith.addi %add3A_1515, %select_n3A_1545 : vector<10x128xi32>
    %jit3A_1547 = arith.constant -1.000000e+30 : f32
    %broadcast_in_dim3A_1548 = vector.broadcast %jit3A_1547 : f32 to vector<10x1024xf32>
    %select_n3A_1549 = arith.select %eq3A_1531, %broadcast_in_dim3A_1548, %select_n3A_1518 : vector<10x1024xi1>, vector<10x1024xf32>
    %reduce_max3A_1550 = arith.constant dense<0xFF800000> : vector<10xf32>
    %reduce_max3A_1551 = vector.multi_reduction <maximumf>, %select_n3A_1549, %reduce_max3A_1550 [1] : vector<10x1024xf32> to vector<10xf32>
    %broadcast_in_dim3A_1552 = vector.shape_cast %reduce_max3A_1551 : vector<10xf32> to vector<10x1xf32>
    %eq3A_1553 = vector.broadcast %broadcast_in_dim3A_1552 : vector<10x1xf32> to vector<10x1024xf32>
    %eq3A_1554 = arith.cmpf oeq, %select_n3A_1549, %eq3A_1553 : vector<10x1024xf32>
    %jit3A_1555 = arith.constant 1073741824 : i32
    %broadcast_in_dim3A_1556 = vector.broadcast %jit3A_1555 : i32 to vector<10x1024xi32>
    %select_n3A_1557 = arith.select %eq3A_1554, %iota3A, %broadcast_in_dim3A_1556 : vector<10x1024xi1>, vector<10x1024xi32>
    %reduce_min3A_1558 = arith.constant dense<2147483647> : vector<10xi32>
    %reduce_min3A_1559 = vector.multi_reduction <minsi>, %select_n3A_1557, %reduce_min3A_1558 [1] : vector<10x1024xi32> to vector<10xi32>
    %broadcast_in_dim3A_1560 = vector.shape_cast %reduce_min3A_1559 : vector<10xi32> to vector<10x1xi32>
    %eq3A_1561 = vector.broadcast %broadcast_in_dim3A_1560 : vector<10x1xi32> to vector<10x1024xi32>
    %eq3A_1562 = arith.cmpi eq, %iota3A, %eq3A_1561 : vector<10x1024xi32>
    %jit3A_1563 = arith.constant 0 : i32
    %broadcast_in_dim3A_1564 = vector.broadcast %jit3A_1563 : i32 to vector<10x1024xi32>
    %select_n3A_1565 = arith.select %eq3A_1562, %get3A_4, %broadcast_in_dim3A_1564 : vector<10x1024xi1>, vector<10x1024xi32>
    %reduce_sum3A_1566 = arith.constant dense<0> : vector<10xi32>
    %reduce_sum3A_1567 = vector.multi_reduction <add>, %select_n3A_1565, %reduce_sum3A_1566 [1] : vector<10x1024xi32> to vector<10xi32>
    %broadcast_in_dim3A_1568 = vector.shape_cast %reduce_sum3A_1567 : vector<10xi32> to vector<10x1xi32>
    %eq3A_1569 = arith.constant 50 : i32
    %eq3A_1570 = vector.broadcast %eq3A_1569 : i32 to vector<10x128xi32>
    %eq3A_1571 = arith.cmpi eq, %iota3A_5, %eq3A_1570 : vector<10x128xi32>
    %jit3A_1572 = arith.constant 0 : i32
    %broadcast_in_dim3A_1573 = vector.shape_cast %broadcast_in_dim3A_1568 : vector<10x1xi32> to vector<10x1xi32>
    %broadcast_in_dim3A_1574 = vector.broadcast %broadcast_in_dim3A_1573 : vector<10x1xi32> to vector<10x128xi32>
    %broadcast_in_dim3A_1575 = vector.broadcast %jit3A_1572 : i32 to vector<10x128xi32>
    %select_n3A_1576 = arith.select %eq3A_1571, %broadcast_in_dim3A_1574, %broadcast_in_dim3A_1575 : vector<10x128xi1>, vector<10x128xi32>
    %add3A_1577 = arith.addi %add3A_1546, %select_n3A_1576 : vector<10x128xi32>
    %jit3A_1578 = arith.constant -1.000000e+30 : f32
    %broadcast_in_dim3A_1579 = vector.broadcast %jit3A_1578 : f32 to vector<10x1024xf32>
    %select_n3A_1580 = arith.select %eq3A_1562, %broadcast_in_dim3A_1579, %select_n3A_1549 : vector<10x1024xi1>, vector<10x1024xf32>
    %reduce_max3A_1581 = arith.constant dense<0xFF800000> : vector<10xf32>
    %reduce_max3A_1582 = vector.multi_reduction <maximumf>, %select_n3A_1580, %reduce_max3A_1581 [1] : vector<10x1024xf32> to vector<10xf32>
    %broadcast_in_dim3A_1583 = vector.shape_cast %reduce_max3A_1582 : vector<10xf32> to vector<10x1xf32>
    %eq3A_1584 = vector.broadcast %broadcast_in_dim3A_1583 : vector<10x1xf32> to vector<10x1024xf32>
    %eq3A_1585 = arith.cmpf oeq, %select_n3A_1580, %eq3A_1584 : vector<10x1024xf32>
    %jit3A_1586 = arith.constant 1073741824 : i32
    %broadcast_in_dim3A_1587 = vector.broadcast %jit3A_1586 : i32 to vector<10x1024xi32>
    %select_n3A_1588 = arith.select %eq3A_1585, %iota3A, %broadcast_in_dim3A_1587 : vector<10x1024xi1>, vector<10x1024xi32>
    %reduce_min3A_1589 = arith.constant dense<2147483647> : vector<10xi32>
    %reduce_min3A_1590 = vector.multi_reduction <minsi>, %select_n3A_1588, %reduce_min3A_1589 [1] : vector<10x1024xi32> to vector<10xi32>
    %broadcast_in_dim3A_1591 = vector.shape_cast %reduce_min3A_1590 : vector<10xi32> to vector<10x1xi32>
    %eq3A_1592 = vector.broadcast %broadcast_in_dim3A_1591 : vector<10x1xi32> to vector<10x1024xi32>
    %eq3A_1593 = arith.cmpi eq, %iota3A, %eq3A_1592 : vector<10x1024xi32>
    %jit3A_1594 = arith.constant 0 : i32
    %broadcast_in_dim3A_1595 = vector.broadcast %jit3A_1594 : i32 to vector<10x1024xi32>
    %select_n3A_1596 = arith.select %eq3A_1593, %get3A_4, %broadcast_in_dim3A_1595 : vector<10x1024xi1>, vector<10x1024xi32>
    %reduce_sum3A_1597 = arith.constant dense<0> : vector<10xi32>
    %reduce_sum3A_1598 = vector.multi_reduction <add>, %select_n3A_1596, %reduce_sum3A_1597 [1] : vector<10x1024xi32> to vector<10xi32>
    %broadcast_in_dim3A_1599 = vector.shape_cast %reduce_sum3A_1598 : vector<10xi32> to vector<10x1xi32>
    %eq3A_1600 = arith.constant 51 : i32
    %eq3A_1601 = vector.broadcast %eq3A_1600 : i32 to vector<10x128xi32>
    %eq3A_1602 = arith.cmpi eq, %iota3A_5, %eq3A_1601 : vector<10x128xi32>
    %jit3A_1603 = arith.constant 0 : i32
    %broadcast_in_dim3A_1604 = vector.shape_cast %broadcast_in_dim3A_1599 : vector<10x1xi32> to vector<10x1xi32>
    %broadcast_in_dim3A_1605 = vector.broadcast %broadcast_in_dim3A_1604 : vector<10x1xi32> to vector<10x128xi32>
    %broadcast_in_dim3A_1606 = vector.broadcast %jit3A_1603 : i32 to vector<10x128xi32>
    %select_n3A_1607 = arith.select %eq3A_1602, %broadcast_in_dim3A_1605, %broadcast_in_dim3A_1606 : vector<10x128xi1>, vector<10x128xi32>
    %add3A_1608 = arith.addi %add3A_1577, %select_n3A_1607 : vector<10x128xi32>
    %jit3A_1609 = arith.constant -1.000000e+30 : f32
    %broadcast_in_dim3A_1610 = vector.broadcast %jit3A_1609 : f32 to vector<10x1024xf32>
    %select_n3A_1611 = arith.select %eq3A_1593, %broadcast_in_dim3A_1610, %select_n3A_1580 : vector<10x1024xi1>, vector<10x1024xf32>
    %reduce_max3A_1612 = arith.constant dense<0xFF800000> : vector<10xf32>
    %reduce_max3A_1613 = vector.multi_reduction <maximumf>, %select_n3A_1611, %reduce_max3A_1612 [1] : vector<10x1024xf32> to vector<10xf32>
    %broadcast_in_dim3A_1614 = vector.shape_cast %reduce_max3A_1613 : vector<10xf32> to vector<10x1xf32>
    %eq3A_1615 = vector.broadcast %broadcast_in_dim3A_1614 : vector<10x1xf32> to vector<10x1024xf32>
    %eq3A_1616 = arith.cmpf oeq, %select_n3A_1611, %eq3A_1615 : vector<10x1024xf32>
    %jit3A_1617 = arith.constant 1073741824 : i32
    %broadcast_in_dim3A_1618 = vector.broadcast %jit3A_1617 : i32 to vector<10x1024xi32>
    %select_n3A_1619 = arith.select %eq3A_1616, %iota3A, %broadcast_in_dim3A_1618 : vector<10x1024xi1>, vector<10x1024xi32>
    %reduce_min3A_1620 = arith.constant dense<2147483647> : vector<10xi32>
    %reduce_min3A_1621 = vector.multi_reduction <minsi>, %select_n3A_1619, %reduce_min3A_1620 [1] : vector<10x1024xi32> to vector<10xi32>
    %broadcast_in_dim3A_1622 = vector.shape_cast %reduce_min3A_1621 : vector<10xi32> to vector<10x1xi32>
    %eq3A_1623 = vector.broadcast %broadcast_in_dim3A_1622 : vector<10x1xi32> to vector<10x1024xi32>
    %eq3A_1624 = arith.cmpi eq, %iota3A, %eq3A_1623 : vector<10x1024xi32>
    %jit3A_1625 = arith.constant 0 : i32
    %broadcast_in_dim3A_1626 = vector.broadcast %jit3A_1625 : i32 to vector<10x1024xi32>
    %select_n3A_1627 = arith.select %eq3A_1624, %get3A_4, %broadcast_in_dim3A_1626 : vector<10x1024xi1>, vector<10x1024xi32>
    %reduce_sum3A_1628 = arith.constant dense<0> : vector<10xi32>
    %reduce_sum3A_1629 = vector.multi_reduction <add>, %select_n3A_1627, %reduce_sum3A_1628 [1] : vector<10x1024xi32> to vector<10xi32>
    %broadcast_in_dim3A_1630 = vector.shape_cast %reduce_sum3A_1629 : vector<10xi32> to vector<10x1xi32>
    %eq3A_1631 = arith.constant 52 : i32
    %eq3A_1632 = vector.broadcast %eq3A_1631 : i32 to vector<10x128xi32>
    %eq3A_1633 = arith.cmpi eq, %iota3A_5, %eq3A_1632 : vector<10x128xi32>
    %jit3A_1634 = arith.constant 0 : i32
    %broadcast_in_dim3A_1635 = vector.shape_cast %broadcast_in_dim3A_1630 : vector<10x1xi32> to vector<10x1xi32>
    %broadcast_in_dim3A_1636 = vector.broadcast %broadcast_in_dim3A_1635 : vector<10x1xi32> to vector<10x128xi32>
    %broadcast_in_dim3A_1637 = vector.broadcast %jit3A_1634 : i32 to vector<10x128xi32>
    %select_n3A_1638 = arith.select %eq3A_1633, %broadcast_in_dim3A_1636, %broadcast_in_dim3A_1637 : vector<10x128xi1>, vector<10x128xi32>
    %add3A_1639 = arith.addi %add3A_1608, %select_n3A_1638 : vector<10x128xi32>
    %jit3A_1640 = arith.constant -1.000000e+30 : f32
    %broadcast_in_dim3A_1641 = vector.broadcast %jit3A_1640 : f32 to vector<10x1024xf32>
    %select_n3A_1642 = arith.select %eq3A_1624, %broadcast_in_dim3A_1641, %select_n3A_1611 : vector<10x1024xi1>, vector<10x1024xf32>
    %reduce_max3A_1643 = arith.constant dense<0xFF800000> : vector<10xf32>
    %reduce_max3A_1644 = vector.multi_reduction <maximumf>, %select_n3A_1642, %reduce_max3A_1643 [1] : vector<10x1024xf32> to vector<10xf32>
    %broadcast_in_dim3A_1645 = vector.shape_cast %reduce_max3A_1644 : vector<10xf32> to vector<10x1xf32>
    %eq3A_1646 = vector.broadcast %broadcast_in_dim3A_1645 : vector<10x1xf32> to vector<10x1024xf32>
    %eq3A_1647 = arith.cmpf oeq, %select_n3A_1642, %eq3A_1646 : vector<10x1024xf32>
    %jit3A_1648 = arith.constant 1073741824 : i32
    %broadcast_in_dim3A_1649 = vector.broadcast %jit3A_1648 : i32 to vector<10x1024xi32>
    %select_n3A_1650 = arith.select %eq3A_1647, %iota3A, %broadcast_in_dim3A_1649 : vector<10x1024xi1>, vector<10x1024xi32>
    %reduce_min3A_1651 = arith.constant dense<2147483647> : vector<10xi32>
    %reduce_min3A_1652 = vector.multi_reduction <minsi>, %select_n3A_1650, %reduce_min3A_1651 [1] : vector<10x1024xi32> to vector<10xi32>
    %broadcast_in_dim3A_1653 = vector.shape_cast %reduce_min3A_1652 : vector<10xi32> to vector<10x1xi32>
    %eq3A_1654 = vector.broadcast %broadcast_in_dim3A_1653 : vector<10x1xi32> to vector<10x1024xi32>
    %eq3A_1655 = arith.cmpi eq, %iota3A, %eq3A_1654 : vector<10x1024xi32>
    %jit3A_1656 = arith.constant 0 : i32
    %broadcast_in_dim3A_1657 = vector.broadcast %jit3A_1656 : i32 to vector<10x1024xi32>
    %select_n3A_1658 = arith.select %eq3A_1655, %get3A_4, %broadcast_in_dim3A_1657 : vector<10x1024xi1>, vector<10x1024xi32>
    %reduce_sum3A_1659 = arith.constant dense<0> : vector<10xi32>
    %reduce_sum3A_1660 = vector.multi_reduction <add>, %select_n3A_1658, %reduce_sum3A_1659 [1] : vector<10x1024xi32> to vector<10xi32>
    %broadcast_in_dim3A_1661 = vector.shape_cast %reduce_sum3A_1660 : vector<10xi32> to vector<10x1xi32>
    %eq3A_1662 = arith.constant 53 : i32
    %eq3A_1663 = vector.broadcast %eq3A_1662 : i32 to vector<10x128xi32>
    %eq3A_1664 = arith.cmpi eq, %iota3A_5, %eq3A_1663 : vector<10x128xi32>
    %jit3A_1665 = arith.constant 0 : i32
    %broadcast_in_dim3A_1666 = vector.shape_cast %broadcast_in_dim3A_1661 : vector<10x1xi32> to vector<10x1xi32>
    %broadcast_in_dim3A_1667 = vector.broadcast %broadcast_in_dim3A_1666 : vector<10x1xi32> to vector<10x128xi32>
    %broadcast_in_dim3A_1668 = vector.broadcast %jit3A_1665 : i32 to vector<10x128xi32>
    %select_n3A_1669 = arith.select %eq3A_1664, %broadcast_in_dim3A_1667, %broadcast_in_dim3A_1668 : vector<10x128xi1>, vector<10x128xi32>
    %add3A_1670 = arith.addi %add3A_1639, %select_n3A_1669 : vector<10x128xi32>
    %jit3A_1671 = arith.constant -1.000000e+30 : f32
    %broadcast_in_dim3A_1672 = vector.broadcast %jit3A_1671 : f32 to vector<10x1024xf32>
    %select_n3A_1673 = arith.select %eq3A_1655, %broadcast_in_dim3A_1672, %select_n3A_1642 : vector<10x1024xi1>, vector<10x1024xf32>
    %reduce_max3A_1674 = arith.constant dense<0xFF800000> : vector<10xf32>
    %reduce_max3A_1675 = vector.multi_reduction <maximumf>, %select_n3A_1673, %reduce_max3A_1674 [1] : vector<10x1024xf32> to vector<10xf32>
    %broadcast_in_dim3A_1676 = vector.shape_cast %reduce_max3A_1675 : vector<10xf32> to vector<10x1xf32>
    %eq3A_1677 = vector.broadcast %broadcast_in_dim3A_1676 : vector<10x1xf32> to vector<10x1024xf32>
    %eq3A_1678 = arith.cmpf oeq, %select_n3A_1673, %eq3A_1677 : vector<10x1024xf32>
    %jit3A_1679 = arith.constant 1073741824 : i32
    %broadcast_in_dim3A_1680 = vector.broadcast %jit3A_1679 : i32 to vector<10x1024xi32>
    %select_n3A_1681 = arith.select %eq3A_1678, %iota3A, %broadcast_in_dim3A_1680 : vector<10x1024xi1>, vector<10x1024xi32>
    %reduce_min3A_1682 = arith.constant dense<2147483647> : vector<10xi32>
    %reduce_min3A_1683 = vector.multi_reduction <minsi>, %select_n3A_1681, %reduce_min3A_1682 [1] : vector<10x1024xi32> to vector<10xi32>
    %broadcast_in_dim3A_1684 = vector.shape_cast %reduce_min3A_1683 : vector<10xi32> to vector<10x1xi32>
    %eq3A_1685 = vector.broadcast %broadcast_in_dim3A_1684 : vector<10x1xi32> to vector<10x1024xi32>
    %eq3A_1686 = arith.cmpi eq, %iota3A, %eq3A_1685 : vector<10x1024xi32>
    %jit3A_1687 = arith.constant 0 : i32
    %broadcast_in_dim3A_1688 = vector.broadcast %jit3A_1687 : i32 to vector<10x1024xi32>
    %select_n3A_1689 = arith.select %eq3A_1686, %get3A_4, %broadcast_in_dim3A_1688 : vector<10x1024xi1>, vector<10x1024xi32>
    %reduce_sum3A_1690 = arith.constant dense<0> : vector<10xi32>
    %reduce_sum3A_1691 = vector.multi_reduction <add>, %select_n3A_1689, %reduce_sum3A_1690 [1] : vector<10x1024xi32> to vector<10xi32>
    %broadcast_in_dim3A_1692 = vector.shape_cast %reduce_sum3A_1691 : vector<10xi32> to vector<10x1xi32>
    %eq3A_1693 = arith.constant 54 : i32
    %eq3A_1694 = vector.broadcast %eq3A_1693 : i32 to vector<10x128xi32>
    %eq3A_1695 = arith.cmpi eq, %iota3A_5, %eq3A_1694 : vector<10x128xi32>
    %jit3A_1696 = arith.constant 0 : i32
    %broadcast_in_dim3A_1697 = vector.shape_cast %broadcast_in_dim3A_1692 : vector<10x1xi32> to vector<10x1xi32>
    %broadcast_in_dim3A_1698 = vector.broadcast %broadcast_in_dim3A_1697 : vector<10x1xi32> to vector<10x128xi32>
    %broadcast_in_dim3A_1699 = vector.broadcast %jit3A_1696 : i32 to vector<10x128xi32>
    %select_n3A_1700 = arith.select %eq3A_1695, %broadcast_in_dim3A_1698, %broadcast_in_dim3A_1699 : vector<10x128xi1>, vector<10x128xi32>
    %add3A_1701 = arith.addi %add3A_1670, %select_n3A_1700 : vector<10x128xi32>
    %jit3A_1702 = arith.constant -1.000000e+30 : f32
    %broadcast_in_dim3A_1703 = vector.broadcast %jit3A_1702 : f32 to vector<10x1024xf32>
    %select_n3A_1704 = arith.select %eq3A_1686, %broadcast_in_dim3A_1703, %select_n3A_1673 : vector<10x1024xi1>, vector<10x1024xf32>
    %reduce_max3A_1705 = arith.constant dense<0xFF800000> : vector<10xf32>
    %reduce_max3A_1706 = vector.multi_reduction <maximumf>, %select_n3A_1704, %reduce_max3A_1705 [1] : vector<10x1024xf32> to vector<10xf32>
    %broadcast_in_dim3A_1707 = vector.shape_cast %reduce_max3A_1706 : vector<10xf32> to vector<10x1xf32>
    %eq3A_1708 = vector.broadcast %broadcast_in_dim3A_1707 : vector<10x1xf32> to vector<10x1024xf32>
    %eq3A_1709 = arith.cmpf oeq, %select_n3A_1704, %eq3A_1708 : vector<10x1024xf32>
    %jit3A_1710 = arith.constant 1073741824 : i32
    %broadcast_in_dim3A_1711 = vector.broadcast %jit3A_1710 : i32 to vector<10x1024xi32>
    %select_n3A_1712 = arith.select %eq3A_1709, %iota3A, %broadcast_in_dim3A_1711 : vector<10x1024xi1>, vector<10x1024xi32>
    %reduce_min3A_1713 = arith.constant dense<2147483647> : vector<10xi32>
    %reduce_min3A_1714 = vector.multi_reduction <minsi>, %select_n3A_1712, %reduce_min3A_1713 [1] : vector<10x1024xi32> to vector<10xi32>
    %broadcast_in_dim3A_1715 = vector.shape_cast %reduce_min3A_1714 : vector<10xi32> to vector<10x1xi32>
    %eq3A_1716 = vector.broadcast %broadcast_in_dim3A_1715 : vector<10x1xi32> to vector<10x1024xi32>
    %eq3A_1717 = arith.cmpi eq, %iota3A, %eq3A_1716 : vector<10x1024xi32>
    %jit3A_1718 = arith.constant 0 : i32
    %broadcast_in_dim3A_1719 = vector.broadcast %jit3A_1718 : i32 to vector<10x1024xi32>
    %select_n3A_1720 = arith.select %eq3A_1717, %get3A_4, %broadcast_in_dim3A_1719 : vector<10x1024xi1>, vector<10x1024xi32>
    %reduce_sum3A_1721 = arith.constant dense<0> : vector<10xi32>
    %reduce_sum3A_1722 = vector.multi_reduction <add>, %select_n3A_1720, %reduce_sum3A_1721 [1] : vector<10x1024xi32> to vector<10xi32>
    %broadcast_in_dim3A_1723 = vector.shape_cast %reduce_sum3A_1722 : vector<10xi32> to vector<10x1xi32>
    %eq3A_1724 = arith.constant 55 : i32
    %eq3A_1725 = vector.broadcast %eq3A_1724 : i32 to vector<10x128xi32>
    %eq3A_1726 = arith.cmpi eq, %iota3A_5, %eq3A_1725 : vector<10x128xi32>
    %jit3A_1727 = arith.constant 0 : i32
    %broadcast_in_dim3A_1728 = vector.shape_cast %broadcast_in_dim3A_1723 : vector<10x1xi32> to vector<10x1xi32>
    %broadcast_in_dim3A_1729 = vector.broadcast %broadcast_in_dim3A_1728 : vector<10x1xi32> to vector<10x128xi32>
    %broadcast_in_dim3A_1730 = vector.broadcast %jit3A_1727 : i32 to vector<10x128xi32>
    %select_n3A_1731 = arith.select %eq3A_1726, %broadcast_in_dim3A_1729, %broadcast_in_dim3A_1730 : vector<10x128xi1>, vector<10x128xi32>
    %add3A_1732 = arith.addi %add3A_1701, %select_n3A_1731 : vector<10x128xi32>
    %jit3A_1733 = arith.constant -1.000000e+30 : f32
    %broadcast_in_dim3A_1734 = vector.broadcast %jit3A_1733 : f32 to vector<10x1024xf32>
    %select_n3A_1735 = arith.select %eq3A_1717, %broadcast_in_dim3A_1734, %select_n3A_1704 : vector<10x1024xi1>, vector<10x1024xf32>
    %reduce_max3A_1736 = arith.constant dense<0xFF800000> : vector<10xf32>
    %reduce_max3A_1737 = vector.multi_reduction <maximumf>, %select_n3A_1735, %reduce_max3A_1736 [1] : vector<10x1024xf32> to vector<10xf32>
    %broadcast_in_dim3A_1738 = vector.shape_cast %reduce_max3A_1737 : vector<10xf32> to vector<10x1xf32>
    %eq3A_1739 = vector.broadcast %broadcast_in_dim3A_1738 : vector<10x1xf32> to vector<10x1024xf32>
    %eq3A_1740 = arith.cmpf oeq, %select_n3A_1735, %eq3A_1739 : vector<10x1024xf32>
    %jit3A_1741 = arith.constant 1073741824 : i32
    %broadcast_in_dim3A_1742 = vector.broadcast %jit3A_1741 : i32 to vector<10x1024xi32>
    %select_n3A_1743 = arith.select %eq3A_1740, %iota3A, %broadcast_in_dim3A_1742 : vector<10x1024xi1>, vector<10x1024xi32>
    %reduce_min3A_1744 = arith.constant dense<2147483647> : vector<10xi32>
    %reduce_min3A_1745 = vector.multi_reduction <minsi>, %select_n3A_1743, %reduce_min3A_1744 [1] : vector<10x1024xi32> to vector<10xi32>
    %broadcast_in_dim3A_1746 = vector.shape_cast %reduce_min3A_1745 : vector<10xi32> to vector<10x1xi32>
    %eq3A_1747 = vector.broadcast %broadcast_in_dim3A_1746 : vector<10x1xi32> to vector<10x1024xi32>
    %eq3A_1748 = arith.cmpi eq, %iota3A, %eq3A_1747 : vector<10x1024xi32>
    %jit3A_1749 = arith.constant 0 : i32
    %broadcast_in_dim3A_1750 = vector.broadcast %jit3A_1749 : i32 to vector<10x1024xi32>
    %select_n3A_1751 = arith.select %eq3A_1748, %get3A_4, %broadcast_in_dim3A_1750 : vector<10x1024xi1>, vector<10x1024xi32>
    %reduce_sum3A_1752 = arith.constant dense<0> : vector<10xi32>
    %reduce_sum3A_1753 = vector.multi_reduction <add>, %select_n3A_1751, %reduce_sum3A_1752 [1] : vector<10x1024xi32> to vector<10xi32>
    %broadcast_in_dim3A_1754 = vector.shape_cast %reduce_sum3A_1753 : vector<10xi32> to vector<10x1xi32>
    %eq3A_1755 = arith.constant 56 : i32
    %eq3A_1756 = vector.broadcast %eq3A_1755 : i32 to vector<10x128xi32>
    %eq3A_1757 = arith.cmpi eq, %iota3A_5, %eq3A_1756 : vector<10x128xi32>
    %jit3A_1758 = arith.constant 0 : i32
    %broadcast_in_dim3A_1759 = vector.shape_cast %broadcast_in_dim3A_1754 : vector<10x1xi32> to vector<10x1xi32>
    %broadcast_in_dim3A_1760 = vector.broadcast %broadcast_in_dim3A_1759 : vector<10x1xi32> to vector<10x128xi32>
    %broadcast_in_dim3A_1761 = vector.broadcast %jit3A_1758 : i32 to vector<10x128xi32>
    %select_n3A_1762 = arith.select %eq3A_1757, %broadcast_in_dim3A_1760, %broadcast_in_dim3A_1761 : vector<10x128xi1>, vector<10x128xi32>
    %add3A_1763 = arith.addi %add3A_1732, %select_n3A_1762 : vector<10x128xi32>
    %jit3A_1764 = arith.constant -1.000000e+30 : f32
    %broadcast_in_dim3A_1765 = vector.broadcast %jit3A_1764 : f32 to vector<10x1024xf32>
    %select_n3A_1766 = arith.select %eq3A_1748, %broadcast_in_dim3A_1765, %select_n3A_1735 : vector<10x1024xi1>, vector<10x1024xf32>
    %reduce_max3A_1767 = arith.constant dense<0xFF800000> : vector<10xf32>
    %reduce_max3A_1768 = vector.multi_reduction <maximumf>, %select_n3A_1766, %reduce_max3A_1767 [1] : vector<10x1024xf32> to vector<10xf32>
    %broadcast_in_dim3A_1769 = vector.shape_cast %reduce_max3A_1768 : vector<10xf32> to vector<10x1xf32>
    %eq3A_1770 = vector.broadcast %broadcast_in_dim3A_1769 : vector<10x1xf32> to vector<10x1024xf32>
    %eq3A_1771 = arith.cmpf oeq, %select_n3A_1766, %eq3A_1770 : vector<10x1024xf32>
    %jit3A_1772 = arith.constant 1073741824 : i32
    %broadcast_in_dim3A_1773 = vector.broadcast %jit3A_1772 : i32 to vector<10x1024xi32>
    %select_n3A_1774 = arith.select %eq3A_1771, %iota3A, %broadcast_in_dim3A_1773 : vector<10x1024xi1>, vector<10x1024xi32>
    %reduce_min3A_1775 = arith.constant dense<2147483647> : vector<10xi32>
    %reduce_min3A_1776 = vector.multi_reduction <minsi>, %select_n3A_1774, %reduce_min3A_1775 [1] : vector<10x1024xi32> to vector<10xi32>
    %broadcast_in_dim3A_1777 = vector.shape_cast %reduce_min3A_1776 : vector<10xi32> to vector<10x1xi32>
    %eq3A_1778 = vector.broadcast %broadcast_in_dim3A_1777 : vector<10x1xi32> to vector<10x1024xi32>
    %eq3A_1779 = arith.cmpi eq, %iota3A, %eq3A_1778 : vector<10x1024xi32>
    %jit3A_1780 = arith.constant 0 : i32
    %broadcast_in_dim3A_1781 = vector.broadcast %jit3A_1780 : i32 to vector<10x1024xi32>
    %select_n3A_1782 = arith.select %eq3A_1779, %get3A_4, %broadcast_in_dim3A_1781 : vector<10x1024xi1>, vector<10x1024xi32>
    %reduce_sum3A_1783 = arith.constant dense<0> : vector<10xi32>
    %reduce_sum3A_1784 = vector.multi_reduction <add>, %select_n3A_1782, %reduce_sum3A_1783 [1] : vector<10x1024xi32> to vector<10xi32>
    %broadcast_in_dim3A_1785 = vector.shape_cast %reduce_sum3A_1784 : vector<10xi32> to vector<10x1xi32>
    %eq3A_1786 = arith.constant 57 : i32
    %eq3A_1787 = vector.broadcast %eq3A_1786 : i32 to vector<10x128xi32>
    %eq3A_1788 = arith.cmpi eq, %iota3A_5, %eq3A_1787 : vector<10x128xi32>
    %jit3A_1789 = arith.constant 0 : i32
    %broadcast_in_dim3A_1790 = vector.shape_cast %broadcast_in_dim3A_1785 : vector<10x1xi32> to vector<10x1xi32>
    %broadcast_in_dim3A_1791 = vector.broadcast %broadcast_in_dim3A_1790 : vector<10x1xi32> to vector<10x128xi32>
    %broadcast_in_dim3A_1792 = vector.broadcast %jit3A_1789 : i32 to vector<10x128xi32>
    %select_n3A_1793 = arith.select %eq3A_1788, %broadcast_in_dim3A_1791, %broadcast_in_dim3A_1792 : vector<10x128xi1>, vector<10x128xi32>
    %add3A_1794 = arith.addi %add3A_1763, %select_n3A_1793 : vector<10x128xi32>
    %jit3A_1795 = arith.constant -1.000000e+30 : f32
    %broadcast_in_dim3A_1796 = vector.broadcast %jit3A_1795 : f32 to vector<10x1024xf32>
    %select_n3A_1797 = arith.select %eq3A_1779, %broadcast_in_dim3A_1796, %select_n3A_1766 : vector<10x1024xi1>, vector<10x1024xf32>
    %reduce_max3A_1798 = arith.constant dense<0xFF800000> : vector<10xf32>
    %reduce_max3A_1799 = vector.multi_reduction <maximumf>, %select_n3A_1797, %reduce_max3A_1798 [1] : vector<10x1024xf32> to vector<10xf32>
    %broadcast_in_dim3A_1800 = vector.shape_cast %reduce_max3A_1799 : vector<10xf32> to vector<10x1xf32>
    %eq3A_1801 = vector.broadcast %broadcast_in_dim3A_1800 : vector<10x1xf32> to vector<10x1024xf32>
    %eq3A_1802 = arith.cmpf oeq, %select_n3A_1797, %eq3A_1801 : vector<10x1024xf32>
    %jit3A_1803 = arith.constant 1073741824 : i32
    %broadcast_in_dim3A_1804 = vector.broadcast %jit3A_1803 : i32 to vector<10x1024xi32>
    %select_n3A_1805 = arith.select %eq3A_1802, %iota3A, %broadcast_in_dim3A_1804 : vector<10x1024xi1>, vector<10x1024xi32>
    %reduce_min3A_1806 = arith.constant dense<2147483647> : vector<10xi32>
    %reduce_min3A_1807 = vector.multi_reduction <minsi>, %select_n3A_1805, %reduce_min3A_1806 [1] : vector<10x1024xi32> to vector<10xi32>
    %broadcast_in_dim3A_1808 = vector.shape_cast %reduce_min3A_1807 : vector<10xi32> to vector<10x1xi32>
    %eq3A_1809 = vector.broadcast %broadcast_in_dim3A_1808 : vector<10x1xi32> to vector<10x1024xi32>
    %eq3A_1810 = arith.cmpi eq, %iota3A, %eq3A_1809 : vector<10x1024xi32>
    %jit3A_1811 = arith.constant 0 : i32
    %broadcast_in_dim3A_1812 = vector.broadcast %jit3A_1811 : i32 to vector<10x1024xi32>
    %select_n3A_1813 = arith.select %eq3A_1810, %get3A_4, %broadcast_in_dim3A_1812 : vector<10x1024xi1>, vector<10x1024xi32>
    %reduce_sum3A_1814 = arith.constant dense<0> : vector<10xi32>
    %reduce_sum3A_1815 = vector.multi_reduction <add>, %select_n3A_1813, %reduce_sum3A_1814 [1] : vector<10x1024xi32> to vector<10xi32>
    %broadcast_in_dim3A_1816 = vector.shape_cast %reduce_sum3A_1815 : vector<10xi32> to vector<10x1xi32>
    %eq3A_1817 = arith.constant 58 : i32
    %eq3A_1818 = vector.broadcast %eq3A_1817 : i32 to vector<10x128xi32>
    %eq3A_1819 = arith.cmpi eq, %iota3A_5, %eq3A_1818 : vector<10x128xi32>
    %jit3A_1820 = arith.constant 0 : i32
    %broadcast_in_dim3A_1821 = vector.shape_cast %broadcast_in_dim3A_1816 : vector<10x1xi32> to vector<10x1xi32>
    %broadcast_in_dim3A_1822 = vector.broadcast %broadcast_in_dim3A_1821 : vector<10x1xi32> to vector<10x128xi32>
    %broadcast_in_dim3A_1823 = vector.broadcast %jit3A_1820 : i32 to vector<10x128xi32>
    %select_n3A_1824 = arith.select %eq3A_1819, %broadcast_in_dim3A_1822, %broadcast_in_dim3A_1823 : vector<10x128xi1>, vector<10x128xi32>
    %add3A_1825 = arith.addi %add3A_1794, %select_n3A_1824 : vector<10x128xi32>
    %jit3A_1826 = arith.constant -1.000000e+30 : f32
    %broadcast_in_dim3A_1827 = vector.broadcast %jit3A_1826 : f32 to vector<10x1024xf32>
    %select_n3A_1828 = arith.select %eq3A_1810, %broadcast_in_dim3A_1827, %select_n3A_1797 : vector<10x1024xi1>, vector<10x1024xf32>
    %reduce_max3A_1829 = arith.constant dense<0xFF800000> : vector<10xf32>
    %reduce_max3A_1830 = vector.multi_reduction <maximumf>, %select_n3A_1828, %reduce_max3A_1829 [1] : vector<10x1024xf32> to vector<10xf32>
    %broadcast_in_dim3A_1831 = vector.shape_cast %reduce_max3A_1830 : vector<10xf32> to vector<10x1xf32>
    %eq3A_1832 = vector.broadcast %broadcast_in_dim3A_1831 : vector<10x1xf32> to vector<10x1024xf32>
    %eq3A_1833 = arith.cmpf oeq, %select_n3A_1828, %eq3A_1832 : vector<10x1024xf32>
    %jit3A_1834 = arith.constant 1073741824 : i32
    %broadcast_in_dim3A_1835 = vector.broadcast %jit3A_1834 : i32 to vector<10x1024xi32>
    %select_n3A_1836 = arith.select %eq3A_1833, %iota3A, %broadcast_in_dim3A_1835 : vector<10x1024xi1>, vector<10x1024xi32>
    %reduce_min3A_1837 = arith.constant dense<2147483647> : vector<10xi32>
    %reduce_min3A_1838 = vector.multi_reduction <minsi>, %select_n3A_1836, %reduce_min3A_1837 [1] : vector<10x1024xi32> to vector<10xi32>
    %broadcast_in_dim3A_1839 = vector.shape_cast %reduce_min3A_1838 : vector<10xi32> to vector<10x1xi32>
    %eq3A_1840 = vector.broadcast %broadcast_in_dim3A_1839 : vector<10x1xi32> to vector<10x1024xi32>
    %eq3A_1841 = arith.cmpi eq, %iota3A, %eq3A_1840 : vector<10x1024xi32>
    %jit3A_1842 = arith.constant 0 : i32
    %broadcast_in_dim3A_1843 = vector.broadcast %jit3A_1842 : i32 to vector<10x1024xi32>
    %select_n3A_1844 = arith.select %eq3A_1841, %get3A_4, %broadcast_in_dim3A_1843 : vector<10x1024xi1>, vector<10x1024xi32>
    %reduce_sum3A_1845 = arith.constant dense<0> : vector<10xi32>
    %reduce_sum3A_1846 = vector.multi_reduction <add>, %select_n3A_1844, %reduce_sum3A_1845 [1] : vector<10x1024xi32> to vector<10xi32>
    %broadcast_in_dim3A_1847 = vector.shape_cast %reduce_sum3A_1846 : vector<10xi32> to vector<10x1xi32>
    %eq3A_1848 = arith.constant 59 : i32
    %eq3A_1849 = vector.broadcast %eq3A_1848 : i32 to vector<10x128xi32>
    %eq3A_1850 = arith.cmpi eq, %iota3A_5, %eq3A_1849 : vector<10x128xi32>
    %jit3A_1851 = arith.constant 0 : i32
    %broadcast_in_dim3A_1852 = vector.shape_cast %broadcast_in_dim3A_1847 : vector<10x1xi32> to vector<10x1xi32>
    %broadcast_in_dim3A_1853 = vector.broadcast %broadcast_in_dim3A_1852 : vector<10x1xi32> to vector<10x128xi32>
    %broadcast_in_dim3A_1854 = vector.broadcast %jit3A_1851 : i32 to vector<10x128xi32>
    %select_n3A_1855 = arith.select %eq3A_1850, %broadcast_in_dim3A_1853, %broadcast_in_dim3A_1854 : vector<10x128xi1>, vector<10x128xi32>
    %add3A_1856 = arith.addi %add3A_1825, %select_n3A_1855 : vector<10x128xi32>
    %jit3A_1857 = arith.constant -1.000000e+30 : f32
    %broadcast_in_dim3A_1858 = vector.broadcast %jit3A_1857 : f32 to vector<10x1024xf32>
    %select_n3A_1859 = arith.select %eq3A_1841, %broadcast_in_dim3A_1858, %select_n3A_1828 : vector<10x1024xi1>, vector<10x1024xf32>
    %reduce_max3A_1860 = arith.constant dense<0xFF800000> : vector<10xf32>
    %reduce_max3A_1861 = vector.multi_reduction <maximumf>, %select_n3A_1859, %reduce_max3A_1860 [1] : vector<10x1024xf32> to vector<10xf32>
    %broadcast_in_dim3A_1862 = vector.shape_cast %reduce_max3A_1861 : vector<10xf32> to vector<10x1xf32>
    %eq3A_1863 = vector.broadcast %broadcast_in_dim3A_1862 : vector<10x1xf32> to vector<10x1024xf32>
    %eq3A_1864 = arith.cmpf oeq, %select_n3A_1859, %eq3A_1863 : vector<10x1024xf32>
    %jit3A_1865 = arith.constant 1073741824 : i32
    %broadcast_in_dim3A_1866 = vector.broadcast %jit3A_1865 : i32 to vector<10x1024xi32>
    %select_n3A_1867 = arith.select %eq3A_1864, %iota3A, %broadcast_in_dim3A_1866 : vector<10x1024xi1>, vector<10x1024xi32>
    %reduce_min3A_1868 = arith.constant dense<2147483647> : vector<10xi32>
    %reduce_min3A_1869 = vector.multi_reduction <minsi>, %select_n3A_1867, %reduce_min3A_1868 [1] : vector<10x1024xi32> to vector<10xi32>
    %broadcast_in_dim3A_1870 = vector.shape_cast %reduce_min3A_1869 : vector<10xi32> to vector<10x1xi32>
    %eq3A_1871 = vector.broadcast %broadcast_in_dim3A_1870 : vector<10x1xi32> to vector<10x1024xi32>
    %eq3A_1872 = arith.cmpi eq, %iota3A, %eq3A_1871 : vector<10x1024xi32>
    %jit3A_1873 = arith.constant 0 : i32
    %broadcast_in_dim3A_1874 = vector.broadcast %jit3A_1873 : i32 to vector<10x1024xi32>
    %select_n3A_1875 = arith.select %eq3A_1872, %get3A_4, %broadcast_in_dim3A_1874 : vector<10x1024xi1>, vector<10x1024xi32>
    %reduce_sum3A_1876 = arith.constant dense<0> : vector<10xi32>
    %reduce_sum3A_1877 = vector.multi_reduction <add>, %select_n3A_1875, %reduce_sum3A_1876 [1] : vector<10x1024xi32> to vector<10xi32>
    %broadcast_in_dim3A_1878 = vector.shape_cast %reduce_sum3A_1877 : vector<10xi32> to vector<10x1xi32>
    %eq3A_1879 = arith.constant 60 : i32
    %eq3A_1880 = vector.broadcast %eq3A_1879 : i32 to vector<10x128xi32>
    %eq3A_1881 = arith.cmpi eq, %iota3A_5, %eq3A_1880 : vector<10x128xi32>
    %jit3A_1882 = arith.constant 0 : i32
    %broadcast_in_dim3A_1883 = vector.shape_cast %broadcast_in_dim3A_1878 : vector<10x1xi32> to vector<10x1xi32>
    %broadcast_in_dim3A_1884 = vector.broadcast %broadcast_in_dim3A_1883 : vector<10x1xi32> to vector<10x128xi32>
    %broadcast_in_dim3A_1885 = vector.broadcast %jit3A_1882 : i32 to vector<10x128xi32>
    %select_n3A_1886 = arith.select %eq3A_1881, %broadcast_in_dim3A_1884, %broadcast_in_dim3A_1885 : vector<10x128xi1>, vector<10x128xi32>
    %add3A_1887 = arith.addi %add3A_1856, %select_n3A_1886 : vector<10x128xi32>
    %jit3A_1888 = arith.constant -1.000000e+30 : f32
    %broadcast_in_dim3A_1889 = vector.broadcast %jit3A_1888 : f32 to vector<10x1024xf32>
    %select_n3A_1890 = arith.select %eq3A_1872, %broadcast_in_dim3A_1889, %select_n3A_1859 : vector<10x1024xi1>, vector<10x1024xf32>
    %reduce_max3A_1891 = arith.constant dense<0xFF800000> : vector<10xf32>
    %reduce_max3A_1892 = vector.multi_reduction <maximumf>, %select_n3A_1890, %reduce_max3A_1891 [1] : vector<10x1024xf32> to vector<10xf32>
    %broadcast_in_dim3A_1893 = vector.shape_cast %reduce_max3A_1892 : vector<10xf32> to vector<10x1xf32>
    %eq3A_1894 = vector.broadcast %broadcast_in_dim3A_1893 : vector<10x1xf32> to vector<10x1024xf32>
    %eq3A_1895 = arith.cmpf oeq, %select_n3A_1890, %eq3A_1894 : vector<10x1024xf32>
    %jit3A_1896 = arith.constant 1073741824 : i32
    %broadcast_in_dim3A_1897 = vector.broadcast %jit3A_1896 : i32 to vector<10x1024xi32>
    %select_n3A_1898 = arith.select %eq3A_1895, %iota3A, %broadcast_in_dim3A_1897 : vector<10x1024xi1>, vector<10x1024xi32>
    %reduce_min3A_1899 = arith.constant dense<2147483647> : vector<10xi32>
    %reduce_min3A_1900 = vector.multi_reduction <minsi>, %select_n3A_1898, %reduce_min3A_1899 [1] : vector<10x1024xi32> to vector<10xi32>
    %broadcast_in_dim3A_1901 = vector.shape_cast %reduce_min3A_1900 : vector<10xi32> to vector<10x1xi32>
    %eq3A_1902 = vector.broadcast %broadcast_in_dim3A_1901 : vector<10x1xi32> to vector<10x1024xi32>
    %eq3A_1903 = arith.cmpi eq, %iota3A, %eq3A_1902 : vector<10x1024xi32>
    %jit3A_1904 = arith.constant 0 : i32
    %broadcast_in_dim3A_1905 = vector.broadcast %jit3A_1904 : i32 to vector<10x1024xi32>
    %select_n3A_1906 = arith.select %eq3A_1903, %get3A_4, %broadcast_in_dim3A_1905 : vector<10x1024xi1>, vector<10x1024xi32>
    %reduce_sum3A_1907 = arith.constant dense<0> : vector<10xi32>
    %reduce_sum3A_1908 = vector.multi_reduction <add>, %select_n3A_1906, %reduce_sum3A_1907 [1] : vector<10x1024xi32> to vector<10xi32>
    %broadcast_in_dim3A_1909 = vector.shape_cast %reduce_sum3A_1908 : vector<10xi32> to vector<10x1xi32>
    %eq3A_1910 = arith.constant 61 : i32
    %eq3A_1911 = vector.broadcast %eq3A_1910 : i32 to vector<10x128xi32>
    %eq3A_1912 = arith.cmpi eq, %iota3A_5, %eq3A_1911 : vector<10x128xi32>
    %jit3A_1913 = arith.constant 0 : i32
    %broadcast_in_dim3A_1914 = vector.shape_cast %broadcast_in_dim3A_1909 : vector<10x1xi32> to vector<10x1xi32>
    %broadcast_in_dim3A_1915 = vector.broadcast %broadcast_in_dim3A_1914 : vector<10x1xi32> to vector<10x128xi32>
    %broadcast_in_dim3A_1916 = vector.broadcast %jit3A_1913 : i32 to vector<10x128xi32>
    %select_n3A_1917 = arith.select %eq3A_1912, %broadcast_in_dim3A_1915, %broadcast_in_dim3A_1916 : vector<10x128xi1>, vector<10x128xi32>
    %add3A_1918 = arith.addi %add3A_1887, %select_n3A_1917 : vector<10x128xi32>
    %jit3A_1919 = arith.constant -1.000000e+30 : f32
    %broadcast_in_dim3A_1920 = vector.broadcast %jit3A_1919 : f32 to vector<10x1024xf32>
    %select_n3A_1921 = arith.select %eq3A_1903, %broadcast_in_dim3A_1920, %select_n3A_1890 : vector<10x1024xi1>, vector<10x1024xf32>
    %reduce_max3A_1922 = arith.constant dense<0xFF800000> : vector<10xf32>
    %reduce_max3A_1923 = vector.multi_reduction <maximumf>, %select_n3A_1921, %reduce_max3A_1922 [1] : vector<10x1024xf32> to vector<10xf32>
    %broadcast_in_dim3A_1924 = vector.shape_cast %reduce_max3A_1923 : vector<10xf32> to vector<10x1xf32>
    %eq3A_1925 = vector.broadcast %broadcast_in_dim3A_1924 : vector<10x1xf32> to vector<10x1024xf32>
    %eq3A_1926 = arith.cmpf oeq, %select_n3A_1921, %eq3A_1925 : vector<10x1024xf32>
    %jit3A_1927 = arith.constant 1073741824 : i32
    %broadcast_in_dim3A_1928 = vector.broadcast %jit3A_1927 : i32 to vector<10x1024xi32>
    %select_n3A_1929 = arith.select %eq3A_1926, %iota3A, %broadcast_in_dim3A_1928 : vector<10x1024xi1>, vector<10x1024xi32>
    %reduce_min3A_1930 = arith.constant dense<2147483647> : vector<10xi32>
    %reduce_min3A_1931 = vector.multi_reduction <minsi>, %select_n3A_1929, %reduce_min3A_1930 [1] : vector<10x1024xi32> to vector<10xi32>
    %broadcast_in_dim3A_1932 = vector.shape_cast %reduce_min3A_1931 : vector<10xi32> to vector<10x1xi32>
    %eq3A_1933 = vector.broadcast %broadcast_in_dim3A_1932 : vector<10x1xi32> to vector<10x1024xi32>
    %eq3A_1934 = arith.cmpi eq, %iota3A, %eq3A_1933 : vector<10x1024xi32>
    %jit3A_1935 = arith.constant 0 : i32
    %broadcast_in_dim3A_1936 = vector.broadcast %jit3A_1935 : i32 to vector<10x1024xi32>
    %select_n3A_1937 = arith.select %eq3A_1934, %get3A_4, %broadcast_in_dim3A_1936 : vector<10x1024xi1>, vector<10x1024xi32>
    %reduce_sum3A_1938 = arith.constant dense<0> : vector<10xi32>
    %reduce_sum3A_1939 = vector.multi_reduction <add>, %select_n3A_1937, %reduce_sum3A_1938 [1] : vector<10x1024xi32> to vector<10xi32>
    %broadcast_in_dim3A_1940 = vector.shape_cast %reduce_sum3A_1939 : vector<10xi32> to vector<10x1xi32>
    %eq3A_1941 = arith.constant 62 : i32
    %eq3A_1942 = vector.broadcast %eq3A_1941 : i32 to vector<10x128xi32>
    %eq3A_1943 = arith.cmpi eq, %iota3A_5, %eq3A_1942 : vector<10x128xi32>
    %jit3A_1944 = arith.constant 0 : i32
    %broadcast_in_dim3A_1945 = vector.shape_cast %broadcast_in_dim3A_1940 : vector<10x1xi32> to vector<10x1xi32>
    %broadcast_in_dim3A_1946 = vector.broadcast %broadcast_in_dim3A_1945 : vector<10x1xi32> to vector<10x128xi32>
    %broadcast_in_dim3A_1947 = vector.broadcast %jit3A_1944 : i32 to vector<10x128xi32>
    %select_n3A_1948 = arith.select %eq3A_1943, %broadcast_in_dim3A_1946, %broadcast_in_dim3A_1947 : vector<10x128xi1>, vector<10x128xi32>
    %add3A_1949 = arith.addi %add3A_1918, %select_n3A_1948 : vector<10x128xi32>
    %jit3A_1950 = arith.constant -1.000000e+30 : f32
    %broadcast_in_dim3A_1951 = vector.broadcast %jit3A_1950 : f32 to vector<10x1024xf32>
    %select_n3A_1952 = arith.select %eq3A_1934, %broadcast_in_dim3A_1951, %select_n3A_1921 : vector<10x1024xi1>, vector<10x1024xf32>
    %reduce_max3A_1953 = arith.constant dense<0xFF800000> : vector<10xf32>
    %reduce_max3A_1954 = vector.multi_reduction <maximumf>, %select_n3A_1952, %reduce_max3A_1953 [1] : vector<10x1024xf32> to vector<10xf32>
    %broadcast_in_dim3A_1955 = vector.shape_cast %reduce_max3A_1954 : vector<10xf32> to vector<10x1xf32>
    %eq3A_1956 = vector.broadcast %broadcast_in_dim3A_1955 : vector<10x1xf32> to vector<10x1024xf32>
    %eq3A_1957 = arith.cmpf oeq, %select_n3A_1952, %eq3A_1956 : vector<10x1024xf32>
    %jit3A_1958 = arith.constant 1073741824 : i32
    %broadcast_in_dim3A_1959 = vector.broadcast %jit3A_1958 : i32 to vector<10x1024xi32>
    %select_n3A_1960 = arith.select %eq3A_1957, %iota3A, %broadcast_in_dim3A_1959 : vector<10x1024xi1>, vector<10x1024xi32>
    %reduce_min3A_1961 = arith.constant dense<2147483647> : vector<10xi32>
    %reduce_min3A_1962 = vector.multi_reduction <minsi>, %select_n3A_1960, %reduce_min3A_1961 [1] : vector<10x1024xi32> to vector<10xi32>
    %broadcast_in_dim3A_1963 = vector.shape_cast %reduce_min3A_1962 : vector<10xi32> to vector<10x1xi32>
    %eq3A_1964 = vector.broadcast %broadcast_in_dim3A_1963 : vector<10x1xi32> to vector<10x1024xi32>
    %eq3A_1965 = arith.cmpi eq, %iota3A, %eq3A_1964 : vector<10x1024xi32>
    %jit3A_1966 = arith.constant 0 : i32
    %broadcast_in_dim3A_1967 = vector.broadcast %jit3A_1966 : i32 to vector<10x1024xi32>
    %select_n3A_1968 = arith.select %eq3A_1965, %get3A_4, %broadcast_in_dim3A_1967 : vector<10x1024xi1>, vector<10x1024xi32>
    %reduce_sum3A_1969 = arith.constant dense<0> : vector<10xi32>
    %reduce_sum3A_1970 = vector.multi_reduction <add>, %select_n3A_1968, %reduce_sum3A_1969 [1] : vector<10x1024xi32> to vector<10xi32>
    %broadcast_in_dim3A_1971 = vector.shape_cast %reduce_sum3A_1970 : vector<10xi32> to vector<10x1xi32>
    %eq3A_1972 = arith.constant 63 : i32
    %eq3A_1973 = vector.broadcast %eq3A_1972 : i32 to vector<10x128xi32>
    %eq3A_1974 = arith.cmpi eq, %iota3A_5, %eq3A_1973 : vector<10x128xi32>
    %jit3A_1975 = arith.constant 0 : i32
    %broadcast_in_dim3A_1976 = vector.shape_cast %broadcast_in_dim3A_1971 : vector<10x1xi32> to vector<10x1xi32>
    %broadcast_in_dim3A_1977 = vector.broadcast %broadcast_in_dim3A_1976 : vector<10x1xi32> to vector<10x128xi32>
    %broadcast_in_dim3A_1978 = vector.broadcast %jit3A_1975 : i32 to vector<10x128xi32>
    %select_n3A_1979 = arith.select %eq3A_1974, %broadcast_in_dim3A_1977, %broadcast_in_dim3A_1978 : vector<10x128xi1>, vector<10x128xi32>
    %add3A_1980 = arith.addi %add3A_1949, %select_n3A_1979 : vector<10x128xi32>
    %jit3A_1981 = arith.constant -1.000000e+30 : f32
    %broadcast_in_dim3A_1982 = vector.broadcast %jit3A_1981 : f32 to vector<10x1024xf32>
    %select_n3A_1983 = arith.select %eq3A_1965, %broadcast_in_dim3A_1982, %select_n3A_1952 : vector<10x1024xi1>, vector<10x1024xf32>
    %reduce_max3A_1984 = arith.constant dense<0xFF800000> : vector<10xf32>
    %reduce_max3A_1985 = vector.multi_reduction <maximumf>, %select_n3A_1983, %reduce_max3A_1984 [1] : vector<10x1024xf32> to vector<10xf32>
    %broadcast_in_dim3A_1986 = vector.shape_cast %reduce_max3A_1985 : vector<10xf32> to vector<10x1xf32>
    %eq3A_1987 = vector.broadcast %broadcast_in_dim3A_1986 : vector<10x1xf32> to vector<10x1024xf32>
    %eq3A_1988 = arith.cmpf oeq, %select_n3A_1983, %eq3A_1987 : vector<10x1024xf32>
    %jit3A_1989 = arith.constant 1073741824 : i32
    %broadcast_in_dim3A_1990 = vector.broadcast %jit3A_1989 : i32 to vector<10x1024xi32>
    %select_n3A_1991 = arith.select %eq3A_1988, %iota3A, %broadcast_in_dim3A_1990 : vector<10x1024xi1>, vector<10x1024xi32>
    %reduce_min3A_1992 = arith.constant dense<2147483647> : vector<10xi32>
    %reduce_min3A_1993 = vector.multi_reduction <minsi>, %select_n3A_1991, %reduce_min3A_1992 [1] : vector<10x1024xi32> to vector<10xi32>
    %broadcast_in_dim3A_1994 = vector.shape_cast %reduce_min3A_1993 : vector<10xi32> to vector<10x1xi32>
    %eq3A_1995 = vector.broadcast %broadcast_in_dim3A_1994 : vector<10x1xi32> to vector<10x1024xi32>
    %eq3A_1996 = arith.cmpi eq, %iota3A, %eq3A_1995 : vector<10x1024xi32>
    %jit3A_1997 = arith.constant 0 : i32
    %broadcast_in_dim3A_1998 = vector.broadcast %jit3A_1997 : i32 to vector<10x1024xi32>
    %select_n3A_1999 = arith.select %eq3A_1996, %get3A_4, %broadcast_in_dim3A_1998 : vector<10x1024xi1>, vector<10x1024xi32>
    %reduce_sum3A_2000 = arith.constant dense<0> : vector<10xi32>
    %reduce_sum3A_2001 = vector.multi_reduction <add>, %select_n3A_1999, %reduce_sum3A_2000 [1] : vector<10x1024xi32> to vector<10xi32>
    %broadcast_in_dim3A_2002 = vector.shape_cast %reduce_sum3A_2001 : vector<10xi32> to vector<10x1xi32>
    %eq3A_2003 = arith.constant 64 : i32
    %eq3A_2004 = vector.broadcast %eq3A_2003 : i32 to vector<10x128xi32>
    %eq3A_2005 = arith.cmpi eq, %iota3A_5, %eq3A_2004 : vector<10x128xi32>
    %jit3A_2006 = arith.constant 0 : i32
    %broadcast_in_dim3A_2007 = vector.shape_cast %broadcast_in_dim3A_2002 : vector<10x1xi32> to vector<10x1xi32>
    %broadcast_in_dim3A_2008 = vector.broadcast %broadcast_in_dim3A_2007 : vector<10x1xi32> to vector<10x128xi32>
    %broadcast_in_dim3A_2009 = vector.broadcast %jit3A_2006 : i32 to vector<10x128xi32>
    %select_n3A_2010 = arith.select %eq3A_2005, %broadcast_in_dim3A_2008, %broadcast_in_dim3A_2009 : vector<10x128xi1>, vector<10x128xi32>
    %add3A_2011 = arith.addi %add3A_1980, %select_n3A_2010 : vector<10x128xi32>
    %jit3A_2012 = arith.constant -1.000000e+30 : f32
    %broadcast_in_dim3A_2013 = vector.broadcast %jit3A_2012 : f32 to vector<10x1024xf32>
    %select_n3A_2014 = arith.select %eq3A_1996, %broadcast_in_dim3A_2013, %select_n3A_1983 : vector<10x1024xi1>, vector<10x1024xf32>
    %reduce_max3A_2015 = arith.constant dense<0xFF800000> : vector<10xf32>
    %reduce_max3A_2016 = vector.multi_reduction <maximumf>, %select_n3A_2014, %reduce_max3A_2015 [1] : vector<10x1024xf32> to vector<10xf32>
    %broadcast_in_dim3A_2017 = vector.shape_cast %reduce_max3A_2016 : vector<10xf32> to vector<10x1xf32>
    %eq3A_2018 = vector.broadcast %broadcast_in_dim3A_2017 : vector<10x1xf32> to vector<10x1024xf32>
    %eq3A_2019 = arith.cmpf oeq, %select_n3A_2014, %eq3A_2018 : vector<10x1024xf32>
    %jit3A_2020 = arith.constant 1073741824 : i32
    %broadcast_in_dim3A_2021 = vector.broadcast %jit3A_2020 : i32 to vector<10x1024xi32>
    %select_n3A_2022 = arith.select %eq3A_2019, %iota3A, %broadcast_in_dim3A_2021 : vector<10x1024xi1>, vector<10x1024xi32>
    %reduce_min3A_2023 = arith.constant dense<2147483647> : vector<10xi32>
    %reduce_min3A_2024 = vector.multi_reduction <minsi>, %select_n3A_2022, %reduce_min3A_2023 [1] : vector<10x1024xi32> to vector<10xi32>
    %broadcast_in_dim3A_2025 = vector.shape_cast %reduce_min3A_2024 : vector<10xi32> to vector<10x1xi32>
    %eq3A_2026 = vector.broadcast %broadcast_in_dim3A_2025 : vector<10x1xi32> to vector<10x1024xi32>
    %eq3A_2027 = arith.cmpi eq, %iota3A, %eq3A_2026 : vector<10x1024xi32>
    %jit3A_2028 = arith.constant 0 : i32
    %broadcast_in_dim3A_2029 = vector.broadcast %jit3A_2028 : i32 to vector<10x1024xi32>
    %select_n3A_2030 = arith.select %eq3A_2027, %get3A_4, %broadcast_in_dim3A_2029 : vector<10x1024xi1>, vector<10x1024xi32>
    %reduce_sum3A_2031 = arith.constant dense<0> : vector<10xi32>
    %reduce_sum3A_2032 = vector.multi_reduction <add>, %select_n3A_2030, %reduce_sum3A_2031 [1] : vector<10x1024xi32> to vector<10xi32>
    %broadcast_in_dim3A_2033 = vector.shape_cast %reduce_sum3A_2032 : vector<10xi32> to vector<10x1xi32>
    %eq3A_2034 = arith.constant 65 : i32
    %eq3A_2035 = vector.broadcast %eq3A_2034 : i32 to vector<10x128xi32>
    %eq3A_2036 = arith.cmpi eq, %iota3A_5, %eq3A_2035 : vector<10x128xi32>
    %jit3A_2037 = arith.constant 0 : i32
    %broadcast_in_dim3A_2038 = vector.shape_cast %broadcast_in_dim3A_2033 : vector<10x1xi32> to vector<10x1xi32>
    %broadcast_in_dim3A_2039 = vector.broadcast %broadcast_in_dim3A_2038 : vector<10x1xi32> to vector<10x128xi32>
    %broadcast_in_dim3A_2040 = vector.broadcast %jit3A_2037 : i32 to vector<10x128xi32>
    %select_n3A_2041 = arith.select %eq3A_2036, %broadcast_in_dim3A_2039, %broadcast_in_dim3A_2040 : vector<10x128xi1>, vector<10x128xi32>
    %add3A_2042 = arith.addi %add3A_2011, %select_n3A_2041 : vector<10x128xi32>
    %jit3A_2043 = arith.constant -1.000000e+30 : f32
    %broadcast_in_dim3A_2044 = vector.broadcast %jit3A_2043 : f32 to vector<10x1024xf32>
    %select_n3A_2045 = arith.select %eq3A_2027, %broadcast_in_dim3A_2044, %select_n3A_2014 : vector<10x1024xi1>, vector<10x1024xf32>
    %reduce_max3A_2046 = arith.constant dense<0xFF800000> : vector<10xf32>
    %reduce_max3A_2047 = vector.multi_reduction <maximumf>, %select_n3A_2045, %reduce_max3A_2046 [1] : vector<10x1024xf32> to vector<10xf32>
    %broadcast_in_dim3A_2048 = vector.shape_cast %reduce_max3A_2047 : vector<10xf32> to vector<10x1xf32>
    %eq3A_2049 = vector.broadcast %broadcast_in_dim3A_2048 : vector<10x1xf32> to vector<10x1024xf32>
    %eq3A_2050 = arith.cmpf oeq, %select_n3A_2045, %eq3A_2049 : vector<10x1024xf32>
    %jit3A_2051 = arith.constant 1073741824 : i32
    %broadcast_in_dim3A_2052 = vector.broadcast %jit3A_2051 : i32 to vector<10x1024xi32>
    %select_n3A_2053 = arith.select %eq3A_2050, %iota3A, %broadcast_in_dim3A_2052 : vector<10x1024xi1>, vector<10x1024xi32>
    %reduce_min3A_2054 = arith.constant dense<2147483647> : vector<10xi32>
    %reduce_min3A_2055 = vector.multi_reduction <minsi>, %select_n3A_2053, %reduce_min3A_2054 [1] : vector<10x1024xi32> to vector<10xi32>
    %broadcast_in_dim3A_2056 = vector.shape_cast %reduce_min3A_2055 : vector<10xi32> to vector<10x1xi32>
    %eq3A_2057 = vector.broadcast %broadcast_in_dim3A_2056 : vector<10x1xi32> to vector<10x1024xi32>
    %eq3A_2058 = arith.cmpi eq, %iota3A, %eq3A_2057 : vector<10x1024xi32>
    %jit3A_2059 = arith.constant 0 : i32
    %broadcast_in_dim3A_2060 = vector.broadcast %jit3A_2059 : i32 to vector<10x1024xi32>
    %select_n3A_2061 = arith.select %eq3A_2058, %get3A_4, %broadcast_in_dim3A_2060 : vector<10x1024xi1>, vector<10x1024xi32>
    %reduce_sum3A_2062 = arith.constant dense<0> : vector<10xi32>
    %reduce_sum3A_2063 = vector.multi_reduction <add>, %select_n3A_2061, %reduce_sum3A_2062 [1] : vector<10x1024xi32> to vector<10xi32>
    %broadcast_in_dim3A_2064 = vector.shape_cast %reduce_sum3A_2063 : vector<10xi32> to vector<10x1xi32>
    %eq3A_2065 = arith.constant 66 : i32
    %eq3A_2066 = vector.broadcast %eq3A_2065 : i32 to vector<10x128xi32>
    %eq3A_2067 = arith.cmpi eq, %iota3A_5, %eq3A_2066 : vector<10x128xi32>
    %jit3A_2068 = arith.constant 0 : i32
    %broadcast_in_dim3A_2069 = vector.shape_cast %broadcast_in_dim3A_2064 : vector<10x1xi32> to vector<10x1xi32>
    %broadcast_in_dim3A_2070 = vector.broadcast %broadcast_in_dim3A_2069 : vector<10x1xi32> to vector<10x128xi32>
    %broadcast_in_dim3A_2071 = vector.broadcast %jit3A_2068 : i32 to vector<10x128xi32>
    %select_n3A_2072 = arith.select %eq3A_2067, %broadcast_in_dim3A_2070, %broadcast_in_dim3A_2071 : vector<10x128xi1>, vector<10x128xi32>
    %add3A_2073 = arith.addi %add3A_2042, %select_n3A_2072 : vector<10x128xi32>
    %jit3A_2074 = arith.constant -1.000000e+30 : f32
    %broadcast_in_dim3A_2075 = vector.broadcast %jit3A_2074 : f32 to vector<10x1024xf32>
    %select_n3A_2076 = arith.select %eq3A_2058, %broadcast_in_dim3A_2075, %select_n3A_2045 : vector<10x1024xi1>, vector<10x1024xf32>
    %reduce_max3A_2077 = arith.constant dense<0xFF800000> : vector<10xf32>
    %reduce_max3A_2078 = vector.multi_reduction <maximumf>, %select_n3A_2076, %reduce_max3A_2077 [1] : vector<10x1024xf32> to vector<10xf32>
    %broadcast_in_dim3A_2079 = vector.shape_cast %reduce_max3A_2078 : vector<10xf32> to vector<10x1xf32>
    %eq3A_2080 = vector.broadcast %broadcast_in_dim3A_2079 : vector<10x1xf32> to vector<10x1024xf32>
    %eq3A_2081 = arith.cmpf oeq, %select_n3A_2076, %eq3A_2080 : vector<10x1024xf32>
    %jit3A_2082 = arith.constant 1073741824 : i32
    %broadcast_in_dim3A_2083 = vector.broadcast %jit3A_2082 : i32 to vector<10x1024xi32>
    %select_n3A_2084 = arith.select %eq3A_2081, %iota3A, %broadcast_in_dim3A_2083 : vector<10x1024xi1>, vector<10x1024xi32>
    %reduce_min3A_2085 = arith.constant dense<2147483647> : vector<10xi32>
    %reduce_min3A_2086 = vector.multi_reduction <minsi>, %select_n3A_2084, %reduce_min3A_2085 [1] : vector<10x1024xi32> to vector<10xi32>
    %broadcast_in_dim3A_2087 = vector.shape_cast %reduce_min3A_2086 : vector<10xi32> to vector<10x1xi32>
    %eq3A_2088 = vector.broadcast %broadcast_in_dim3A_2087 : vector<10x1xi32> to vector<10x1024xi32>
    %eq3A_2089 = arith.cmpi eq, %iota3A, %eq3A_2088 : vector<10x1024xi32>
    %jit3A_2090 = arith.constant 0 : i32
    %broadcast_in_dim3A_2091 = vector.broadcast %jit3A_2090 : i32 to vector<10x1024xi32>
    %select_n3A_2092 = arith.select %eq3A_2089, %get3A_4, %broadcast_in_dim3A_2091 : vector<10x1024xi1>, vector<10x1024xi32>
    %reduce_sum3A_2093 = arith.constant dense<0> : vector<10xi32>
    %reduce_sum3A_2094 = vector.multi_reduction <add>, %select_n3A_2092, %reduce_sum3A_2093 [1] : vector<10x1024xi32> to vector<10xi32>
    %broadcast_in_dim3A_2095 = vector.shape_cast %reduce_sum3A_2094 : vector<10xi32> to vector<10x1xi32>
    %eq3A_2096 = arith.constant 67 : i32
    %eq3A_2097 = vector.broadcast %eq3A_2096 : i32 to vector<10x128xi32>
    %eq3A_2098 = arith.cmpi eq, %iota3A_5, %eq3A_2097 : vector<10x128xi32>
    %jit3A_2099 = arith.constant 0 : i32
    %broadcast_in_dim3A_2100 = vector.shape_cast %broadcast_in_dim3A_2095 : vector<10x1xi32> to vector<10x1xi32>
    %broadcast_in_dim3A_2101 = vector.broadcast %broadcast_in_dim3A_2100 : vector<10x1xi32> to vector<10x128xi32>
    %broadcast_in_dim3A_2102 = vector.broadcast %jit3A_2099 : i32 to vector<10x128xi32>
    %select_n3A_2103 = arith.select %eq3A_2098, %broadcast_in_dim3A_2101, %broadcast_in_dim3A_2102 : vector<10x128xi1>, vector<10x128xi32>
    %add3A_2104 = arith.addi %add3A_2073, %select_n3A_2103 : vector<10x128xi32>
    %jit3A_2105 = arith.constant -1.000000e+30 : f32
    %broadcast_in_dim3A_2106 = vector.broadcast %jit3A_2105 : f32 to vector<10x1024xf32>
    %select_n3A_2107 = arith.select %eq3A_2089, %broadcast_in_dim3A_2106, %select_n3A_2076 : vector<10x1024xi1>, vector<10x1024xf32>
    %reduce_max3A_2108 = arith.constant dense<0xFF800000> : vector<10xf32>
    %reduce_max3A_2109 = vector.multi_reduction <maximumf>, %select_n3A_2107, %reduce_max3A_2108 [1] : vector<10x1024xf32> to vector<10xf32>
    %broadcast_in_dim3A_2110 = vector.shape_cast %reduce_max3A_2109 : vector<10xf32> to vector<10x1xf32>
    %eq3A_2111 = vector.broadcast %broadcast_in_dim3A_2110 : vector<10x1xf32> to vector<10x1024xf32>
    %eq3A_2112 = arith.cmpf oeq, %select_n3A_2107, %eq3A_2111 : vector<10x1024xf32>
    %jit3A_2113 = arith.constant 1073741824 : i32
    %broadcast_in_dim3A_2114 = vector.broadcast %jit3A_2113 : i32 to vector<10x1024xi32>
    %select_n3A_2115 = arith.select %eq3A_2112, %iota3A, %broadcast_in_dim3A_2114 : vector<10x1024xi1>, vector<10x1024xi32>
    %reduce_min3A_2116 = arith.constant dense<2147483647> : vector<10xi32>
    %reduce_min3A_2117 = vector.multi_reduction <minsi>, %select_n3A_2115, %reduce_min3A_2116 [1] : vector<10x1024xi32> to vector<10xi32>
    %broadcast_in_dim3A_2118 = vector.shape_cast %reduce_min3A_2117 : vector<10xi32> to vector<10x1xi32>
    %eq3A_2119 = vector.broadcast %broadcast_in_dim3A_2118 : vector<10x1xi32> to vector<10x1024xi32>
    %eq3A_2120 = arith.cmpi eq, %iota3A, %eq3A_2119 : vector<10x1024xi32>
    %jit3A_2121 = arith.constant 0 : i32
    %broadcast_in_dim3A_2122 = vector.broadcast %jit3A_2121 : i32 to vector<10x1024xi32>
    %select_n3A_2123 = arith.select %eq3A_2120, %get3A_4, %broadcast_in_dim3A_2122 : vector<10x1024xi1>, vector<10x1024xi32>
    %reduce_sum3A_2124 = arith.constant dense<0> : vector<10xi32>
    %reduce_sum3A_2125 = vector.multi_reduction <add>, %select_n3A_2123, %reduce_sum3A_2124 [1] : vector<10x1024xi32> to vector<10xi32>
    %broadcast_in_dim3A_2126 = vector.shape_cast %reduce_sum3A_2125 : vector<10xi32> to vector<10x1xi32>
    %eq3A_2127 = arith.constant 68 : i32
    %eq3A_2128 = vector.broadcast %eq3A_2127 : i32 to vector<10x128xi32>
    %eq3A_2129 = arith.cmpi eq, %iota3A_5, %eq3A_2128 : vector<10x128xi32>
    %jit3A_2130 = arith.constant 0 : i32
    %broadcast_in_dim3A_2131 = vector.shape_cast %broadcast_in_dim3A_2126 : vector<10x1xi32> to vector<10x1xi32>
    %broadcast_in_dim3A_2132 = vector.broadcast %broadcast_in_dim3A_2131 : vector<10x1xi32> to vector<10x128xi32>
    %broadcast_in_dim3A_2133 = vector.broadcast %jit3A_2130 : i32 to vector<10x128xi32>
    %select_n3A_2134 = arith.select %eq3A_2129, %broadcast_in_dim3A_2132, %broadcast_in_dim3A_2133 : vector<10x128xi1>, vector<10x128xi32>
    %add3A_2135 = arith.addi %add3A_2104, %select_n3A_2134 : vector<10x128xi32>
    %jit3A_2136 = arith.constant -1.000000e+30 : f32
    %broadcast_in_dim3A_2137 = vector.broadcast %jit3A_2136 : f32 to vector<10x1024xf32>
    %select_n3A_2138 = arith.select %eq3A_2120, %broadcast_in_dim3A_2137, %select_n3A_2107 : vector<10x1024xi1>, vector<10x1024xf32>
    %reduce_max3A_2139 = arith.constant dense<0xFF800000> : vector<10xf32>
    %reduce_max3A_2140 = vector.multi_reduction <maximumf>, %select_n3A_2138, %reduce_max3A_2139 [1] : vector<10x1024xf32> to vector<10xf32>
    %broadcast_in_dim3A_2141 = vector.shape_cast %reduce_max3A_2140 : vector<10xf32> to vector<10x1xf32>
    %eq3A_2142 = vector.broadcast %broadcast_in_dim3A_2141 : vector<10x1xf32> to vector<10x1024xf32>
    %eq3A_2143 = arith.cmpf oeq, %select_n3A_2138, %eq3A_2142 : vector<10x1024xf32>
    %jit3A_2144 = arith.constant 1073741824 : i32
    %broadcast_in_dim3A_2145 = vector.broadcast %jit3A_2144 : i32 to vector<10x1024xi32>
    %select_n3A_2146 = arith.select %eq3A_2143, %iota3A, %broadcast_in_dim3A_2145 : vector<10x1024xi1>, vector<10x1024xi32>
    %reduce_min3A_2147 = arith.constant dense<2147483647> : vector<10xi32>
    %reduce_min3A_2148 = vector.multi_reduction <minsi>, %select_n3A_2146, %reduce_min3A_2147 [1] : vector<10x1024xi32> to vector<10xi32>
    %broadcast_in_dim3A_2149 = vector.shape_cast %reduce_min3A_2148 : vector<10xi32> to vector<10x1xi32>
    %eq3A_2150 = vector.broadcast %broadcast_in_dim3A_2149 : vector<10x1xi32> to vector<10x1024xi32>
    %eq3A_2151 = arith.cmpi eq, %iota3A, %eq3A_2150 : vector<10x1024xi32>
    %jit3A_2152 = arith.constant 0 : i32
    %broadcast_in_dim3A_2153 = vector.broadcast %jit3A_2152 : i32 to vector<10x1024xi32>
    %select_n3A_2154 = arith.select %eq3A_2151, %get3A_4, %broadcast_in_dim3A_2153 : vector<10x1024xi1>, vector<10x1024xi32>
    %reduce_sum3A_2155 = arith.constant dense<0> : vector<10xi32>
    %reduce_sum3A_2156 = vector.multi_reduction <add>, %select_n3A_2154, %reduce_sum3A_2155 [1] : vector<10x1024xi32> to vector<10xi32>
    %broadcast_in_dim3A_2157 = vector.shape_cast %reduce_sum3A_2156 : vector<10xi32> to vector<10x1xi32>
    %eq3A_2158 = arith.constant 69 : i32
    %eq3A_2159 = vector.broadcast %eq3A_2158 : i32 to vector<10x128xi32>
    %eq3A_2160 = arith.cmpi eq, %iota3A_5, %eq3A_2159 : vector<10x128xi32>
    %jit3A_2161 = arith.constant 0 : i32
    %broadcast_in_dim3A_2162 = vector.shape_cast %broadcast_in_dim3A_2157 : vector<10x1xi32> to vector<10x1xi32>
    %broadcast_in_dim3A_2163 = vector.broadcast %broadcast_in_dim3A_2162 : vector<10x1xi32> to vector<10x128xi32>
    %broadcast_in_dim3A_2164 = vector.broadcast %jit3A_2161 : i32 to vector<10x128xi32>
    %select_n3A_2165 = arith.select %eq3A_2160, %broadcast_in_dim3A_2163, %broadcast_in_dim3A_2164 : vector<10x128xi1>, vector<10x128xi32>
    %add3A_2166 = arith.addi %add3A_2135, %select_n3A_2165 : vector<10x128xi32>
    %jit3A_2167 = arith.constant -1.000000e+30 : f32
    %broadcast_in_dim3A_2168 = vector.broadcast %jit3A_2167 : f32 to vector<10x1024xf32>
    %select_n3A_2169 = arith.select %eq3A_2151, %broadcast_in_dim3A_2168, %select_n3A_2138 : vector<10x1024xi1>, vector<10x1024xf32>
    %reduce_max3A_2170 = arith.constant dense<0xFF800000> : vector<10xf32>
    %reduce_max3A_2171 = vector.multi_reduction <maximumf>, %select_n3A_2169, %reduce_max3A_2170 [1] : vector<10x1024xf32> to vector<10xf32>
    %broadcast_in_dim3A_2172 = vector.shape_cast %reduce_max3A_2171 : vector<10xf32> to vector<10x1xf32>
    %eq3A_2173 = vector.broadcast %broadcast_in_dim3A_2172 : vector<10x1xf32> to vector<10x1024xf32>
    %eq3A_2174 = arith.cmpf oeq, %select_n3A_2169, %eq3A_2173 : vector<10x1024xf32>
    %jit3A_2175 = arith.constant 1073741824 : i32
    %broadcast_in_dim3A_2176 = vector.broadcast %jit3A_2175 : i32 to vector<10x1024xi32>
    %select_n3A_2177 = arith.select %eq3A_2174, %iota3A, %broadcast_in_dim3A_2176 : vector<10x1024xi1>, vector<10x1024xi32>
    %reduce_min3A_2178 = arith.constant dense<2147483647> : vector<10xi32>
    %reduce_min3A_2179 = vector.multi_reduction <minsi>, %select_n3A_2177, %reduce_min3A_2178 [1] : vector<10x1024xi32> to vector<10xi32>
    %broadcast_in_dim3A_2180 = vector.shape_cast %reduce_min3A_2179 : vector<10xi32> to vector<10x1xi32>
    %eq3A_2181 = vector.broadcast %broadcast_in_dim3A_2180 : vector<10x1xi32> to vector<10x1024xi32>
    %eq3A_2182 = arith.cmpi eq, %iota3A, %eq3A_2181 : vector<10x1024xi32>
    %jit3A_2183 = arith.constant 0 : i32
    %broadcast_in_dim3A_2184 = vector.broadcast %jit3A_2183 : i32 to vector<10x1024xi32>
    %select_n3A_2185 = arith.select %eq3A_2182, %get3A_4, %broadcast_in_dim3A_2184 : vector<10x1024xi1>, vector<10x1024xi32>
    %reduce_sum3A_2186 = arith.constant dense<0> : vector<10xi32>
    %reduce_sum3A_2187 = vector.multi_reduction <add>, %select_n3A_2185, %reduce_sum3A_2186 [1] : vector<10x1024xi32> to vector<10xi32>
    %broadcast_in_dim3A_2188 = vector.shape_cast %reduce_sum3A_2187 : vector<10xi32> to vector<10x1xi32>
    %eq3A_2189 = arith.constant 70 : i32
    %eq3A_2190 = vector.broadcast %eq3A_2189 : i32 to vector<10x128xi32>
    %eq3A_2191 = arith.cmpi eq, %iota3A_5, %eq3A_2190 : vector<10x128xi32>
    %jit3A_2192 = arith.constant 0 : i32
    %broadcast_in_dim3A_2193 = vector.shape_cast %broadcast_in_dim3A_2188 : vector<10x1xi32> to vector<10x1xi32>
    %broadcast_in_dim3A_2194 = vector.broadcast %broadcast_in_dim3A_2193 : vector<10x1xi32> to vector<10x128xi32>
    %broadcast_in_dim3A_2195 = vector.broadcast %jit3A_2192 : i32 to vector<10x128xi32>
    %select_n3A_2196 = arith.select %eq3A_2191, %broadcast_in_dim3A_2194, %broadcast_in_dim3A_2195 : vector<10x128xi1>, vector<10x128xi32>
    %add3A_2197 = arith.addi %add3A_2166, %select_n3A_2196 : vector<10x128xi32>
    %jit3A_2198 = arith.constant -1.000000e+30 : f32
    %broadcast_in_dim3A_2199 = vector.broadcast %jit3A_2198 : f32 to vector<10x1024xf32>
    %select_n3A_2200 = arith.select %eq3A_2182, %broadcast_in_dim3A_2199, %select_n3A_2169 : vector<10x1024xi1>, vector<10x1024xf32>
    %reduce_max3A_2201 = arith.constant dense<0xFF800000> : vector<10xf32>
    %reduce_max3A_2202 = vector.multi_reduction <maximumf>, %select_n3A_2200, %reduce_max3A_2201 [1] : vector<10x1024xf32> to vector<10xf32>
    %broadcast_in_dim3A_2203 = vector.shape_cast %reduce_max3A_2202 : vector<10xf32> to vector<10x1xf32>
    %eq3A_2204 = vector.broadcast %broadcast_in_dim3A_2203 : vector<10x1xf32> to vector<10x1024xf32>
    %eq3A_2205 = arith.cmpf oeq, %select_n3A_2200, %eq3A_2204 : vector<10x1024xf32>
    %jit3A_2206 = arith.constant 1073741824 : i32
    %broadcast_in_dim3A_2207 = vector.broadcast %jit3A_2206 : i32 to vector<10x1024xi32>
    %select_n3A_2208 = arith.select %eq3A_2205, %iota3A, %broadcast_in_dim3A_2207 : vector<10x1024xi1>, vector<10x1024xi32>
    %reduce_min3A_2209 = arith.constant dense<2147483647> : vector<10xi32>
    %reduce_min3A_2210 = vector.multi_reduction <minsi>, %select_n3A_2208, %reduce_min3A_2209 [1] : vector<10x1024xi32> to vector<10xi32>
    %broadcast_in_dim3A_2211 = vector.shape_cast %reduce_min3A_2210 : vector<10xi32> to vector<10x1xi32>
    %eq3A_2212 = vector.broadcast %broadcast_in_dim3A_2211 : vector<10x1xi32> to vector<10x1024xi32>
    %eq3A_2213 = arith.cmpi eq, %iota3A, %eq3A_2212 : vector<10x1024xi32>
    %jit3A_2214 = arith.constant 0 : i32
    %broadcast_in_dim3A_2215 = vector.broadcast %jit3A_2214 : i32 to vector<10x1024xi32>
    %select_n3A_2216 = arith.select %eq3A_2213, %get3A_4, %broadcast_in_dim3A_2215 : vector<10x1024xi1>, vector<10x1024xi32>
    %reduce_sum3A_2217 = arith.constant dense<0> : vector<10xi32>
    %reduce_sum3A_2218 = vector.multi_reduction <add>, %select_n3A_2216, %reduce_sum3A_2217 [1] : vector<10x1024xi32> to vector<10xi32>
    %broadcast_in_dim3A_2219 = vector.shape_cast %reduce_sum3A_2218 : vector<10xi32> to vector<10x1xi32>
    %eq3A_2220 = arith.constant 71 : i32
    %eq3A_2221 = vector.broadcast %eq3A_2220 : i32 to vector<10x128xi32>
    %eq3A_2222 = arith.cmpi eq, %iota3A_5, %eq3A_2221 : vector<10x128xi32>
    %jit3A_2223 = arith.constant 0 : i32
    %broadcast_in_dim3A_2224 = vector.shape_cast %broadcast_in_dim3A_2219 : vector<10x1xi32> to vector<10x1xi32>
    %broadcast_in_dim3A_2225 = vector.broadcast %broadcast_in_dim3A_2224 : vector<10x1xi32> to vector<10x128xi32>
    %broadcast_in_dim3A_2226 = vector.broadcast %jit3A_2223 : i32 to vector<10x128xi32>
    %select_n3A_2227 = arith.select %eq3A_2222, %broadcast_in_dim3A_2225, %broadcast_in_dim3A_2226 : vector<10x128xi1>, vector<10x128xi32>
    %add3A_2228 = arith.addi %add3A_2197, %select_n3A_2227 : vector<10x128xi32>
    %jit3A_2229 = arith.constant -1.000000e+30 : f32
    %broadcast_in_dim3A_2230 = vector.broadcast %jit3A_2229 : f32 to vector<10x1024xf32>
    %select_n3A_2231 = arith.select %eq3A_2213, %broadcast_in_dim3A_2230, %select_n3A_2200 : vector<10x1024xi1>, vector<10x1024xf32>
    %reduce_max3A_2232 = arith.constant dense<0xFF800000> : vector<10xf32>
    %reduce_max3A_2233 = vector.multi_reduction <maximumf>, %select_n3A_2231, %reduce_max3A_2232 [1] : vector<10x1024xf32> to vector<10xf32>
    %broadcast_in_dim3A_2234 = vector.shape_cast %reduce_max3A_2233 : vector<10xf32> to vector<10x1xf32>
    %eq3A_2235 = vector.broadcast %broadcast_in_dim3A_2234 : vector<10x1xf32> to vector<10x1024xf32>
    %eq3A_2236 = arith.cmpf oeq, %select_n3A_2231, %eq3A_2235 : vector<10x1024xf32>
    %jit3A_2237 = arith.constant 1073741824 : i32
    %broadcast_in_dim3A_2238 = vector.broadcast %jit3A_2237 : i32 to vector<10x1024xi32>
    %select_n3A_2239 = arith.select %eq3A_2236, %iota3A, %broadcast_in_dim3A_2238 : vector<10x1024xi1>, vector<10x1024xi32>
    %reduce_min3A_2240 = arith.constant dense<2147483647> : vector<10xi32>
    %reduce_min3A_2241 = vector.multi_reduction <minsi>, %select_n3A_2239, %reduce_min3A_2240 [1] : vector<10x1024xi32> to vector<10xi32>
    %broadcast_in_dim3A_2242 = vector.shape_cast %reduce_min3A_2241 : vector<10xi32> to vector<10x1xi32>
    %eq3A_2243 = vector.broadcast %broadcast_in_dim3A_2242 : vector<10x1xi32> to vector<10x1024xi32>
    %eq3A_2244 = arith.cmpi eq, %iota3A, %eq3A_2243 : vector<10x1024xi32>
    %jit3A_2245 = arith.constant 0 : i32
    %broadcast_in_dim3A_2246 = vector.broadcast %jit3A_2245 : i32 to vector<10x1024xi32>
    %select_n3A_2247 = arith.select %eq3A_2244, %get3A_4, %broadcast_in_dim3A_2246 : vector<10x1024xi1>, vector<10x1024xi32>
    %reduce_sum3A_2248 = arith.constant dense<0> : vector<10xi32>
    %reduce_sum3A_2249 = vector.multi_reduction <add>, %select_n3A_2247, %reduce_sum3A_2248 [1] : vector<10x1024xi32> to vector<10xi32>
    %broadcast_in_dim3A_2250 = vector.shape_cast %reduce_sum3A_2249 : vector<10xi32> to vector<10x1xi32>
    %eq3A_2251 = arith.constant 72 : i32
    %eq3A_2252 = vector.broadcast %eq3A_2251 : i32 to vector<10x128xi32>
    %eq3A_2253 = arith.cmpi eq, %iota3A_5, %eq3A_2252 : vector<10x128xi32>
    %jit3A_2254 = arith.constant 0 : i32
    %broadcast_in_dim3A_2255 = vector.shape_cast %broadcast_in_dim3A_2250 : vector<10x1xi32> to vector<10x1xi32>
    %broadcast_in_dim3A_2256 = vector.broadcast %broadcast_in_dim3A_2255 : vector<10x1xi32> to vector<10x128xi32>
    %broadcast_in_dim3A_2257 = vector.broadcast %jit3A_2254 : i32 to vector<10x128xi32>
    %select_n3A_2258 = arith.select %eq3A_2253, %broadcast_in_dim3A_2256, %broadcast_in_dim3A_2257 : vector<10x128xi1>, vector<10x128xi32>
    %add3A_2259 = arith.addi %add3A_2228, %select_n3A_2258 : vector<10x128xi32>
    %jit3A_2260 = arith.constant -1.000000e+30 : f32
    %broadcast_in_dim3A_2261 = vector.broadcast %jit3A_2260 : f32 to vector<10x1024xf32>
    %select_n3A_2262 = arith.select %eq3A_2244, %broadcast_in_dim3A_2261, %select_n3A_2231 : vector<10x1024xi1>, vector<10x1024xf32>
    %reduce_max3A_2263 = arith.constant dense<0xFF800000> : vector<10xf32>
    %reduce_max3A_2264 = vector.multi_reduction <maximumf>, %select_n3A_2262, %reduce_max3A_2263 [1] : vector<10x1024xf32> to vector<10xf32>
    %broadcast_in_dim3A_2265 = vector.shape_cast %reduce_max3A_2264 : vector<10xf32> to vector<10x1xf32>
    %eq3A_2266 = vector.broadcast %broadcast_in_dim3A_2265 : vector<10x1xf32> to vector<10x1024xf32>
    %eq3A_2267 = arith.cmpf oeq, %select_n3A_2262, %eq3A_2266 : vector<10x1024xf32>
    %jit3A_2268 = arith.constant 1073741824 : i32
    %broadcast_in_dim3A_2269 = vector.broadcast %jit3A_2268 : i32 to vector<10x1024xi32>
    %select_n3A_2270 = arith.select %eq3A_2267, %iota3A, %broadcast_in_dim3A_2269 : vector<10x1024xi1>, vector<10x1024xi32>
    %reduce_min3A_2271 = arith.constant dense<2147483647> : vector<10xi32>
    %reduce_min3A_2272 = vector.multi_reduction <minsi>, %select_n3A_2270, %reduce_min3A_2271 [1] : vector<10x1024xi32> to vector<10xi32>
    %broadcast_in_dim3A_2273 = vector.shape_cast %reduce_min3A_2272 : vector<10xi32> to vector<10x1xi32>
    %eq3A_2274 = vector.broadcast %broadcast_in_dim3A_2273 : vector<10x1xi32> to vector<10x1024xi32>
    %eq3A_2275 = arith.cmpi eq, %iota3A, %eq3A_2274 : vector<10x1024xi32>
    %jit3A_2276 = arith.constant 0 : i32
    %broadcast_in_dim3A_2277 = vector.broadcast %jit3A_2276 : i32 to vector<10x1024xi32>
    %select_n3A_2278 = arith.select %eq3A_2275, %get3A_4, %broadcast_in_dim3A_2277 : vector<10x1024xi1>, vector<10x1024xi32>
    %reduce_sum3A_2279 = arith.constant dense<0> : vector<10xi32>
    %reduce_sum3A_2280 = vector.multi_reduction <add>, %select_n3A_2278, %reduce_sum3A_2279 [1] : vector<10x1024xi32> to vector<10xi32>
    %broadcast_in_dim3A_2281 = vector.shape_cast %reduce_sum3A_2280 : vector<10xi32> to vector<10x1xi32>
    %eq3A_2282 = arith.constant 73 : i32
    %eq3A_2283 = vector.broadcast %eq3A_2282 : i32 to vector<10x128xi32>
    %eq3A_2284 = arith.cmpi eq, %iota3A_5, %eq3A_2283 : vector<10x128xi32>
    %jit3A_2285 = arith.constant 0 : i32
    %broadcast_in_dim3A_2286 = vector.shape_cast %broadcast_in_dim3A_2281 : vector<10x1xi32> to vector<10x1xi32>
    %broadcast_in_dim3A_2287 = vector.broadcast %broadcast_in_dim3A_2286 : vector<10x1xi32> to vector<10x128xi32>
    %broadcast_in_dim3A_2288 = vector.broadcast %jit3A_2285 : i32 to vector<10x128xi32>
    %select_n3A_2289 = arith.select %eq3A_2284, %broadcast_in_dim3A_2287, %broadcast_in_dim3A_2288 : vector<10x128xi1>, vector<10x128xi32>
    %add3A_2290 = arith.addi %add3A_2259, %select_n3A_2289 : vector<10x128xi32>
    %jit3A_2291 = arith.constant -1.000000e+30 : f32
    %broadcast_in_dim3A_2292 = vector.broadcast %jit3A_2291 : f32 to vector<10x1024xf32>
    %select_n3A_2293 = arith.select %eq3A_2275, %broadcast_in_dim3A_2292, %select_n3A_2262 : vector<10x1024xi1>, vector<10x1024xf32>
    %reduce_max3A_2294 = arith.constant dense<0xFF800000> : vector<10xf32>
    %reduce_max3A_2295 = vector.multi_reduction <maximumf>, %select_n3A_2293, %reduce_max3A_2294 [1] : vector<10x1024xf32> to vector<10xf32>
    %broadcast_in_dim3A_2296 = vector.shape_cast %reduce_max3A_2295 : vector<10xf32> to vector<10x1xf32>
    %eq3A_2297 = vector.broadcast %broadcast_in_dim3A_2296 : vector<10x1xf32> to vector<10x1024xf32>
    %eq3A_2298 = arith.cmpf oeq, %select_n3A_2293, %eq3A_2297 : vector<10x1024xf32>
    %jit3A_2299 = arith.constant 1073741824 : i32
    %broadcast_in_dim3A_2300 = vector.broadcast %jit3A_2299 : i32 to vector<10x1024xi32>
    %select_n3A_2301 = arith.select %eq3A_2298, %iota3A, %broadcast_in_dim3A_2300 : vector<10x1024xi1>, vector<10x1024xi32>
    %reduce_min3A_2302 = arith.constant dense<2147483647> : vector<10xi32>
    %reduce_min3A_2303 = vector.multi_reduction <minsi>, %select_n3A_2301, %reduce_min3A_2302 [1] : vector<10x1024xi32> to vector<10xi32>
    %broadcast_in_dim3A_2304 = vector.shape_cast %reduce_min3A_2303 : vector<10xi32> to vector<10x1xi32>
    %eq3A_2305 = vector.broadcast %broadcast_in_dim3A_2304 : vector<10x1xi32> to vector<10x1024xi32>
    %eq3A_2306 = arith.cmpi eq, %iota3A, %eq3A_2305 : vector<10x1024xi32>
    %jit3A_2307 = arith.constant 0 : i32
    %broadcast_in_dim3A_2308 = vector.broadcast %jit3A_2307 : i32 to vector<10x1024xi32>
    %select_n3A_2309 = arith.select %eq3A_2306, %get3A_4, %broadcast_in_dim3A_2308 : vector<10x1024xi1>, vector<10x1024xi32>
    %reduce_sum3A_2310 = arith.constant dense<0> : vector<10xi32>
    %reduce_sum3A_2311 = vector.multi_reduction <add>, %select_n3A_2309, %reduce_sum3A_2310 [1] : vector<10x1024xi32> to vector<10xi32>
    %broadcast_in_dim3A_2312 = vector.shape_cast %reduce_sum3A_2311 : vector<10xi32> to vector<10x1xi32>
    %eq3A_2313 = arith.constant 74 : i32
    %eq3A_2314 = vector.broadcast %eq3A_2313 : i32 to vector<10x128xi32>
    %eq3A_2315 = arith.cmpi eq, %iota3A_5, %eq3A_2314 : vector<10x128xi32>
    %jit3A_2316 = arith.constant 0 : i32
    %broadcast_in_dim3A_2317 = vector.shape_cast %broadcast_in_dim3A_2312 : vector<10x1xi32> to vector<10x1xi32>
    %broadcast_in_dim3A_2318 = vector.broadcast %broadcast_in_dim3A_2317 : vector<10x1xi32> to vector<10x128xi32>
    %broadcast_in_dim3A_2319 = vector.broadcast %jit3A_2316 : i32 to vector<10x128xi32>
    %select_n3A_2320 = arith.select %eq3A_2315, %broadcast_in_dim3A_2318, %broadcast_in_dim3A_2319 : vector<10x128xi1>, vector<10x128xi32>
    %add3A_2321 = arith.addi %add3A_2290, %select_n3A_2320 : vector<10x128xi32>
    %jit3A_2322 = arith.constant -1.000000e+30 : f32
    %broadcast_in_dim3A_2323 = vector.broadcast %jit3A_2322 : f32 to vector<10x1024xf32>
    %select_n3A_2324 = arith.select %eq3A_2306, %broadcast_in_dim3A_2323, %select_n3A_2293 : vector<10x1024xi1>, vector<10x1024xf32>
    %reduce_max3A_2325 = arith.constant dense<0xFF800000> : vector<10xf32>
    %reduce_max3A_2326 = vector.multi_reduction <maximumf>, %select_n3A_2324, %reduce_max3A_2325 [1] : vector<10x1024xf32> to vector<10xf32>
    %broadcast_in_dim3A_2327 = vector.shape_cast %reduce_max3A_2326 : vector<10xf32> to vector<10x1xf32>
    %eq3A_2328 = vector.broadcast %broadcast_in_dim3A_2327 : vector<10x1xf32> to vector<10x1024xf32>
    %eq3A_2329 = arith.cmpf oeq, %select_n3A_2324, %eq3A_2328 : vector<10x1024xf32>
    %jit3A_2330 = arith.constant 1073741824 : i32
    %broadcast_in_dim3A_2331 = vector.broadcast %jit3A_2330 : i32 to vector<10x1024xi32>
    %select_n3A_2332 = arith.select %eq3A_2329, %iota3A, %broadcast_in_dim3A_2331 : vector<10x1024xi1>, vector<10x1024xi32>
    %reduce_min3A_2333 = arith.constant dense<2147483647> : vector<10xi32>
    %reduce_min3A_2334 = vector.multi_reduction <minsi>, %select_n3A_2332, %reduce_min3A_2333 [1] : vector<10x1024xi32> to vector<10xi32>
    %broadcast_in_dim3A_2335 = vector.shape_cast %reduce_min3A_2334 : vector<10xi32> to vector<10x1xi32>
    %eq3A_2336 = vector.broadcast %broadcast_in_dim3A_2335 : vector<10x1xi32> to vector<10x1024xi32>
    %eq3A_2337 = arith.cmpi eq, %iota3A, %eq3A_2336 : vector<10x1024xi32>
    %jit3A_2338 = arith.constant 0 : i32
    %broadcast_in_dim3A_2339 = vector.broadcast %jit3A_2338 : i32 to vector<10x1024xi32>
    %select_n3A_2340 = arith.select %eq3A_2337, %get3A_4, %broadcast_in_dim3A_2339 : vector<10x1024xi1>, vector<10x1024xi32>
    %reduce_sum3A_2341 = arith.constant dense<0> : vector<10xi32>
    %reduce_sum3A_2342 = vector.multi_reduction <add>, %select_n3A_2340, %reduce_sum3A_2341 [1] : vector<10x1024xi32> to vector<10xi32>
    %broadcast_in_dim3A_2343 = vector.shape_cast %reduce_sum3A_2342 : vector<10xi32> to vector<10x1xi32>
    %eq3A_2344 = arith.constant 75 : i32
    %eq3A_2345 = vector.broadcast %eq3A_2344 : i32 to vector<10x128xi32>
    %eq3A_2346 = arith.cmpi eq, %iota3A_5, %eq3A_2345 : vector<10x128xi32>
    %jit3A_2347 = arith.constant 0 : i32
    %broadcast_in_dim3A_2348 = vector.shape_cast %broadcast_in_dim3A_2343 : vector<10x1xi32> to vector<10x1xi32>
    %broadcast_in_dim3A_2349 = vector.broadcast %broadcast_in_dim3A_2348 : vector<10x1xi32> to vector<10x128xi32>
    %broadcast_in_dim3A_2350 = vector.broadcast %jit3A_2347 : i32 to vector<10x128xi32>
    %select_n3A_2351 = arith.select %eq3A_2346, %broadcast_in_dim3A_2349, %broadcast_in_dim3A_2350 : vector<10x128xi1>, vector<10x128xi32>
    %add3A_2352 = arith.addi %add3A_2321, %select_n3A_2351 : vector<10x128xi32>
    %jit3A_2353 = arith.constant -1.000000e+30 : f32
    %broadcast_in_dim3A_2354 = vector.broadcast %jit3A_2353 : f32 to vector<10x1024xf32>
    %select_n3A_2355 = arith.select %eq3A_2337, %broadcast_in_dim3A_2354, %select_n3A_2324 : vector<10x1024xi1>, vector<10x1024xf32>
    %reduce_max3A_2356 = arith.constant dense<0xFF800000> : vector<10xf32>
    %reduce_max3A_2357 = vector.multi_reduction <maximumf>, %select_n3A_2355, %reduce_max3A_2356 [1] : vector<10x1024xf32> to vector<10xf32>
    %broadcast_in_dim3A_2358 = vector.shape_cast %reduce_max3A_2357 : vector<10xf32> to vector<10x1xf32>
    %eq3A_2359 = vector.broadcast %broadcast_in_dim3A_2358 : vector<10x1xf32> to vector<10x1024xf32>
    %eq3A_2360 = arith.cmpf oeq, %select_n3A_2355, %eq3A_2359 : vector<10x1024xf32>
    %jit3A_2361 = arith.constant 1073741824 : i32
    %broadcast_in_dim3A_2362 = vector.broadcast %jit3A_2361 : i32 to vector<10x1024xi32>
    %select_n3A_2363 = arith.select %eq3A_2360, %iota3A, %broadcast_in_dim3A_2362 : vector<10x1024xi1>, vector<10x1024xi32>
    %reduce_min3A_2364 = arith.constant dense<2147483647> : vector<10xi32>
    %reduce_min3A_2365 = vector.multi_reduction <minsi>, %select_n3A_2363, %reduce_min3A_2364 [1] : vector<10x1024xi32> to vector<10xi32>
    %broadcast_in_dim3A_2366 = vector.shape_cast %reduce_min3A_2365 : vector<10xi32> to vector<10x1xi32>
    %eq3A_2367 = vector.broadcast %broadcast_in_dim3A_2366 : vector<10x1xi32> to vector<10x1024xi32>
    %eq3A_2368 = arith.cmpi eq, %iota3A, %eq3A_2367 : vector<10x1024xi32>
    %jit3A_2369 = arith.constant 0 : i32
    %broadcast_in_dim3A_2370 = vector.broadcast %jit3A_2369 : i32 to vector<10x1024xi32>
    %select_n3A_2371 = arith.select %eq3A_2368, %get3A_4, %broadcast_in_dim3A_2370 : vector<10x1024xi1>, vector<10x1024xi32>
    %reduce_sum3A_2372 = arith.constant dense<0> : vector<10xi32>
    %reduce_sum3A_2373 = vector.multi_reduction <add>, %select_n3A_2371, %reduce_sum3A_2372 [1] : vector<10x1024xi32> to vector<10xi32>
    %broadcast_in_dim3A_2374 = vector.shape_cast %reduce_sum3A_2373 : vector<10xi32> to vector<10x1xi32>
    %eq3A_2375 = arith.constant 76 : i32
    %eq3A_2376 = vector.broadcast %eq3A_2375 : i32 to vector<10x128xi32>
    %eq3A_2377 = arith.cmpi eq, %iota3A_5, %eq3A_2376 : vector<10x128xi32>
    %jit3A_2378 = arith.constant 0 : i32
    %broadcast_in_dim3A_2379 = vector.shape_cast %broadcast_in_dim3A_2374 : vector<10x1xi32> to vector<10x1xi32>
    %broadcast_in_dim3A_2380 = vector.broadcast %broadcast_in_dim3A_2379 : vector<10x1xi32> to vector<10x128xi32>
    %broadcast_in_dim3A_2381 = vector.broadcast %jit3A_2378 : i32 to vector<10x128xi32>
    %select_n3A_2382 = arith.select %eq3A_2377, %broadcast_in_dim3A_2380, %broadcast_in_dim3A_2381 : vector<10x128xi1>, vector<10x128xi32>
    %add3A_2383 = arith.addi %add3A_2352, %select_n3A_2382 : vector<10x128xi32>
    %jit3A_2384 = arith.constant -1.000000e+30 : f32
    %broadcast_in_dim3A_2385 = vector.broadcast %jit3A_2384 : f32 to vector<10x1024xf32>
    %select_n3A_2386 = arith.select %eq3A_2368, %broadcast_in_dim3A_2385, %select_n3A_2355 : vector<10x1024xi1>, vector<10x1024xf32>
    %reduce_max3A_2387 = arith.constant dense<0xFF800000> : vector<10xf32>
    %reduce_max3A_2388 = vector.multi_reduction <maximumf>, %select_n3A_2386, %reduce_max3A_2387 [1] : vector<10x1024xf32> to vector<10xf32>
    %broadcast_in_dim3A_2389 = vector.shape_cast %reduce_max3A_2388 : vector<10xf32> to vector<10x1xf32>
    %eq3A_2390 = vector.broadcast %broadcast_in_dim3A_2389 : vector<10x1xf32> to vector<10x1024xf32>
    %eq3A_2391 = arith.cmpf oeq, %select_n3A_2386, %eq3A_2390 : vector<10x1024xf32>
    %jit3A_2392 = arith.constant 1073741824 : i32
    %broadcast_in_dim3A_2393 = vector.broadcast %jit3A_2392 : i32 to vector<10x1024xi32>
    %select_n3A_2394 = arith.select %eq3A_2391, %iota3A, %broadcast_in_dim3A_2393 : vector<10x1024xi1>, vector<10x1024xi32>
    %reduce_min3A_2395 = arith.constant dense<2147483647> : vector<10xi32>
    %reduce_min3A_2396 = vector.multi_reduction <minsi>, %select_n3A_2394, %reduce_min3A_2395 [1] : vector<10x1024xi32> to vector<10xi32>
    %broadcast_in_dim3A_2397 = vector.shape_cast %reduce_min3A_2396 : vector<10xi32> to vector<10x1xi32>
    %eq3A_2398 = vector.broadcast %broadcast_in_dim3A_2397 : vector<10x1xi32> to vector<10x1024xi32>
    %eq3A_2399 = arith.cmpi eq, %iota3A, %eq3A_2398 : vector<10x1024xi32>
    %jit3A_2400 = arith.constant 0 : i32
    %broadcast_in_dim3A_2401 = vector.broadcast %jit3A_2400 : i32 to vector<10x1024xi32>
    %select_n3A_2402 = arith.select %eq3A_2399, %get3A_4, %broadcast_in_dim3A_2401 : vector<10x1024xi1>, vector<10x1024xi32>
    %reduce_sum3A_2403 = arith.constant dense<0> : vector<10xi32>
    %reduce_sum3A_2404 = vector.multi_reduction <add>, %select_n3A_2402, %reduce_sum3A_2403 [1] : vector<10x1024xi32> to vector<10xi32>
    %broadcast_in_dim3A_2405 = vector.shape_cast %reduce_sum3A_2404 : vector<10xi32> to vector<10x1xi32>
    %eq3A_2406 = arith.constant 77 : i32
    %eq3A_2407 = vector.broadcast %eq3A_2406 : i32 to vector<10x128xi32>
    %eq3A_2408 = arith.cmpi eq, %iota3A_5, %eq3A_2407 : vector<10x128xi32>
    %jit3A_2409 = arith.constant 0 : i32
    %broadcast_in_dim3A_2410 = vector.shape_cast %broadcast_in_dim3A_2405 : vector<10x1xi32> to vector<10x1xi32>
    %broadcast_in_dim3A_2411 = vector.broadcast %broadcast_in_dim3A_2410 : vector<10x1xi32> to vector<10x128xi32>
    %broadcast_in_dim3A_2412 = vector.broadcast %jit3A_2409 : i32 to vector<10x128xi32>
    %select_n3A_2413 = arith.select %eq3A_2408, %broadcast_in_dim3A_2411, %broadcast_in_dim3A_2412 : vector<10x128xi1>, vector<10x128xi32>
    %add3A_2414 = arith.addi %add3A_2383, %select_n3A_2413 : vector<10x128xi32>
    %jit3A_2415 = arith.constant -1.000000e+30 : f32
    %broadcast_in_dim3A_2416 = vector.broadcast %jit3A_2415 : f32 to vector<10x1024xf32>
    %select_n3A_2417 = arith.select %eq3A_2399, %broadcast_in_dim3A_2416, %select_n3A_2386 : vector<10x1024xi1>, vector<10x1024xf32>
    %reduce_max3A_2418 = arith.constant dense<0xFF800000> : vector<10xf32>
    %reduce_max3A_2419 = vector.multi_reduction <maximumf>, %select_n3A_2417, %reduce_max3A_2418 [1] : vector<10x1024xf32> to vector<10xf32>
    %broadcast_in_dim3A_2420 = vector.shape_cast %reduce_max3A_2419 : vector<10xf32> to vector<10x1xf32>
    %eq3A_2421 = vector.broadcast %broadcast_in_dim3A_2420 : vector<10x1xf32> to vector<10x1024xf32>
    %eq3A_2422 = arith.cmpf oeq, %select_n3A_2417, %eq3A_2421 : vector<10x1024xf32>
    %jit3A_2423 = arith.constant 1073741824 : i32
    %broadcast_in_dim3A_2424 = vector.broadcast %jit3A_2423 : i32 to vector<10x1024xi32>
    %select_n3A_2425 = arith.select %eq3A_2422, %iota3A, %broadcast_in_dim3A_2424 : vector<10x1024xi1>, vector<10x1024xi32>
    %reduce_min3A_2426 = arith.constant dense<2147483647> : vector<10xi32>
    %reduce_min3A_2427 = vector.multi_reduction <minsi>, %select_n3A_2425, %reduce_min3A_2426 [1] : vector<10x1024xi32> to vector<10xi32>
    %broadcast_in_dim3A_2428 = vector.shape_cast %reduce_min3A_2427 : vector<10xi32> to vector<10x1xi32>
    %eq3A_2429 = vector.broadcast %broadcast_in_dim3A_2428 : vector<10x1xi32> to vector<10x1024xi32>
    %eq3A_2430 = arith.cmpi eq, %iota3A, %eq3A_2429 : vector<10x1024xi32>
    %jit3A_2431 = arith.constant 0 : i32
    %broadcast_in_dim3A_2432 = vector.broadcast %jit3A_2431 : i32 to vector<10x1024xi32>
    %select_n3A_2433 = arith.select %eq3A_2430, %get3A_4, %broadcast_in_dim3A_2432 : vector<10x1024xi1>, vector<10x1024xi32>
    %reduce_sum3A_2434 = arith.constant dense<0> : vector<10xi32>
    %reduce_sum3A_2435 = vector.multi_reduction <add>, %select_n3A_2433, %reduce_sum3A_2434 [1] : vector<10x1024xi32> to vector<10xi32>
    %broadcast_in_dim3A_2436 = vector.shape_cast %reduce_sum3A_2435 : vector<10xi32> to vector<10x1xi32>
    %eq3A_2437 = arith.constant 78 : i32
    %eq3A_2438 = vector.broadcast %eq3A_2437 : i32 to vector<10x128xi32>
    %eq3A_2439 = arith.cmpi eq, %iota3A_5, %eq3A_2438 : vector<10x128xi32>
    %jit3A_2440 = arith.constant 0 : i32
    %broadcast_in_dim3A_2441 = vector.shape_cast %broadcast_in_dim3A_2436 : vector<10x1xi32> to vector<10x1xi32>
    %broadcast_in_dim3A_2442 = vector.broadcast %broadcast_in_dim3A_2441 : vector<10x1xi32> to vector<10x128xi32>
    %broadcast_in_dim3A_2443 = vector.broadcast %jit3A_2440 : i32 to vector<10x128xi32>
    %select_n3A_2444 = arith.select %eq3A_2439, %broadcast_in_dim3A_2442, %broadcast_in_dim3A_2443 : vector<10x128xi1>, vector<10x128xi32>
    %add3A_2445 = arith.addi %add3A_2414, %select_n3A_2444 : vector<10x128xi32>
    %jit3A_2446 = arith.constant -1.000000e+30 : f32
    %broadcast_in_dim3A_2447 = vector.broadcast %jit3A_2446 : f32 to vector<10x1024xf32>
    %select_n3A_2448 = arith.select %eq3A_2430, %broadcast_in_dim3A_2447, %select_n3A_2417 : vector<10x1024xi1>, vector<10x1024xf32>
    %reduce_max3A_2449 = arith.constant dense<0xFF800000> : vector<10xf32>
    %reduce_max3A_2450 = vector.multi_reduction <maximumf>, %select_n3A_2448, %reduce_max3A_2449 [1] : vector<10x1024xf32> to vector<10xf32>
    %broadcast_in_dim3A_2451 = vector.shape_cast %reduce_max3A_2450 : vector<10xf32> to vector<10x1xf32>
    %eq3A_2452 = vector.broadcast %broadcast_in_dim3A_2451 : vector<10x1xf32> to vector<10x1024xf32>
    %eq3A_2453 = arith.cmpf oeq, %select_n3A_2448, %eq3A_2452 : vector<10x1024xf32>
    %jit3A_2454 = arith.constant 1073741824 : i32
    %broadcast_in_dim3A_2455 = vector.broadcast %jit3A_2454 : i32 to vector<10x1024xi32>
    %select_n3A_2456 = arith.select %eq3A_2453, %iota3A, %broadcast_in_dim3A_2455 : vector<10x1024xi1>, vector<10x1024xi32>
    %reduce_min3A_2457 = arith.constant dense<2147483647> : vector<10xi32>
    %reduce_min3A_2458 = vector.multi_reduction <minsi>, %select_n3A_2456, %reduce_min3A_2457 [1] : vector<10x1024xi32> to vector<10xi32>
    %broadcast_in_dim3A_2459 = vector.shape_cast %reduce_min3A_2458 : vector<10xi32> to vector<10x1xi32>
    %eq3A_2460 = vector.broadcast %broadcast_in_dim3A_2459 : vector<10x1xi32> to vector<10x1024xi32>
    %eq3A_2461 = arith.cmpi eq, %iota3A, %eq3A_2460 : vector<10x1024xi32>
    %jit3A_2462 = arith.constant 0 : i32
    %broadcast_in_dim3A_2463 = vector.broadcast %jit3A_2462 : i32 to vector<10x1024xi32>
    %select_n3A_2464 = arith.select %eq3A_2461, %get3A_4, %broadcast_in_dim3A_2463 : vector<10x1024xi1>, vector<10x1024xi32>
    %reduce_sum3A_2465 = arith.constant dense<0> : vector<10xi32>
    %reduce_sum3A_2466 = vector.multi_reduction <add>, %select_n3A_2464, %reduce_sum3A_2465 [1] : vector<10x1024xi32> to vector<10xi32>
    %broadcast_in_dim3A_2467 = vector.shape_cast %reduce_sum3A_2466 : vector<10xi32> to vector<10x1xi32>
    %eq3A_2468 = arith.constant 79 : i32
    %eq3A_2469 = vector.broadcast %eq3A_2468 : i32 to vector<10x128xi32>
    %eq3A_2470 = arith.cmpi eq, %iota3A_5, %eq3A_2469 : vector<10x128xi32>
    %jit3A_2471 = arith.constant 0 : i32
    %broadcast_in_dim3A_2472 = vector.shape_cast %broadcast_in_dim3A_2467 : vector<10x1xi32> to vector<10x1xi32>
    %broadcast_in_dim3A_2473 = vector.broadcast %broadcast_in_dim3A_2472 : vector<10x1xi32> to vector<10x128xi32>
    %broadcast_in_dim3A_2474 = vector.broadcast %jit3A_2471 : i32 to vector<10x128xi32>
    %select_n3A_2475 = arith.select %eq3A_2470, %broadcast_in_dim3A_2473, %broadcast_in_dim3A_2474 : vector<10x128xi1>, vector<10x128xi32>
    %add3A_2476 = arith.addi %add3A_2445, %select_n3A_2475 : vector<10x128xi32>
    %jit3A_2477 = arith.constant -1.000000e+30 : f32
    %broadcast_in_dim3A_2478 = vector.broadcast %jit3A_2477 : f32 to vector<10x1024xf32>
    %select_n3A_2479 = arith.select %eq3A_2461, %broadcast_in_dim3A_2478, %select_n3A_2448 : vector<10x1024xi1>, vector<10x1024xf32>
    %reduce_max3A_2480 = arith.constant dense<0xFF800000> : vector<10xf32>
    %reduce_max3A_2481 = vector.multi_reduction <maximumf>, %select_n3A_2479, %reduce_max3A_2480 [1] : vector<10x1024xf32> to vector<10xf32>
    %broadcast_in_dim3A_2482 = vector.shape_cast %reduce_max3A_2481 : vector<10xf32> to vector<10x1xf32>
    %eq3A_2483 = vector.broadcast %broadcast_in_dim3A_2482 : vector<10x1xf32> to vector<10x1024xf32>
    %eq3A_2484 = arith.cmpf oeq, %select_n3A_2479, %eq3A_2483 : vector<10x1024xf32>
    %jit3A_2485 = arith.constant 1073741824 : i32
    %broadcast_in_dim3A_2486 = vector.broadcast %jit3A_2485 : i32 to vector<10x1024xi32>
    %select_n3A_2487 = arith.select %eq3A_2484, %iota3A, %broadcast_in_dim3A_2486 : vector<10x1024xi1>, vector<10x1024xi32>
    %reduce_min3A_2488 = arith.constant dense<2147483647> : vector<10xi32>
    %reduce_min3A_2489 = vector.multi_reduction <minsi>, %select_n3A_2487, %reduce_min3A_2488 [1] : vector<10x1024xi32> to vector<10xi32>
    %broadcast_in_dim3A_2490 = vector.shape_cast %reduce_min3A_2489 : vector<10xi32> to vector<10x1xi32>
    %eq3A_2491 = vector.broadcast %broadcast_in_dim3A_2490 : vector<10x1xi32> to vector<10x1024xi32>
    %eq3A_2492 = arith.cmpi eq, %iota3A, %eq3A_2491 : vector<10x1024xi32>
    %jit3A_2493 = arith.constant 0 : i32
    %broadcast_in_dim3A_2494 = vector.broadcast %jit3A_2493 : i32 to vector<10x1024xi32>
    %select_n3A_2495 = arith.select %eq3A_2492, %get3A_4, %broadcast_in_dim3A_2494 : vector<10x1024xi1>, vector<10x1024xi32>
    %reduce_sum3A_2496 = arith.constant dense<0> : vector<10xi32>
    %reduce_sum3A_2497 = vector.multi_reduction <add>, %select_n3A_2495, %reduce_sum3A_2496 [1] : vector<10x1024xi32> to vector<10xi32>
    %broadcast_in_dim3A_2498 = vector.shape_cast %reduce_sum3A_2497 : vector<10xi32> to vector<10x1xi32>
    %eq3A_2499 = arith.constant 80 : i32
    %eq3A_2500 = vector.broadcast %eq3A_2499 : i32 to vector<10x128xi32>
    %eq3A_2501 = arith.cmpi eq, %iota3A_5, %eq3A_2500 : vector<10x128xi32>
    %jit3A_2502 = arith.constant 0 : i32
    %broadcast_in_dim3A_2503 = vector.shape_cast %broadcast_in_dim3A_2498 : vector<10x1xi32> to vector<10x1xi32>
    %broadcast_in_dim3A_2504 = vector.broadcast %broadcast_in_dim3A_2503 : vector<10x1xi32> to vector<10x128xi32>
    %broadcast_in_dim3A_2505 = vector.broadcast %jit3A_2502 : i32 to vector<10x128xi32>
    %select_n3A_2506 = arith.select %eq3A_2501, %broadcast_in_dim3A_2504, %broadcast_in_dim3A_2505 : vector<10x128xi1>, vector<10x128xi32>
    %add3A_2507 = arith.addi %add3A_2476, %select_n3A_2506 : vector<10x128xi32>
    %jit3A_2508 = arith.constant -1.000000e+30 : f32
    %broadcast_in_dim3A_2509 = vector.broadcast %jit3A_2508 : f32 to vector<10x1024xf32>
    %select_n3A_2510 = arith.select %eq3A_2492, %broadcast_in_dim3A_2509, %select_n3A_2479 : vector<10x1024xi1>, vector<10x1024xf32>
    %reduce_max3A_2511 = arith.constant dense<0xFF800000> : vector<10xf32>
    %reduce_max3A_2512 = vector.multi_reduction <maximumf>, %select_n3A_2510, %reduce_max3A_2511 [1] : vector<10x1024xf32> to vector<10xf32>
    %broadcast_in_dim3A_2513 = vector.shape_cast %reduce_max3A_2512 : vector<10xf32> to vector<10x1xf32>
    %eq3A_2514 = vector.broadcast %broadcast_in_dim3A_2513 : vector<10x1xf32> to vector<10x1024xf32>
    %eq3A_2515 = arith.cmpf oeq, %select_n3A_2510, %eq3A_2514 : vector<10x1024xf32>
    %jit3A_2516 = arith.constant 1073741824 : i32
    %broadcast_in_dim3A_2517 = vector.broadcast %jit3A_2516 : i32 to vector<10x1024xi32>
    %select_n3A_2518 = arith.select %eq3A_2515, %iota3A, %broadcast_in_dim3A_2517 : vector<10x1024xi1>, vector<10x1024xi32>
    %reduce_min3A_2519 = arith.constant dense<2147483647> : vector<10xi32>
    %reduce_min3A_2520 = vector.multi_reduction <minsi>, %select_n3A_2518, %reduce_min3A_2519 [1] : vector<10x1024xi32> to vector<10xi32>
    %broadcast_in_dim3A_2521 = vector.shape_cast %reduce_min3A_2520 : vector<10xi32> to vector<10x1xi32>
    %eq3A_2522 = vector.broadcast %broadcast_in_dim3A_2521 : vector<10x1xi32> to vector<10x1024xi32>
    %eq3A_2523 = arith.cmpi eq, %iota3A, %eq3A_2522 : vector<10x1024xi32>
    %jit3A_2524 = arith.constant 0 : i32
    %broadcast_in_dim3A_2525 = vector.broadcast %jit3A_2524 : i32 to vector<10x1024xi32>
    %select_n3A_2526 = arith.select %eq3A_2523, %get3A_4, %broadcast_in_dim3A_2525 : vector<10x1024xi1>, vector<10x1024xi32>
    %reduce_sum3A_2527 = arith.constant dense<0> : vector<10xi32>
    %reduce_sum3A_2528 = vector.multi_reduction <add>, %select_n3A_2526, %reduce_sum3A_2527 [1] : vector<10x1024xi32> to vector<10xi32>
    %broadcast_in_dim3A_2529 = vector.shape_cast %reduce_sum3A_2528 : vector<10xi32> to vector<10x1xi32>
    %eq3A_2530 = arith.constant 81 : i32
    %eq3A_2531 = vector.broadcast %eq3A_2530 : i32 to vector<10x128xi32>
    %eq3A_2532 = arith.cmpi eq, %iota3A_5, %eq3A_2531 : vector<10x128xi32>
    %jit3A_2533 = arith.constant 0 : i32
    %broadcast_in_dim3A_2534 = vector.shape_cast %broadcast_in_dim3A_2529 : vector<10x1xi32> to vector<10x1xi32>
    %broadcast_in_dim3A_2535 = vector.broadcast %broadcast_in_dim3A_2534 : vector<10x1xi32> to vector<10x128xi32>
    %broadcast_in_dim3A_2536 = vector.broadcast %jit3A_2533 : i32 to vector<10x128xi32>
    %select_n3A_2537 = arith.select %eq3A_2532, %broadcast_in_dim3A_2535, %broadcast_in_dim3A_2536 : vector<10x128xi1>, vector<10x128xi32>
    %add3A_2538 = arith.addi %add3A_2507, %select_n3A_2537 : vector<10x128xi32>
    %jit3A_2539 = arith.constant -1.000000e+30 : f32
    %broadcast_in_dim3A_2540 = vector.broadcast %jit3A_2539 : f32 to vector<10x1024xf32>
    %select_n3A_2541 = arith.select %eq3A_2523, %broadcast_in_dim3A_2540, %select_n3A_2510 : vector<10x1024xi1>, vector<10x1024xf32>
    %reduce_max3A_2542 = arith.constant dense<0xFF800000> : vector<10xf32>
    %reduce_max3A_2543 = vector.multi_reduction <maximumf>, %select_n3A_2541, %reduce_max3A_2542 [1] : vector<10x1024xf32> to vector<10xf32>
    %broadcast_in_dim3A_2544 = vector.shape_cast %reduce_max3A_2543 : vector<10xf32> to vector<10x1xf32>
    %eq3A_2545 = vector.broadcast %broadcast_in_dim3A_2544 : vector<10x1xf32> to vector<10x1024xf32>
    %eq3A_2546 = arith.cmpf oeq, %select_n3A_2541, %eq3A_2545 : vector<10x1024xf32>
    %jit3A_2547 = arith.constant 1073741824 : i32
    %broadcast_in_dim3A_2548 = vector.broadcast %jit3A_2547 : i32 to vector<10x1024xi32>
    %select_n3A_2549 = arith.select %eq3A_2546, %iota3A, %broadcast_in_dim3A_2548 : vector<10x1024xi1>, vector<10x1024xi32>
    %reduce_min3A_2550 = arith.constant dense<2147483647> : vector<10xi32>
    %reduce_min3A_2551 = vector.multi_reduction <minsi>, %select_n3A_2549, %reduce_min3A_2550 [1] : vector<10x1024xi32> to vector<10xi32>
    %broadcast_in_dim3A_2552 = vector.shape_cast %reduce_min3A_2551 : vector<10xi32> to vector<10x1xi32>
    %eq3A_2553 = vector.broadcast %broadcast_in_dim3A_2552 : vector<10x1xi32> to vector<10x1024xi32>
    %eq3A_2554 = arith.cmpi eq, %iota3A, %eq3A_2553 : vector<10x1024xi32>
    %jit3A_2555 = arith.constant 0 : i32
    %broadcast_in_dim3A_2556 = vector.broadcast %jit3A_2555 : i32 to vector<10x1024xi32>
    %select_n3A_2557 = arith.select %eq3A_2554, %get3A_4, %broadcast_in_dim3A_2556 : vector<10x1024xi1>, vector<10x1024xi32>
    %reduce_sum3A_2558 = arith.constant dense<0> : vector<10xi32>
    %reduce_sum3A_2559 = vector.multi_reduction <add>, %select_n3A_2557, %reduce_sum3A_2558 [1] : vector<10x1024xi32> to vector<10xi32>
    %broadcast_in_dim3A_2560 = vector.shape_cast %reduce_sum3A_2559 : vector<10xi32> to vector<10x1xi32>
    %eq3A_2561 = arith.constant 82 : i32
    %eq3A_2562 = vector.broadcast %eq3A_2561 : i32 to vector<10x128xi32>
    %eq3A_2563 = arith.cmpi eq, %iota3A_5, %eq3A_2562 : vector<10x128xi32>
    %jit3A_2564 = arith.constant 0 : i32
    %broadcast_in_dim3A_2565 = vector.shape_cast %broadcast_in_dim3A_2560 : vector<10x1xi32> to vector<10x1xi32>
    %broadcast_in_dim3A_2566 = vector.broadcast %broadcast_in_dim3A_2565 : vector<10x1xi32> to vector<10x128xi32>
    %broadcast_in_dim3A_2567 = vector.broadcast %jit3A_2564 : i32 to vector<10x128xi32>
    %select_n3A_2568 = arith.select %eq3A_2563, %broadcast_in_dim3A_2566, %broadcast_in_dim3A_2567 : vector<10x128xi1>, vector<10x128xi32>
    %add3A_2569 = arith.addi %add3A_2538, %select_n3A_2568 : vector<10x128xi32>
    %jit3A_2570 = arith.constant -1.000000e+30 : f32
    %broadcast_in_dim3A_2571 = vector.broadcast %jit3A_2570 : f32 to vector<10x1024xf32>
    %select_n3A_2572 = arith.select %eq3A_2554, %broadcast_in_dim3A_2571, %select_n3A_2541 : vector<10x1024xi1>, vector<10x1024xf32>
    %reduce_max3A_2573 = arith.constant dense<0xFF800000> : vector<10xf32>
    %reduce_max3A_2574 = vector.multi_reduction <maximumf>, %select_n3A_2572, %reduce_max3A_2573 [1] : vector<10x1024xf32> to vector<10xf32>
    %broadcast_in_dim3A_2575 = vector.shape_cast %reduce_max3A_2574 : vector<10xf32> to vector<10x1xf32>
    %eq3A_2576 = vector.broadcast %broadcast_in_dim3A_2575 : vector<10x1xf32> to vector<10x1024xf32>
    %eq3A_2577 = arith.cmpf oeq, %select_n3A_2572, %eq3A_2576 : vector<10x1024xf32>
    %jit3A_2578 = arith.constant 1073741824 : i32
    %broadcast_in_dim3A_2579 = vector.broadcast %jit3A_2578 : i32 to vector<10x1024xi32>
    %select_n3A_2580 = arith.select %eq3A_2577, %iota3A, %broadcast_in_dim3A_2579 : vector<10x1024xi1>, vector<10x1024xi32>
    %reduce_min3A_2581 = arith.constant dense<2147483647> : vector<10xi32>
    %reduce_min3A_2582 = vector.multi_reduction <minsi>, %select_n3A_2580, %reduce_min3A_2581 [1] : vector<10x1024xi32> to vector<10xi32>
    %broadcast_in_dim3A_2583 = vector.shape_cast %reduce_min3A_2582 : vector<10xi32> to vector<10x1xi32>
    %eq3A_2584 = vector.broadcast %broadcast_in_dim3A_2583 : vector<10x1xi32> to vector<10x1024xi32>
    %eq3A_2585 = arith.cmpi eq, %iota3A, %eq3A_2584 : vector<10x1024xi32>
    %jit3A_2586 = arith.constant 0 : i32
    %broadcast_in_dim3A_2587 = vector.broadcast %jit3A_2586 : i32 to vector<10x1024xi32>
    %select_n3A_2588 = arith.select %eq3A_2585, %get3A_4, %broadcast_in_dim3A_2587 : vector<10x1024xi1>, vector<10x1024xi32>
    %reduce_sum3A_2589 = arith.constant dense<0> : vector<10xi32>
    %reduce_sum3A_2590 = vector.multi_reduction <add>, %select_n3A_2588, %reduce_sum3A_2589 [1] : vector<10x1024xi32> to vector<10xi32>
    %broadcast_in_dim3A_2591 = vector.shape_cast %reduce_sum3A_2590 : vector<10xi32> to vector<10x1xi32>
    %eq3A_2592 = arith.constant 83 : i32
    %eq3A_2593 = vector.broadcast %eq3A_2592 : i32 to vector<10x128xi32>
    %eq3A_2594 = arith.cmpi eq, %iota3A_5, %eq3A_2593 : vector<10x128xi32>
    %jit3A_2595 = arith.constant 0 : i32
    %broadcast_in_dim3A_2596 = vector.shape_cast %broadcast_in_dim3A_2591 : vector<10x1xi32> to vector<10x1xi32>
    %broadcast_in_dim3A_2597 = vector.broadcast %broadcast_in_dim3A_2596 : vector<10x1xi32> to vector<10x128xi32>
    %broadcast_in_dim3A_2598 = vector.broadcast %jit3A_2595 : i32 to vector<10x128xi32>
    %select_n3A_2599 = arith.select %eq3A_2594, %broadcast_in_dim3A_2597, %broadcast_in_dim3A_2598 : vector<10x128xi1>, vector<10x128xi32>
    %add3A_2600 = arith.addi %add3A_2569, %select_n3A_2599 : vector<10x128xi32>
    %jit3A_2601 = arith.constant -1.000000e+30 : f32
    %broadcast_in_dim3A_2602 = vector.broadcast %jit3A_2601 : f32 to vector<10x1024xf32>
    %select_n3A_2603 = arith.select %eq3A_2585, %broadcast_in_dim3A_2602, %select_n3A_2572 : vector<10x1024xi1>, vector<10x1024xf32>
    %reduce_max3A_2604 = arith.constant dense<0xFF800000> : vector<10xf32>
    %reduce_max3A_2605 = vector.multi_reduction <maximumf>, %select_n3A_2603, %reduce_max3A_2604 [1] : vector<10x1024xf32> to vector<10xf32>
    %broadcast_in_dim3A_2606 = vector.shape_cast %reduce_max3A_2605 : vector<10xf32> to vector<10x1xf32>
    %eq3A_2607 = vector.broadcast %broadcast_in_dim3A_2606 : vector<10x1xf32> to vector<10x1024xf32>
    %eq3A_2608 = arith.cmpf oeq, %select_n3A_2603, %eq3A_2607 : vector<10x1024xf32>
    %jit3A_2609 = arith.constant 1073741824 : i32
    %broadcast_in_dim3A_2610 = vector.broadcast %jit3A_2609 : i32 to vector<10x1024xi32>
    %select_n3A_2611 = arith.select %eq3A_2608, %iota3A, %broadcast_in_dim3A_2610 : vector<10x1024xi1>, vector<10x1024xi32>
    %reduce_min3A_2612 = arith.constant dense<2147483647> : vector<10xi32>
    %reduce_min3A_2613 = vector.multi_reduction <minsi>, %select_n3A_2611, %reduce_min3A_2612 [1] : vector<10x1024xi32> to vector<10xi32>
    %broadcast_in_dim3A_2614 = vector.shape_cast %reduce_min3A_2613 : vector<10xi32> to vector<10x1xi32>
    %eq3A_2615 = vector.broadcast %broadcast_in_dim3A_2614 : vector<10x1xi32> to vector<10x1024xi32>
    %eq3A_2616 = arith.cmpi eq, %iota3A, %eq3A_2615 : vector<10x1024xi32>
    %jit3A_2617 = arith.constant 0 : i32
    %broadcast_in_dim3A_2618 = vector.broadcast %jit3A_2617 : i32 to vector<10x1024xi32>
    %select_n3A_2619 = arith.select %eq3A_2616, %get3A_4, %broadcast_in_dim3A_2618 : vector<10x1024xi1>, vector<10x1024xi32>
    %reduce_sum3A_2620 = arith.constant dense<0> : vector<10xi32>
    %reduce_sum3A_2621 = vector.multi_reduction <add>, %select_n3A_2619, %reduce_sum3A_2620 [1] : vector<10x1024xi32> to vector<10xi32>
    %broadcast_in_dim3A_2622 = vector.shape_cast %reduce_sum3A_2621 : vector<10xi32> to vector<10x1xi32>
    %eq3A_2623 = arith.constant 84 : i32
    %eq3A_2624 = vector.broadcast %eq3A_2623 : i32 to vector<10x128xi32>
    %eq3A_2625 = arith.cmpi eq, %iota3A_5, %eq3A_2624 : vector<10x128xi32>
    %jit3A_2626 = arith.constant 0 : i32
    %broadcast_in_dim3A_2627 = vector.shape_cast %broadcast_in_dim3A_2622 : vector<10x1xi32> to vector<10x1xi32>
    %broadcast_in_dim3A_2628 = vector.broadcast %broadcast_in_dim3A_2627 : vector<10x1xi32> to vector<10x128xi32>
    %broadcast_in_dim3A_2629 = vector.broadcast %jit3A_2626 : i32 to vector<10x128xi32>
    %select_n3A_2630 = arith.select %eq3A_2625, %broadcast_in_dim3A_2628, %broadcast_in_dim3A_2629 : vector<10x128xi1>, vector<10x128xi32>
    %add3A_2631 = arith.addi %add3A_2600, %select_n3A_2630 : vector<10x128xi32>
    %jit3A_2632 = arith.constant -1.000000e+30 : f32
    %broadcast_in_dim3A_2633 = vector.broadcast %jit3A_2632 : f32 to vector<10x1024xf32>
    %select_n3A_2634 = arith.select %eq3A_2616, %broadcast_in_dim3A_2633, %select_n3A_2603 : vector<10x1024xi1>, vector<10x1024xf32>
    %reduce_max3A_2635 = arith.constant dense<0xFF800000> : vector<10xf32>
    %reduce_max3A_2636 = vector.multi_reduction <maximumf>, %select_n3A_2634, %reduce_max3A_2635 [1] : vector<10x1024xf32> to vector<10xf32>
    %broadcast_in_dim3A_2637 = vector.shape_cast %reduce_max3A_2636 : vector<10xf32> to vector<10x1xf32>
    %eq3A_2638 = vector.broadcast %broadcast_in_dim3A_2637 : vector<10x1xf32> to vector<10x1024xf32>
    %eq3A_2639 = arith.cmpf oeq, %select_n3A_2634, %eq3A_2638 : vector<10x1024xf32>
    %jit3A_2640 = arith.constant 1073741824 : i32
    %broadcast_in_dim3A_2641 = vector.broadcast %jit3A_2640 : i32 to vector<10x1024xi32>
    %select_n3A_2642 = arith.select %eq3A_2639, %iota3A, %broadcast_in_dim3A_2641 : vector<10x1024xi1>, vector<10x1024xi32>
    %reduce_min3A_2643 = arith.constant dense<2147483647> : vector<10xi32>
    %reduce_min3A_2644 = vector.multi_reduction <minsi>, %select_n3A_2642, %reduce_min3A_2643 [1] : vector<10x1024xi32> to vector<10xi32>
    %broadcast_in_dim3A_2645 = vector.shape_cast %reduce_min3A_2644 : vector<10xi32> to vector<10x1xi32>
    %eq3A_2646 = vector.broadcast %broadcast_in_dim3A_2645 : vector<10x1xi32> to vector<10x1024xi32>
    %eq3A_2647 = arith.cmpi eq, %iota3A, %eq3A_2646 : vector<10x1024xi32>
    %jit3A_2648 = arith.constant 0 : i32
    %broadcast_in_dim3A_2649 = vector.broadcast %jit3A_2648 : i32 to vector<10x1024xi32>
    %select_n3A_2650 = arith.select %eq3A_2647, %get3A_4, %broadcast_in_dim3A_2649 : vector<10x1024xi1>, vector<10x1024xi32>
    %reduce_sum3A_2651 = arith.constant dense<0> : vector<10xi32>
    %reduce_sum3A_2652 = vector.multi_reduction <add>, %select_n3A_2650, %reduce_sum3A_2651 [1] : vector<10x1024xi32> to vector<10xi32>
    %broadcast_in_dim3A_2653 = vector.shape_cast %reduce_sum3A_2652 : vector<10xi32> to vector<10x1xi32>
    %eq3A_2654 = arith.constant 85 : i32
    %eq3A_2655 = vector.broadcast %eq3A_2654 : i32 to vector<10x128xi32>
    %eq3A_2656 = arith.cmpi eq, %iota3A_5, %eq3A_2655 : vector<10x128xi32>
    %jit3A_2657 = arith.constant 0 : i32
    %broadcast_in_dim3A_2658 = vector.shape_cast %broadcast_in_dim3A_2653 : vector<10x1xi32> to vector<10x1xi32>
    %broadcast_in_dim3A_2659 = vector.broadcast %broadcast_in_dim3A_2658 : vector<10x1xi32> to vector<10x128xi32>
    %broadcast_in_dim3A_2660 = vector.broadcast %jit3A_2657 : i32 to vector<10x128xi32>
    %select_n3A_2661 = arith.select %eq3A_2656, %broadcast_in_dim3A_2659, %broadcast_in_dim3A_2660 : vector<10x128xi1>, vector<10x128xi32>
    %add3A_2662 = arith.addi %add3A_2631, %select_n3A_2661 : vector<10x128xi32>
    %jit3A_2663 = arith.constant -1.000000e+30 : f32
    %broadcast_in_dim3A_2664 = vector.broadcast %jit3A_2663 : f32 to vector<10x1024xf32>
    %select_n3A_2665 = arith.select %eq3A_2647, %broadcast_in_dim3A_2664, %select_n3A_2634 : vector<10x1024xi1>, vector<10x1024xf32>
    %reduce_max3A_2666 = arith.constant dense<0xFF800000> : vector<10xf32>
    %reduce_max3A_2667 = vector.multi_reduction <maximumf>, %select_n3A_2665, %reduce_max3A_2666 [1] : vector<10x1024xf32> to vector<10xf32>
    %broadcast_in_dim3A_2668 = vector.shape_cast %reduce_max3A_2667 : vector<10xf32> to vector<10x1xf32>
    %eq3A_2669 = vector.broadcast %broadcast_in_dim3A_2668 : vector<10x1xf32> to vector<10x1024xf32>
    %eq3A_2670 = arith.cmpf oeq, %select_n3A_2665, %eq3A_2669 : vector<10x1024xf32>
    %jit3A_2671 = arith.constant 1073741824 : i32
    %broadcast_in_dim3A_2672 = vector.broadcast %jit3A_2671 : i32 to vector<10x1024xi32>
    %select_n3A_2673 = arith.select %eq3A_2670, %iota3A, %broadcast_in_dim3A_2672 : vector<10x1024xi1>, vector<10x1024xi32>
    %reduce_min3A_2674 = arith.constant dense<2147483647> : vector<10xi32>
    %reduce_min3A_2675 = vector.multi_reduction <minsi>, %select_n3A_2673, %reduce_min3A_2674 [1] : vector<10x1024xi32> to vector<10xi32>
    %broadcast_in_dim3A_2676 = vector.shape_cast %reduce_min3A_2675 : vector<10xi32> to vector<10x1xi32>
    %eq3A_2677 = vector.broadcast %broadcast_in_dim3A_2676 : vector<10x1xi32> to vector<10x1024xi32>
    %eq3A_2678 = arith.cmpi eq, %iota3A, %eq3A_2677 : vector<10x1024xi32>
    %jit3A_2679 = arith.constant 0 : i32
    %broadcast_in_dim3A_2680 = vector.broadcast %jit3A_2679 : i32 to vector<10x1024xi32>
    %select_n3A_2681 = arith.select %eq3A_2678, %get3A_4, %broadcast_in_dim3A_2680 : vector<10x1024xi1>, vector<10x1024xi32>
    %reduce_sum3A_2682 = arith.constant dense<0> : vector<10xi32>
    %reduce_sum3A_2683 = vector.multi_reduction <add>, %select_n3A_2681, %reduce_sum3A_2682 [1] : vector<10x1024xi32> to vector<10xi32>
    %broadcast_in_dim3A_2684 = vector.shape_cast %reduce_sum3A_2683 : vector<10xi32> to vector<10x1xi32>
    %eq3A_2685 = arith.constant 86 : i32
    %eq3A_2686 = vector.broadcast %eq3A_2685 : i32 to vector<10x128xi32>
    %eq3A_2687 = arith.cmpi eq, %iota3A_5, %eq3A_2686 : vector<10x128xi32>
    %jit3A_2688 = arith.constant 0 : i32
    %broadcast_in_dim3A_2689 = vector.shape_cast %broadcast_in_dim3A_2684 : vector<10x1xi32> to vector<10x1xi32>
    %broadcast_in_dim3A_2690 = vector.broadcast %broadcast_in_dim3A_2689 : vector<10x1xi32> to vector<10x128xi32>
    %broadcast_in_dim3A_2691 = vector.broadcast %jit3A_2688 : i32 to vector<10x128xi32>
    %select_n3A_2692 = arith.select %eq3A_2687, %broadcast_in_dim3A_2690, %broadcast_in_dim3A_2691 : vector<10x128xi1>, vector<10x128xi32>
    %add3A_2693 = arith.addi %add3A_2662, %select_n3A_2692 : vector<10x128xi32>
    %jit3A_2694 = arith.constant -1.000000e+30 : f32
    %broadcast_in_dim3A_2695 = vector.broadcast %jit3A_2694 : f32 to vector<10x1024xf32>
    %select_n3A_2696 = arith.select %eq3A_2678, %broadcast_in_dim3A_2695, %select_n3A_2665 : vector<10x1024xi1>, vector<10x1024xf32>
    %reduce_max3A_2697 = arith.constant dense<0xFF800000> : vector<10xf32>
    %reduce_max3A_2698 = vector.multi_reduction <maximumf>, %select_n3A_2696, %reduce_max3A_2697 [1] : vector<10x1024xf32> to vector<10xf32>
    %broadcast_in_dim3A_2699 = vector.shape_cast %reduce_max3A_2698 : vector<10xf32> to vector<10x1xf32>
    %eq3A_2700 = vector.broadcast %broadcast_in_dim3A_2699 : vector<10x1xf32> to vector<10x1024xf32>
    %eq3A_2701 = arith.cmpf oeq, %select_n3A_2696, %eq3A_2700 : vector<10x1024xf32>
    %jit3A_2702 = arith.constant 1073741824 : i32
    %broadcast_in_dim3A_2703 = vector.broadcast %jit3A_2702 : i32 to vector<10x1024xi32>
    %select_n3A_2704 = arith.select %eq3A_2701, %iota3A, %broadcast_in_dim3A_2703 : vector<10x1024xi1>, vector<10x1024xi32>
    %reduce_min3A_2705 = arith.constant dense<2147483647> : vector<10xi32>
    %reduce_min3A_2706 = vector.multi_reduction <minsi>, %select_n3A_2704, %reduce_min3A_2705 [1] : vector<10x1024xi32> to vector<10xi32>
    %broadcast_in_dim3A_2707 = vector.shape_cast %reduce_min3A_2706 : vector<10xi32> to vector<10x1xi32>
    %eq3A_2708 = vector.broadcast %broadcast_in_dim3A_2707 : vector<10x1xi32> to vector<10x1024xi32>
    %eq3A_2709 = arith.cmpi eq, %iota3A, %eq3A_2708 : vector<10x1024xi32>
    %jit3A_2710 = arith.constant 0 : i32
    %broadcast_in_dim3A_2711 = vector.broadcast %jit3A_2710 : i32 to vector<10x1024xi32>
    %select_n3A_2712 = arith.select %eq3A_2709, %get3A_4, %broadcast_in_dim3A_2711 : vector<10x1024xi1>, vector<10x1024xi32>
    %reduce_sum3A_2713 = arith.constant dense<0> : vector<10xi32>
    %reduce_sum3A_2714 = vector.multi_reduction <add>, %select_n3A_2712, %reduce_sum3A_2713 [1] : vector<10x1024xi32> to vector<10xi32>
    %broadcast_in_dim3A_2715 = vector.shape_cast %reduce_sum3A_2714 : vector<10xi32> to vector<10x1xi32>
    %eq3A_2716 = arith.constant 87 : i32
    %eq3A_2717 = vector.broadcast %eq3A_2716 : i32 to vector<10x128xi32>
    %eq3A_2718 = arith.cmpi eq, %iota3A_5, %eq3A_2717 : vector<10x128xi32>
    %jit3A_2719 = arith.constant 0 : i32
    %broadcast_in_dim3A_2720 = vector.shape_cast %broadcast_in_dim3A_2715 : vector<10x1xi32> to vector<10x1xi32>
    %broadcast_in_dim3A_2721 = vector.broadcast %broadcast_in_dim3A_2720 : vector<10x1xi32> to vector<10x128xi32>
    %broadcast_in_dim3A_2722 = vector.broadcast %jit3A_2719 : i32 to vector<10x128xi32>
    %select_n3A_2723 = arith.select %eq3A_2718, %broadcast_in_dim3A_2721, %broadcast_in_dim3A_2722 : vector<10x128xi1>, vector<10x128xi32>
    %add3A_2724 = arith.addi %add3A_2693, %select_n3A_2723 : vector<10x128xi32>
    %jit3A_2725 = arith.constant -1.000000e+30 : f32
    %broadcast_in_dim3A_2726 = vector.broadcast %jit3A_2725 : f32 to vector<10x1024xf32>
    %select_n3A_2727 = arith.select %eq3A_2709, %broadcast_in_dim3A_2726, %select_n3A_2696 : vector<10x1024xi1>, vector<10x1024xf32>
    %reduce_max3A_2728 = arith.constant dense<0xFF800000> : vector<10xf32>
    %reduce_max3A_2729 = vector.multi_reduction <maximumf>, %select_n3A_2727, %reduce_max3A_2728 [1] : vector<10x1024xf32> to vector<10xf32>
    %broadcast_in_dim3A_2730 = vector.shape_cast %reduce_max3A_2729 : vector<10xf32> to vector<10x1xf32>
    %eq3A_2731 = vector.broadcast %broadcast_in_dim3A_2730 : vector<10x1xf32> to vector<10x1024xf32>
    %eq3A_2732 = arith.cmpf oeq, %select_n3A_2727, %eq3A_2731 : vector<10x1024xf32>
    %jit3A_2733 = arith.constant 1073741824 : i32
    %broadcast_in_dim3A_2734 = vector.broadcast %jit3A_2733 : i32 to vector<10x1024xi32>
    %select_n3A_2735 = arith.select %eq3A_2732, %iota3A, %broadcast_in_dim3A_2734 : vector<10x1024xi1>, vector<10x1024xi32>
    %reduce_min3A_2736 = arith.constant dense<2147483647> : vector<10xi32>
    %reduce_min3A_2737 = vector.multi_reduction <minsi>, %select_n3A_2735, %reduce_min3A_2736 [1] : vector<10x1024xi32> to vector<10xi32>
    %broadcast_in_dim3A_2738 = vector.shape_cast %reduce_min3A_2737 : vector<10xi32> to vector<10x1xi32>
    %eq3A_2739 = vector.broadcast %broadcast_in_dim3A_2738 : vector<10x1xi32> to vector<10x1024xi32>
    %eq3A_2740 = arith.cmpi eq, %iota3A, %eq3A_2739 : vector<10x1024xi32>
    %jit3A_2741 = arith.constant 0 : i32
    %broadcast_in_dim3A_2742 = vector.broadcast %jit3A_2741 : i32 to vector<10x1024xi32>
    %select_n3A_2743 = arith.select %eq3A_2740, %get3A_4, %broadcast_in_dim3A_2742 : vector<10x1024xi1>, vector<10x1024xi32>
    %reduce_sum3A_2744 = arith.constant dense<0> : vector<10xi32>
    %reduce_sum3A_2745 = vector.multi_reduction <add>, %select_n3A_2743, %reduce_sum3A_2744 [1] : vector<10x1024xi32> to vector<10xi32>
    %broadcast_in_dim3A_2746 = vector.shape_cast %reduce_sum3A_2745 : vector<10xi32> to vector<10x1xi32>
    %eq3A_2747 = arith.constant 88 : i32
    %eq3A_2748 = vector.broadcast %eq3A_2747 : i32 to vector<10x128xi32>
    %eq3A_2749 = arith.cmpi eq, %iota3A_5, %eq3A_2748 : vector<10x128xi32>
    %jit3A_2750 = arith.constant 0 : i32
    %broadcast_in_dim3A_2751 = vector.shape_cast %broadcast_in_dim3A_2746 : vector<10x1xi32> to vector<10x1xi32>
    %broadcast_in_dim3A_2752 = vector.broadcast %broadcast_in_dim3A_2751 : vector<10x1xi32> to vector<10x128xi32>
    %broadcast_in_dim3A_2753 = vector.broadcast %jit3A_2750 : i32 to vector<10x128xi32>
    %select_n3A_2754 = arith.select %eq3A_2749, %broadcast_in_dim3A_2752, %broadcast_in_dim3A_2753 : vector<10x128xi1>, vector<10x128xi32>
    %add3A_2755 = arith.addi %add3A_2724, %select_n3A_2754 : vector<10x128xi32>
    %jit3A_2756 = arith.constant -1.000000e+30 : f32
    %broadcast_in_dim3A_2757 = vector.broadcast %jit3A_2756 : f32 to vector<10x1024xf32>
    %select_n3A_2758 = arith.select %eq3A_2740, %broadcast_in_dim3A_2757, %select_n3A_2727 : vector<10x1024xi1>, vector<10x1024xf32>
    %reduce_max3A_2759 = arith.constant dense<0xFF800000> : vector<10xf32>
    %reduce_max3A_2760 = vector.multi_reduction <maximumf>, %select_n3A_2758, %reduce_max3A_2759 [1] : vector<10x1024xf32> to vector<10xf32>
    %broadcast_in_dim3A_2761 = vector.shape_cast %reduce_max3A_2760 : vector<10xf32> to vector<10x1xf32>
    %eq3A_2762 = vector.broadcast %broadcast_in_dim3A_2761 : vector<10x1xf32> to vector<10x1024xf32>
    %eq3A_2763 = arith.cmpf oeq, %select_n3A_2758, %eq3A_2762 : vector<10x1024xf32>
    %jit3A_2764 = arith.constant 1073741824 : i32
    %broadcast_in_dim3A_2765 = vector.broadcast %jit3A_2764 : i32 to vector<10x1024xi32>
    %select_n3A_2766 = arith.select %eq3A_2763, %iota3A, %broadcast_in_dim3A_2765 : vector<10x1024xi1>, vector<10x1024xi32>
    %reduce_min3A_2767 = arith.constant dense<2147483647> : vector<10xi32>
    %reduce_min3A_2768 = vector.multi_reduction <minsi>, %select_n3A_2766, %reduce_min3A_2767 [1] : vector<10x1024xi32> to vector<10xi32>
    %broadcast_in_dim3A_2769 = vector.shape_cast %reduce_min3A_2768 : vector<10xi32> to vector<10x1xi32>
    %eq3A_2770 = vector.broadcast %broadcast_in_dim3A_2769 : vector<10x1xi32> to vector<10x1024xi32>
    %eq3A_2771 = arith.cmpi eq, %iota3A, %eq3A_2770 : vector<10x1024xi32>
    %jit3A_2772 = arith.constant 0 : i32
    %broadcast_in_dim3A_2773 = vector.broadcast %jit3A_2772 : i32 to vector<10x1024xi32>
    %select_n3A_2774 = arith.select %eq3A_2771, %get3A_4, %broadcast_in_dim3A_2773 : vector<10x1024xi1>, vector<10x1024xi32>
    %reduce_sum3A_2775 = arith.constant dense<0> : vector<10xi32>
    %reduce_sum3A_2776 = vector.multi_reduction <add>, %select_n3A_2774, %reduce_sum3A_2775 [1] : vector<10x1024xi32> to vector<10xi32>
    %broadcast_in_dim3A_2777 = vector.shape_cast %reduce_sum3A_2776 : vector<10xi32> to vector<10x1xi32>
    %eq3A_2778 = arith.constant 89 : i32
    %eq3A_2779 = vector.broadcast %eq3A_2778 : i32 to vector<10x128xi32>
    %eq3A_2780 = arith.cmpi eq, %iota3A_5, %eq3A_2779 : vector<10x128xi32>
    %jit3A_2781 = arith.constant 0 : i32
    %broadcast_in_dim3A_2782 = vector.shape_cast %broadcast_in_dim3A_2777 : vector<10x1xi32> to vector<10x1xi32>
    %broadcast_in_dim3A_2783 = vector.broadcast %broadcast_in_dim3A_2782 : vector<10x1xi32> to vector<10x128xi32>
    %broadcast_in_dim3A_2784 = vector.broadcast %jit3A_2781 : i32 to vector<10x128xi32>
    %select_n3A_2785 = arith.select %eq3A_2780, %broadcast_in_dim3A_2783, %broadcast_in_dim3A_2784 : vector<10x128xi1>, vector<10x128xi32>
    %add3A_2786 = arith.addi %add3A_2755, %select_n3A_2785 : vector<10x128xi32>
    %jit3A_2787 = arith.constant -1.000000e+30 : f32
    %broadcast_in_dim3A_2788 = vector.broadcast %jit3A_2787 : f32 to vector<10x1024xf32>
    %select_n3A_2789 = arith.select %eq3A_2771, %broadcast_in_dim3A_2788, %select_n3A_2758 : vector<10x1024xi1>, vector<10x1024xf32>
    %reduce_max3A_2790 = arith.constant dense<0xFF800000> : vector<10xf32>
    %reduce_max3A_2791 = vector.multi_reduction <maximumf>, %select_n3A_2789, %reduce_max3A_2790 [1] : vector<10x1024xf32> to vector<10xf32>
    %broadcast_in_dim3A_2792 = vector.shape_cast %reduce_max3A_2791 : vector<10xf32> to vector<10x1xf32>
    %eq3A_2793 = vector.broadcast %broadcast_in_dim3A_2792 : vector<10x1xf32> to vector<10x1024xf32>
    %eq3A_2794 = arith.cmpf oeq, %select_n3A_2789, %eq3A_2793 : vector<10x1024xf32>
    %jit3A_2795 = arith.constant 1073741824 : i32
    %broadcast_in_dim3A_2796 = vector.broadcast %jit3A_2795 : i32 to vector<10x1024xi32>
    %select_n3A_2797 = arith.select %eq3A_2794, %iota3A, %broadcast_in_dim3A_2796 : vector<10x1024xi1>, vector<10x1024xi32>
    %reduce_min3A_2798 = arith.constant dense<2147483647> : vector<10xi32>
    %reduce_min3A_2799 = vector.multi_reduction <minsi>, %select_n3A_2797, %reduce_min3A_2798 [1] : vector<10x1024xi32> to vector<10xi32>
    %broadcast_in_dim3A_2800 = vector.shape_cast %reduce_min3A_2799 : vector<10xi32> to vector<10x1xi32>
    %eq3A_2801 = vector.broadcast %broadcast_in_dim3A_2800 : vector<10x1xi32> to vector<10x1024xi32>
    %eq3A_2802 = arith.cmpi eq, %iota3A, %eq3A_2801 : vector<10x1024xi32>
    %jit3A_2803 = arith.constant 0 : i32
    %broadcast_in_dim3A_2804 = vector.broadcast %jit3A_2803 : i32 to vector<10x1024xi32>
    %select_n3A_2805 = arith.select %eq3A_2802, %get3A_4, %broadcast_in_dim3A_2804 : vector<10x1024xi1>, vector<10x1024xi32>
    %reduce_sum3A_2806 = arith.constant dense<0> : vector<10xi32>
    %reduce_sum3A_2807 = vector.multi_reduction <add>, %select_n3A_2805, %reduce_sum3A_2806 [1] : vector<10x1024xi32> to vector<10xi32>
    %broadcast_in_dim3A_2808 = vector.shape_cast %reduce_sum3A_2807 : vector<10xi32> to vector<10x1xi32>
    %eq3A_2809 = arith.constant 90 : i32
    %eq3A_2810 = vector.broadcast %eq3A_2809 : i32 to vector<10x128xi32>
    %eq3A_2811 = arith.cmpi eq, %iota3A_5, %eq3A_2810 : vector<10x128xi32>
    %jit3A_2812 = arith.constant 0 : i32
    %broadcast_in_dim3A_2813 = vector.shape_cast %broadcast_in_dim3A_2808 : vector<10x1xi32> to vector<10x1xi32>
    %broadcast_in_dim3A_2814 = vector.broadcast %broadcast_in_dim3A_2813 : vector<10x1xi32> to vector<10x128xi32>
    %broadcast_in_dim3A_2815 = vector.broadcast %jit3A_2812 : i32 to vector<10x128xi32>
    %select_n3A_2816 = arith.select %eq3A_2811, %broadcast_in_dim3A_2814, %broadcast_in_dim3A_2815 : vector<10x128xi1>, vector<10x128xi32>
    %add3A_2817 = arith.addi %add3A_2786, %select_n3A_2816 : vector<10x128xi32>
    %jit3A_2818 = arith.constant -1.000000e+30 : f32
    %broadcast_in_dim3A_2819 = vector.broadcast %jit3A_2818 : f32 to vector<10x1024xf32>
    %select_n3A_2820 = arith.select %eq3A_2802, %broadcast_in_dim3A_2819, %select_n3A_2789 : vector<10x1024xi1>, vector<10x1024xf32>
    %reduce_max3A_2821 = arith.constant dense<0xFF800000> : vector<10xf32>
    %reduce_max3A_2822 = vector.multi_reduction <maximumf>, %select_n3A_2820, %reduce_max3A_2821 [1] : vector<10x1024xf32> to vector<10xf32>
    %broadcast_in_dim3A_2823 = vector.shape_cast %reduce_max3A_2822 : vector<10xf32> to vector<10x1xf32>
    %eq3A_2824 = vector.broadcast %broadcast_in_dim3A_2823 : vector<10x1xf32> to vector<10x1024xf32>
    %eq3A_2825 = arith.cmpf oeq, %select_n3A_2820, %eq3A_2824 : vector<10x1024xf32>
    %jit3A_2826 = arith.constant 1073741824 : i32
    %broadcast_in_dim3A_2827 = vector.broadcast %jit3A_2826 : i32 to vector<10x1024xi32>
    %select_n3A_2828 = arith.select %eq3A_2825, %iota3A, %broadcast_in_dim3A_2827 : vector<10x1024xi1>, vector<10x1024xi32>
    %reduce_min3A_2829 = arith.constant dense<2147483647> : vector<10xi32>
    %reduce_min3A_2830 = vector.multi_reduction <minsi>, %select_n3A_2828, %reduce_min3A_2829 [1] : vector<10x1024xi32> to vector<10xi32>
    %broadcast_in_dim3A_2831 = vector.shape_cast %reduce_min3A_2830 : vector<10xi32> to vector<10x1xi32>
    %eq3A_2832 = vector.broadcast %broadcast_in_dim3A_2831 : vector<10x1xi32> to vector<10x1024xi32>
    %eq3A_2833 = arith.cmpi eq, %iota3A, %eq3A_2832 : vector<10x1024xi32>
    %jit3A_2834 = arith.constant 0 : i32
    %broadcast_in_dim3A_2835 = vector.broadcast %jit3A_2834 : i32 to vector<10x1024xi32>
    %select_n3A_2836 = arith.select %eq3A_2833, %get3A_4, %broadcast_in_dim3A_2835 : vector<10x1024xi1>, vector<10x1024xi32>
    %reduce_sum3A_2837 = arith.constant dense<0> : vector<10xi32>
    %reduce_sum3A_2838 = vector.multi_reduction <add>, %select_n3A_2836, %reduce_sum3A_2837 [1] : vector<10x1024xi32> to vector<10xi32>
    %broadcast_in_dim3A_2839 = vector.shape_cast %reduce_sum3A_2838 : vector<10xi32> to vector<10x1xi32>
    %eq3A_2840 = arith.constant 91 : i32
    %eq3A_2841 = vector.broadcast %eq3A_2840 : i32 to vector<10x128xi32>
    %eq3A_2842 = arith.cmpi eq, %iota3A_5, %eq3A_2841 : vector<10x128xi32>
    %jit3A_2843 = arith.constant 0 : i32
    %broadcast_in_dim3A_2844 = vector.shape_cast %broadcast_in_dim3A_2839 : vector<10x1xi32> to vector<10x1xi32>
    %broadcast_in_dim3A_2845 = vector.broadcast %broadcast_in_dim3A_2844 : vector<10x1xi32> to vector<10x128xi32>
    %broadcast_in_dim3A_2846 = vector.broadcast %jit3A_2843 : i32 to vector<10x128xi32>
    %select_n3A_2847 = arith.select %eq3A_2842, %broadcast_in_dim3A_2845, %broadcast_in_dim3A_2846 : vector<10x128xi1>, vector<10x128xi32>
    %add3A_2848 = arith.addi %add3A_2817, %select_n3A_2847 : vector<10x128xi32>
    %jit3A_2849 = arith.constant -1.000000e+30 : f32
    %broadcast_in_dim3A_2850 = vector.broadcast %jit3A_2849 : f32 to vector<10x1024xf32>
    %select_n3A_2851 = arith.select %eq3A_2833, %broadcast_in_dim3A_2850, %select_n3A_2820 : vector<10x1024xi1>, vector<10x1024xf32>
    %reduce_max3A_2852 = arith.constant dense<0xFF800000> : vector<10xf32>
    %reduce_max3A_2853 = vector.multi_reduction <maximumf>, %select_n3A_2851, %reduce_max3A_2852 [1] : vector<10x1024xf32> to vector<10xf32>
    %broadcast_in_dim3A_2854 = vector.shape_cast %reduce_max3A_2853 : vector<10xf32> to vector<10x1xf32>
    %eq3A_2855 = vector.broadcast %broadcast_in_dim3A_2854 : vector<10x1xf32> to vector<10x1024xf32>
    %eq3A_2856 = arith.cmpf oeq, %select_n3A_2851, %eq3A_2855 : vector<10x1024xf32>
    %jit3A_2857 = arith.constant 1073741824 : i32
    %broadcast_in_dim3A_2858 = vector.broadcast %jit3A_2857 : i32 to vector<10x1024xi32>
    %select_n3A_2859 = arith.select %eq3A_2856, %iota3A, %broadcast_in_dim3A_2858 : vector<10x1024xi1>, vector<10x1024xi32>
    %reduce_min3A_2860 = arith.constant dense<2147483647> : vector<10xi32>
    %reduce_min3A_2861 = vector.multi_reduction <minsi>, %select_n3A_2859, %reduce_min3A_2860 [1] : vector<10x1024xi32> to vector<10xi32>
    %broadcast_in_dim3A_2862 = vector.shape_cast %reduce_min3A_2861 : vector<10xi32> to vector<10x1xi32>
    %eq3A_2863 = vector.broadcast %broadcast_in_dim3A_2862 : vector<10x1xi32> to vector<10x1024xi32>
    %eq3A_2864 = arith.cmpi eq, %iota3A, %eq3A_2863 : vector<10x1024xi32>
    %jit3A_2865 = arith.constant 0 : i32
    %broadcast_in_dim3A_2866 = vector.broadcast %jit3A_2865 : i32 to vector<10x1024xi32>
    %select_n3A_2867 = arith.select %eq3A_2864, %get3A_4, %broadcast_in_dim3A_2866 : vector<10x1024xi1>, vector<10x1024xi32>
    %reduce_sum3A_2868 = arith.constant dense<0> : vector<10xi32>
    %reduce_sum3A_2869 = vector.multi_reduction <add>, %select_n3A_2867, %reduce_sum3A_2868 [1] : vector<10x1024xi32> to vector<10xi32>
    %broadcast_in_dim3A_2870 = vector.shape_cast %reduce_sum3A_2869 : vector<10xi32> to vector<10x1xi32>
    %eq3A_2871 = arith.constant 92 : i32
    %eq3A_2872 = vector.broadcast %eq3A_2871 : i32 to vector<10x128xi32>
    %eq3A_2873 = arith.cmpi eq, %iota3A_5, %eq3A_2872 : vector<10x128xi32>
    %jit3A_2874 = arith.constant 0 : i32
    %broadcast_in_dim3A_2875 = vector.shape_cast %broadcast_in_dim3A_2870 : vector<10x1xi32> to vector<10x1xi32>
    %broadcast_in_dim3A_2876 = vector.broadcast %broadcast_in_dim3A_2875 : vector<10x1xi32> to vector<10x128xi32>
    %broadcast_in_dim3A_2877 = vector.broadcast %jit3A_2874 : i32 to vector<10x128xi32>
    %select_n3A_2878 = arith.select %eq3A_2873, %broadcast_in_dim3A_2876, %broadcast_in_dim3A_2877 : vector<10x128xi1>, vector<10x128xi32>
    %add3A_2879 = arith.addi %add3A_2848, %select_n3A_2878 : vector<10x128xi32>
    %jit3A_2880 = arith.constant -1.000000e+30 : f32
    %broadcast_in_dim3A_2881 = vector.broadcast %jit3A_2880 : f32 to vector<10x1024xf32>
    %select_n3A_2882 = arith.select %eq3A_2864, %broadcast_in_dim3A_2881, %select_n3A_2851 : vector<10x1024xi1>, vector<10x1024xf32>
    %reduce_max3A_2883 = arith.constant dense<0xFF800000> : vector<10xf32>
    %reduce_max3A_2884 = vector.multi_reduction <maximumf>, %select_n3A_2882, %reduce_max3A_2883 [1] : vector<10x1024xf32> to vector<10xf32>
    %broadcast_in_dim3A_2885 = vector.shape_cast %reduce_max3A_2884 : vector<10xf32> to vector<10x1xf32>
    %eq3A_2886 = vector.broadcast %broadcast_in_dim3A_2885 : vector<10x1xf32> to vector<10x1024xf32>
    %eq3A_2887 = arith.cmpf oeq, %select_n3A_2882, %eq3A_2886 : vector<10x1024xf32>
    %jit3A_2888 = arith.constant 1073741824 : i32
    %broadcast_in_dim3A_2889 = vector.broadcast %jit3A_2888 : i32 to vector<10x1024xi32>
    %select_n3A_2890 = arith.select %eq3A_2887, %iota3A, %broadcast_in_dim3A_2889 : vector<10x1024xi1>, vector<10x1024xi32>
    %reduce_min3A_2891 = arith.constant dense<2147483647> : vector<10xi32>
    %reduce_min3A_2892 = vector.multi_reduction <minsi>, %select_n3A_2890, %reduce_min3A_2891 [1] : vector<10x1024xi32> to vector<10xi32>
    %broadcast_in_dim3A_2893 = vector.shape_cast %reduce_min3A_2892 : vector<10xi32> to vector<10x1xi32>
    %eq3A_2894 = vector.broadcast %broadcast_in_dim3A_2893 : vector<10x1xi32> to vector<10x1024xi32>
    %eq3A_2895 = arith.cmpi eq, %iota3A, %eq3A_2894 : vector<10x1024xi32>
    %jit3A_2896 = arith.constant 0 : i32
    %broadcast_in_dim3A_2897 = vector.broadcast %jit3A_2896 : i32 to vector<10x1024xi32>
    %select_n3A_2898 = arith.select %eq3A_2895, %get3A_4, %broadcast_in_dim3A_2897 : vector<10x1024xi1>, vector<10x1024xi32>
    %reduce_sum3A_2899 = arith.constant dense<0> : vector<10xi32>
    %reduce_sum3A_2900 = vector.multi_reduction <add>, %select_n3A_2898, %reduce_sum3A_2899 [1] : vector<10x1024xi32> to vector<10xi32>
    %broadcast_in_dim3A_2901 = vector.shape_cast %reduce_sum3A_2900 : vector<10xi32> to vector<10x1xi32>
    %eq3A_2902 = arith.constant 93 : i32
    %eq3A_2903 = vector.broadcast %eq3A_2902 : i32 to vector<10x128xi32>
    %eq3A_2904 = arith.cmpi eq, %iota3A_5, %eq3A_2903 : vector<10x128xi32>
    %jit3A_2905 = arith.constant 0 : i32
    %broadcast_in_dim3A_2906 = vector.shape_cast %broadcast_in_dim3A_2901 : vector<10x1xi32> to vector<10x1xi32>
    %broadcast_in_dim3A_2907 = vector.broadcast %broadcast_in_dim3A_2906 : vector<10x1xi32> to vector<10x128xi32>
    %broadcast_in_dim3A_2908 = vector.broadcast %jit3A_2905 : i32 to vector<10x128xi32>
    %select_n3A_2909 = arith.select %eq3A_2904, %broadcast_in_dim3A_2907, %broadcast_in_dim3A_2908 : vector<10x128xi1>, vector<10x128xi32>
    %add3A_2910 = arith.addi %add3A_2879, %select_n3A_2909 : vector<10x128xi32>
    %jit3A_2911 = arith.constant -1.000000e+30 : f32
    %broadcast_in_dim3A_2912 = vector.broadcast %jit3A_2911 : f32 to vector<10x1024xf32>
    %select_n3A_2913 = arith.select %eq3A_2895, %broadcast_in_dim3A_2912, %select_n3A_2882 : vector<10x1024xi1>, vector<10x1024xf32>
    %reduce_max3A_2914 = arith.constant dense<0xFF800000> : vector<10xf32>
    %reduce_max3A_2915 = vector.multi_reduction <maximumf>, %select_n3A_2913, %reduce_max3A_2914 [1] : vector<10x1024xf32> to vector<10xf32>
    %broadcast_in_dim3A_2916 = vector.shape_cast %reduce_max3A_2915 : vector<10xf32> to vector<10x1xf32>
    %eq3A_2917 = vector.broadcast %broadcast_in_dim3A_2916 : vector<10x1xf32> to vector<10x1024xf32>
    %eq3A_2918 = arith.cmpf oeq, %select_n3A_2913, %eq3A_2917 : vector<10x1024xf32>
    %jit3A_2919 = arith.constant 1073741824 : i32
    %broadcast_in_dim3A_2920 = vector.broadcast %jit3A_2919 : i32 to vector<10x1024xi32>
    %select_n3A_2921 = arith.select %eq3A_2918, %iota3A, %broadcast_in_dim3A_2920 : vector<10x1024xi1>, vector<10x1024xi32>
    %reduce_min3A_2922 = arith.constant dense<2147483647> : vector<10xi32>
    %reduce_min3A_2923 = vector.multi_reduction <minsi>, %select_n3A_2921, %reduce_min3A_2922 [1] : vector<10x1024xi32> to vector<10xi32>
    %broadcast_in_dim3A_2924 = vector.shape_cast %reduce_min3A_2923 : vector<10xi32> to vector<10x1xi32>
    %eq3A_2925 = vector.broadcast %broadcast_in_dim3A_2924 : vector<10x1xi32> to vector<10x1024xi32>
    %eq3A_2926 = arith.cmpi eq, %iota3A, %eq3A_2925 : vector<10x1024xi32>
    %jit3A_2927 = arith.constant 0 : i32
    %broadcast_in_dim3A_2928 = vector.broadcast %jit3A_2927 : i32 to vector<10x1024xi32>
    %select_n3A_2929 = arith.select %eq3A_2926, %get3A_4, %broadcast_in_dim3A_2928 : vector<10x1024xi1>, vector<10x1024xi32>
    %reduce_sum3A_2930 = arith.constant dense<0> : vector<10xi32>
    %reduce_sum3A_2931 = vector.multi_reduction <add>, %select_n3A_2929, %reduce_sum3A_2930 [1] : vector<10x1024xi32> to vector<10xi32>
    %broadcast_in_dim3A_2932 = vector.shape_cast %reduce_sum3A_2931 : vector<10xi32> to vector<10x1xi32>
    %eq3A_2933 = arith.constant 94 : i32
    %eq3A_2934 = vector.broadcast %eq3A_2933 : i32 to vector<10x128xi32>
    %eq3A_2935 = arith.cmpi eq, %iota3A_5, %eq3A_2934 : vector<10x128xi32>
    %jit3A_2936 = arith.constant 0 : i32
    %broadcast_in_dim3A_2937 = vector.shape_cast %broadcast_in_dim3A_2932 : vector<10x1xi32> to vector<10x1xi32>
    %broadcast_in_dim3A_2938 = vector.broadcast %broadcast_in_dim3A_2937 : vector<10x1xi32> to vector<10x128xi32>
    %broadcast_in_dim3A_2939 = vector.broadcast %jit3A_2936 : i32 to vector<10x128xi32>
    %select_n3A_2940 = arith.select %eq3A_2935, %broadcast_in_dim3A_2938, %broadcast_in_dim3A_2939 : vector<10x128xi1>, vector<10x128xi32>
    %add3A_2941 = arith.addi %add3A_2910, %select_n3A_2940 : vector<10x128xi32>
    %jit3A_2942 = arith.constant -1.000000e+30 : f32
    %broadcast_in_dim3A_2943 = vector.broadcast %jit3A_2942 : f32 to vector<10x1024xf32>
    %select_n3A_2944 = arith.select %eq3A_2926, %broadcast_in_dim3A_2943, %select_n3A_2913 : vector<10x1024xi1>, vector<10x1024xf32>
    %reduce_max3A_2945 = arith.constant dense<0xFF800000> : vector<10xf32>
    %reduce_max3A_2946 = vector.multi_reduction <maximumf>, %select_n3A_2944, %reduce_max3A_2945 [1] : vector<10x1024xf32> to vector<10xf32>
    %broadcast_in_dim3A_2947 = vector.shape_cast %reduce_max3A_2946 : vector<10xf32> to vector<10x1xf32>
    %eq3A_2948 = vector.broadcast %broadcast_in_dim3A_2947 : vector<10x1xf32> to vector<10x1024xf32>
    %eq3A_2949 = arith.cmpf oeq, %select_n3A_2944, %eq3A_2948 : vector<10x1024xf32>
    %jit3A_2950 = arith.constant 1073741824 : i32
    %broadcast_in_dim3A_2951 = vector.broadcast %jit3A_2950 : i32 to vector<10x1024xi32>
    %select_n3A_2952 = arith.select %eq3A_2949, %iota3A, %broadcast_in_dim3A_2951 : vector<10x1024xi1>, vector<10x1024xi32>
    %reduce_min3A_2953 = arith.constant dense<2147483647> : vector<10xi32>
    %reduce_min3A_2954 = vector.multi_reduction <minsi>, %select_n3A_2952, %reduce_min3A_2953 [1] : vector<10x1024xi32> to vector<10xi32>
    %broadcast_in_dim3A_2955 = vector.shape_cast %reduce_min3A_2954 : vector<10xi32> to vector<10x1xi32>
    %eq3A_2956 = vector.broadcast %broadcast_in_dim3A_2955 : vector<10x1xi32> to vector<10x1024xi32>
    %eq3A_2957 = arith.cmpi eq, %iota3A, %eq3A_2956 : vector<10x1024xi32>
    %jit3A_2958 = arith.constant 0 : i32
    %broadcast_in_dim3A_2959 = vector.broadcast %jit3A_2958 : i32 to vector<10x1024xi32>
    %select_n3A_2960 = arith.select %eq3A_2957, %get3A_4, %broadcast_in_dim3A_2959 : vector<10x1024xi1>, vector<10x1024xi32>
    %reduce_sum3A_2961 = arith.constant dense<0> : vector<10xi32>
    %reduce_sum3A_2962 = vector.multi_reduction <add>, %select_n3A_2960, %reduce_sum3A_2961 [1] : vector<10x1024xi32> to vector<10xi32>
    %broadcast_in_dim3A_2963 = vector.shape_cast %reduce_sum3A_2962 : vector<10xi32> to vector<10x1xi32>
    %eq3A_2964 = arith.constant 95 : i32
    %eq3A_2965 = vector.broadcast %eq3A_2964 : i32 to vector<10x128xi32>
    %eq3A_2966 = arith.cmpi eq, %iota3A_5, %eq3A_2965 : vector<10x128xi32>
    %jit3A_2967 = arith.constant 0 : i32
    %broadcast_in_dim3A_2968 = vector.shape_cast %broadcast_in_dim3A_2963 : vector<10x1xi32> to vector<10x1xi32>
    %broadcast_in_dim3A_2969 = vector.broadcast %broadcast_in_dim3A_2968 : vector<10x1xi32> to vector<10x128xi32>
    %broadcast_in_dim3A_2970 = vector.broadcast %jit3A_2967 : i32 to vector<10x128xi32>
    %select_n3A_2971 = arith.select %eq3A_2966, %broadcast_in_dim3A_2969, %broadcast_in_dim3A_2970 : vector<10x128xi1>, vector<10x128xi32>
    %add3A_2972 = arith.addi %add3A_2941, %select_n3A_2971 : vector<10x128xi32>
    %jit3A_2973 = arith.constant -1.000000e+30 : f32
    %broadcast_in_dim3A_2974 = vector.broadcast %jit3A_2973 : f32 to vector<10x1024xf32>
    %select_n3A_2975 = arith.select %eq3A_2957, %broadcast_in_dim3A_2974, %select_n3A_2944 : vector<10x1024xi1>, vector<10x1024xf32>
    %reduce_max3A_2976 = arith.constant dense<0xFF800000> : vector<10xf32>
    %reduce_max3A_2977 = vector.multi_reduction <maximumf>, %select_n3A_2975, %reduce_max3A_2976 [1] : vector<10x1024xf32> to vector<10xf32>
    %broadcast_in_dim3A_2978 = vector.shape_cast %reduce_max3A_2977 : vector<10xf32> to vector<10x1xf32>
    %eq3A_2979 = vector.broadcast %broadcast_in_dim3A_2978 : vector<10x1xf32> to vector<10x1024xf32>
    %eq3A_2980 = arith.cmpf oeq, %select_n3A_2975, %eq3A_2979 : vector<10x1024xf32>
    %jit3A_2981 = arith.constant 1073741824 : i32
    %broadcast_in_dim3A_2982 = vector.broadcast %jit3A_2981 : i32 to vector<10x1024xi32>
    %select_n3A_2983 = arith.select %eq3A_2980, %iota3A, %broadcast_in_dim3A_2982 : vector<10x1024xi1>, vector<10x1024xi32>
    %reduce_min3A_2984 = arith.constant dense<2147483647> : vector<10xi32>
    %reduce_min3A_2985 = vector.multi_reduction <minsi>, %select_n3A_2983, %reduce_min3A_2984 [1] : vector<10x1024xi32> to vector<10xi32>
    %broadcast_in_dim3A_2986 = vector.shape_cast %reduce_min3A_2985 : vector<10xi32> to vector<10x1xi32>
    %eq3A_2987 = vector.broadcast %broadcast_in_dim3A_2986 : vector<10x1xi32> to vector<10x1024xi32>
    %eq3A_2988 = arith.cmpi eq, %iota3A, %eq3A_2987 : vector<10x1024xi32>
    %jit3A_2989 = arith.constant 0 : i32
    %broadcast_in_dim3A_2990 = vector.broadcast %jit3A_2989 : i32 to vector<10x1024xi32>
    %select_n3A_2991 = arith.select %eq3A_2988, %get3A_4, %broadcast_in_dim3A_2990 : vector<10x1024xi1>, vector<10x1024xi32>
    %reduce_sum3A_2992 = arith.constant dense<0> : vector<10xi32>
    %reduce_sum3A_2993 = vector.multi_reduction <add>, %select_n3A_2991, %reduce_sum3A_2992 [1] : vector<10x1024xi32> to vector<10xi32>
    %broadcast_in_dim3A_2994 = vector.shape_cast %reduce_sum3A_2993 : vector<10xi32> to vector<10x1xi32>
    %eq3A_2995 = arith.constant 96 : i32
    %eq3A_2996 = vector.broadcast %eq3A_2995 : i32 to vector<10x128xi32>
    %eq3A_2997 = arith.cmpi eq, %iota3A_5, %eq3A_2996 : vector<10x128xi32>
    %jit3A_2998 = arith.constant 0 : i32
    %broadcast_in_dim3A_2999 = vector.shape_cast %broadcast_in_dim3A_2994 : vector<10x1xi32> to vector<10x1xi32>
    %broadcast_in_dim3A_3000 = vector.broadcast %broadcast_in_dim3A_2999 : vector<10x1xi32> to vector<10x128xi32>
    %broadcast_in_dim3A_3001 = vector.broadcast %jit3A_2998 : i32 to vector<10x128xi32>
    %select_n3A_3002 = arith.select %eq3A_2997, %broadcast_in_dim3A_3000, %broadcast_in_dim3A_3001 : vector<10x128xi1>, vector<10x128xi32>
    %add3A_3003 = arith.addi %add3A_2972, %select_n3A_3002 : vector<10x128xi32>
    %jit3A_3004 = arith.constant -1.000000e+30 : f32
    %broadcast_in_dim3A_3005 = vector.broadcast %jit3A_3004 : f32 to vector<10x1024xf32>
    %select_n3A_3006 = arith.select %eq3A_2988, %broadcast_in_dim3A_3005, %select_n3A_2975 : vector<10x1024xi1>, vector<10x1024xf32>
    %reduce_max3A_3007 = arith.constant dense<0xFF800000> : vector<10xf32>
    %reduce_max3A_3008 = vector.multi_reduction <maximumf>, %select_n3A_3006, %reduce_max3A_3007 [1] : vector<10x1024xf32> to vector<10xf32>
    %broadcast_in_dim3A_3009 = vector.shape_cast %reduce_max3A_3008 : vector<10xf32> to vector<10x1xf32>
    %eq3A_3010 = vector.broadcast %broadcast_in_dim3A_3009 : vector<10x1xf32> to vector<10x1024xf32>
    %eq3A_3011 = arith.cmpf oeq, %select_n3A_3006, %eq3A_3010 : vector<10x1024xf32>
    %jit3A_3012 = arith.constant 1073741824 : i32
    %broadcast_in_dim3A_3013 = vector.broadcast %jit3A_3012 : i32 to vector<10x1024xi32>
    %select_n3A_3014 = arith.select %eq3A_3011, %iota3A, %broadcast_in_dim3A_3013 : vector<10x1024xi1>, vector<10x1024xi32>
    %reduce_min3A_3015 = arith.constant dense<2147483647> : vector<10xi32>
    %reduce_min3A_3016 = vector.multi_reduction <minsi>, %select_n3A_3014, %reduce_min3A_3015 [1] : vector<10x1024xi32> to vector<10xi32>
    %broadcast_in_dim3A_3017 = vector.shape_cast %reduce_min3A_3016 : vector<10xi32> to vector<10x1xi32>
    %eq3A_3018 = vector.broadcast %broadcast_in_dim3A_3017 : vector<10x1xi32> to vector<10x1024xi32>
    %eq3A_3019 = arith.cmpi eq, %iota3A, %eq3A_3018 : vector<10x1024xi32>
    %jit3A_3020 = arith.constant 0 : i32
    %broadcast_in_dim3A_3021 = vector.broadcast %jit3A_3020 : i32 to vector<10x1024xi32>
    %select_n3A_3022 = arith.select %eq3A_3019, %get3A_4, %broadcast_in_dim3A_3021 : vector<10x1024xi1>, vector<10x1024xi32>
    %reduce_sum3A_3023 = arith.constant dense<0> : vector<10xi32>
    %reduce_sum3A_3024 = vector.multi_reduction <add>, %select_n3A_3022, %reduce_sum3A_3023 [1] : vector<10x1024xi32> to vector<10xi32>
    %broadcast_in_dim3A_3025 = vector.shape_cast %reduce_sum3A_3024 : vector<10xi32> to vector<10x1xi32>
    %eq3A_3026 = arith.constant 97 : i32
    %eq3A_3027 = vector.broadcast %eq3A_3026 : i32 to vector<10x128xi32>
    %eq3A_3028 = arith.cmpi eq, %iota3A_5, %eq3A_3027 : vector<10x128xi32>
    %jit3A_3029 = arith.constant 0 : i32
    %broadcast_in_dim3A_3030 = vector.shape_cast %broadcast_in_dim3A_3025 : vector<10x1xi32> to vector<10x1xi32>
    %broadcast_in_dim3A_3031 = vector.broadcast %broadcast_in_dim3A_3030 : vector<10x1xi32> to vector<10x128xi32>
    %broadcast_in_dim3A_3032 = vector.broadcast %jit3A_3029 : i32 to vector<10x128xi32>
    %select_n3A_3033 = arith.select %eq3A_3028, %broadcast_in_dim3A_3031, %broadcast_in_dim3A_3032 : vector<10x128xi1>, vector<10x128xi32>
    %add3A_3034 = arith.addi %add3A_3003, %select_n3A_3033 : vector<10x128xi32>
    %jit3A_3035 = arith.constant -1.000000e+30 : f32
    %broadcast_in_dim3A_3036 = vector.broadcast %jit3A_3035 : f32 to vector<10x1024xf32>
    %select_n3A_3037 = arith.select %eq3A_3019, %broadcast_in_dim3A_3036, %select_n3A_3006 : vector<10x1024xi1>, vector<10x1024xf32>
    %reduce_max3A_3038 = arith.constant dense<0xFF800000> : vector<10xf32>
    %reduce_max3A_3039 = vector.multi_reduction <maximumf>, %select_n3A_3037, %reduce_max3A_3038 [1] : vector<10x1024xf32> to vector<10xf32>
    %broadcast_in_dim3A_3040 = vector.shape_cast %reduce_max3A_3039 : vector<10xf32> to vector<10x1xf32>
    %eq3A_3041 = vector.broadcast %broadcast_in_dim3A_3040 : vector<10x1xf32> to vector<10x1024xf32>
    %eq3A_3042 = arith.cmpf oeq, %select_n3A_3037, %eq3A_3041 : vector<10x1024xf32>
    %jit3A_3043 = arith.constant 1073741824 : i32
    %broadcast_in_dim3A_3044 = vector.broadcast %jit3A_3043 : i32 to vector<10x1024xi32>
    %select_n3A_3045 = arith.select %eq3A_3042, %iota3A, %broadcast_in_dim3A_3044 : vector<10x1024xi1>, vector<10x1024xi32>
    %reduce_min3A_3046 = arith.constant dense<2147483647> : vector<10xi32>
    %reduce_min3A_3047 = vector.multi_reduction <minsi>, %select_n3A_3045, %reduce_min3A_3046 [1] : vector<10x1024xi32> to vector<10xi32>
    %broadcast_in_dim3A_3048 = vector.shape_cast %reduce_min3A_3047 : vector<10xi32> to vector<10x1xi32>
    %eq3A_3049 = vector.broadcast %broadcast_in_dim3A_3048 : vector<10x1xi32> to vector<10x1024xi32>
    %eq3A_3050 = arith.cmpi eq, %iota3A, %eq3A_3049 : vector<10x1024xi32>
    %jit3A_3051 = arith.constant 0 : i32
    %broadcast_in_dim3A_3052 = vector.broadcast %jit3A_3051 : i32 to vector<10x1024xi32>
    %select_n3A_3053 = arith.select %eq3A_3050, %get3A_4, %broadcast_in_dim3A_3052 : vector<10x1024xi1>, vector<10x1024xi32>
    %reduce_sum3A_3054 = arith.constant dense<0> : vector<10xi32>
    %reduce_sum3A_3055 = vector.multi_reduction <add>, %select_n3A_3053, %reduce_sum3A_3054 [1] : vector<10x1024xi32> to vector<10xi32>
    %broadcast_in_dim3A_3056 = vector.shape_cast %reduce_sum3A_3055 : vector<10xi32> to vector<10x1xi32>
    %eq3A_3057 = arith.constant 98 : i32
    %eq3A_3058 = vector.broadcast %eq3A_3057 : i32 to vector<10x128xi32>
    %eq3A_3059 = arith.cmpi eq, %iota3A_5, %eq3A_3058 : vector<10x128xi32>
    %jit3A_3060 = arith.constant 0 : i32
    %broadcast_in_dim3A_3061 = vector.shape_cast %broadcast_in_dim3A_3056 : vector<10x1xi32> to vector<10x1xi32>
    %broadcast_in_dim3A_3062 = vector.broadcast %broadcast_in_dim3A_3061 : vector<10x1xi32> to vector<10x128xi32>
    %broadcast_in_dim3A_3063 = vector.broadcast %jit3A_3060 : i32 to vector<10x128xi32>
    %select_n3A_3064 = arith.select %eq3A_3059, %broadcast_in_dim3A_3062, %broadcast_in_dim3A_3063 : vector<10x128xi1>, vector<10x128xi32>
    %add3A_3065 = arith.addi %add3A_3034, %select_n3A_3064 : vector<10x128xi32>
    %jit3A_3066 = arith.constant -1.000000e+30 : f32
    %broadcast_in_dim3A_3067 = vector.broadcast %jit3A_3066 : f32 to vector<10x1024xf32>
    %select_n3A_3068 = arith.select %eq3A_3050, %broadcast_in_dim3A_3067, %select_n3A_3037 : vector<10x1024xi1>, vector<10x1024xf32>
    %reduce_max3A_3069 = arith.constant dense<0xFF800000> : vector<10xf32>
    %reduce_max3A_3070 = vector.multi_reduction <maximumf>, %select_n3A_3068, %reduce_max3A_3069 [1] : vector<10x1024xf32> to vector<10xf32>
    %broadcast_in_dim3A_3071 = vector.shape_cast %reduce_max3A_3070 : vector<10xf32> to vector<10x1xf32>
    %eq3A_3072 = vector.broadcast %broadcast_in_dim3A_3071 : vector<10x1xf32> to vector<10x1024xf32>
    %eq3A_3073 = arith.cmpf oeq, %select_n3A_3068, %eq3A_3072 : vector<10x1024xf32>
    %jit3A_3074 = arith.constant 1073741824 : i32
    %broadcast_in_dim3A_3075 = vector.broadcast %jit3A_3074 : i32 to vector<10x1024xi32>
    %select_n3A_3076 = arith.select %eq3A_3073, %iota3A, %broadcast_in_dim3A_3075 : vector<10x1024xi1>, vector<10x1024xi32>
    %reduce_min3A_3077 = arith.constant dense<2147483647> : vector<10xi32>
    %reduce_min3A_3078 = vector.multi_reduction <minsi>, %select_n3A_3076, %reduce_min3A_3077 [1] : vector<10x1024xi32> to vector<10xi32>
    %broadcast_in_dim3A_3079 = vector.shape_cast %reduce_min3A_3078 : vector<10xi32> to vector<10x1xi32>
    %eq3A_3080 = vector.broadcast %broadcast_in_dim3A_3079 : vector<10x1xi32> to vector<10x1024xi32>
    %eq3A_3081 = arith.cmpi eq, %iota3A, %eq3A_3080 : vector<10x1024xi32>
    %jit3A_3082 = arith.constant 0 : i32
    %broadcast_in_dim3A_3083 = vector.broadcast %jit3A_3082 : i32 to vector<10x1024xi32>
    %select_n3A_3084 = arith.select %eq3A_3081, %get3A_4, %broadcast_in_dim3A_3083 : vector<10x1024xi1>, vector<10x1024xi32>
    %reduce_sum3A_3085 = arith.constant dense<0> : vector<10xi32>
    %reduce_sum3A_3086 = vector.multi_reduction <add>, %select_n3A_3084, %reduce_sum3A_3085 [1] : vector<10x1024xi32> to vector<10xi32>
    %broadcast_in_dim3A_3087 = vector.shape_cast %reduce_sum3A_3086 : vector<10xi32> to vector<10x1xi32>
    %eq3A_3088 = arith.constant 99 : i32
    %eq3A_3089 = vector.broadcast %eq3A_3088 : i32 to vector<10x128xi32>
    %eq3A_3090 = arith.cmpi eq, %iota3A_5, %eq3A_3089 : vector<10x128xi32>
    %jit3A_3091 = arith.constant 0 : i32
    %broadcast_in_dim3A_3092 = vector.shape_cast %broadcast_in_dim3A_3087 : vector<10x1xi32> to vector<10x1xi32>
    %broadcast_in_dim3A_3093 = vector.broadcast %broadcast_in_dim3A_3092 : vector<10x1xi32> to vector<10x128xi32>
    %broadcast_in_dim3A_3094 = vector.broadcast %jit3A_3091 : i32 to vector<10x128xi32>
    %select_n3A_3095 = arith.select %eq3A_3090, %broadcast_in_dim3A_3093, %broadcast_in_dim3A_3094 : vector<10x128xi1>, vector<10x128xi32>
    %add3A_3096 = arith.addi %add3A_3065, %select_n3A_3095 : vector<10x128xi32>
    %swap3A = arith.constant 0 : index
    %swap3A_3097 = arith.constant 0 : index
    %swap3A_3098 = vector.load %arg2[%swap3A, %swap3A_3097] : memref<10x128xi32, #tpu.memory_space<vmem>>, vector<10x128xi32>
    tpu.vector_store %arg2[%swap3A, %swap3A_3097], %add3A_3096 {strides = array<i32>} : memref<10x128xi32, #tpu.memory_space<vmem>>, vector<10x128xi32>,
    return
  }
}

</mosaic_0001>

<sc_bundles>
// kernel: gather_offload_async_start.1
scs
__scs_entry_jumppad:
0x0: {  	(pc) =	sbr.rel $0x88, $3  }
0x1: {  	(tag) =	ssettag $0x0;
	lr =	simm.s32 $0x1  }
0x2: {  	[smem:$0x3F9F] =	sst lr;
	_ =	strace $0xD0000000  }
0x3: {  	_ = 	snop  }
0x4: {  	_ = 	snop  }
0x5: {  	_ = 	snop  }
0x6: {  	_ = 	snop  }
0x7: {  	_ = 	snop  }
__scs_overlays_trampoline_lowered:
0x8: {  	[smem:$0x3FAE] =	sst s0  }
0x9: {  	[smem:$0x3FAF] =	sst s1  }
0xa: {  	[smem:$0x3FB0] =	sst s2  }
0xb: {  	[smem:$0x3FB1] =	sst s3  }
0xc: {  	[smem:$0x3FB2] =	sst s4  }
0xd: {  	[smem:$0x3FB3] =	sst s5  }
0xe: {  	[smem:$0x3FB4] =	sst s6  }
0xf: {  	[smem:$0x3FB5] =	sst s7  }
0x10: {  	[smem:$0x3FB6] =	sst s8  }
0x11: {  	[smem:$0x3FB7] =	sst s9;
	s0 =	simm.s32 @!p0 $0x0  }
0x12: {  	s1 =	sld [smem:$0x3F9D];
	s0 =	simm.s32 @p0 $0x1  }
0x13: {  	[smem:$0x3FB8] =	sst s0;
	s0 =	simm.s32 @!p1 $0x0  }
0x14: {  	s2 =	sld [smem:$0x3F9C];
	s0 =	simm.s32 @p1 $0x1  }
0x15: {  	[smem:$0x3FB9] =	sst s0;
	s0 =	simm.s32 @!p2 $0x0  }
0x16: {  	s3 =	sld [smem:$0x3FDB];
	s0 =	simm.s32 @p2 $0x1  }
0x17: {  	s4 =	simm.s32 $0x1BF5;
	[smem:$0x3FBB] =	sst s0  }
0x18: {  	s0 =	sld [smem:$0x3F9E];
	_ =	swait.ge [sflag:s4], $0x0  }
0x19: {  	s7 =	sld [smem:$0x3F9F]  }
0x1a: {  	s8 =	sadd.s32 $0xFFFFE003, lr  }
0x1b: {  	s9 =	sadd.s32 $0xFFFFFEF7, lr;
	s5 =	simm.s32 $0xFFFFFFFF;
	p2 =	slt.u32 s8, $0xFFFFF086  }
0x1c: {  	p1 =	slt.u32 s9, $0xF7A;
	s5 =	simm.s32 @!p2 $0x0  }
0x1d: {  	s5 =	simm.s32 @p1 $0x1;
	p0 =	seq.s32 s7, s2  }
0x1e: {  	s7 =	smul.u32 @!p0 $0xF7A, s2;
	p2 =	seq.s32 @!p0 s5, $0x0  }
0x1f: {  	s9 =	smul.u32 $0xF7A, s1;
	s8 =	simm.s32 @!p0 $0x1BF5;
	p2 =	por !p2, p0  }
0x20: {  	[sflag:s8] =	ssyncset.s32 @!p0 $0xFFFFF086;
	s6 =	sadd.s32 @!p0 s3, s7;
	s7 =	simm.s32 @!p0 $0x108  }
0x21: {  	s3 =	sadd.s32 s3, s9;
	s6 =	sadd.s32 @!p0 $0x88, s6;
	s7 =	simm.s32 @p2 $0x1082  }
0x22: {  	[simem:s7], [sflag:s8] =	dma.local @!p0 [hbm:s6], $0xF7A  }
0x23: {  	s9 =	sor.u32 $0xD0000000, s2;
	s6 =	simm.s32 $0x108;
	_ =	swait.ge @!p0 [sflag:s8], $0x0  }
0x24: {  	s3 =	sadd.s32 $0x88, s3;
	s6 =	simm.s32 @!p1 $0x1082;
	[sflag:s4] =	ssyncset.s32 $0xFFFFF086  }
0x25: {  	[simem:s6], [sflag:s4] =	dma.local [hbm:s3], $0xF7A  }
0x26: {  	[smem:$0x3F9F] =	sst s1;
	(tag) =	ssettag s2;
	_ =	strace s9  }
0x27: {  	s1 =	sld [smem:$0x3FAF]  }
0x28: {  	s2 =	sld [smem:$0x3FB0]  }
0x29: {  	s4 =	sld [smem:$0x3FB2]  }
0x2a: {  	p0 =	seq.s32 s5, $0x0;
	s5 =	sld [smem:$0x3FB3]  }
0x2b: {  	s6 =	sld [smem:$0x3FB4]  }
0x2c: {  	s7 =	sld [smem:$0x3FB5]  }
0x2d: {  	s3 =	simm.s32 $0x108;
	s8 =	sld [smem:$0x3FB6]  }
0x2e: {  	s3 =	simm.s32 @!p0 $0x1082;
	s9 =	sld [smem:$0x3FB7]  }
0x2f: {  	lr =	sadd.s32 s0, s3;
	s0 =	sld [smem:$0x3FAE]  }
0x30: {  	s3 =	sld [smem:$0x3FB1]  }
0x31: {  	[smem:$0x3FBA] =	sst s10  }
0x32: {  	s10 =	sld [smem:$0x3FB8];
	_ =	sdelay $0x3  }
0x33: {  	p0 =	seq.s32 s10, $0x1;
	s10 =	sld [smem:$0x3FBA];
	_ =	sdelay $0x3  }
0x34: {  	[smem:$0x3FBA] =	sst s10  }
0x35: {  	s10 =	sld [smem:$0x3FB9];
	_ =	sdelay $0x3  }
0x36: {  	p1 =	seq.s32 s10, $0x1;
	s10 =	sld [smem:$0x3FBA];
	_ =	sdelay $0x3  }
0x37: {  	[smem:$0x3FBA] =	sst s10  }
0x38: {  	s10 =	sld [smem:$0x3FBB]  }
0x39: {  	_ = 	snop;
	(pc) =	sbr.ind lr, $3  }
0x3a: {  	_ = 	snop  }
0x3b: {  	_ = 	snop  }
0x3c: {  	p2 =	seq.s32 s10, $0x1;
	s10 =	sld [smem:$0x3FBA]  }
0x3d: {  	_ =	shalt  }
0x3e: {  	_ =	shalt  }
0x3f: {  	_ =	shalt  }
0x40: {  	_ =	shalt  }
0x41: {  	_ =	shalt  }
0x42: {  	_ =	shalt  }
0x43: {  	_ =	shalt  }
0x44: {  	_ =	shalt  }
0x45: {  	_ =	shalt  }
0x46: {  	_ =	shalt  }
0x47: {  	_ =	shalt  }
0x48: {  	_ =	shalt  }
0x49: {  	_ =	shalt  }
0x4a: {  	_ =	shalt  }
0x4b: {  	_ =	shalt  }
0x4c: {  	_ =	shalt  }
0x4d: {  	_ =	shalt  }
0x4e: {  	_ =	shalt  }
0x4f: {  	_ =	shalt  }
0x50: {  	_ =	shalt  }
0x51: {  	_ =	shalt  }
0x52: {  	_ =	shalt  }
0x53: {  	_ =	shalt  }
0x54: {  	_ =	shalt  }
0x55: {  	_ =	shalt  }
0x56: {  	_ =	shalt  }
0x57: {  	_ =	shalt  }
0x58: {  	_ =	shalt  }
0x59: {  	_ =	shalt  }
0x5a: {  	_ =	shalt  }
0x5b: {  	_ =	shalt  }
0x5c: {  	_ =	shalt  }
0x5d: {  	_ =	shalt  }
0x5e: {  	_ =	shalt  }
0x5f: {  	_ =	shalt  }
0x60: {  	_ =	shalt  }
0x61: {  	_ =	shalt  }
0x62: {  	_ =	shalt  }
0x63: {  	_ =	shalt  }
0x64: {  	_ =	shalt  }
0x65: {  	_ =	shalt  }
0x66: {  	_ =	shalt  }
0x67: {  	_ =	shalt  }
0x68: {  	_ =	shalt  }
0x69: {  	_ =	shalt  }
0x6a: {  	_ =	shalt  }
0x6b: {  	_ =	shalt  }
0x6c: {  	_ =	shalt  }
0x6d: {  	_ =	shalt  }
0x6e: {  	_ =	shalt  }
0x6f: {  	_ =	shalt  }
0x70: {  	_ =	shalt  }
0x71: {  	_ =	shalt  }
0x72: {  	_ =	shalt  }
0x73: {  	_ =	shalt  }
0x74: {  	_ =	shalt  }
0x75: {  	_ =	shalt  }
0x76: {  	_ =	shalt  }
0x77: {  	_ =	shalt  }
0x78: {  	_ =	shalt  }
0x79: {  	_ =	shalt  }
0x7a: {  	_ =	shalt  }
0x7b: {  	_ =	shalt  }
0x7c: {  	_ =	shalt  }
0x7d: {  	_ =	shalt  }
0x7e: {  	_ =	shalt  }
0x7f: {  	_ =	shalt  }
0x80: {  	_ =	shalt  }
0x81: {  	_ =	shalt  }
0x82: {  	_ =	shalt  }
0x83: {  	_ =	shalt  }
0x84: {  	_ =	shalt  }
0x85: {  	_ =	shalt  }
0x86: {  	_ =	shalt  }
0x87: {  	_ =	shalt  }
.Lfunc_end0:
.L_simem_size_0:
called_computation.1_lowered:
.L_overlay_start_0:
0x88: {  	s2 =	sld [smem:$0x3FD9]  }
0x89: {  	s3 =	sld [smem:$0x3FFE];
	_ =	sdelay $0x1  }
0x8a: {  	s1 =	srdreg.scid  }
0x8b: {  	s0 =	sand.u32 $0x1, s1  }
0x8c: {  	s16 =	sshll.u32 s0, $0xA;
	s2 =	sadd.s32 s3, s2  }
0x8d: {  	s2 =	sadd.s32 s2, s16  }
0x8e: {  	[smem:$0x3FC6] =	sst s2  }
0x8f: {  	_ = 	snop  }
0x90: {  	(tm) =	ssettm $0x1  }
0x91: {  	s17 =	sld [smem:$0x3FFB];
	_ =	sdelay $0x3  }
0x92: {  	_ =	strace s17  }
0x93: {  	s2 =	sld [smem:$0x3FFC];
	_ =	sdelay $0x3  }
0x94: {  	_ =	strace s2  }
0x95: {  	s2 =	sld [smem:$0x3FFD];
	_ =	sdelay $0x3  }
0x96: {  	_ =	strace s2  }
0x97: {  	_ =	strace $0x8FFFFFFF  }
0x98: {  	s18 =	sld [smem:$0x3FDB];
	_ =	sdelay $0x1  }
0x99: {  	s19 =	simm.s32 $_scs_section_size  }
0x9a: {  	s4 =	simm.s32 $_size__tile_overlayer_lowered;
	s5 =	simm.s32 $_tile_overlayer_lowered  }
0x9b: {  	s22 =	simm.s32 $0x1BFF;
	s21 =	sshll.u32 s5, $0x1;
	s2 =	sadd.s32 s19, s18  }
0x9c: {  	s6 =	simm.s32 $0x0;
	s20 =	sshll.u32 s4, $0x1;
	s4 =	sadd.s32 s21, s2  }
0x9d: {  	[timem:s6], [sflag:s22] =	dma.local [hbm:s4], s20  }
0x9e: {  	_ =	swait.ge [sflag:s22], s20  }
0x9f: {  	s3 =	ssub.s32 $0x0, s20;
	[sflag:s22] =	ssyncset.done $0x0  }
0xa0: {  	[sflag:s22] =	ssyncadd.s32 s3;
	_ =	sdelay $0x1  }
0xa1: {  	s23 =	simm.s32 $0x1B8B  }
0xa2: {  	_ =	swait.ge [sflag:s23], $0x1  }
0xa3: {  	[sflag:s23] =	ssyncset.done $0x0  }
0xa4: {  	s25 =	simm.s32 $0x1B8E;
	s24 =	sld [smem:$0x3FFE];
	[sflag:s23] =	ssyncadd.s32 $0xFFFFFFFF  }
0xa5: {  	s26 =	simm.s32 $execute0_lowered;
	[smem:$0x3FD2] =	sst s25  }
0xa6: {  	s4 =	sshll.u32 s26, $0x1;
	_ =	strace $0x80000046;
	[dreg:$0x1] =	wrdreg $0xFFFFFFFF  }
0xa7: {  	s28 =	simm.s32 $_size_execute0_lowered;
	s2 =	sadd.s32 s2, s4;
	[dreg:$0x0] =	wrdreg $0x0  }
0xa8: {  	s4 =	sshll.u32 s28, $0x1;
	[dreg:$0x2] =	wrdreg s2  }
0xa9: {  	[dreg:$0x3] =	wrdreg s4  }
0xaa: {  	[dreg:$0x4] =	wrdreg $0xC0  }
0xab: {  	_ =	task [dreg:s6], $0x5FFFF  }
0xac: {  	[dreg:$0x1] =	wrdreg $0xFFFFFFFF  }
0xad: {  	[dreg:$0x0] =	wrdreg $0x60  }
0xae: {  	[dreg:$0x2] =	wrdreg s24  }
0xaf: {  	[dreg:$0x3] =	wrdreg $0xA  }
0xb0: {  	_ =	task.clear_ibuf [dreg:s6], $0x4FFFF;
	_ =	strace $0x90000046  }
0xb1: {  	s29 =	simm.s32 $0xA;
	_ =	strace $0x80000048  }
0xb2: {  	_ =	swait.ge [sflag:s29], $0x1  }
0xb3: {  	[sflag:s29] =	ssyncadd.s32 $0xFFFFFFFF  }
0xb4: {  	_ =	strace $0x90000048  }
0xb5: {  	_ =	sfence  }
0xb6: {  	s30 =	sld [smem:$0x0];
	_ =	sdelay $0x2  }
0xb7: {  	s31 =	sshll.u32 s1, $0xD;
	s1 =	sshrl.u32 s1, $0x2  }
0xb8: {  	s3 =	sand.u32 $0x4000, s31;
	s1 =	sadd.s32 s1, s30  }
0xb9: {  	s0 =	sor.u32 s3, s0;
	s1 =	sshll.u32 s1, $0x11  }
0xba: {  	s0 =	sor.u32 s1, s0  }
0xbb: {  	s0 =	sadd.s32 $0x8F2B, s0  }
0xbc: {  	[sflag:s0] =	ssyncadd.remote.s32 $0x1  }
0xbd: {  	_ =	sfence.sel $0xFFFF  }
0xbe: {  	[dreg:$0x0] =	wrdreg $0xFFFFFFFF;
	(pc) =	sbr.abs _section_cstart, $3  }
0xbf: {  	[dreg:$0x1] =	wrdreg $0xFFFFFFFF  }
0xc0: {  	_ =	task.clear_ibuf [dreg:s6], $0x2FFFF;
	_ =	strace $0x9FFFFFFF  }
0xc1: {  	(tm) =	ssettm $0x7FFFFFFF  }
tec
execute0_lowered:
.L_overlay_start_1:
0x0: {  	(tag) =	ssettag $0x1  }
0x1: {  	s8 =	rddreg [dreg:$0x0];
	s1 =	stileid.u32  }
0x2: {  	s2 =	srdreg.scid;
	s0 =	rddreg [dreg:$0x1]  }
0x3: {  	_ =	strace $0x80000047;
	s5 =	simm.s32 $0x1;
	s9 =	simm.s32 $0x1  }
0x4: {  	s10 =	simm.s32 $0x3;
	s2 =	sand.u32 $0x1, s2;
	s3 =	sshll.u32 s1, $0x1  }
0x5: {  	s13 =	simm.s32 $0x0;
	s12 =	simm.s32 $0x0;
	s6 =	sor.u32 s3, s2  }
0x6: {  	[sflag:s5] =	ssyncpa.u1 $0x0;
	s2 =	sadd.s32 $0x1000, s8;
	s4 =	smul.u32 $0xA00, s6  }
0x7: {  	s3 =	sadd.s32 $0x4000, s8;
	p0 =	slt.u32 s6, $0x5;
	s6 =	simm.s32 $0x14000  }
.Ltmp0:
0x8: {  	s6 =	simm.s32 @!p0 $0x0;
	s7 =	ssub.s32 $0x16800, s4;
	(pc) =	sbr.rel .LBB2_1-.Ltmp0, $4  }
0x9: {  	s9 =	simm.s32 @!p0 $0x0;
	p0 =	sne.s32 s7, s6;
	s7 =	simm.s32 $0x1  }
0xa: {  	s8 =	sadd.s32 $0x6E00, s8;
	s6 =	simm.s32 $0x2;
	s7 =	simm.s32 @!p0 $0x0  }
0xb: {  	s11 =	smov.u32 s4;
	[sflag:s6] =	ssyncpa.u1 $0x0;
	s7 =	sadd.s32 s9, s7  }
0xc: {  	vm0 =	vmmov $0xffff;
	[sflag:s10] =	ssyncpa.u1 $0x0;
	s10 =	simm.s32 $0x0;
	s9 =	sadd.s32 $0x1, s7  }
.LBB2_4:
0xd: {  	vm1 =	veq.s32 v0, $0x80000000;
	v63 =	vand.u32 $0x7F, v0;
	v2 =	vand.u32 $0x3FF, v2  }
0xe: {  	v0 =	vsel vm1, $0xFFFFFFFF, v63;
	v2 =	vsel vm1, $0xFFFFFFFF, v2  }
0xf: {  	v3 =	vshll.u32 v0, $0xA;
	v4 =	vshll.u32 v2, $0x3  }
0x10: {  	v0 =	vshll.u32 v0, $0x7;
	v3 =	vand.u32 $0xFFFFE000, v3;
	v4 =	vand.u32 $0xFFFFFC00, v4  }
0x11: {  	v0 =	vand.u32 $0x380, v0;
	v3 =	vadd.s32 v3, v4  }
0x12: {  	v2 =	vand.u32 $0x7F, v2;
	v0 =	vor.u32 v0, v3  }
0x13: {  	v0 =	vor.u32 v2, v0;
	_ =	sdelay $0x1  }
0x14: {  	(ifvalue) =	ssetifvalue $0x7FFFFFFF;
	s15 =	sadd.s32 $0x10, s15  }
0x15: {  	[tilespmem:s15], [sflag:$0x1] =	stream.indirect_vreg.gather [hbm4b:s2+s10], $0x1, v1, vm0, $0x4038;
	[tilespmem:$0x2800] =	vst v63  }
0x16: {  	(ifvalue) =	ssetifvalue $0x7FFFFFFF;
	s15 =	sadd.s32 $0x10, s15  }
0x17: {  	[tilespmem:s15], [sflag:$0x1] =	stream.indirect_vreg.gather [hbm4b:s2+s10], $0x1, v0, vm0, $0x4038;
	[tilespmem:$0x2800] =	vst v63  }
0x18: {  	_ =	swait.ge [sflag:s5], $0xA00  }
0x19: {  	s30 =	sshrl.u32 s13, $0x3;
	[sflag:s5] =	ssyncset.done $0x0  }
0x1a: {  	s31 =	sand.u32 $0x7, s13;
	s15 =	sadd.s32 s8, s30;
	[sflag:s5] =	ssyncadd.s32 $0xFFFFF600  }
0x1b: {  	[hbm4b:s15+s31] =	stream.linear.scatter [tilespmem:s14], [sflag:$0x3], $0xA00, $0x38;
	[tilespmem:$0x2800] =	vst v63  }
.LBB2_5:
0x1c: {  	s15 =	sadd.s32 $0x14000, s11  }
0x1d: {  	p1 =	sgt.s32 s15, $0x167FF  }
0x1e: {  	s15 =	smov.u32 @p1 s4;
	p1 =	sne.s32 s12, s9  }
.Ltmp1:
0x1f: {  	p0 =	slt.u32 s12, $0x2;
	(pc) =	sbr.rel @!p1 .LBB2_6-.Ltmp1, $4  }
0x20: {  	s14 =	simm.s32 @!p0 $0x3  }
0x21: {  	_ =	swait.ge @!p0 [sflag:s14], $0xA00  }
0x22: {  	s16 =	sadd.s32 $0x1, s12;
	s13 =	smov.u32 s11;
	[sflag:s14] =	ssyncset.done @!p0 $0x0  }
0x23: {  	s12 =	smov.u32 s16;
	s11 =	smov.u32 s15;
	[sflag:s14] =	ssyncadd.s32 @!p0 $0xFFFFF600  }
.LBB2_1:
0x24: {  	p0 =	sge.u32 s12, s7  }
0x25: {  	s14 =	sxor.u32 @!p0 $0x1, s12  }
0x26: {  	s14 =	smul.u32 @!p0 $0x2800, s14  }
0x27: {  	s31 =	sadd.s32 $0xFFFFFFFF, s12;
	s15 =	sshrl.u32 @!p0 s11, $0x3  }
0x28: {  	s16 =	sand.u32 @!p0 $0x7, s11;
	s15 =	sadd.s32 @!p0 s3, s15;
	s14 =	sshra.s32 @!p0 s14, $0x2  }
0x29: {  	[tilespmem:s14], [sflag:$0x2] =	stream.linear.gather @!p0 [hbm4b:s15+s16], $0xA00, $0x38;
	[tilespmem:$0x2800] =	vst v63  }
0x2a: {  	p0 =	sge.u32 s31, s7  }
.Ltmp2:
0x2b: {  	_ = 	snop;
	(pc) =	sbr.rel @p0 .LBB2_5-.Ltmp2, $1  }
0x2c: {  	_ =	sdelay $0x3  }
0x2d: {  	s14 =	sand.u32 $0x1, s12  }
0x2e: {  	_ =	swait.ge [sflag:s6], $0xA00;
	p0 =	seq.s32 s14, $0x1;
	s14 =	simm.s32 $0xA00  }
0x2f: {  	[sflag:s6] =	ssyncset.done $0x0;
	s14 =	simm.s32 @!p0 $0x0  }
0x30: {  	[sflag:s6] =	ssyncadd.s32 $0xFFFFF600;
	(ifvalue) =	ssetifvalue $0x7FFFFFFF;
	v0 =	vld.msk [tilespmem:s14+$0x0 ss:$0x1], $0xffff;
	_ =	sdelay $0x3  }
0x31: {  	s15 =	sadd.s32 $0x10, s14  }
0x32: {  	v2 =	vld.msk [tilespmem:s15+$0x0 ss:$0x1], $0xffff;
	v1 =	vshrl.u32 v0, $0x7  }
0x33: {  	vm1 =	veq.s32 v0, $0x80000000;
	v0 =	vand.u32 $0x7F, v0;
	v1 =	vand.u32 $0x3FF, v1  }
0x34: {  	v0 =	vsel vm1, $0xFFFFFFFF, v0;
	v1 =	vsel vm1, $0xFFFFFFFF, v1  }
0x35: {  	v3 =	vshll.u32 v0, $0xA;
	v4 =	vshll.u32 v1, $0x3  }
0x36: {  	v0 =	vshll.u32 v0, $0x7;
	v3 =	vand.u32 $0xFFFFE000, v3;
	v4 =	vand.u32 $0xFFFFFC00, v4  }
0x37: {  	vm1 =	veq.s32 v2, $0x80000000;
	v0 =	vand.u32 $0x380, v0;
	v3 =	vadd.s32 v3, v4  }
0x38: {  	v1 =	vand.u32 $0x7F, v1;
	v0 =	vor.u32 v0, v3;
	v3 =	vshrl.u32 v2, $0x7  }
0x39: {  	s15 =	sadd.s32 $0x10, s15;
	v2 =	vand.u32 $0x7F, v2;
	v1 =	vor.u32 v1, v0;
	v3 =	vand.u32 $0x3FF, v3  }
0x3a: {  	v0 =	vld.msk [tilespmem:s15+$0x0 ss:$0x1], $0xffff;
	v2 =	vsel vm1, $0xFFFFFFFF, v2;
	v3 =	vsel vm1, $0xFFFFFFFF, v3  }
0x3b: {  	v63 =	vshll.u32 v2, $0xA;
	v5 =	vshll.u32 v3, $0x3  }
0x3c: {  	v2 =	vshll.u32 v2, $0x7;
	v4 =	vand.u32 $0xFFFFE000, v63;
	v5 =	vand.u32 $0xFFFFFC00, v5  }
0x3d: {  	s14 =	sor.u32 $0x1400, s14;
	(ifvalue) =	ssetifvalue $0x7FFFFFFF;
	v2 =	vand.u32 $0x380, v2;
	v4 =	vadd.s32 v4, v5  }
0x3e: {  	[tilespmem:s14], [sflag:$0x1] =	stream.indirect_vreg.gather [hbm4b:s2+s10], $0x1, v1, vm0, $0x4038;
	v1 =	vand.u32 $0x7F, v3;
	v3 =	vor.u32 v2, v4;
	[tilespmem:$0x2800] =	vst v63  }
0x3f: {  	s16 =	simm.s32 $0x20;
	s17 =	sadd.s32 $0x10, s15;
	s15 =	smov.u32 s14;
	v2 =	vshrl.u32 v0, $0x7;
	v1 =	vor.u32 v1, v3  }
.LBB2_3:
0x40: {  	s16 =	sadd.s32 $0x10, s16;
	vm1 =	veq.s32 v0, $0x80000000;
	v3 =	vand.u32 $0x7F, v0;
	v0 =	vld.msk [tilespmem:s17+$0x0 ss:$0x1], $0xffff;
	v2 =	vand.u32 $0x3FF, v2  }
0x41: {  	p0 =	slt.u32 s16, $0x9F0;
	v3 =	vsel vm1, $0xFFFFFFFF, v3;
	v2 =	vsel vm1, $0xFFFFFFFF, v2  }
.Ltmp3:
0x42: {  	v4 =	vshll.u32 v3, $0xA;
	v5 =	vshll.u32 v2, $0x3;
	(pc) =	sbr.rel @p0 .LBB2_3-.Ltmp3, $4  }
0x43: {  	s15 =	sadd.s32 $0x10, s15;
	v3 =	vshll.u32 v3, $0x7;
	v4 =	vand.u32 $0xFFFFE000, v4;
	v5 =	vand.u32 $0xFFFFFC00, v5;
	(ifvalue) =	ssetifvalue $0x7FFFFFFF  }
0x44: {  	v3 =	vand.u32 $0x380, v3;
	v4 =	vadd.s32 v4, v5;
	[tilespmem:s15], [sflag:$0x1] =	stream.indirect_vreg.gather [hbm4b:s2+s10], $0x1, v1, vm0, $0x4038;
	[tilespmem:$0x2800] =	vst v63  }
0x45: {  	v1 =	vand.u32 $0x7F, v2;
	v3 =	vor.u32 v3, v4  }
0x46: {  	s17 =	sadd.s32 $0x10, s17;
	v2 =	vshrl.u32 v0, $0x7;
	v1 =	vor.u32 v1, v3  }
.Ltmp4:
0x47: {  	_ = 	snop;
	(pc) =	sbr.rel .LBB2_4-.Ltmp4, $1  }
0x48: {  	_ =	sdelay $0x3  }
.LBB2_6:
0x49: {  	_ =	sfence.sel $0x180000  }
0x4a: {  	s2 =	simm.s32 $0x2;
	[bflag:$0x0] =	sbarrier.arrive $0xFFFF  }
0x4b: {  	s30 =	simm.s32 $0x3;
	[sflag:s2] =	ssyncpa.u1 $0x1  }
0x4c: {  	s31 =	simm.s32 $0x1;
	[sflag:s30] =	ssyncpa.u1 $0x1  }
0x4d: {  	[sflag:s31] =	ssyncpa.u1 $0x1  }
0x4e: {  	p0 =	sne.s32 s1, $0x0;
	_ =	strace $0x90000047  }
0x4f: {  	s0 =	sadd.s32 @!p0 $0x100000, s0;
	[bflag:$0x2] =	sbarrier.arrive $0xFFFF  }
0x50: {  	[sflag:s0] =	ssyncadd.tile.s32 @!p0 $0x1;
	_ =	shalt  }
.Lfunc_end2:
_tile_overlayer_lowered:
.L_overlay_start_2:
0x51: {  	(tag) =	ssettag $0x2  }
0x52: {  	s0 =	rddreg [dreg:$0x0];
	s2 =	stileid.u32  }
0x53: {  	s1 =	rddreg [dreg:$0x1];
	p0 =	sne.s32 s2, $0x0  }
0x54: {  	s3 =	rddreg [dreg:$0x2];
	[bflag:$0x3] =	sbarrier.arrive $0xFFFF;
	s2 =	simm.s32 @!p0 $0x1C01  }
0x55: {  	[timem:s3], [sflag:s2] =	dma.local @!p0 [hbm:s0], s1  }
0x56: {  	s0 =	simm.s32 @!p0 $0x1  }
0x57: {  	_ =	swait.ge @!p0 [sflag:s0], s1  }
0x58: {  	s1 =	ssub.s32 @!p0 $0x0, s1;
	[sflag:s0] =	ssyncset.done @!p0 $0x0  }
0x59: {  	[sflag:s0] =	ssyncadd.s32 @!p0 s1  }
0x5a: {  	[bflag:$0x3] =	sbarrier.arrive $0xFFFF  }
0x5b: {  	_ =	shalt  }

// kernel: gather_offload_async_start
scs
__scs_entry_jumppad:
0x0: {  	(pc) =	sbr.rel $0x88, $3  }
0x1: {  	(tag) =	ssettag $0x0;
	lr =	simm.s32 $0x1  }
0x2: {  	[smem:$0x3F9F] =	sst lr;
	_ =	strace $0xD0000000  }
0x3: {  	_ = 	snop  }
0x4: {  	_ = 	snop  }
0x5: {  	_ = 	snop  }
0x6: {  	_ = 	snop  }
0x7: {  	_ = 	snop  }
__scs_overlays_trampoline_lowered:
0x8: {  	[smem:$0x3FAE] =	sst s0  }
0x9: {  	[smem:$0x3FAF] =	sst s1  }
0xa: {  	[smem:$0x3FB0] =	sst s2  }
0xb: {  	[smem:$0x3FB1] =	sst s3  }
0xc: {  	[smem:$0x3FB2] =	sst s4  }
0xd: {  	[smem:$0x3FB3] =	sst s5  }
0xe: {  	[smem:$0x3FB4] =	sst s6  }
0xf: {  	[smem:$0x3FB5] =	sst s7  }
0x10: {  	[smem:$0x3FB6] =	sst s8  }
0x11: {  	[smem:$0x3FB7] =	sst s9;
	s0 =	simm.s32 @!p0 $0x0  }
0x12: {  	s1 =	sld [smem:$0x3F9D];
	s0 =	simm.s32 @p0 $0x1  }
0x13: {  	[smem:$0x3FB8] =	sst s0;
	s0 =	simm.s32 @!p1 $0x0  }
0x14: {  	s2 =	sld [smem:$0x3F9C];
	s0 =	simm.s32 @p1 $0x1  }
0x15: {  	[smem:$0x3FB9] =	sst s0;
	s0 =	simm.s32 @!p2 $0x0  }
0x16: {  	s3 =	sld [smem:$0x3FDB];
	s0 =	simm.s32 @p2 $0x1  }
0x17: {  	s4 =	simm.s32 $0x1BF5;
	[smem:$0x3FBB] =	sst s0  }
0x18: {  	s0 =	sld [smem:$0x3F9E];
	_ =	swait.ge [sflag:s4], $0x0  }
0x19: {  	s7 =	sld [smem:$0x3F9F]  }
0x1a: {  	s8 =	sadd.s32 $0xFFFFE003, lr  }
0x1b: {  	s9 =	sadd.s32 $0xFFFFFEF7, lr;
	s5 =	simm.s32 $0xFFFFFFFF;
	p2 =	slt.u32 s8, $0xFFFFF086  }
0x1c: {  	p1 =	slt.u32 s9, $0xF7A;
	s5 =	simm.s32 @!p2 $0x0  }
0x1d: {  	s5 =	simm.s32 @p1 $0x1;
	p0 =	seq.s32 s7, s2  }
0x1e: {  	s7 =	smul.u32 @!p0 $0xF7A, s2;
	p2 =	seq.s32 @!p0 s5, $0x0  }
0x1f: {  	s9 =	smul.u32 $0xF7A, s1;
	s8 =	simm.s32 @!p0 $0x1BF5;
	p2 =	por !p2, p0  }
0x20: {  	[sflag:s8] =	ssyncset.s32 @!p0 $0xFFFFF086;
	s6 =	sadd.s32 @!p0 s3, s7;
	s7 =	simm.s32 @!p0 $0x108  }
0x21: {  	s3 =	sadd.s32 s3, s9;
	s6 =	sadd.s32 @!p0 $0x88, s6;
	s7 =	simm.s32 @p2 $0x1082  }
0x22: {  	[simem:s7], [sflag:s8] =	dma.local @!p0 [hbm:s6], $0xF7A  }
0x23: {  	s9 =	sor.u32 $0xD0000000, s2;
	s6 =	simm.s32 $0x108;
	_ =	swait.ge @!p0 [sflag:s8], $0x0  }
0x24: {  	s3 =	sadd.s32 $0x88, s3;
	s6 =	simm.s32 @!p1 $0x1082;
	[sflag:s4] =	ssyncset.s32 $0xFFFFF086  }
0x25: {  	[simem:s6], [sflag:s4] =	dma.local [hbm:s3], $0xF7A  }
0x26: {  	[smem:$0x3F9F] =	sst s1;
	(tag) =	ssettag s2;
	_ =	strace s9  }
0x27: {  	s1 =	sld [smem:$0x3FAF]  }
0x28: {  	s2 =	sld [smem:$0x3FB0]  }
0x29: {  	s4 =	sld [smem:$0x3FB2]  }
0x2a: {  	p0 =	seq.s32 s5, $0x0;
	s5 =	sld [smem:$0x3FB3]  }
0x2b: {  	s6 =	sld [smem:$0x3FB4]  }
0x2c: {  	s7 =	sld [smem:$0x3FB5]  }
0x2d: {  	s3 =	simm.s32 $0x108;
	s8 =	sld [smem:$0x3FB6]  }
0x2e: {  	s3 =	simm.s32 @!p0 $0x1082;
	s9 =	sld [smem:$0x3FB7]  }
0x2f: {  	lr =	sadd.s32 s0, s3;
	s0 =	sld [smem:$0x3FAE]  }
0x30: {  	s3 =	sld [smem:$0x3FB1]  }
0x31: {  	[smem:$0x3FBA] =	sst s10  }
0x32: {  	s10 =	sld [smem:$0x3FB8];
	_ =	sdelay $0x3  }
0x33: {  	p0 =	seq.s32 s10, $0x1;
	s10 =	sld [smem:$0x3FBA];
	_ =	sdelay $0x3  }
0x34: {  	[smem:$0x3FBA] =	sst s10  }
0x35: {  	s10 =	sld [smem:$0x3FB9];
	_ =	sdelay $0x3  }
0x36: {  	p1 =	seq.s32 s10, $0x1;
	s10 =	sld [smem:$0x3FBA];
	_ =	sdelay $0x3  }
0x37: {  	[smem:$0x3FBA] =	sst s10  }
0x38: {  	s10 =	sld [smem:$0x3FBB]  }
0x39: {  	_ = 	snop;
	(pc) =	sbr.ind lr, $3  }
0x3a: {  	_ = 	snop  }
0x3b: {  	_ = 	snop  }
0x3c: {  	p2 =	seq.s32 s10, $0x1;
	s10 =	sld [smem:$0x3FBA]  }
0x3d: {  	_ =	shalt  }
0x3e: {  	_ =	shalt  }
0x3f: {  	_ =	shalt  }
0x40: {  	_ =	shalt  }
0x41: {  	_ =	shalt  }
0x42: {  	_ =	shalt  }
0x43: {  	_ =	shalt  }
0x44: {  	_ =	shalt  }
0x45: {  	_ =	shalt  }
0x46: {  	_ =	shalt  }
0x47: {  	_ =	shalt  }
0x48: {  	_ =	shalt  }
0x49: {  	_ =	shalt  }
0x4a: {  	_ =	shalt  }
0x4b: {  	_ =	shalt  }
0x4c: {  	_ =	shalt  }
0x4d: {  	_ =	shalt  }
0x4e: {  	_ =	shalt  }
0x4f: {  	_ =	shalt  }
0x50: {  	_ =	shalt  }
0x51: {  	_ =	shalt  }
0x52: {  	_ =	shalt  }
0x53: {  	_ =	shalt  }
0x54: {  	_ =	shalt  }
0x55: {  	_ =	shalt  }
0x56: {  	_ =	shalt  }
0x57: {  	_ =	shalt  }
0x58: {  	_ =	shalt  }
0x59: {  	_ =	shalt  }
0x5a: {  	_ =	shalt  }
0x5b: {  	_ =	shalt  }
0x5c: {  	_ =	shalt  }
0x5d: {  	_ =	shalt  }
0x5e: {  	_ =	shalt  }
0x5f: {  	_ =	shalt  }
0x60: {  	_ =	shalt  }
0x61: {  	_ =	shalt  }
0x62: {  	_ =	shalt  }
0x63: {  	_ =	shalt  }
0x64: {  	_ =	shalt  }
0x65: {  	_ =	shalt  }
0x66: {  	_ =	shalt  }
0x67: {  	_ =	shalt  }
0x68: {  	_ =	shalt  }
0x69: {  	_ =	shalt  }
0x6a: {  	_ =	shalt  }
0x6b: {  	_ =	shalt  }
0x6c: {  	_ =	shalt  }
0x6d: {  	_ =	shalt  }
0x6e: {  	_ =	shalt  }
0x6f: {  	_ =	shalt  }
0x70: {  	_ =	shalt  }
0x71: {  	_ =	shalt  }
0x72: {  	_ =	shalt  }
0x73: {  	_ =	shalt  }
0x74: {  	_ =	shalt  }
0x75: {  	_ =	shalt  }
0x76: {  	_ =	shalt  }
0x77: {  	_ =	shalt  }
0x78: {  	_ =	shalt  }
0x79: {  	_ =	shalt  }
0x7a: {  	_ =	shalt  }
0x7b: {  	_ =	shalt  }
0x7c: {  	_ =	shalt  }
0x7d: {  	_ =	shalt  }
0x7e: {  	_ =	shalt  }
0x7f: {  	_ =	shalt  }
0x80: {  	_ =	shalt  }
0x81: {  	_ =	shalt  }
0x82: {  	_ =	shalt  }
0x83: {  	_ =	shalt  }
0x84: {  	_ =	shalt  }
0x85: {  	_ =	shalt  }
0x86: {  	_ =	shalt  }
0x87: {  	_ =	shalt  }
.Lfunc_end0:
.L_simem_size_0:
called_computation_lowered:
.L_overlay_start_0:
0x88: {  	s2 =	sld [smem:$0x3FD9]  }
0x89: {  	s3 =	sld [smem:$0x3FFE];
	_ =	sdelay $0x1  }
0x8a: {  	s1 =	srdreg.scid  }
0x8b: {  	s0 =	sand.u32 $0x1, s1  }
0x8c: {  	s17 =	sshll.u32 s0, $0xA;
	s2 =	sadd.s32 s3, s2  }
0x8d: {  	s2 =	sadd.s32 s2, s17  }
0x8e: {  	[smem:$0x3FC6] =	sst s2  }
0x8f: {  	_ = 	snop  }
0x90: {  	s18 =	sld [smem:$0x3FC9];
	(tm) =	ssettm $0x1  }
0x91: {  	s19 =	sld [smem:$0x3FFB];
	_ =	sdelay $0x3  }
0x92: {  	_ =	strace s19  }
0x93: {  	s2 =	sld [smem:$0x3FFC];
	_ =	sdelay $0x3  }
0x94: {  	_ =	strace s2  }
0x95: {  	s2 =	sld [smem:$0x3FFD];
	_ =	sdelay $0x3  }
0x96: {  	_ =	strace s2  }
0x97: {  	_ =	strace $0x8FFFFFFF  }
0x98: {  	s20 =	sld [smem:$0x3FDB];
	_ =	sdelay $0x1  }
0x99: {  	s4 =	simm.s32 $_scs_section_size  }
0x9a: {  	s5 =	simm.s32 $_size__tile_overlayer_lowered;
	s6 =	simm.s32 $_tile_overlayer_lowered  }
0x9b: {  	s7 =	simm.s32 $0x1BFF;
	s21 =	sshll.u32 s6, $0x1;
	s4 =	sadd.s32 s4, s20  }
0x9c: {  	s22 =	simm.s32 $0x0;
	s5 =	sshll.u32 s5, $0x1;
	s6 =	sadd.s32 s21, s4  }
0x9d: {  	[timem:s22], [sflag:s7] =	dma.local [hbm:s6], s5  }
0x9e: {  	_ =	swait.ge [sflag:s7], s5  }
0x9f: {  	s5 =	ssub.s32 $0x0, s5;
	[sflag:s7] =	ssyncset.done $0x0  }
0xa0: {  	[sflag:s7] =	ssyncadd.s32 s5;
	_ =	sdelay $0x1  }
0xa1: {  	s23 =	simm.s32 $0x1B8B  }
0xa2: {  	_ =	swait.ge [sflag:s23], $0x1  }
0xa3: {  	[sflag:s23] =	ssyncset.done $0x0  }
0xa4: {  	[sflag:s23] =	ssyncadd.s32 $0xFFFFFFFF  }
0xa5: {  	s5 =	sld [smem:$0x0]  }
0xa6: {  	s6 =	sand.u32 $0xFFFFFFFE, s1  }
0xa7: {  	p0 =	sne.s32 s1, s6  }
0xa8: {  	s6 =	sshll.u32 @p0 s6, $0xE  }
0xa9: {  	s6 =	sadd.s32 @p0 $0x11B8D, s6;
	s7 =	sshll.u32 @p0 s5, $0x11  }
0xaa: {  	s6 =	sor.u32 @p0 s7, s6  }
0xab: {  	[sflag:s6] =	ssyncadd.remote.s32 @p0 $0x1;
	_ =	sdelay $0x1  }
0xac: {  	s6 =	simm.s32 @p0 $0x1B8D  }
0xad: {  	_ =	swait.eq @p0 [sflag:s6], $0x1  }
0xae: {  	[sflag:s6] =	ssyncadd.s32 @p0 $0xFFFFFFFF  }
0xaf: {  	s7 =	sshll.u32 @!p0 s1, $0xE  }
0xb0: {  	s7 =	sor.u32 @!p0 $0x4000, s7;
	s6 =	simm.s32 @!p0 $0x1B8D  }
0xb1: {  	s5 =	sshll.u32 @!p0 s5, $0x11;
	s7 =	sadd.s32 @!p0 $0x11B8D, s7;
	_ =	swait.eq @!p0 [sflag:s6], $0x1  }
0xb2: {  	s5 =	sor.u32 @!p0 s5, s7;
	[sflag:s6] =	ssyncadd.s32 @!p0 $0xFFFFFFFF  }
0xb3: {  	s25 =	simm.s32 $0x1B8E;
	s24 =	sld [smem:$0x3FFE];
	[sflag:s5] =	ssyncadd.remote.s32 @!p0 $0x1  }
0xb4: {  	s26 =	simm.s32 $execute0_lowered;
	[smem:$0x3FD2] =	sst s25  }
0xb5: {  	s6 =	sshll.u32 s26, $0x1;
	_ =	strace $0x80000049;
	[dreg:$0x1] =	wrdreg $0xFFFFFFFF  }
0xb6: {  	s28 =	simm.s32 $_size_execute0_lowered;
	s4 =	sadd.s32 s4, s6;
	[dreg:$0x0] =	wrdreg $0x0  }
0xb7: {  	s6 =	sshll.u32 s28, $0x1;
	[dreg:$0x2] =	wrdreg s4  }
0xb8: {  	[dreg:$0x3] =	wrdreg s6  }
0xb9: {  	[dreg:$0x4] =	wrdreg $0xC0  }
0xba: {  	_ =	task [dreg:s22], $0x5FFFF  }
0xbb: {  	[dreg:$0x1] =	wrdreg $0xFFFFFFFF  }
0xbc: {  	[dreg:$0x0] =	wrdreg $0x60  }
0xbd: {  	[dreg:$0x2] =	wrdreg s18  }
0xbe: {  	[dreg:$0x3] =	wrdreg s24  }
0xbf: {  	[dreg:$0x4] =	wrdreg $0x9  }
0xc0: {  	_ =	task.clear_ibuf [dreg:s22], $0x5FFFF;
	_ =	strace $0x90000049  }
0xc1: {  	s29 =	simm.s32 $0x9;
	_ =	strace $0x8000004B  }
0xc2: {  	_ =	swait.ge [sflag:s29], $0x1  }
0xc3: {  	[sflag:s29] =	ssyncadd.s32 $0xFFFFFFFF  }
0xc4: {  	_ =	strace $0x9000004B  }
0xc5: {  	_ =	sfence  }
0xc6: {  	s30 =	sld [smem:$0x0];
	_ =	sdelay $0x2  }
0xc7: {  	s31 =	sshll.u32 s1, $0xD;
	s1 =	sshrl.u32 s1, $0x2  }
0xc8: {  	s4 =	sand.u32 $0x4000, s31;
	s1 =	sadd.s32 s1, s30  }
0xc9: {  	s0 =	sor.u32 s4, s0;
	s1 =	sshll.u32 s1, $0x11  }
0xca: {  	s0 =	sor.u32 s1, s0  }
0xcb: {  	s0 =	sadd.s32 $0x8F2B, s0  }
0xcc: {  	[sflag:s0] =	ssyncadd.remote.s32 $0x1  }
0xcd: {  	_ =	sfence.sel $0xFFFF  }
0xce: {  	[dreg:$0x0] =	wrdreg $0xFFFFFFFF;
	(pc) =	sbr.abs _section_cstart, $3  }
0xcf: {  	[dreg:$0x1] =	wrdreg $0xFFFFFFFF  }
0xd0: {  	_ =	task.clear_ibuf [dreg:s22], $0x2FFFF;
	_ =	strace $0x9FFFFFFF  }
0xd1: {  	(tm) =	ssettm $0x7FFFFFFF  }
tec
execute0_lowered:
.L_overlay_start_1:
0x0: {  	(tag) =	ssettag $0x1  }
0x1: {  	s1 =	srdreg.scid;
	s2 =	rddreg [dreg:$0x0]  }
0x2: {  	s0 =	stileid.u32;
	s5 =	rddreg [dreg:$0x1];
	s6 =	simm.s32 $0x1  }
0x3: {  	s9 =	simm.s32 $0x1;
	s10 =	simm.s32 $0x3;
	s1 =	sshll.u32 s1, $0x8  }
0x4: {  	s13 =	simm.s32 $0x0;
	s3 =	sshll.u32 s0, $0x9;
	s4 =	sand.u32 $0x100, s1  }
0x5: {  	s12 =	simm.s32 $0x0;
	s1 =	rddreg [dreg:$0x2];
	s3 =	sor.u32 s3, s4  }
0x6: {  	_ =	strace $0x8000004A;
	s4 =	sadd.s32 $0x9C00, s5;
	s8 =	ssub.s32 $0x2800, s3  }
.Ltmp0:
0x7: {  	s5 =	sadd.s32 $0xA200, s5;
	s7 =	sand.u32 $0x1F00, s8;
	(pc) =	sbr.rel .LBB2_1-.Ltmp0, $4  }
0x8: {  	[sflag:s6] =	ssyncpa.u1 $0x0;
	s11 =	smov.u32 s3;
	p0 =	sne.s32 s7, $0x0  }
0x9: {  	s8 =	sshrl.u32 s8, $0xD;
	s7 =	simm.s32 $0x2;
	s9 =	simm.s32 @!p0 $0x0  }
0xa: {  	[sflag:s7] =	ssyncpa.u1 $0x0;
	p0 =	por $0x0, $0x0;
	s8 =	sadd.s32 s9, s8  }
0xb: {  	vm0 =	vmmov $0xffff;
	[sflag:s10] =	ssyncpa.u1 $0x0;
	s10 =	simm.s32 $0x0;
	s9 =	sadd.s32 $0x1, s8  }
.LBB2_4:
0xc: {  	vm1 =	veq.s32 v0, $0x80000000;
	v63 =	vand.u32 $0xF, v0;
	v2 =	vand.u32 $0x3FF, v2  }
0xd: {  	v0 =	vsel vm1, $0xFFFFFFFF, v63;
	v2 =	vsel vm1, $0xFFFFFFFF, v2  }
0xe: {  	v3 =	vshll.u32 v0, $0xA;
	v4 =	vshll.u32 v2, $0x3  }
0xf: {  	v0 =	vshll.u32 v0, $0x7;
	v3 =	vand.u32 $0xFFFFE000, v3;
	v4 =	vand.u32 $0xFFFFFC00, v4  }
0x10: {  	v0 =	vand.u32 $0x380, v0;
	v3 =	vadd.s32 v3, v4  }
0x11: {  	v2 =	vand.u32 $0x7F, v2;
	v0 =	vor.u32 v0, v3  }
0x12: {  	v0 =	vor.u32 v2, v0;
	_ =	sdelay $0x1  }
0x13: {  	(ifvalue) =	ssetifvalue $0x7FFFFFFF;
	s14 =	sadd.s32 $0x10, s14  }
0x14: {  	[tilespmem:s14], [sflag:$0x1] =	stream.indirect_vreg.gather [hbm4b:s2+s10], $0x1, v1, vm0, $0x4038;
	[tilespmem:$0x400] =	vst v63  }
0x15: {  	(ifvalue) =	ssetifvalue $0x7FFFFFFF;
	s14 =	sadd.s32 $0x10, s14  }
0x16: {  	[tilespmem:s14], [sflag:$0x1] =	stream.indirect_vreg.gather [hbm4b:s2+s10], $0x1, v0, vm0, $0x4038;
	[tilespmem:$0x400] =	vst v63  }
0x17: {  	_ =	swait.ge [sflag:s6], $0x100  }
0x18: {  	s30 =	sshrl.u32 s13, $0x3;
	[sflag:s6] =	ssyncset.done $0x0  }
0x19: {  	s31 =	sand.u32 $0x7, s13;
	s14 =	sadd.s32 s5, s30;
	[sflag:s6] =	ssyncadd.s32 $0xFFFFFF00  }
0x1a: {  	[hbm4b:s14+s31] =	stream.linear.scatter [tilespmem:s15], [sflag:$0x3], $0x100, $0x38;
	[tilespmem:$0x400] =	vst v63  }
.LBB2_5:
0x1b: {  	s15 =	sadd.s32 $0x2000, s11  }
0x1c: {  	p2 =	sgt.s32 s15, $0x27FF  }
0x1d: {  	s15 =	smov.u32 @p2 s3;
	p2 =	sne.s32 s12, s9  }
.Ltmp1:
0x1e: {  	p1 =	slt.u32 s12, $0x2;
	(pc) =	sbr.rel @!p2 .LBB2_6-.Ltmp1, $4  }
0x1f: {  	s14 =	simm.s32 @!p1 $0x3  }
0x20: {  	s16 =	sadd.s32 $0x1, s12;
	_ =	swait.ge @!p1 [sflag:s14], $0x100  }
0x21: {  	s13 =	smov.u32 s11;
	p0 =	por !p0, !p0;
	[sflag:s14] =	ssyncset.done @!p1 $0x0  }
0x22: {  	s12 =	smov.u32 s16;
	s11 =	smov.u32 s15;
	[sflag:s14] =	ssyncadd.s32 @!p1 $0xFFFFFF00  }
.LBB2_1:
0x23: {  	p1 =	sge.u32 s12, s8  }
0x24: {  	s14 =	sxor.u32 @!p1 $0xFFFFFFFF, s12  }
0x25: {  	s31 =	sadd.s32 $0xFFFFFFFF, s12;
	s15 =	sshrl.u32 @!p1 s11, $0x3;
	s14 =	sshll.u32 @!p1 s14, $0x8  }
0x26: {  	s16 =	sand.u32 @!p1 $0x7, s11;
	s15 =	sadd.s32 @!p1 s4, s15;
	s14 =	sand.u32 @!p1 $0x100, s14  }
0x27: {  	[tilespmem:s14], [sflag:$0x2] =	stream.linear.gather @!p1 [hbm4b:s15+s16], $0x100, $0x38;
	[tilespmem:$0x400] =	vst v63  }
0x28: {  	p1 =	sge.u32 s31, s8  }
.Ltmp2:
0x29: {  	_ = 	snop;
	(pc) =	sbr.rel @p1 .LBB2_5-.Ltmp2, $1  }
0x2a: {  	_ =	sdelay $0x3  }
0x2b: {  	s14 =	simm.s32 $0x1  }
0x2c: {  	_ =	swait.ge [sflag:s7], $0x100;
	s14 =	simm.s32 @!p0 $0x0  }
0x2d: {  	[sflag:s7] =	ssyncset.done $0x0;
	s14 =	sshll.u32 s14, $0x8  }
0x2e: {  	[sflag:s7] =	ssyncadd.s32 $0xFFFFFF00;
	(ifvalue) =	ssetifvalue $0x7FFFFFFF;
	v0 =	vld.msk [tilespmem:s14+$0x0 ss:$0x1], $0xffff;
	_ =	sdelay $0x3  }
0x2f: {  	s15 =	sadd.s32 $0x10, s14  }
0x30: {  	v2 =	vld.msk [tilespmem:s15+$0x0 ss:$0x1], $0xffff;
	v1 =	vshrl.u32 v0, $0x4  }
0x31: {  	vm1 =	veq.s32 v0, $0x80000000;
	v0 =	vand.u32 $0xF, v0;
	v1 =	vand.u32 $0x3FF, v1  }
0x32: {  	v0 =	vsel vm1, $0xFFFFFFFF, v0;
	v1 =	vsel vm1, $0xFFFFFFFF, v1  }
0x33: {  	v3 =	vshll.u32 v0, $0xA;
	v4 =	vshll.u32 v1, $0x3  }
0x34: {  	v0 =	vshll.u32 v0, $0x7;
	v3 =	vand.u32 $0xFFFFE000, v3;
	v4 =	vand.u32 $0xFFFFFC00, v4  }
0x35: {  	vm1 =	veq.s32 v2, $0x80000000;
	v0 =	vand.u32 $0x380, v0;
	v3 =	vadd.s32 v3, v4  }
0x36: {  	v1 =	vand.u32 $0x7F, v1;
	v0 =	vor.u32 v0, v3;
	v3 =	vshrl.u32 v2, $0x4  }
0x37: {  	s17 =	sadd.s32 $0x10, s15;
	v2 =	vand.u32 $0xF, v2;
	v1 =	vor.u32 v1, v0;
	v3 =	vand.u32 $0x3FF, v3  }
0x38: {  	v0 =	vld.msk [tilespmem:s17+$0x0 ss:$0x1], $0xffff;
	v2 =	vsel vm1, $0xFFFFFFFF, v2;
	v3 =	vsel vm1, $0xFFFFFFFF, v3  }
0x39: {  	v63 =	vshll.u32 v2, $0xA;
	v5 =	vshll.u32 v3, $0x3  }
0x3a: {  	s31 =	sshll.u32 s12, $0x8;
	v2 =	vshll.u32 v2, $0x7;
	v4 =	vand.u32 $0xFFFFE000, v63;
	v5 =	vand.u32 $0xFFFFFC00, v5  }
0x3b: {  	s14 =	sor.u32 $0x200, s14;
	s15 =	sand.u32 $0x100, s31;
	(ifvalue) =	ssetifvalue $0x7FFFFFFF;
	v2 =	vand.u32 $0x380, v2;
	v4 =	vadd.s32 v4, v5  }
0x3c: {  	[tilespmem:s14], [sflag:$0x1] =	stream.indirect_vreg.gather [hbm4b:s2+s10], $0x1, v1, vm0, $0x4038;
	v1 =	vand.u32 $0x7F, v3;
	v3 =	vor.u32 v2, v4;
	[tilespmem:$0x400] =	vst v63  }
0x3d: {  	s16 =	simm.s32 $0x20;
	s15 =	sor.u32 $0x200, s15;
	s17 =	sadd.s32 $0x10, s17;
	v2 =	vshrl.u32 v0, $0x4;
	v1 =	vor.u32 v1, v3  }
.LBB2_3:
0x3e: {  	s16 =	sadd.s32 $0x10, s16;
	vm1 =	veq.s32 v0, $0x80000000;
	v3 =	vand.u32 $0xF, v0;
	v0 =	vld.msk [tilespmem:s17+$0x0 ss:$0x1], $0xffff;
	v2 =	vand.u32 $0x3FF, v2  }
0x3f: {  	p1 =	slt.u32 s16, $0xF0;
	v3 =	vsel vm1, $0xFFFFFFFF, v3;
	v2 =	vsel vm1, $0xFFFFFFFF, v2  }
.Ltmp3:
0x40: {  	v4 =	vshll.u32 v3, $0xA;
	v5 =	vshll.u32 v2, $0x3;
	(pc) =	sbr.rel @p1 .LBB2_3-.Ltmp3, $4  }
0x41: {  	s14 =	sadd.s32 $0x10, s14;
	v3 =	vshll.u32 v3, $0x7;
	v4 =	vand.u32 $0xFFFFE000, v4;
	v5 =	vand.u32 $0xFFFFFC00, v5;
	(ifvalue) =	ssetifvalue $0x7FFFFFFF  }
0x42: {  	v3 =	vand.u32 $0x380, v3;
	v4 =	vadd.s32 v4, v5;
	[tilespmem:s14], [sflag:$0x1] =	stream.indirect_vreg.gather [hbm4b:s2+s10], $0x1, v1, vm0, $0x4038;
	[tilespmem:$0x400] =	vst v63  }
0x43: {  	v1 =	vand.u32 $0x7F, v2;
	v3 =	vor.u32 v3, v4  }
0x44: {  	s17 =	sadd.s32 $0x10, s17;
	v2 =	vshrl.u32 v0, $0x4;
	v1 =	vor.u32 v1, v3  }
.Ltmp4:
0x45: {  	_ = 	snop;
	(pc) =	sbr.rel .LBB2_4-.Ltmp4, $1  }
0x46: {  	_ =	sdelay $0x3  }
.LBB2_6:
0x47: {  	_ =	sfence.sel $0x180000  }
0x48: {  	s2 =	simm.s32 $0x2;
	[bflag:$0x0] =	sbarrier.arrive $0xFFFF  }
0x49: {  	s30 =	simm.s32 $0x3;
	[sflag:s2] =	ssyncpa.u1 $0x1  }
0x4a: {  	s31 =	simm.s32 $0x1;
	[sflag:s30] =	ssyncpa.u1 $0x1  }
0x4b: {  	[sflag:s31] =	ssyncpa.u1 $0x1  }
0x4c: {  	p0 =	sne.s32 s0, $0x0;
	_ =	strace $0x9000004A  }
0x4d: {  	s0 =	sadd.s32 @!p0 $0x100000, s1;
	[bflag:$0x2] =	sbarrier.arrive $0xFFFF  }
0x4e: {  	[sflag:s0] =	ssyncadd.tile.s32 @!p0 $0x1;
	_ =	shalt  }
.Lfunc_end2:
_tile_overlayer_lowered:
.L_overlay_start_2:
0x4f: {  	(tag) =	ssettag $0x2  }
0x50: {  	s0 =	rddreg [dreg:$0x0];
	s2 =	stileid.u32  }
0x51: {  	s1 =	rddreg [dreg:$0x1];
	p0 =	sne.s32 s2, $0x0  }
0x52: {  	s3 =	rddreg [dreg:$0x2];
	[bflag:$0x3] =	sbarrier.arrive $0xFFFF;
	s2 =	simm.s32 @!p0 $0x1C01  }
0x53: {  	[timem:s3], [sflag:s2] =	dma.local @!p0 [hbm:s0], s1  }
0x54: {  	s0 =	simm.s32 @!p0 $0x1  }
0x55: {  	_ =	swait.ge @!p0 [sflag:s0], s1  }
0x56: {  	s1 =	ssub.s32 @!p0 $0x0, s1;
	[sflag:s0] =	ssyncset.done @!p0 $0x0  }
0x57: {  	[sflag:s0] =	ssyncadd.s32 @!p0 s1  }
0x58: {  	[bflag:$0x3] =	sbarrier.arrive $0xFFFF  }
0x59: {  	_ =	shalt  }

// kernel: kernel.5.cloned.1.call-start
scs
__scs_entry_jumppad:
0x0: {  	(pc) =	sbr.rel $0x88, $3  }
0x1: {  	(tag) =	ssettag $0x0;
	lr =	simm.s32 $0x1  }
0x2: {  	[smem:$0x3F9F] =	sst lr;
	_ =	strace $0xD0000000  }
0x3: {  	_ = 	snop  }
0x4: {  	_ = 	snop  }
0x5: {  	_ = 	snop  }
0x6: {  	_ = 	snop  }
0x7: {  	_ = 	snop  }
__scs_overlays_trampoline_lowered:
0x8: {  	[smem:$0x3FAE] =	sst s0  }
0x9: {  	[smem:$0x3FAF] =	sst s1  }
0xa: {  	[smem:$0x3FB0] =	sst s2  }
0xb: {  	[smem:$0x3FB1] =	sst s3  }
0xc: {  	[smem:$0x3FB2] =	sst s4  }
0xd: {  	[smem:$0x3FB3] =	sst s5  }
0xe: {  	[smem:$0x3FB4] =	sst s6  }
0xf: {  	[smem:$0x3FB5] =	sst s7  }
0x10: {  	[smem:$0x3FB6] =	sst s8  }
0x11: {  	[smem:$0x3FB7] =	sst s9;
	s0 =	simm.s32 @!p0 $0x0  }
0x12: {  	s1 =	sld [smem:$0x3F9D];
	s0 =	simm.s32 @p0 $0x1  }
0x13: {  	[smem:$0x3FB8] =	sst s0;
	s0 =	simm.s32 @!p1 $0x0  }
0x14: {  	s2 =	sld [smem:$0x3F9C];
	s0 =	simm.s32 @p1 $0x1  }
0x15: {  	[smem:$0x3FB9] =	sst s0;
	s0 =	simm.s32 @!p2 $0x0  }
0x16: {  	s3 =	sld [smem:$0x3FDB];
	s0 =	simm.s32 @p2 $0x1  }
0x17: {  	s4 =	simm.s32 $0x1BF5;
	[smem:$0x3FBB] =	sst s0  }
0x18: {  	s0 =	sld [smem:$0x3F9E];
	_ =	swait.ge [sflag:s4], $0x0  }
0x19: {  	s7 =	sld [smem:$0x3F9F]  }
0x1a: {  	s8 =	sadd.s32 $0xFFFFE003, lr  }
0x1b: {  	s9 =	sadd.s32 $0xFFFFFEF7, lr;
	s5 =	simm.s32 $0xFFFFFFFF;
	p2 =	slt.u32 s8, $0xFFFFF086  }
0x1c: {  	p1 =	slt.u32 s9, $0xF7A;
	s5 =	simm.s32 @!p2 $0x0  }
0x1d: {  	s5 =	simm.s32 @p1 $0x1;
	p0 =	seq.s32 s7, s2  }
0x1e: {  	s7 =	smul.u32 @!p0 $0xF7A, s2;
	p2 =	seq.s32 @!p0 s5, $0x0  }
0x1f: {  	s9 =	smul.u32 $0xF7A, s1;
	s8 =	simm.s32 @!p0 $0x1BF5;
	p2 =	por !p2, p0  }
0x20: {  	[sflag:s8] =	ssyncset.s32 @!p0 $0xFFFFF086;
	s6 =	sadd.s32 @!p0 s3, s7;
	s7 =	simm.s32 @!p0 $0x108  }
0x21: {  	s3 =	sadd.s32 s3, s9;
	s6 =	sadd.s32 @!p0 $0x88, s6;
	s7 =	simm.s32 @p2 $0x1082  }
0x22: {  	[simem:s7], [sflag:s8] =	dma.local @!p0 [hbm:s6], $0xF7A  }
0x23: {  	s9 =	sor.u32 $0xD0000000, s2;
	s6 =	simm.s32 $0x108;
	_ =	swait.ge @!p0 [sflag:s8], $0x0  }
0x24: {  	s3 =	sadd.s32 $0x88, s3;
	s6 =	simm.s32 @!p1 $0x1082;
	[sflag:s4] =	ssyncset.s32 $0xFFFFF086  }
0x25: {  	[simem:s6], [sflag:s4] =	dma.local [hbm:s3], $0xF7A  }
0x26: {  	[smem:$0x3F9F] =	sst s1;
	(tag) =	ssettag s2;
	_ =	strace s9  }
0x27: {  	s1 =	sld [smem:$0x3FAF]  }
0x28: {  	s2 =	sld [smem:$0x3FB0]  }
0x29: {  	s4 =	sld [smem:$0x3FB2]  }
0x2a: {  	p0 =	seq.s32 s5, $0x0;
	s5 =	sld [smem:$0x3FB3]  }
0x2b: {  	s6 =	sld [smem:$0x3FB4]  }
0x2c: {  	s7 =	sld [smem:$0x3FB5]  }
0x2d: {  	s3 =	simm.s32 $0x108;
	s8 =	sld [smem:$0x3FB6]  }
0x2e: {  	s3 =	simm.s32 @!p0 $0x1082;
	s9 =	sld [smem:$0x3FB7]  }
0x2f: {  	lr =	sadd.s32 s0, s3;
	s0 =	sld [smem:$0x3FAE]  }
0x30: {  	s3 =	sld [smem:$0x3FB1]  }
0x31: {  	[smem:$0x3FBA] =	sst s10  }
0x32: {  	s10 =	sld [smem:$0x3FB8];
	_ =	sdelay $0x3  }
0x33: {  	p0 =	seq.s32 s10, $0x1;
	s10 =	sld [smem:$0x3FBA];
	_ =	sdelay $0x3  }
0x34: {  	[smem:$0x3FBA] =	sst s10  }
0x35: {  	s10 =	sld [smem:$0x3FB9];
	_ =	sdelay $0x3  }
0x36: {  	p1 =	seq.s32 s10, $0x1;
	s10 =	sld [smem:$0x3FBA];
	_ =	sdelay $0x3  }
0x37: {  	[smem:$0x3FBA] =	sst s10  }
0x38: {  	s10 =	sld [smem:$0x3FBB]  }
0x39: {  	_ = 	snop;
	(pc) =	sbr.ind lr, $3  }
0x3a: {  	_ = 	snop  }
0x3b: {  	_ = 	snop  }
0x3c: {  	p2 =	seq.s32 s10, $0x1;
	s10 =	sld [smem:$0x3FBA]  }
0x3d: {  	_ =	shalt  }
0x3e: {  	_ =	shalt  }
0x3f: {  	_ =	shalt  }
0x40: {  	_ =	shalt  }
0x41: {  	_ =	shalt  }
0x42: {  	_ =	shalt  }
0x43: {  	_ =	shalt  }
0x44: {  	_ =	shalt  }
0x45: {  	_ =	shalt  }
0x46: {  	_ =	shalt  }
0x47: {  	_ =	shalt  }
0x48: {  	_ =	shalt  }
0x49: {  	_ =	shalt  }
0x4a: {  	_ =	shalt  }
0x4b: {  	_ =	shalt  }
0x4c: {  	_ =	shalt  }
0x4d: {  	_ =	shalt  }
0x4e: {  	_ =	shalt  }
0x4f: {  	_ =	shalt  }
0x50: {  	_ =	shalt  }
0x51: {  	_ =	shalt  }
0x52: {  	_ =	shalt  }
0x53: {  	_ =	shalt  }
0x54: {  	_ =	shalt  }
0x55: {  	_ =	shalt  }
0x56: {  	_ =	shalt  }
0x57: {  	_ =	shalt  }
0x58: {  	_ =	shalt  }
0x59: {  	_ =	shalt  }
0x5a: {  	_ =	shalt  }
0x5b: {  	_ =	shalt  }
0x5c: {  	_ =	shalt  }
0x5d: {  	_ =	shalt  }
0x5e: {  	_ =	shalt  }
0x5f: {  	_ =	shalt  }
0x60: {  	_ =	shalt  }
0x61: {  	_ =	shalt  }
0x62: {  	_ =	shalt  }
0x63: {  	_ =	shalt  }
0x64: {  	_ =	shalt  }
0x65: {  	_ =	shalt  }
0x66: {  	_ =	shalt  }
0x67: {  	_ =	shalt  }
0x68: {  	_ =	shalt  }
0x69: {  	_ =	shalt  }
0x6a: {  	_ =	shalt  }
0x6b: {  	_ =	shalt  }
0x6c: {  	_ =	shalt  }
0x6d: {  	_ =	shalt  }
0x6e: {  	_ =	shalt  }
0x6f: {  	_ =	shalt  }
0x70: {  	_ =	shalt  }
0x71: {  	_ =	shalt  }
0x72: {  	_ =	shalt  }
0x73: {  	_ =	shalt  }
0x74: {  	_ =	shalt  }
0x75: {  	_ =	shalt  }
0x76: {  	_ =	shalt  }
0x77: {  	_ =	shalt  }
0x78: {  	_ =	shalt  }
0x79: {  	_ =	shalt  }
0x7a: {  	_ =	shalt  }
0x7b: {  	_ =	shalt  }
0x7c: {  	_ =	shalt  }
0x7d: {  	_ =	shalt  }
0x7e: {  	_ =	shalt  }
0x7f: {  	_ =	shalt  }
0x80: {  	_ =	shalt  }
0x81: {  	_ =	shalt  }
0x82: {  	_ =	shalt  }
0x83: {  	_ =	shalt  }
0x84: {  	_ =	shalt  }
0x85: {  	_ =	shalt  }
0x86: {  	_ =	shalt  }
0x87: {  	_ =	shalt  }
.Lfunc_end0:
.L_simem_size_0:
called_computation.2_lowered:
.L_overlay_start_0:
0x88: {  	s2 =	sld [smem:$0x3FD9]  }
0x89: {  	s3 =	sld [smem:$0x3FFE];
	_ =	sdelay $0x1  }
0x8a: {  	s1 =	srdreg.scid  }
0x8b: {  	s0 =	sand.u32 $0x1, s1  }
0x8c: {  	s17 =	sshll.u32 s0, $0xA;
	s2 =	sadd.s32 s3, s2  }
0x8d: {  	s2 =	sadd.s32 s2, s17  }
0x8e: {  	[smem:$0x3FC6] =	sst s2  }
0x8f: {  	_ = 	snop  }
0x90: {  	s2 =	sld [smem:$0x3FC8];
	(tm) =	ssettm $0x1  }
0x91: {  	s18 =	sld [smem:$0x3FFB];
	_ =	sdelay $0x3  }
0x92: {  	_ =	strace s18  }
0x93: {  	s3 =	sld [smem:$0x3FFC];
	_ =	sdelay $0x3  }
0x94: {  	_ =	strace s3  }
0x95: {  	s3 =	sld [smem:$0x3FFD];
	_ =	sdelay $0x3  }
0x96: {  	_ =	strace s3  }
0x97: {  	_ =	strace $0x8FFFFFFF  }
0x98: {  	s19 =	sld [smem:$0x3FDB];
	_ =	sdelay $0x1  }
0x99: {  	s4 =	simm.s32 $_scs_section_size  }
0x9a: {  	s5 =	simm.s32 $_size__tile_overlayer_lowered;
	s6 =	simm.s32 $_tile_overlayer_lowered  }
0x9b: {  	s22 =	simm.s32 $0x1BFF;
	s21 =	sshll.u32 s6, $0x1;
	s3 =	sadd.s32 s4, s19  }
0x9c: {  	s7 =	simm.s32 $0x0;
	s20 =	sshll.u32 s5, $0x1;
	s5 =	sadd.s32 s21, s3  }
0x9d: {  	[timem:s7], [sflag:s22] =	dma.local [hbm:s5], s20  }
0x9e: {  	_ =	swait.ge [sflag:s22], s20  }
0x9f: {  	s4 =	ssub.s32 $0x0, s20;
	[sflag:s22] =	ssyncset.done $0x0  }
0xa0: {  	[sflag:s22] =	ssyncadd.s32 s4;
	_ =	sdelay $0x1  }
0xa1: {  	s23 =	simm.s32 $0x1B8B  }
0xa2: {  	_ =	swait.ge [sflag:s23], $0x1  }
0xa3: {  	[sflag:s23] =	ssyncset.done $0x0  }
0xa4: {  	s25 =	simm.s32 $0x1B8E;
	s24 =	sld [smem:$0x3FFE];
	[sflag:s23] =	ssyncadd.s32 $0xFFFFFFFF  }
0xa5: {  	s26 =	simm.s32 $execute0_lowered;
	[smem:$0x3FD2] =	sst s25  }
0xa6: {  	s5 =	sshll.u32 s26, $0x1;
	_ =	strace $0x8000004C;
	[dreg:$0x1] =	wrdreg $0xFFFFFFFF  }
0xa7: {  	s28 =	simm.s32 $_size_execute0_lowered;
	s3 =	sadd.s32 s3, s5;
	[dreg:$0x0] =	wrdreg $0x0  }
0xa8: {  	s5 =	sshll.u32 s28, $0x1;
	[dreg:$0x2] =	wrdreg s3  }
0xa9: {  	[dreg:$0x3] =	wrdreg s5  }
0xaa: {  	[dreg:$0x4] =	wrdreg $0xC0  }
0xab: {  	_ =	task [dreg:s7], $0x5FFFF  }
0xac: {  	[dreg:$0x1] =	wrdreg $0xFFFFFFFF  }
0xad: {  	[dreg:$0x0] =	wrdreg $0x60  }
0xae: {  	[dreg:$0x2] =	wrdreg s2  }
0xaf: {  	[dreg:$0x3] =	wrdreg s24  }
0xb0: {  	[dreg:$0x4] =	wrdreg $0x9  }
0xb1: {  	_ =	task.clear_ibuf [dreg:s7], $0x5FFFF;
	_ =	strace $0x9000004C  }
0xb2: {  	s29 =	simm.s32 $0x9;
	_ =	strace $0x8000004E  }
0xb3: {  	_ =	swait.ge [sflag:s29], $0x1  }
0xb4: {  	[sflag:s29] =	ssyncadd.s32 $0xFFFFFFFF  }
0xb5: {  	_ =	strace $0x9000004E  }
0xb6: {  	_ =	sfence  }
0xb7: {  	s30 =	sld [smem:$0x0];
	_ =	sdelay $0x2  }
0xb8: {  	s31 =	sshll.u32 s1, $0xD;
	s1 =	sshrl.u32 s1, $0x2  }
0xb9: {  	s3 =	sand.u32 $0x4000, s31;
	s1 =	sadd.s32 s1, s30  }
0xba: {  	s0 =	sor.u32 s3, s0;
	s1 =	sshll.u32 s1, $0x11  }
0xbb: {  	s0 =	sor.u32 s1, s0  }
0xbc: {  	s0 =	sadd.s32 $0x8F2B, s0  }
0xbd: {  	[sflag:s0] =	ssyncadd.remote.s32 $0x1  }
0xbe: {  	_ =	sfence.sel $0xFFFF  }
0xbf: {  	[dreg:$0x0] =	wrdreg $0xFFFFFFFF;
	(pc) =	sbr.abs _section_cstart, $3  }
0xc0: {  	[dreg:$0x1] =	wrdreg $0xFFFFFFFF  }
0xc1: {  	_ =	task.clear_ibuf [dreg:s7], $0x2FFFF;
	_ =	strace $0x9FFFFFFF  }
0xc2: {  	(tm) =	ssettm $0x7FFFFFFF  }
0xc3: {  	_ =	shalt  }
tec
execute0_lowered:
.L_overlay_start_1:
0x0: {  	(tag) =	ssettag $0x1  }
0x1: {  	s2 =	rddreg [dreg:$0x0]  }
0x2: {  	s4 =	rddreg [dreg:$0x1]  }
0x3: {  	s0 =	rddreg [dreg:$0x2];
	s1 =	stileid.u32  }
0x4: {  	s6 =	srdreg.scid;
	s5 =	smul.u32 $0x320, s1  }
0x5: {  	s3 =	simm.s32 $0x0;
	s7 =	smul.u32 $0x19000, s1;
	s6 =	sand.u32 $0x1, s6  }
0x6: {  	[smem:$0x7FF] =	sst s3;
	s8 =	ssub.s32 $0x2, s6;
	s9 =	smul.u32 $0xC800, s6  }
0x7: {  	_ =	strace $0x8000004D;
	s6 =	smul.u32 $0x190, s6;
	s10 =	sshrl.u32 s8, $0x1  }
0x8: {  	s5 =	sadd.s32 s5, s4;
	s7 =	sadd.s32 s7, s4;
	s31 =	ssub.s32 s8, s10  }
0x9: {  	s7 =	sadd.s32 s9, s7;
	s6 =	sadd.s32 s6, s5;
	s8 =	simm.s32 $0x80  }
0xa: {  	s9 =	simm.s32 $0x1;
	s10 =	simm.s32 $0x0;
	s4 =	smax.u32 s31, $0x1  }
0xb: {  	s5 =	sadd.s32 $0x4200, s7;
	s6 =	sadd.s32 $0x1000, s6;
	s7 =	simm.s32 $0x2  }
.LBB2_1:
0xc: {  	s11 =	sadd.s32 $0x0, s6  }
0xd: {  	[tilespmem:s3], [sflag:$0x2] =	stream.linear.gather [hbm4b:s11+s3], $0x80, $0x38;
	[tilespmem:$0x4080] =	vst v63  }
0xe: {  	_ =	swait.ge [sflag:s7], $0x80  }
0xf: {  	[sflag:s7] =	ssyncset.done $0x0  }
0x10: {  	[sflag:s7] =	ssyncadd.s32 $0xFFFFFF80  }
0x11: {  	[tilespmem:s8], [sflag:$0x1] =	stream.indirect.gather [hbm4b:s2+s8], $0x80, s3, s8, $0xb8;
	[tilespmem:$0x4080] =	vst v63  }
0x12: {  	_ =	swait.ge [sflag:s9], $0x4000  }
0x13: {  	[sflag:s9] =	ssyncset.done $0x0  }
0x14: {  	[sflag:s9] =	ssyncadd.s32 $0xFFFFC000  }
0x15: {  	[hbm4b:s5+s3] =	stream.linear.scatter [tilespmem:s8], [sflag:$0x2], $0x4000, $0x38;
	[tilespmem:$0x4080] =	vst v63  }
0x16: {  	s12 =	simm.s32 $0x10;
	_ =	swait.ge [sflag:s7], $0x4000  }
0x17: {  	s13 =	simm.s32 $0x20;
	s11 =	sadd.s32 $0x800, s5;
	[sflag:s7] =	ssyncset.done $0x0  }
.LBB2_2:
0x18: {  	s14 =	sadd.s32 s12, s6  }
0x19: {  	[sflag:s7] =	ssyncadd.s32 $0xFFFFC000;
	s12 =	smov.u32 s13;
	s15 =	sadd.s32 $0x10, s13  }
0x1a: {  	[tilespmem:s3], [sflag:$0x2] =	stream.linear.gather [hbm4b:s14+s3], $0x80, $0x38;
	[tilespmem:$0x4080] =	vst v63  }
0x1b: {  	p0 =	sne.s32 s13, $0x180;
	_ =	swait.ge [sflag:s7], $0x80  }
0x1c: {  	[sflag:s7] =	ssyncset.done $0x0  }
0x1d: {  	[sflag:s7] =	ssyncadd.s32 $0xFFFFFF80  }
0x1e: {  	[tilespmem:s8], [sflag:$0x1] =	stream.indirect.gather [hbm4b:s2+s8], $0x80, s3, s8, $0xb8;
	[tilespmem:$0x4080] =	vst v63  }
0x1f: {  	_ =	swait.ge [sflag:s9], $0x4000  }
.Ltmp0:
0x20: {  	[sflag:s9] =	ssyncset.done $0x0;
	(pc) =	sbr.rel @p0 .LBB2_2-.Ltmp0, $4  }
0x21: {  	[sflag:s9] =	ssyncadd.s32 $0xFFFFC000  }
0x22: {  	[hbm4b:s11+s3] =	stream.linear.scatter [tilespmem:s8], [sflag:$0x2], $0x4000, $0x38;
	[tilespmem:$0x4080] =	vst v63  }
0x23: {  	_ =	swait.ge [sflag:s7], $0x4000  }
0x24: {  	s13 =	smov.u32 s15;
	s11 =	sadd.s32 $0x800, s11;
	[sflag:s7] =	ssyncset.done $0x0  }
0x25: {  	s12 =	sadd.s32 s12, s6;
	[sflag:s7] =	ssyncadd.s32 $0xFFFFC000  }
0x26: {  	[tilespmem:s3], [sflag:$0x2] =	stream.linear.gather [hbm4b:s12+s3], $0x80, $0x38;
	[tilespmem:$0x4080] =	vst v63  }
0x27: {  	_ =	swait.ge [sflag:s7], $0x80  }
0x28: {  	[sflag:s7] =	ssyncset.done $0x0  }
0x29: {  	[sflag:s7] =	ssyncadd.s32 $0xFFFFFF80  }
0x2a: {  	[tilespmem:s8], [sflag:$0x1] =	stream.indirect.gather [hbm4b:s2+s8], $0x80, s3, s8, $0xb8;
	[tilespmem:$0x4080] =	vst v63  }
0x2b: {  	s10 =	sadd.s32 $0x1, s10;
	_ =	swait.ge [sflag:s9], $0x4000  }
0x2c: {  	p0 =	sne.s32 s10, s4;
	[sflag:s9] =	ssyncset.done $0x0  }
.Ltmp1:
0x2d: {  	[sflag:s9] =	ssyncadd.s32 $0xFFFFC000;
	(pc) =	sbr.rel @p0 .LBB2_1-.Ltmp1, $4  }
0x2e: {  	[hbm4b:s11+s3] =	stream.linear.scatter [tilespmem:s8], [sflag:$0x2], $0x4000, $0x38;
	[tilespmem:$0x4080] =	vst v63  }
0x2f: {  	_ =	swait.ge [sflag:s7], $0x4000  }
0x30: {  	[sflag:s7] =	ssyncset.done $0x0  }
0x31: {  	[sflag:s7] =	ssyncadd.s32 $0xFFFFC000  }
0x32: {  	_ =	sfence.sel $0x180000  }
0x33: {  	[bflag:$0x0] =	sbarrier.arrive $0xFFFF  }
0x34: {  	p0 =	sne.s32 s1, $0x0;
	_ =	strace $0x9000004D  }
0x35: {  	s0 =	sadd.s32 @!p0 $0x100000, s0;
	[bflag:$0x2] =	sbarrier.arrive $0xFFFF  }
0x36: {  	[sflag:s0] =	ssyncadd.tile.s32 @!p0 $0x1;
	_ =	shalt  }
.Lfunc_end2:
_tile_overlayer_lowered:
.L_overlay_start_2:
0x37: {  	(tag) =	ssettag $0x2  }
0x38: {  	s0 =	rddreg [dreg:$0x0];
	s2 =	stileid.u32  }
0x39: {  	s1 =	rddreg [dreg:$0x1];
	p0 =	sne.s32 s2, $0x0  }
0x3a: {  	s3 =	rddreg [dreg:$0x2];
	[bflag:$0x3] =	sbarrier.arrive $0xFFFF;
	s2 =	simm.s32 @!p0 $0x1C02  }
0x3b: {  	[timem:s3], [sflag:s2] =	dma.local @!p0 [hbm:s0], s1  }
0x3c: {  	s0 =	simm.s32 @!p0 $0x2  }
0x3d: {  	_ =	swait.ge @!p0 [sflag:s0], s1  }
0x3e: {  	s1 =	ssub.s32 @!p0 $0x0, s1;
	[sflag:s0] =	ssyncset.done @!p0 $0x0  }
0x3f: {  	[sflag:s0] =	ssyncadd.s32 @!p0 s1  }
0x40: {  	[bflag:$0x3] =	sbarrier.arrive $0xFFFF  }
0x41: {  	_ =	shalt  }

</sc_bundles>
